<compile_context>
chip_gen: v7x
topology: tpu7x:2x2x1
jax: 0.10.2.dev20260603
libtpu: 0.0.44.dev20260713+nightly
codegen_flags: <defaults>
</compile_context>

<pallas_src>
import functools

import jax
import jax.numpy as jnp
from jax import lax
from jax.experimental import pallas as pl
from jax.experimental.pallas import tpu as pltpu
from jax.experimental.pallas import tpu_sc as plsc

N = 10000
E = 320000
D = 128
C = 10
L = 4
EPS = 1e-5

NC = 2
NS = 16
K = 128
NCHUNK = E // K
CPT = 80
NCHUNK_PAD = NC * NS * CPT
E_PAD = NCHUNK_PAD * K
N_ACC = N + K
ROWS_MAIN = 624
ROWS_LAST = N - (NS - 1) * ROWS_MAIN
NPAD = 10240

_mesh = plsc.VectorSubcoreMesh(core_axis_name="c", subcore_axis_name="s")


@functools.partial(
    pl.kernel,
    out_type=jax.ShapeDtypeStruct((NC * NPAD,), jnp.float32),
    mesh=_mesh,
    scratch_types=[
        pltpu.VMEM((CPT, K), jnp.int32),
        pltpu.VMEM((K,), jnp.float32),
        pltpu.VMEM_SHARED((NPAD,), jnp.float32),
    ],
)
def _sc_degree(dst_hbm, zeros_hbm, out_hbm, didx_all, ones_v, acc):
    c = lax.axis_index("c")
    s = lax.axis_index("s")
    w = c * NS + s

    @pl.when(s == 0)
    def _():
        pltpu.sync_copy(zeros_hbm, acc)

    for i in range(K // 16):
        ones_v[pl.ds(i * 16, 16)] = jnp.ones((16,), jnp.float32)

    pltpu.sync_copy(dst_hbm.at[pl.ds(pl.multiple_of(w * CPT, 8), CPT)], didx_all)
    plsc.subcore_barrier()

    @pl.loop(0, CPT)
    def _(j):
        pltpu.sync_copy(ones_v, acc.at[didx_all.at[j]], add=True)

    plsc.subcore_barrier()

    @pl.when(s == 0)
    def _():
        pltpu.sync_copy(acc, out_hbm.at[pl.ds(pl.multiple_of(c * NPAD, 8), NPAD)])


@functools.partial(
    pl.kernel,
    out_type=jax.ShapeDtypeStruct((NC, N, D), jnp.float32),
    mesh=_mesh,
    scratch_types=[
        pltpu.VMEM((K,), jnp.int32),
        pltpu.VMEM((K,), jnp.int32),
        pltpu.VMEM((K,), jnp.int32),
        pltpu.VMEM((K,), jnp.int32),
        pltpu.VMEM((K, D), jnp.float32),
        pltpu.VMEM((K, D), jnp.float32),
        pltpu.VMEM_SHARED((N_ACC, D), jnp.float32),
        pltpu.SemaphoreType.DMA,
        pltpu.SemaphoreType.DMA,
        pltpu.SemaphoreType.DMA,
        pltpu.SemaphoreType.DMA,
    ],
)
def _sc_gather_scatter(g_hbm, src_hbm, dst_hbm, zeros_hbm, out_hbm,
                       sidx0, sidx1, didx0, didx1, rows0, rows1, acc,
                       gsem0, gsem1, dsem0, dsem1):
    c = lax.axis_index("c")
    s = lax.axis_index("s")
    w = c * NS + s
    row0 = pl.multiple_of(s * ROWS_MAIN, 8)

    @pl.when(s < NS - 1)
    def _():
        pltpu.sync_copy(zeros_hbm.at[pl.ds(row0, ROWS_MAIN)],
                        acc.at[pl.ds(row0, ROWS_MAIN)])

    @pl.when(s == NS - 1)
    def _():
        pltpu.sync_copy(zeros_hbm.at[pl.ds((NS - 1) * ROWS_MAIN, ROWS_LAST)],
                        acc.at[pl.ds((NS - 1) * ROWS_MAIN, ROWS_LAST)])

    plsc.subcore_barrier()

    cw = c * NS + s
    pltpu.sync_copy(src_hbm.at[pl.ds(cw * K, K)], sidx0)
    pltpu.async_copy(g_hbm.at[sidx0], rows0, gsem0)
    pltpu.async_copy(dst_hbm.at[pl.ds(cw * K, K)], didx0, dsem0)
    pltpu.sync_copy(src_hbm.at[pl.ds((cw + 32) * K, K)], sidx1)
    pltpu.async_copy(g_hbm.at[sidx1], rows1, gsem1)
    pltpu.async_copy(dst_hbm.at[pl.ds((cw + 32) * K, K)], didx1, dsem1)

    @pl.loop(cw, NCHUNK, step=2 * NC * NS)
    def _(ch):
        pltpu.make_async_copy(dst_hbm.at[pl.ds(ch * K, K)], didx0, dsem0).wait()
        pltpu.make_async_copy(g_hbm.at[sidx0], rows0, gsem0).wait()
        pltpu.sync_copy(rows0, acc.at[didx0], add=True)

        @pl.when(ch + 64 < NCHUNK)
        def _():
            pltpu.sync_copy(src_hbm.at[pl.ds((ch + 64) * K, K)], sidx0)
            pltpu.async_copy(g_hbm.at[sidx0], rows0, gsem0)
            pltpu.async_copy(dst_hbm.at[pl.ds((ch + 64) * K, K)], didx0, dsem0)

        @pl.when(ch + 32 < NCHUNK)
        def _():
            pltpu.make_async_copy(dst_hbm.at[pl.ds((ch + 32) * K, K)],
                                  didx1, dsem1).wait()
            pltpu.make_async_copy(g_hbm.at[sidx1], rows1, gsem1).wait()
            pltpu.sync_copy(rows1, acc.at[didx1], add=True)

        @pl.when(ch + 96 < NCHUNK)
        def _():
            pltpu.sync_copy(src_hbm.at[pl.ds((ch + 96) * K, K)], sidx1)
            pltpu.async_copy(g_hbm.at[sidx1], rows1, gsem1)
            pltpu.async_copy(dst_hbm.at[pl.ds((ch + 96) * K, K)], didx1, dsem1)

    plsc.subcore_barrier()

    @pl.when(s < NS - 1)
    def _():
        pltpu.sync_copy(acc.at[pl.ds(row0, ROWS_MAIN)],
                        out_hbm.at[c, pl.ds(row0, ROWS_MAIN)])

    @pl.when(s == NS - 1)
    def _():
        pltpu.sync_copy(acc.at[pl.ds((NS - 1) * ROWS_MAIN, ROWS_LAST)],
                        out_hbm.at[c, pl.ds((NS - 1) * ROWS_MAIN, ROWS_LAST)])


def _tc_pre_body(d0_ref, d1_ref, h_ref, norm_ref, g_ref):
    deg = jnp.maximum(d0_ref[...] + d1_ref[...], 1.0)
    norm = lax.rsqrt(deg)
    norm_ref[...] = norm
    g_ref[...] = h_ref[...] * norm


def _tc_pre(d0, d1, h):
    return pl.pallas_call(
        _tc_pre_body,
        out_shape=[
            jax.ShapeDtypeStruct((N, 1), jnp.float32),
            jax.ShapeDtypeStruct((N, D), jnp.float32),
        ],
    )(d0, d1, h)


def _batchnorm_relu(x, gamma, beta):
    mean = jnp.mean(x, axis=0, keepdims=True)
    xc = x - mean
    var = jnp.mean(xc * xc, axis=0, keepdims=True)
    return jnp.maximum(xc * lax.rsqrt(var + EPS) * gamma + beta, 0.0)


def _tc_layer_body(a0_ref, a1_ref, norm_ref, gamma_ref, beta_ref, g_ref):
    x = (a0_ref[...] + a1_ref[...]) * norm_ref[...]
    y = _batchnorm_relu(x, gamma_ref[...], beta_ref[...])
    g_ref[...] = y * norm_ref[...]


def _tc_layer(a0, a1, norm, gamma, beta):
    return pl.pallas_call(
        _tc_layer_body,
        out_shape=jax.ShapeDtypeStruct((N, D), jnp.float32),
    )(a0, a1, norm, gamma, beta)


def _tc_final_body(a0_ref, a1_ref, norm_ref, gamma_ref, beta_ref,
                   W1_ref, b1_ref, mg_ref, mb_ref, W2_ref, b2_ref, out_ref):
    x = (a0_ref[...] + a1_ref[...]) * norm_ref[...]
    y = _batchnorm_relu(x, gamma_ref[...], beta_ref[...])
    x1 = jnp.dot(y, W1_ref[...], preferred_element_type=jnp.float32) + b1_ref[...]
    m1 = jnp.mean(x1, axis=0, keepdims=True)
    x1c = x1 - m1
    v1 = jnp.mean(x1c * x1c, axis=0, keepdims=True)
    xn = x1c * lax.rsqrt(v1 + EPS) * mg_ref[...] + mb_ref[...]
    out_ref[...] = (jnp.dot(xn, W2_ref[...], preferred_element_type=jnp.float32)
                    + b2_ref[...])


def _tc_final(a0, a1, norm, gamma, beta, W1, b1, mg, mb, W2, b2):
    return pl.pallas_call(
        _tc_final_body,
        out_shape=jax.ShapeDtypeStruct((N, C), jnp.float32),
    )(a0, a1, norm, gamma, beta, W1, b1, mg, mb, W2, b2)


def kernel(h, edge_index, e, bn_gamma, bn_beta, W1, b1,
           mbn_gamma, mbn_beta, W2, b2):
    del e
    src = edge_index[0]
    dst = edge_index[1]

    pad = E_PAD - E
    src1d = jnp.concatenate([src, jnp.zeros((pad,), jnp.int32)])
    dst1d = jnp.concatenate(
        [dst, N + (jnp.arange(pad, dtype=jnp.int32) % K)])
    dst2d = dst1d.reshape(NCHUNK_PAD, K)

    zeros_n = jnp.zeros((NPAD,), jnp.float32)
    zeros_nd = jnp.zeros((N, D), jnp.float32)

    deg2 = _sc_degree(dst2d, zeros_n)
    norm, g = _tc_pre(deg2[:N].reshape(N, 1),
                      deg2[NPAD:NPAD + N].reshape(N, 1), h)

    gamma2 = bn_gamma.reshape(1, D)
    beta2 = bn_beta.reshape(1, D)

    out = None
    for layer in range(L):
        agg = _sc_gather_scatter(g, src1d, dst1d, zeros_nd)
        if layer < L - 1:
            g = _tc_layer(agg[0], agg[1], norm, gamma2, beta2)
        else:
            out = _tc_final(agg[0], agg[1], norm, gamma2, beta2,
                            W1, b1.reshape(1, D),
                            mbn_gamma.reshape(1, D), mbn_beta.reshape(1, D),
                            W2, b2.reshape(1, C))
    return out

# --- scband reference (transcript-rebuilt; emitter-appended) ---
"""Pipeline reference for scband-activation-gcnnet-3616362463713 (READ-ONLY COPY).

The authoritative reference and input builder live on the scoring server;
editing this copy changes nothing except your own understanding.
"""

import jax, jax.numpy as jnp
import numpy as np

N = 10000
E = 320000
D = 128
C = 10
L = 4
EPS = 1e-5


def _batchnorm(x, gamma, beta):
    # torch BatchNorm1d training-mode forward: batch mean, biased batch var
    mean = jnp.mean(x, axis=0)
    var = jnp.var(x, axis=0)
    return (x - mean) / jnp.sqrt(var + EPS) * gamma + beta


def setup_inputs(seed: int = 0) -> dict:
    key = jax.random.key(seed)
    ks = jax.random.split(key, 8)
    h = jax.random.normal(ks[0], (N, D), dtype=jnp.float32)
    edge_index = jax.random.randint(ks[1], (2, E), 0, N, dtype=jnp.int32)
    e = jax.random.normal(ks[2], (E, 4), dtype=jnp.float32)
    bn_gamma = jnp.ones((D,), dtype=jnp.float32)
    bn_beta = jnp.zeros((D,), dtype=jnp.float32)
    W1 = jax.random.normal(ks[3], (D, D), dtype=jnp.float32) * 0.05
    b1 = jnp.zeros((D,), dtype=jnp.float32)
    mbn_gamma = jnp.ones((D,), dtype=jnp.float32)
    mbn_beta = jnp.zeros((D,), dtype=jnp.float32)
    W2 = jax.random.normal(ks[4], (D, C), dtype=jnp.float32) * 0.05
    b2 = jnp.zeros((C,), dtype=jnp.float32)
    return {"h": h, "edge_index": edge_index, "e": e, "bn_gamma": bn_gamma, "bn_beta": bn_beta, "W1": W1, "b1": b1, "mbn_gamma": mbn_gamma, "mbn_beta": mbn_beta, "W2": W2, "b2": b2}


def reference(h, edge_index, e, bn_gamma, bn_beta, W1, b1, mbn_gamma, mbn_beta, W2, b2):
    src = edge_index[0]
    dst = edge_index[1]
    # in-degrees (number of incoming edges per node), clamped at 1
    degs = jax.ops.segment_sum(jnp.ones((E,), dtype=h.dtype), dst, num_segments=N)
    degs = jnp.maximum(degs, 1.0)
    norm = jnp.power(degs, -0.5)[:, None]
    # dropout p=0.0 -> identity
    for _ in range(L):
        h = h * norm
        # update_all(copy_u('h','m'), sum('m','h')): gather src feats, scatter-add to dst
        m = jnp.take(h, src, axis=0)
        h = jax.ops.segment_sum(m, dst, num_segments=N)
        h = h * norm
        h = _batchnorm(h, bn_gamma, bn_beta)
        h = jax.nn.relu(h)
    # MultiLinearLayer: Linear(D,D) + BN (activation=None), then Linear(D,C)
    h = h @ W1 + b1
    h = _batchnorm(h, mbn_gamma, mbn_beta)
    h = h @ W2 + b2
    return h

if __name__ == "__main__":
    import jax
    _d = setup_inputs()
    print(jax.jit(kernel)(*tuple(_d.values())))

</pallas_src>

<mosaic_0001>
#map = affine_map<(d0, d1) -> (0, 0)>
#map1 = affine_map<(d0, d1) -> (0)>
module attributes {stable_mosaic.version = 14 : i64} {
  func.func @_sc_degree(%arg0: i32, %arg1: i32, %arg2: memref<2560x128xi32, #tpu.memory_space<hbm>>, %arg3: memref<10240xf32, #tpu.memory_space<hbm>>, %arg4: memref<20480xf32, #tpu.memory_space<hbm>>, %arg5: memref<80x128xi32, #tpu.memory_space<vmem>>, %arg6: memref<128xf32, #tpu.memory_space<vmem>>, %arg7: memref<10240xf32, #tpu.memory_space<vmem_shared>>) attributes {dimension_semantics = [#tpu.dimension_semantics<core_parallel>, #tpu.dimension_semantics<subcore_parallel>], iteration_bounds = array<i64: 2, 16>, scalar_prefetch = 0 : i64, scratch_operands = 3 : i64, tpu.core_type = #tpu.core_type<sc_vector_subcore>, window_params = [{transform_indices = #map}, {transform_indices = #map1}, {transform_indices = #map1}]} {
    %mul3A = arith.constant 16 : i32
    %mul3A_0 = arith.muli %arg0, %mul3A : i32
    %add3A = arith.addi %mul3A_0, %arg1 : i32
    %eq3A = arith.constant 0 : i32
    %eq3A_1 = arith.cmpi eq, %arg1, %eq3A : i32
    %convert_element_type3A = arith.extui %eq3A_1 : i1 to i32
    %cond3A = arith.constant 0 : i32
    %cond3A_2 = arith.cmpi ne, %convert_element_type3A, %cond3A : i32
    scf.if %cond3A_2 {
      "tpu.region"() ({
        %run_scoped3A = tpu.sem_alloc : memref<!tpu.dma_semaphore, #tpu.memory_space<semaphore_mem>>
        tpu.enqueue_dma source(%arg3 : memref<10240xf32, #tpu.memory_space<hbm>>) target(%arg7 : memref<10240xf32, #tpu.memory_space<vmem_shared>>) target_semaphore(%run_scoped3A : memref<!tpu.dma_semaphore, #tpu.memory_space<semaphore_mem>>)
        tpu.wait_dma2 semaphore(%run_scoped3A : memref<!tpu.dma_semaphore, #tpu.memory_space<semaphore_mem>>) src(%arg3 : memref<10240xf32, #tpu.memory_space<hbm>>) dst(%arg7 : memref<10240xf32, #tpu.memory_space<vmem_shared>>)
        tpu.yield
      }) : () -> ()
    } else {
    }
    %broadcast_in_dim3A = arith.constant 1.000000e+00 : f32
    %broadcast_in_dim3A_3 = vector.broadcast %broadcast_in_dim3A : f32 to vector<16xf32>
    %swap3A = arith.constant 0 : index
    %swap3A_4 = tpu.vector_load %arg6[%swap3A] {strides = array<i32>} : memref<128xf32, #tpu.memory_space<vmem>>, vector<16xf32>,
    %swap3A_5 = vector.shape_cast %swap3A_4 : vector<16xf32> to vector<16xf32>
    %swap3A_6 = vector.shape_cast %broadcast_in_dim3A_3 : vector<16xf32> to vector<16xf32>
    tpu.vector_store %arg6[%swap3A], %swap3A_6 {strides = array<i32>} : memref<128xf32, #tpu.memory_space<vmem>>, vector<16xf32>,
    %broadcast_in_dim3A_7 = arith.constant 1.000000e+00 : f32
    %broadcast_in_dim3A_8 = vector.broadcast %broadcast_in_dim3A_7 : f32 to vector<16xf32>
    %swap3A_9 = arith.constant 16 : index
    %swap3A_10 = tpu.vector_load %arg6[%swap3A_9] {strides = array<i32>} : memref<128xf32, #tpu.memory_space<vmem>>, vector<16xf32>,
    %swap3A_11 = vector.shape_cast %swap3A_10 : vector<16xf32> to vector<16xf32>
    %swap3A_12 = vector.shape_cast %broadcast_in_dim3A_8 : vector<16xf32> to vector<16xf32>
    tpu.vector_store %arg6[%swap3A_9], %swap3A_12 {strides = array<i32>} : memref<128xf32, #tpu.memory_space<vmem>>, vector<16xf32>,
    %broadcast_in_dim3A_13 = arith.constant 1.000000e+00 : f32
    %broadcast_in_dim3A_14 = vector.broadcast %broadcast_in_dim3A_13 : f32 to vector<16xf32>
    %swap3A_15 = arith.constant 32 : index
    %swap3A_16 = tpu.vector_load %arg6[%swap3A_15] {strides = array<i32>} : memref<128xf32, #tpu.memory_space<vmem>>, vector<16xf32>,
    %swap3A_17 = vector.shape_cast %swap3A_16 : vector<16xf32> to vector<16xf32>
    %swap3A_18 = vector.shape_cast %broadcast_in_dim3A_14 : vector<16xf32> to vector<16xf32>
    tpu.vector_store %arg6[%swap3A_15], %swap3A_18 {strides = array<i32>} : memref<128xf32, #tpu.memory_space<vmem>>, vector<16xf32>,
    %broadcast_in_dim3A_19 = arith.constant 1.000000e+00 : f32
    %broadcast_in_dim3A_20 = vector.broadcast %broadcast_in_dim3A_19 : f32 to vector<16xf32>
    %swap3A_21 = arith.constant 48 : index
    %swap3A_22 = tpu.vector_load %arg6[%swap3A_21] {strides = array<i32>} : memref<128xf32, #tpu.memory_space<vmem>>, vector<16xf32>,
    %swap3A_23 = vector.shape_cast %swap3A_22 : vector<16xf32> to vector<16xf32>
    %swap3A_24 = vector.shape_cast %broadcast_in_dim3A_20 : vector<16xf32> to vector<16xf32>
    tpu.vector_store %arg6[%swap3A_21], %swap3A_24 {strides = array<i32>} : memref<128xf32, #tpu.memory_space<vmem>>, vector<16xf32>,
    %broadcast_in_dim3A_25 = arith.constant 1.000000e+00 : f32
    %broadcast_in_dim3A_26 = vector.broadcast %broadcast_in_dim3A_25 : f32 to vector<16xf32>
    %swap3A_27 = arith.constant 64 : index
    %swap3A_28 = tpu.vector_load %arg6[%swap3A_27] {strides = array<i32>} : memref<128xf32, #tpu.memory_space<vmem>>, vector<16xf32>,
    %swap3A_29 = vector.shape_cast %swap3A_28 : vector<16xf32> to vector<16xf32>
    %swap3A_30 = vector.shape_cast %broadcast_in_dim3A_26 : vector<16xf32> to vector<16xf32>
    tpu.vector_store %arg6[%swap3A_27], %swap3A_30 {strides = array<i32>} : memref<128xf32, #tpu.memory_space<vmem>>, vector<16xf32>,
    %broadcast_in_dim3A_31 = arith.constant 1.000000e+00 : f32
    %broadcast_in_dim3A_32 = vector.broadcast %broadcast_in_dim3A_31 : f32 to vector<16xf32>
    %swap3A_33 = arith.constant 80 : index
    %swap3A_34 = tpu.vector_load %arg6[%swap3A_33] {strides = array<i32>} : memref<128xf32, #tpu.memory_space<vmem>>, vector<16xf32>,
    %swap3A_35 = vector.shape_cast %swap3A_34 : vector<16xf32> to vector<16xf32>
    %swap3A_36 = vector.shape_cast %broadcast_in_dim3A_32 : vector<16xf32> to vector<16xf32>
    tpu.vector_store %arg6[%swap3A_33], %swap3A_36 {strides = array<i32>} : memref<128xf32, #tpu.memory_space<vmem>>, vector<16xf32>,
    %broadcast_in_dim3A_37 = arith.constant 1.000000e+00 : f32
    %broadcast_in_dim3A_38 = vector.broadcast %broadcast_in_dim3A_37 : f32 to vector<16xf32>
    %swap3A_39 = arith.constant 96 : index
    %swap3A_40 = tpu.vector_load %arg6[%swap3A_39] {strides = array<i32>} : memref<128xf32, #tpu.memory_space<vmem>>, vector<16xf32>,
    %swap3A_41 = vector.shape_cast %swap3A_40 : vector<16xf32> to vector<16xf32>
    %swap3A_42 = vector.shape_cast %broadcast_in_dim3A_38 : vector<16xf32> to vector<16xf32>
    tpu.vector_store %arg6[%swap3A_39], %swap3A_42 {strides = array<i32>} : memref<128xf32, #tpu.memory_space<vmem>>, vector<16xf32>,
    %broadcast_in_dim3A_43 = arith.constant 1.000000e+00 : f32
    %broadcast_in_dim3A_44 = vector.broadcast %broadcast_in_dim3A_43 : f32 to vector<16xf32>
    %swap3A_45 = arith.constant 112 : index
    %swap3A_46 = tpu.vector_load %arg6[%swap3A_45] {strides = array<i32>} : memref<128xf32, #tpu.memory_space<vmem>>, vector<16xf32>,
    %swap3A_47 = vector.shape_cast %swap3A_46 : vector<16xf32> to vector<16xf32>
    %swap3A_48 = vector.shape_cast %broadcast_in_dim3A_44 : vector<16xf32> to vector<16xf32>
    tpu.vector_store %arg6[%swap3A_45], %swap3A_48 {strides = array<i32>} : memref<128xf32, #tpu.memory_space<vmem>>, vector<16xf32>,
    %mul3A_49 = arith.constant 80 : i32
    %mul3A_50 = arith.muli %add3A, %mul3A_49 : i32
    %multiple_of3A = tpu.assume_multiple %mul3A_50, 8 : i32
    "tpu.region"() ({
      %run_scoped3A = tpu.sem_alloc : memref<!tpu.dma_semaphore, #tpu.memory_space<semaphore_mem>>
      %dma_start3A = arith.constant 0 : i32
      %dma_start3A_61 = tpu.memref_slice %arg2[%multiple_of3A, %dma_start3A] : memref<2560x128xi32, #tpu.memory_space<hbm>> -> memref<80x128xi32, #tpu.memory_space<hbm>>
      %dma_start3A_62 = arith.constant 0 : i32
      %dma_start3A_63 = tpu.memref_slice %arg2[%multiple_of3A, %dma_start3A_62] : memref<2560x128xi32, #tpu.memory_space<hbm>> -> memref<80x128xi32, #tpu.memory_space<hbm>>
      tpu.enqueue_dma source(%dma_start3A_63 : memref<80x128xi32, #tpu.memory_space<hbm>>) target(%arg5 : memref<80x128xi32, #tpu.memory_space<vmem>>) target_semaphore(%run_scoped3A : memref<!tpu.dma_semaphore, #tpu.memory_space<semaphore_mem>>)
      %dma_wait3A = arith.constant 0 : i32
      %dma_wait3A_64 = tpu.memref_slice %arg2[%multiple_of3A, %dma_wait3A] : memref<2560x128xi32, #tpu.memory_space<hbm>> -> memref<80x128xi32, #tpu.memory_space<hbm>>
      %dma_wait3A_65 = arith.constant 0 : i32
      %dma_wait3A_66 = tpu.memref_slice %arg2[%multiple_of3A, %dma_wait3A_65] : memref<2560x128xi32, #tpu.memory_space<hbm>> -> memref<80x128xi32, #tpu.memory_space<hbm>>
      tpu.wait_dma2 semaphore(%run_scoped3A : memref<!tpu.dma_semaphore, #tpu.memory_space<semaphore_mem>>) src(%dma_wait3A_66 : memref<80x128xi32, #tpu.memory_space<hbm>>) dst(%arg5 : memref<80x128xi32, #tpu.memory_space<vmem>>)
      tpu.yield
    }) : () -> ()
    %barrier3A = arith.constant 0 : index
    tpu.barrier barrier_id(%barrier3A)
    %scan3A = arith.constant 0 : i32
    %scan3A_51 = arith.constant 80 : i32
    %scan3A_52 = arith.addi %scan3A, %scan3A_51 : i32
    %scan3A_53 = arith.constant 1 : i32
    scf.for %scan3A_61 = %scan3A to %scan3A_52 step %scan3A_53  : i32 {
      %mul3A_62 = arith.constant 1 : i32
      %mul3A_63 = arith.muli %scan3A_61, %mul3A_62 : i32
      %add3A_64 = arith.constant 0 : i32
      %add3A_65 = arith.addi %add3A_64, %mul3A_63 : i32
      "tpu.region"() ({
        %run_scoped3A = tpu.sem_alloc : memref<!tpu.dma_semaphore, #tpu.memory_space<semaphore_mem>>
        %dma_start3A = arith.constant 0 : i32
        %dma_start3A_66 = tpu.memref_slice %arg5[%add3A_65, %dma_start3A] : memref<80x128xi32, #tpu.memory_space<vmem>> -> memref<1x128xi32, #tpu.memory_space<vmem>>
        %dma_start3A_67 = tpu.memref_squeeze %dma_start3A_66 : memref<1x128xi32, #tpu.memory_space<vmem>> -> memref<128xi32, #tpu.memory_space<vmem>>
        %dma_start3A_68 = arith.constant 0 : i32
        %dma_start3A_69 = tpu.memref_slice %arg7[%dma_start3A_68] : memref<10240xf32, #tpu.memory_space<vmem_shared>> -> memref<10240xf32, #tpu.memory_space<vmem_shared>>
        tpu.enqueue_indirect_dma source(%arg6 : memref<128xf32, #tpu.memory_space<vmem>>) target(%dma_start3A_69 : memref<10240xf32, #tpu.memory_space<vmem_shared>>) offsets(%dma_start3A_67 : memref<128xi32, #tpu.memory_space<vmem>>) semaphore(%run_scoped3A : memref<!tpu.dma_semaphore, #tpu.memory_space<semaphore_mem>>) {add = true}
        %dma_wait3A = arith.constant 0 : i32
        %dma_wait3A_70 = tpu.memref_slice %arg5[%add3A_65, %dma_wait3A] : memref<80x128xi32, #tpu.memory_space<vmem>> -> memref<1x128xi32, #tpu.memory_space<vmem>>
        %dma_wait3A_71 = tpu.memref_squeeze %dma_wait3A_70 : memref<1x128xi32, #tpu.memory_space<vmem>> -> memref<128xi32, #tpu.memory_space<vmem>>
        %dma_wait3A_72 = arith.constant 0 : i32
        %dma_wait3A_73 = tpu.memref_slice %arg7[%dma_wait3A_72] : memref<10240xf32, #tpu.memory_space<vmem_shared>> -> memref<10240xf32, #tpu.memory_space<vmem_shared>>
        tpu.wait_indirect_dma semaphore(%run_scoped3A : memref<!tpu.dma_semaphore, #tpu.memory_space<semaphore_mem>>) src(%arg6 : memref<128xf32, #tpu.memory_space<vmem>>) dst(%dma_wait3A_73 : memref<10240xf32, #tpu.memory_space<vmem_shared>>)
        tpu.yield
      }) : () -> ()
    }
    %scan3A_54 = arith.constant 80 : i32
    %barrier3A_55 = arith.constant 0 : index
    tpu.barrier barrier_id(%barrier3A_55)
    %eq3A_56 = arith.constant 0 : i32
    %eq3A_57 = arith.cmpi eq, %arg1, %eq3A_56 : i32
    %convert_element_type3A_58 = arith.extui %eq3A_57 : i1 to i32
    %cond3A_59 = arith.constant 0 : i32
    %cond3A_60 = arith.cmpi ne, %convert_element_type3A_58, %cond3A_59 : i32
    scf.if %cond3A_60 {
      %mul3A_61 = arith.constant 10240 : i32
      %mul3A_62 = arith.muli %arg0, %mul3A_61 : i32
      %multiple_of3A_63 = tpu.assume_multiple %mul3A_62, 8 : i32
      "tpu.region"() ({
        %run_scoped3A = tpu.sem_alloc : memref<!tpu.dma_semaphore, #tpu.memory_space<semaphore_mem>>
        %dma_start3A = tpu.memref_slice %arg4[%multiple_of3A_63] : memref<20480xf32, #tpu.memory_space<hbm>> -> memref<10240xf32, #tpu.memory_space<hbm>>
        tpu.enqueue_dma source(%arg7 : memref<10240xf32, #tpu.memory_space<vmem_shared>>) target(%dma_start3A : memref<10240xf32, #tpu.memory_space<hbm>>) target_semaphore(%run_scoped3A : memref<!tpu.dma_semaphore, #tpu.memory_space<semaphore_mem>>)
        %dma_wait3A = tpu.memref_slice %arg4[%multiple_of3A_63] : memref<20480xf32, #tpu.memory_space<hbm>> -> memref<10240xf32, #tpu.memory_space<hbm>>
        tpu.wait_dma2 semaphore(%run_scoped3A : memref<!tpu.dma_semaphore, #tpu.memory_space<semaphore_mem>>) src(%arg7 : memref<10240xf32, #tpu.memory_space<vmem_shared>>) dst(%dma_wait3A : memref<10240xf32, #tpu.memory_space<hbm>>)
        tpu.yield
      }) : () -> ()
    } else {
    }
    return
  }
}

#map = affine_map<(d0, d1) -> (0, 0)>
#map1 = affine_map<(d0, d1) -> (0)>
#map2 = affine_map<(d0, d1) -> (0, 0, 0)>
module attributes {stable_mosaic.version = 14 : i64} {
  func.func @_sc_gather_scatter(%arg0: i32, %arg1: i32, %arg2: memref<10000x128xf32, #tpu.memory_space<hbm>>, %arg3: memref<327680xi32, #tpu.memory_space<hbm>>, %arg4: memref<327680xi32, #tpu.memory_space<hbm>>, %arg5: memref<10000x128xf32, #tpu.memory_space<hbm>>, %arg6: memref<2x10000x128xf32, #tpu.memory_space<hbm>>, %arg7: memref<128xi32, #tpu.memory_space<vmem>>, %arg8: memref<128xi32, #tpu.memory_space<vmem>>, %arg9: memref<128xi32, #tpu.memory_space<vmem>>, %arg10: memref<128xi32, #tpu.memory_space<vmem>>, %arg11: memref<128x128xf32, #tpu.memory_space<vmem>>, %arg12: memref<128x128xf32, #tpu.memory_space<vmem>>, %arg13: memref<10128x128xf32, #tpu.memory_space<vmem_shared>>, %arg14: memref<!tpu.dma_semaphore, #tpu.memory_space<semaphore_mem>>, %arg15: memref<!tpu.dma_semaphore, #tpu.memory_space<semaphore_mem>>, %arg16: memref<!tpu.dma_semaphore, #tpu.memory_space<semaphore_mem>>, %arg17: memref<!tpu.dma_semaphore, #tpu.memory_space<semaphore_mem>>) attributes {dimension_semantics = [#tpu.dimension_semantics<core_parallel>, #tpu.dimension_semantics<subcore_parallel>], iteration_bounds = array<i64: 2, 16>, scalar_prefetch = 0 : i64, scratch_operands = 11 : i64, tpu.core_type = #tpu.core_type<sc_vector_subcore>, window_params = [{transform_indices = #map}, {transform_indices = #map1}, {transform_indices = #map1}, {transform_indices = #map}, {transform_indices = #map2}]} {
    %mul3A = arith.constant 16 : i32
    %mul3A_0 = arith.muli %arg0, %mul3A : i32
    %add3A = arith.addi %mul3A_0, %arg1 : i32
    %mul3A_1 = arith.constant 624 : i32
    %mul3A_2 = arith.muli %arg1, %mul3A_1 : i32
    %multiple_of3A = tpu.assume_multiple %mul3A_2, 8 : i32
    %lt3A = arith.constant 15 : i32
    %lt3A_3 = arith.cmpi slt, %arg1, %lt3A : i32
    %convert_element_type3A = arith.extui %lt3A_3 : i1 to i32
    %cond3A = arith.constant 0 : i32
    %cond3A_4 = arith.cmpi ne, %convert_element_type3A, %cond3A : i32
    scf.if %cond3A_4 {
      "tpu.region"() ({
        %run_scoped3A = tpu.sem_alloc : memref<!tpu.dma_semaphore, #tpu.memory_space<semaphore_mem>>
        %dma_start3A_59 = arith.constant 0 : i32
        %dma_start3A_60 = tpu.memref_slice %arg13[%multiple_of3A, %dma_start3A_59] : memref<10128x128xf32, #tpu.memory_space<vmem_shared>> -> memref<624x128xf32, #tpu.memory_space<vmem_shared>>
        %dma_start3A_61 = arith.constant 0 : i32
        %dma_start3A_62 = tpu.memref_slice %arg5[%multiple_of3A, %dma_start3A_61] : memref<10000x128xf32, #tpu.memory_space<hbm>> -> memref<624x128xf32, #tpu.memory_space<hbm>>
        tpu.enqueue_dma source(%dma_start3A_62 : memref<624x128xf32, #tpu.memory_space<hbm>>) target(%dma_start3A_60 : memref<624x128xf32, #tpu.memory_space<vmem_shared>>) target_semaphore(%run_scoped3A : memref<!tpu.dma_semaphore, #tpu.memory_space<semaphore_mem>>)
        %dma_wait3A = arith.constant 0 : i32
        %dma_wait3A_63 = tpu.memref_slice %arg13[%multiple_of3A, %dma_wait3A] : memref<10128x128xf32, #tpu.memory_space<vmem_shared>> -> memref<624x128xf32, #tpu.memory_space<vmem_shared>>
        %dma_wait3A_64 = arith.constant 0 : i32
        %dma_wait3A_65 = tpu.memref_slice %arg5[%multiple_of3A, %dma_wait3A_64] : memref<10000x128xf32, #tpu.memory_space<hbm>> -> memref<624x128xf32, #tpu.memory_space<hbm>>
        tpu.wait_dma2 semaphore(%run_scoped3A : memref<!tpu.dma_semaphore, #tpu.memory_space<semaphore_mem>>) src(%dma_wait3A_65 : memref<624x128xf32, #tpu.memory_space<hbm>>) dst(%dma_wait3A_63 : memref<624x128xf32, #tpu.memory_space<vmem_shared>>)
        tpu.yield
      }) : () -> ()
    } else {
    }
    %eq3A = arith.constant 15 : i32
    %eq3A_5 = arith.cmpi eq, %arg1, %eq3A : i32
    %convert_element_type3A_6 = arith.extui %eq3A_5 : i1 to i32
    %cond3A_7 = arith.constant 0 : i32
    %cond3A_8 = arith.cmpi ne, %convert_element_type3A_6, %cond3A_7 : i32
    scf.if %cond3A_8 {
      "tpu.region"() ({
        %run_scoped3A = tpu.sem_alloc : memref<!tpu.dma_semaphore, #tpu.memory_space<semaphore_mem>>
        %dma_start3A_59 = arith.constant 9360 : i32
        %dma_start3A_60 = arith.constant 0 : i32
        %dma_start3A_61 = tpu.memref_slice %arg13[%dma_start3A_59, %dma_start3A_60] : memref<10128x128xf32, #tpu.memory_space<vmem_shared>> -> memref<640x128xf32, #tpu.memory_space<vmem_shared>>
        %dma_start3A_62 = arith.constant 9360 : i32
        %dma_start3A_63 = arith.constant 0 : i32
        %dma_start3A_64 = tpu.memref_slice %arg5[%dma_start3A_62, %dma_start3A_63] : memref<10000x128xf32, #tpu.memory_space<hbm>> -> memref<640x128xf32, #tpu.memory_space<hbm>>
        tpu.enqueue_dma source(%dma_start3A_64 : memref<640x128xf32, #tpu.memory_space<hbm>>) target(%dma_start3A_61 : memref<640x128xf32, #tpu.memory_space<vmem_shared>>) target_semaphore(%run_scoped3A : memref<!tpu.dma_semaphore, #tpu.memory_space<semaphore_mem>>)
        %dma_wait3A = arith.constant 9360 : i32
        %dma_wait3A_65 = arith.constant 0 : i32
        %dma_wait3A_66 = tpu.memref_slice %arg13[%dma_wait3A, %dma_wait3A_65] : memref<10128x128xf32, #tpu.memory_space<vmem_shared>> -> memref<640x128xf32, #tpu.memory_space<vmem_shared>>
        %dma_wait3A_67 = arith.constant 9360 : i32
        %dma_wait3A_68 = arith.constant 0 : i32
        %dma_wait3A_69 = tpu.memref_slice %arg5[%dma_wait3A_67, %dma_wait3A_68] : memref<10000x128xf32, #tpu.memory_space<hbm>> -> memref<640x128xf32, #tpu.memory_space<hbm>>
        tpu.wait_dma2 semaphore(%run_scoped3A : memref<!tpu.dma_semaphore, #tpu.memory_space<semaphore_mem>>) src(%dma_wait3A_69 : memref<640x128xf32, #tpu.memory_space<hbm>>) dst(%dma_wait3A_66 : memref<640x128xf32, #tpu.memory_space<vmem_shared>>)
        tpu.yield
      }) : () -> ()
    } else {
    }
    %barrier3A = arith.constant 0 : index
    tpu.barrier barrier_id(%barrier3A)
    %mul3A_9 = arith.constant 16 : i32
    %mul3A_10 = arith.muli %arg0, %mul3A_9 : i32
    %add3A_11 = arith.addi %mul3A_10, %arg1 : i32
    %mul3A_12 = arith.constant 128 : i32
    %mul3A_13 = arith.muli %add3A_11, %mul3A_12 : i32
    "tpu.region"() ({
      %run_scoped3A = tpu.sem_alloc : memref<!tpu.dma_semaphore, #tpu.memory_space<semaphore_mem>>
      %dma_start3A_59 = tpu.memref_slice %arg3[%mul3A_13] : memref<327680xi32, #tpu.memory_space<hbm>> -> memref<128xi32, #tpu.memory_space<hbm>>
      %dma_start3A_60 = tpu.memref_slice %arg3[%mul3A_13] : memref<327680xi32, #tpu.memory_space<hbm>> -> memref<128xi32, #tpu.memory_space<hbm>>
      tpu.enqueue_dma source(%dma_start3A_60 : memref<128xi32, #tpu.memory_space<hbm>>) target(%arg7 : memref<128xi32, #tpu.memory_space<vmem>>) target_semaphore(%run_scoped3A : memref<!tpu.dma_semaphore, #tpu.memory_space<semaphore_mem>>)
      %dma_wait3A = tpu.memref_slice %arg3[%mul3A_13] : memref<327680xi32, #tpu.memory_space<hbm>> -> memref<128xi32, #tpu.memory_space<hbm>>
      %dma_wait3A_61 = tpu.memref_slice %arg3[%mul3A_13] : memref<327680xi32, #tpu.memory_space<hbm>> -> memref<128xi32, #tpu.memory_space<hbm>>
      tpu.wait_dma2 semaphore(%run_scoped3A : memref<!tpu.dma_semaphore, #tpu.memory_space<semaphore_mem>>) src(%dma_wait3A_61 : memref<128xi32, #tpu.memory_space<hbm>>) dst(%arg7 : memref<128xi32, #tpu.memory_space<vmem>>)
      tpu.yield
    }) : () -> ()
    %dma_start3A = arith.constant 0 : i32
    %dma_start3A_14 = arith.constant 0 : i32
    %dma_start3A_15 = tpu.memref_slice %arg2[%dma_start3A, %dma_start3A_14] : memref<10000x128xf32, #tpu.memory_space<hbm>> -> memref<10000x128xf32, #tpu.memory_space<hbm>>
    tpu.enqueue_indirect_dma source(%dma_start3A_15 : memref<10000x128xf32, #tpu.memory_space<hbm>>) target(%arg11 : memref<128x128xf32, #tpu.memory_space<vmem>>) offsets(%arg7 : memref<128xi32, #tpu.memory_space<vmem>>) semaphore(%arg14 : memref<!tpu.dma_semaphore, #tpu.memory_space<semaphore_mem>>)
    %mul3A_16 = arith.constant 128 : i32
    %mul3A_17 = arith.muli %add3A_11, %mul3A_16 : i32
    %dma_start3A_18 = tpu.memref_slice %arg4[%mul3A_17] : memref<327680xi32, #tpu.memory_space<hbm>> -> memref<128xi32, #tpu.memory_space<hbm>>
    %dma_start3A_19 = tpu.memref_slice %arg4[%mul3A_17] : memref<327680xi32, #tpu.memory_space<hbm>> -> memref<128xi32, #tpu.memory_space<hbm>>
    tpu.enqueue_dma source(%dma_start3A_19 : memref<128xi32, #tpu.memory_space<hbm>>) target(%arg9 : memref<128xi32, #tpu.memory_space<vmem>>) target_semaphore(%arg16 : memref<!tpu.dma_semaphore, #tpu.memory_space<semaphore_mem>>)
    %add3A_20 = arith.constant 32 : i32
    %add3A_21 = arith.addi %add3A_11, %add3A_20 : i32
    %mul3A_22 = arith.constant 128 : i32
    %mul3A_23 = arith.muli %add3A_21, %mul3A_22 : i32
    "tpu.region"() ({
      %run_scoped3A = tpu.sem_alloc : memref<!tpu.dma_semaphore, #tpu.memory_space<semaphore_mem>>
      %dma_start3A_59 = tpu.memref_slice %arg3[%mul3A_23] : memref<327680xi32, #tpu.memory_space<hbm>> -> memref<128xi32, #tpu.memory_space<hbm>>
      %dma_start3A_60 = tpu.memref_slice %arg3[%mul3A_23] : memref<327680xi32, #tpu.memory_space<hbm>> -> memref<128xi32, #tpu.memory_space<hbm>>
      tpu.enqueue_dma source(%dma_start3A_60 : memref<128xi32, #tpu.memory_space<hbm>>) target(%arg8 : memref<128xi32, #tpu.memory_space<vmem>>) target_semaphore(%run_scoped3A : memref<!tpu.dma_semaphore, #tpu.memory_space<semaphore_mem>>)
      %dma_wait3A = tpu.memref_slice %arg3[%mul3A_23] : memref<327680xi32, #tpu.memory_space<hbm>> -> memref<128xi32, #tpu.memory_space<hbm>>
      %dma_wait3A_61 = tpu.memref_slice %arg3[%mul3A_23] : memref<327680xi32, #tpu.memory_space<hbm>> -> memref<128xi32, #tpu.memory_space<hbm>>
      tpu.wait_dma2 semaphore(%run_scoped3A : memref<!tpu.dma_semaphore, #tpu.memory_space<semaphore_mem>>) src(%dma_wait3A_61 : memref<128xi32, #tpu.memory_space<hbm>>) dst(%arg8 : memref<128xi32, #tpu.memory_space<vmem>>)
      tpu.yield
    }) : () -> ()
    %dma_start3A_24 = arith.constant 0 : i32
    %dma_start3A_25 = arith.constant 0 : i32
    %dma_start3A_26 = tpu.memref_slice %arg2[%dma_start3A_24, %dma_start3A_25] : memref<10000x128xf32, #tpu.memory_space<hbm>> -> memref<10000x128xf32, #tpu.memory_space<hbm>>
    tpu.enqueue_indirect_dma source(%dma_start3A_26 : memref<10000x128xf32, #tpu.memory_space<hbm>>) target(%arg12 : memref<128x128xf32, #tpu.memory_space<vmem>>) offsets(%arg8 : memref<128xi32, #tpu.memory_space<vmem>>) semaphore(%arg15 : memref<!tpu.dma_semaphore, #tpu.memory_space<semaphore_mem>>)
    %add3A_27 = arith.constant 32 : i32
    %add3A_28 = arith.addi %add3A_11, %add3A_27 : i32
    %mul3A_29 = arith.constant 128 : i32
    %mul3A_30 = arith.muli %add3A_28, %mul3A_29 : i32
    %dma_start3A_31 = tpu.memref_slice %arg4[%mul3A_30] : memref<327680xi32, #tpu.memory_space<hbm>> -> memref<128xi32, #tpu.memory_space<hbm>>
    %dma_start3A_32 = tpu.memref_slice %arg4[%mul3A_30] : memref<327680xi32, #tpu.memory_space<hbm>> -> memref<128xi32, #tpu.memory_space<hbm>>
    tpu.enqueue_dma source(%dma_start3A_32 : memref<128xi32, #tpu.memory_space<hbm>>) target(%arg10 : memref<128xi32, #tpu.memory_space<vmem>>) target_semaphore(%arg17 : memref<!tpu.dma_semaphore, #tpu.memory_space<semaphore_mem>>)
    %sub3A = arith.constant 2500 : i32
    %sub3A_33 = arith.subi %sub3A, %add3A_11 : i32
    %sub3A_34 = arith.constant 64 : i32
    %sub3A_35 = arith.constant 1 : i32
    %sub3A_36 = arith.subi %sub3A_34, %sub3A_35 : i32
    %add3A_37 = arith.addi %sub3A_33, %sub3A_36 : i32
    %div3A = arith.constant 64 : i32
    %div3A_38 = arith.divsi %add3A_37, %div3A : i32
    %while3A = arith.constant 64 : i32
    %while3A_39 = arith.constant 0 : i32
    %while3A_40 = arith.subi %div3A_38, %while3A_39 : i32
    %while3A_41 = arith.addi %while3A_39, %while3A_40 : i32
    %while3A_42 = arith.constant 1 : i32
    %while3A_43 = arith.divsi %while3A_40, %while3A_42 : i32
    %while3A_44 = arith.muli %while3A_43, %while3A_42 : i32
    %while3A_45 = arith.addi %while3A_39, %while3A_44 : i32
    %while3A_46 = arith.constant 1 : i32
    scf.for %while3A_59 = %while3A_39 to %while3A_45 step %while3A_46  : i32 {
      %mul3A_60 = arith.muli %while3A_59, %while3A : i32
      %add3A_61 = arith.addi %add3A_11, %mul3A_60 : i32
      %mul3A_62 = arith.constant 128 : i32
      %mul3A_63 = arith.muli %add3A_61, %mul3A_62 : i32
      %dma_wait3A = tpu.memref_slice %arg4[%mul3A_63] : memref<327680xi32, #tpu.memory_space<hbm>> -> memref<128xi32, #tpu.memory_space<hbm>>
      %dma_wait3A_64 = tpu.memref_slice %arg4[%mul3A_63] : memref<327680xi32, #tpu.memory_space<hbm>> -> memref<128xi32, #tpu.memory_space<hbm>>
      tpu.wait_dma2 semaphore(%arg16 : memref<!tpu.dma_semaphore, #tpu.memory_space<semaphore_mem>>) src(%dma_wait3A_64 : memref<128xi32, #tpu.memory_space<hbm>>) dst(%arg9 : memref<128xi32, #tpu.memory_space<vmem>>)
      %dma_wait3A_65 = arith.constant 0 : i32
      %dma_wait3A_66 = arith.constant 0 : i32
      %dma_wait3A_67 = tpu.memref_slice %arg2[%dma_wait3A_65, %dma_wait3A_66] : memref<10000x128xf32, #tpu.memory_space<hbm>> -> memref<10000x128xf32, #tpu.memory_space<hbm>>
      tpu.wait_indirect_dma semaphore(%arg14 : memref<!tpu.dma_semaphore, #tpu.memory_space<semaphore_mem>>) src(%dma_wait3A_67 : memref<10000x128xf32, #tpu.memory_space<hbm>>) dst(%arg11 : memref<128x128xf32, #tpu.memory_space<vmem>>)
      "tpu.region"() ({
        %run_scoped3A = tpu.sem_alloc : memref<!tpu.dma_semaphore, #tpu.memory_space<semaphore_mem>>
        %dma_start3A_89 = arith.constant 0 : i32
        %dma_start3A_90 = arith.constant 0 : i32
        %dma_start3A_91 = tpu.memref_slice %arg13[%dma_start3A_89, %dma_start3A_90] : memref<10128x128xf32, #tpu.memory_space<vmem_shared>> -> memref<10128x128xf32, #tpu.memory_space<vmem_shared>>
        tpu.enqueue_indirect_dma source(%arg11 : memref<128x128xf32, #tpu.memory_space<vmem>>) target(%dma_start3A_91 : memref<10128x128xf32, #tpu.memory_space<vmem_shared>>) offsets(%arg9 : memref<128xi32, #tpu.memory_space<vmem>>) semaphore(%run_scoped3A : memref<!tpu.dma_semaphore, #tpu.memory_space<semaphore_mem>>) {add = true}
        %dma_wait3A_92 = arith.constant 0 : i32
        %dma_wait3A_93 = arith.constant 0 : i32
        %dma_wait3A_94 = tpu.memref_slice %arg13[%dma_wait3A_92, %dma_wait3A_93] : memref<10128x128xf32, #tpu.memory_space<vmem_shared>> -> memref<10128x128xf32, #tpu.memory_space<vmem_shared>>
        tpu.wait_indirect_dma semaphore(%run_scoped3A : memref<!tpu.dma_semaphore, #tpu.memory_space<semaphore_mem>>) src(%arg11 : memref<128x128xf32, #tpu.memory_space<vmem>>) dst(%dma_wait3A_94 : memref<10128x128xf32, #tpu.memory_space<vmem_shared>>)
        tpu.yield
      }) : () -> ()
      %add3A_68 = arith.constant 64 : i32
      %add3A_69 = arith.addi %add3A_61, %add3A_68 : i32
      %lt3A_70 = arith.constant 2500 : i32
      %lt3A_71 = arith.cmpi slt, %add3A_69, %lt3A_70 : i32
      %convert_element_type3A_72 = arith.extui %lt3A_71 : i1 to i32
      %cond3A_73 = arith.constant 0 : i32
      %cond3A_74 = arith.cmpi ne, %convert_element_type3A_72, %cond3A_73 : i32
      scf.if %cond3A_74 {
        %add3A_89 = arith.constant 64 : i32
        %add3A_90 = arith.addi %add3A_61, %add3A_89 : i32
        %mul3A_91 = arith.constant 128 : i32
        %mul3A_92 = arith.muli %add3A_90, %mul3A_91 : i32
        "tpu.region"() ({
          %run_scoped3A = tpu.sem_alloc : memref<!tpu.dma_semaphore, #tpu.memory_space<semaphore_mem>>
          %dma_start3A_102 = tpu.memref_slice %arg3[%mul3A_92] : memref<327680xi32, #tpu.memory_space<hbm>> -> memref<128xi32, #tpu.memory_space<hbm>>
          %dma_start3A_103 = tpu.memref_slice %arg3[%mul3A_92] : memref<327680xi32, #tpu.memory_space<hbm>> -> memref<128xi32, #tpu.memory_space<hbm>>
          tpu.enqueue_dma source(%dma_start3A_103 : memref<128xi32, #tpu.memory_space<hbm>>) target(%arg7 : memref<128xi32, #tpu.memory_space<vmem>>) target_semaphore(%run_scoped3A : memref<!tpu.dma_semaphore, #tpu.memory_space<semaphore_mem>>)
          %dma_wait3A_104 = tpu.memref_slice %arg3[%mul3A_92] : memref<327680xi32, #tpu.memory_space<hbm>> -> memref<128xi32, #tpu.memory_space<hbm>>
          %dma_wait3A_105 = tpu.memref_slice %arg3[%mul3A_92] : memref<327680xi32, #tpu.memory_space<hbm>> -> memref<128xi32, #tpu.memory_space<hbm>>
          tpu.wait_dma2 semaphore(%run_scoped3A : memref<!tpu.dma_semaphore, #tpu.memory_space<semaphore_mem>>) src(%dma_wait3A_105 : memref<128xi32, #tpu.memory_space<hbm>>) dst(%arg7 : memref<128xi32, #tpu.memory_space<vmem>>)
          tpu.yield
        }) : () -> ()
        %dma_start3A_93 = arith.constant 0 : i32
        %dma_start3A_94 = arith.constant 0 : i32
        %dma_start3A_95 = tpu.memref_slice %arg2[%dma_start3A_93, %dma_start3A_94] : memref<10000x128xf32, #tpu.memory_space<hbm>> -> memref<10000x128xf32, #tpu.memory_space<hbm>>
        tpu.enqueue_indirect_dma source(%dma_start3A_95 : memref<10000x128xf32, #tpu.memory_space<hbm>>) target(%arg11 : memref<128x128xf32, #tpu.memory_space<vmem>>) offsets(%arg7 : memref<128xi32, #tpu.memory_space<vmem>>) semaphore(%arg14 : memref<!tpu.dma_semaphore, #tpu.memory_space<semaphore_mem>>)
        %add3A_96 = arith.constant 64 : i32
        %add3A_97 = arith.addi %add3A_61, %add3A_96 : i32
        %mul3A_98 = arith.constant 128 : i32
        %mul3A_99 = arith.muli %add3A_97, %mul3A_98 : i32
        %dma_start3A_100 = tpu.memref_slice %arg4[%mul3A_99] : memref<327680xi32, #tpu.memory_space<hbm>> -> memref<128xi32, #tpu.memory_space<hbm>>
        %dma_start3A_101 = tpu.memref_slice %arg4[%mul3A_99] : memref<327680xi32, #tpu.memory_space<hbm>> -> memref<128xi32, #tpu.memory_space<hbm>>
        tpu.enqueue_dma source(%dma_start3A_101 : memref<128xi32, #tpu.memory_space<hbm>>) target(%arg9 : memref<128xi32, #tpu.memory_space<vmem>>) target_semaphore(%arg16 : memref<!tpu.dma_semaphore, #tpu.memory_space<semaphore_mem>>)
      } else {
      }
      %add3A_75 = arith.constant 32 : i32
      %add3A_76 = arith.addi %add3A_61, %add3A_75 : i32
      %lt3A_77 = arith.constant 2500 : i32
      %lt3A_78 = arith.cmpi slt, %add3A_76, %lt3A_77 : i32
      %convert_element_type3A_79 = arith.extui %lt3A_78 : i1 to i32
      %cond3A_80 = arith.constant 0 : i32
      %cond3A_81 = arith.cmpi ne, %convert_element_type3A_79, %cond3A_80 : i32
      scf.if %cond3A_81 {
        %add3A_89 = arith.constant 32 : i32
        %add3A_90 = arith.addi %add3A_61, %add3A_89 : i32
        %mul3A_91 = arith.constant 128 : i32
        %mul3A_92 = arith.muli %add3A_90, %mul3A_91 : i32
        %dma_wait3A_93 = tpu.memref_slice %arg4[%mul3A_92] : memref<327680xi32, #tpu.memory_space<hbm>> -> memref<128xi32, #tpu.memory_space<hbm>>
        %dma_wait3A_94 = tpu.memref_slice %arg4[%mul3A_92] : memref<327680xi32, #tpu.memory_space<hbm>> -> memref<128xi32, #tpu.memory_space<hbm>>
        tpu.wait_dma2 semaphore(%arg17 : memref<!tpu.dma_semaphore, #tpu.memory_space<semaphore_mem>>) src(%dma_wait3A_94 : memref<128xi32, #tpu.memory_space<hbm>>) dst(%arg10 : memref<128xi32, #tpu.memory_space<vmem>>)
        %dma_wait3A_95 = arith.constant 0 : i32
        %dma_wait3A_96 = arith.constant 0 : i32
        %dma_wait3A_97 = tpu.memref_slice %arg2[%dma_wait3A_95, %dma_wait3A_96] : memref<10000x128xf32, #tpu.memory_space<hbm>> -> memref<10000x128xf32, #tpu.memory_space<hbm>>
        tpu.wait_indirect_dma semaphore(%arg15 : memref<!tpu.dma_semaphore, #tpu.memory_space<semaphore_mem>>) src(%dma_wait3A_97 : memref<10000x128xf32, #tpu.memory_space<hbm>>) dst(%arg12 : memref<128x128xf32, #tpu.memory_space<vmem>>)
        "tpu.region"() ({
          %run_scoped3A = tpu.sem_alloc : memref<!tpu.dma_semaphore, #tpu.memory_space<semaphore_mem>>
          %dma_start3A_98 = arith.constant 0 : i32
          %dma_start3A_99 = arith.constant 0 : i32
          %dma_start3A_100 = tpu.memref_slice %arg13[%dma_start3A_98, %dma_start3A_99] : memref<10128x128xf32, #tpu.memory_space<vmem_shared>> -> memref<10128x128xf32, #tpu.memory_space<vmem_shared>>
          tpu.enqueue_indirect_dma source(%arg12 : memref<128x128xf32, #tpu.memory_space<vmem>>) target(%dma_start3A_100 : memref<10128x128xf32, #tpu.memory_space<vmem_shared>>) offsets(%arg10 : memref<128xi32, #tpu.memory_space<vmem>>) semaphore(%run_scoped3A : memref<!tpu.dma_semaphore, #tpu.memory_space<semaphore_mem>>) {add = true}
          %dma_wait3A_101 = arith.constant 0 : i32
          %dma_wait3A_102 = arith.constant 0 : i32
          %dma_wait3A_103 = tpu.memref_slice %arg13[%dma_wait3A_101, %dma_wait3A_102] : memref<10128x128xf32, #tpu.memory_space<vmem_shared>> -> memref<10128x128xf32, #tpu.memory_space<vmem_shared>>
          tpu.wait_indirect_dma semaphore(%run_scoped3A : memref<!tpu.dma_semaphore, #tpu.memory_space<semaphore_mem>>) src(%arg12 : memref<128x128xf32, #tpu.memory_space<vmem>>) dst(%dma_wait3A_103 : memref<10128x128xf32, #tpu.memory_space<vmem_shared>>)
          tpu.yield
        }) : () -> ()
      } else {
      }
      %add3A_82 = arith.constant 96 : i32
      %add3A_83 = arith.addi %add3A_61, %add3A_82 : i32
      %lt3A_84 = arith.constant 2500 : i32
      %lt3A_85 = arith.cmpi slt, %add3A_83, %lt3A_84 : i32
      %convert_element_type3A_86 = arith.extui %lt3A_85 : i1 to i32
      %cond3A_87 = arith.constant 0 : i32
      %cond3A_88 = arith.cmpi ne, %convert_element_type3A_86, %cond3A_87 : i32
      scf.if %cond3A_88 {
        %add3A_89 = arith.constant 96 : i32
        %add3A_90 = arith.addi %add3A_61, %add3A_89 : i32
        %mul3A_91 = arith.constant 128 : i32
        %mul3A_92 = arith.muli %add3A_90, %mul3A_91 : i32
        "tpu.region"() ({
          %run_scoped3A = tpu.sem_alloc : memref<!tpu.dma_semaphore, #tpu.memory_space<semaphore_mem>>
          %dma_start3A_102 = tpu.memref_slice %arg3[%mul3A_92] : memref<327680xi32, #tpu.memory_space<hbm>> -> memref<128xi32, #tpu.memory_space<hbm>>
          %dma_start3A_103 = tpu.memref_slice %arg3[%mul3A_92] : memref<327680xi32, #tpu.memory_space<hbm>> -> memref<128xi32, #tpu.memory_space<hbm>>
          tpu.enqueue_dma source(%dma_start3A_103 : memref<128xi32, #tpu.memory_space<hbm>>) target(%arg8 : memref<128xi32, #tpu.memory_space<vmem>>) target_semaphore(%run_scoped3A : memref<!tpu.dma_semaphore, #tpu.memory_space<semaphore_mem>>)
          %dma_wait3A_104 = tpu.memref_slice %arg3[%mul3A_92] : memref<327680xi32, #tpu.memory_space<hbm>> -> memref<128xi32, #tpu.memory_space<hbm>>
          %dma_wait3A_105 = tpu.memref_slice %arg3[%mul3A_92] : memref<327680xi32, #tpu.memory_space<hbm>> -> memref<128xi32, #tpu.memory_space<hbm>>
          tpu.wait_dma2 semaphore(%run_scoped3A : memref<!tpu.dma_semaphore, #tpu.memory_space<semaphore_mem>>) src(%dma_wait3A_105 : memref<128xi32, #tpu.memory_space<hbm>>) dst(%arg8 : memref<128xi32, #tpu.memory_space<vmem>>)
          tpu.yield
        }) : () -> ()
        %dma_start3A_93 = arith.constant 0 : i32
        %dma_start3A_94 = arith.constant 0 : i32
        %dma_start3A_95 = tpu.memref_slice %arg2[%dma_start3A_93, %dma_start3A_94] : memref<10000x128xf32, #tpu.memory_space<hbm>> -> memref<10000x128xf32, #tpu.memory_space<hbm>>
        tpu.enqueue_indirect_dma source(%dma_start3A_95 : memref<10000x128xf32, #tpu.memory_space<hbm>>) target(%arg12 : memref<128x128xf32, #tpu.memory_space<vmem>>) offsets(%arg8 : memref<128xi32, #tpu.memory_space<vmem>>) semaphore(%arg15 : memref<!tpu.dma_semaphore, #tpu.memory_space<semaphore_mem>>)
        %add3A_96 = arith.constant 96 : i32
        %add3A_97 = arith.addi %add3A_61, %add3A_96 : i32
        %mul3A_98 = arith.constant 128 : i32
        %mul3A_99 = arith.muli %add3A_97, %mul3A_98 : i32
        %dma_start3A_100 = tpu.memref_slice %arg4[%mul3A_99] : memref<327680xi32, #tpu.memory_space<hbm>> -> memref<128xi32, #tpu.memory_space<hbm>>
        %dma_start3A_101 = tpu.memref_slice %arg4[%mul3A_99] : memref<327680xi32, #tpu.memory_space<hbm>> -> memref<128xi32, #tpu.memory_space<hbm>>
        tpu.enqueue_dma source(%dma_start3A_101 : memref<128xi32, #tpu.memory_space<hbm>>) target(%arg10 : memref<128xi32, #tpu.memory_space<vmem>>) target_semaphore(%arg17 : memref<!tpu.dma_semaphore, #tpu.memory_space<semaphore_mem>>)
      } else {
      }
    }
    %while3A_47 = arith.constant 1 : i32
    scf.for %while3A_59 = %while3A_45 to %while3A_41 step %while3A_47  : i32 {
      %mul3A_60 = arith.muli %while3A_59, %while3A : i32
      %add3A_61 = arith.addi %add3A_11, %mul3A_60 : i32
      %mul3A_62 = arith.constant 128 : i32
      %mul3A_63 = arith.muli %add3A_61, %mul3A_62 : i32
      %dma_wait3A = tpu.memref_slice %arg4[%mul3A_63] : memref<327680xi32, #tpu.memory_space<hbm>> -> memref<128xi32, #tpu.memory_space<hbm>>
      %dma_wait3A_64 = tpu.memref_slice %arg4[%mul3A_63] : memref<327680xi32, #tpu.memory_space<hbm>> -> memref<128xi32, #tpu.memory_space<hbm>>
      tpu.wait_dma2 semaphore(%arg16 : memref<!tpu.dma_semaphore, #tpu.memory_space<semaphore_mem>>) src(%dma_wait3A_64 : memref<128xi32, #tpu.memory_space<hbm>>) dst(%arg9 : memref<128xi32, #tpu.memory_space<vmem>>)
      %dma_wait3A_65 = arith.constant 0 : i32
      %dma_wait3A_66 = arith.constant 0 : i32
      %dma_wait3A_67 = tpu.memref_slice %arg2[%dma_wait3A_65, %dma_wait3A_66] : memref<10000x128xf32, #tpu.memory_space<hbm>> -> memref<10000x128xf32, #tpu.memory_space<hbm>>
      tpu.wait_indirect_dma semaphore(%arg14 : memref<!tpu.dma_semaphore, #tpu.memory_space<semaphore_mem>>) src(%dma_wait3A_67 : memref<10000x128xf32, #tpu.memory_space<hbm>>) dst(%arg11 : memref<128x128xf32, #tpu.memory_space<vmem>>)
      "tpu.region"() ({
        %run_scoped3A = tpu.sem_alloc : memref<!tpu.dma_semaphore, #tpu.memory_space<semaphore_mem>>
        %dma_start3A_89 = arith.constant 0 : i32
        %dma_start3A_90 = arith.constant 0 : i32
        %dma_start3A_91 = tpu.memref_slice %arg13[%dma_start3A_89, %dma_start3A_90] : memref<10128x128xf32, #tpu.memory_space<vmem_shared>> -> memref<10128x128xf32, #tpu.memory_space<vmem_shared>>
        tpu.enqueue_indirect_dma source(%arg11 : memref<128x128xf32, #tpu.memory_space<vmem>>) target(%dma_start3A_91 : memref<10128x128xf32, #tpu.memory_space<vmem_shared>>) offsets(%arg9 : memref<128xi32, #tpu.memory_space<vmem>>) semaphore(%run_scoped3A : memref<!tpu.dma_semaphore, #tpu.memory_space<semaphore_mem>>) {add = true}
        %dma_wait3A_92 = arith.constant 0 : i32
        %dma_wait3A_93 = arith.constant 0 : i32
        %dma_wait3A_94 = tpu.memref_slice %arg13[%dma_wait3A_92, %dma_wait3A_93] : memref<10128x128xf32, #tpu.memory_space<vmem_shared>> -> memref<10128x128xf32, #tpu.memory_space<vmem_shared>>
        tpu.wait_indirect_dma semaphore(%run_scoped3A : memref<!tpu.dma_semaphore, #tpu.memory_space<semaphore_mem>>) src(%arg11 : memref<128x128xf32, #tpu.memory_space<vmem>>) dst(%dma_wait3A_94 : memref<10128x128xf32, #tpu.memory_space<vmem_shared>>)
        tpu.yield
      }) : () -> ()
      %add3A_68 = arith.constant 64 : i32
      %add3A_69 = arith.addi %add3A_61, %add3A_68 : i32
      %lt3A_70 = arith.constant 2500 : i32
      %lt3A_71 = arith.cmpi slt, %add3A_69, %lt3A_70 : i32
      %convert_element_type3A_72 = arith.extui %lt3A_71 : i1 to i32
      %cond3A_73 = arith.constant 0 : i32
      %cond3A_74 = arith.cmpi ne, %convert_element_type3A_72, %cond3A_73 : i32
      scf.if %cond3A_74 {
        %add3A_89 = arith.constant 64 : i32
        %add3A_90 = arith.addi %add3A_61, %add3A_89 : i32
        %mul3A_91 = arith.constant 128 : i32
        %mul3A_92 = arith.muli %add3A_90, %mul3A_91 : i32
        "tpu.region"() ({
          %run_scoped3A = tpu.sem_alloc : memref<!tpu.dma_semaphore, #tpu.memory_space<semaphore_mem>>
          %dma_start3A_102 = tpu.memref_slice %arg3[%mul3A_92] : memref<327680xi32, #tpu.memory_space<hbm>> -> memref<128xi32, #tpu.memory_space<hbm>>
          %dma_start3A_103 = tpu.memref_slice %arg3[%mul3A_92] : memref<327680xi32, #tpu.memory_space<hbm>> -> memref<128xi32, #tpu.memory_space<hbm>>
          tpu.enqueue_dma source(%dma_start3A_103 : memref<128xi32, #tpu.memory_space<hbm>>) target(%arg7 : memref<128xi32, #tpu.memory_space<vmem>>) target_semaphore(%run_scoped3A : memref<!tpu.dma_semaphore, #tpu.memory_space<semaphore_mem>>)
          %dma_wait3A_104 = tpu.memref_slice %arg3[%mul3A_92] : memref<327680xi32, #tpu.memory_space<hbm>> -> memref<128xi32, #tpu.memory_space<hbm>>
          %dma_wait3A_105 = tpu.memref_slice %arg3[%mul3A_92] : memref<327680xi32, #tpu.memory_space<hbm>> -> memref<128xi32, #tpu.memory_space<hbm>>
          tpu.wait_dma2 semaphore(%run_scoped3A : memref<!tpu.dma_semaphore, #tpu.memory_space<semaphore_mem>>) src(%dma_wait3A_105 : memref<128xi32, #tpu.memory_space<hbm>>) dst(%arg7 : memref<128xi32, #tpu.memory_space<vmem>>)
          tpu.yield
        }) : () -> ()
        %dma_start3A_93 = arith.constant 0 : i32
        %dma_start3A_94 = arith.constant 0 : i32
        %dma_start3A_95 = tpu.memref_slice %arg2[%dma_start3A_93, %dma_start3A_94] : memref<10000x128xf32, #tpu.memory_space<hbm>> -> memref<10000x128xf32, #tpu.memory_space<hbm>>
        tpu.enqueue_indirect_dma source(%dma_start3A_95 : memref<10000x128xf32, #tpu.memory_space<hbm>>) target(%arg11 : memref<128x128xf32, #tpu.memory_space<vmem>>) offsets(%arg7 : memref<128xi32, #tpu.memory_space<vmem>>) semaphore(%arg14 : memref<!tpu.dma_semaphore, #tpu.memory_space<semaphore_mem>>)
        %add3A_96 = arith.constant 64 : i32
        %add3A_97 = arith.addi %add3A_61, %add3A_96 : i32
        %mul3A_98 = arith.constant 128 : i32
        %mul3A_99 = arith.muli %add3A_97, %mul3A_98 : i32
        %dma_start3A_100 = tpu.memref_slice %arg4[%mul3A_99] : memref<327680xi32, #tpu.memory_space<hbm>> -> memref<128xi32, #tpu.memory_space<hbm>>
        %dma_start3A_101 = tpu.memref_slice %arg4[%mul3A_99] : memref<327680xi32, #tpu.memory_space<hbm>> -> memref<128xi32, #tpu.memory_space<hbm>>
        tpu.enqueue_dma source(%dma_start3A_101 : memref<128xi32, #tpu.memory_space<hbm>>) target(%arg9 : memref<128xi32, #tpu.memory_space<vmem>>) target_semaphore(%arg16 : memref<!tpu.dma_semaphore, #tpu.memory_space<semaphore_mem>>)
      } else {
      }
      %add3A_75 = arith.constant 32 : i32
      %add3A_76 = arith.addi %add3A_61, %add3A_75 : i32
      %lt3A_77 = arith.constant 2500 : i32
      %lt3A_78 = arith.cmpi slt, %add3A_76, %lt3A_77 : i32
      %convert_element_type3A_79 = arith.extui %lt3A_78 : i1 to i32
      %cond3A_80 = arith.constant 0 : i32
      %cond3A_81 = arith.cmpi ne, %convert_element_type3A_79, %cond3A_80 : i32
      scf.if %cond3A_81 {
        %add3A_89 = arith.constant 32 : i32
        %add3A_90 = arith.addi %add3A_61, %add3A_89 : i32
        %mul3A_91 = arith.constant 128 : i32
        %mul3A_92 = arith.muli %add3A_90, %mul3A_91 : i32
        %dma_wait3A_93 = tpu.memref_slice %arg4[%mul3A_92] : memref<327680xi32, #tpu.memory_space<hbm>> -> memref<128xi32, #tpu.memory_space<hbm>>
        %dma_wait3A_94 = tpu.memref_slice %arg4[%mul3A_92] : memref<327680xi32, #tpu.memory_space<hbm>> -> memref<128xi32, #tpu.memory_space<hbm>>
        tpu.wait_dma2 semaphore(%arg17 : memref<!tpu.dma_semaphore, #tpu.memory_space<semaphore_mem>>) src(%dma_wait3A_94 : memref<128xi32, #tpu.memory_space<hbm>>) dst(%arg10 : memref<128xi32, #tpu.memory_space<vmem>>)
        %dma_wait3A_95 = arith.constant 0 : i32
        %dma_wait3A_96 = arith.constant 0 : i32
        %dma_wait3A_97 = tpu.memref_slice %arg2[%dma_wait3A_95, %dma_wait3A_96] : memref<10000x128xf32, #tpu.memory_space<hbm>> -> memref<10000x128xf32, #tpu.memory_space<hbm>>
        tpu.wait_indirect_dma semaphore(%arg15 : memref<!tpu.dma_semaphore, #tpu.memory_space<semaphore_mem>>) src(%dma_wait3A_97 : memref<10000x128xf32, #tpu.memory_space<hbm>>) dst(%arg12 : memref<128x128xf32, #tpu.memory_space<vmem>>)
        "tpu.region"() ({
          %run_scoped3A = tpu.sem_alloc : memref<!tpu.dma_semaphore, #tpu.memory_space<semaphore_mem>>
          %dma_start3A_98 = arith.constant 0 : i32
          %dma_start3A_99 = arith.constant 0 : i32
          %dma_start3A_100 = tpu.memref_slice %arg13[%dma_start3A_98, %dma_start3A_99] : memref<10128x128xf32, #tpu.memory_space<vmem_shared>> -> memref<10128x128xf32, #tpu.memory_space<vmem_shared>>
          tpu.enqueue_indirect_dma source(%arg12 : memref<128x128xf32, #tpu.memory_space<vmem>>) target(%dma_start3A_100 : memref<10128x128xf32, #tpu.memory_space<vmem_shared>>) offsets(%arg10 : memref<128xi32, #tpu.memory_space<vmem>>) semaphore(%run_scoped3A : memref<!tpu.dma_semaphore, #tpu.memory_space<semaphore_mem>>) {add = true}
          %dma_wait3A_101 = arith.constant 0 : i32
          %dma_wait3A_102 = arith.constant 0 : i32
          %dma_wait3A_103 = tpu.memref_slice %arg13[%dma_wait3A_101, %dma_wait3A_102] : memref<10128x128xf32, #tpu.memory_space<vmem_shared>> -> memref<10128x128xf32, #tpu.memory_space<vmem_shared>>
          tpu.wait_indirect_dma semaphore(%run_scoped3A : memref<!tpu.dma_semaphore, #tpu.memory_space<semaphore_mem>>) src(%arg12 : memref<128x128xf32, #tpu.memory_space<vmem>>) dst(%dma_wait3A_103 : memref<10128x128xf32, #tpu.memory_space<vmem_shared>>)
          tpu.yield
        }) : () -> ()
      } else {
      }
      %add3A_82 = arith.constant 96 : i32
      %add3A_83 = arith.addi %add3A_61, %add3A_82 : i32
      %lt3A_84 = arith.constant 2500 : i32
      %lt3A_85 = arith.cmpi slt, %add3A_83, %lt3A_84 : i32
      %convert_element_type3A_86 = arith.extui %lt3A_85 : i1 to i32
      %cond3A_87 = arith.constant 0 : i32
      %cond3A_88 = arith.cmpi ne, %convert_element_type3A_86, %cond3A_87 : i32
      scf.if %cond3A_88 {
        %add3A_89 = arith.constant 96 : i32
        %add3A_90 = arith.addi %add3A_61, %add3A_89 : i32
        %mul3A_91 = arith.constant 128 : i32
        %mul3A_92 = arith.muli %add3A_90, %mul3A_91 : i32
        "tpu.region"() ({
          %run_scoped3A = tpu.sem_alloc : memref<!tpu.dma_semaphore, #tpu.memory_space<semaphore_mem>>
          %dma_start3A_102 = tpu.memref_slice %arg3[%mul3A_92] : memref<327680xi32, #tpu.memory_space<hbm>> -> memref<128xi32, #tpu.memory_space<hbm>>
          %dma_start3A_103 = tpu.memref_slice %arg3[%mul3A_92] : memref<327680xi32, #tpu.memory_space<hbm>> -> memref<128xi32, #tpu.memory_space<hbm>>
          tpu.enqueue_dma source(%dma_start3A_103 : memref<128xi32, #tpu.memory_space<hbm>>) target(%arg8 : memref<128xi32, #tpu.memory_space<vmem>>) target_semaphore(%run_scoped3A : memref<!tpu.dma_semaphore, #tpu.memory_space<semaphore_mem>>)
          %dma_wait3A_104 = tpu.memref_slice %arg3[%mul3A_92] : memref<327680xi32, #tpu.memory_space<hbm>> -> memref<128xi32, #tpu.memory_space<hbm>>
          %dma_wait3A_105 = tpu.memref_slice %arg3[%mul3A_92] : memref<327680xi32, #tpu.memory_space<hbm>> -> memref<128xi32, #tpu.memory_space<hbm>>
          tpu.wait_dma2 semaphore(%run_scoped3A : memref<!tpu.dma_semaphore, #tpu.memory_space<semaphore_mem>>) src(%dma_wait3A_105 : memref<128xi32, #tpu.memory_space<hbm>>) dst(%arg8 : memref<128xi32, #tpu.memory_space<vmem>>)
          tpu.yield
        }) : () -> ()
        %dma_start3A_93 = arith.constant 0 : i32
        %dma_start3A_94 = arith.constant 0 : i32
        %dma_start3A_95 = tpu.memref_slice %arg2[%dma_start3A_93, %dma_start3A_94] : memref<10000x128xf32, #tpu.memory_space<hbm>> -> memref<10000x128xf32, #tpu.memory_space<hbm>>
        tpu.enqueue_indirect_dma source(%dma_start3A_95 : memref<10000x128xf32, #tpu.memory_space<hbm>>) target(%arg12 : memref<128x128xf32, #tpu.memory_space<vmem>>) offsets(%arg8 : memref<128xi32, #tpu.memory_space<vmem>>) semaphore(%arg15 : memref<!tpu.dma_semaphore, #tpu.memory_space<semaphore_mem>>)
        %add3A_96 = arith.constant 96 : i32
        %add3A_97 = arith.addi %add3A_61, %add3A_96 : i32
        %mul3A_98 = arith.constant 128 : i32
        %mul3A_99 = arith.muli %add3A_97, %mul3A_98 : i32
        %dma_start3A_100 = tpu.memref_slice %arg4[%mul3A_99] : memref<327680xi32, #tpu.memory_space<hbm>> -> memref<128xi32, #tpu.memory_space<hbm>>
        %dma_start3A_101 = tpu.memref_slice %arg4[%mul3A_99] : memref<327680xi32, #tpu.memory_space<hbm>> -> memref<128xi32, #tpu.memory_space<hbm>>
        tpu.enqueue_dma source(%dma_start3A_101 : memref<128xi32, #tpu.memory_space<hbm>>) target(%arg10 : memref<128xi32, #tpu.memory_space<vmem>>) target_semaphore(%arg17 : memref<!tpu.dma_semaphore, #tpu.memory_space<semaphore_mem>>)
      } else {
      }
    }
    %barrier3A_48 = arith.constant 0 : index
    tpu.barrier barrier_id(%barrier3A_48)
    %lt3A_49 = arith.constant 15 : i32
    %lt3A_50 = arith.cmpi slt, %arg1, %lt3A_49 : i32
    %convert_element_type3A_51 = arith.extui %lt3A_50 : i1 to i32
    %cond3A_52 = arith.constant 0 : i32
    %cond3A_53 = arith.cmpi ne, %convert_element_type3A_51, %cond3A_52 : i32
    scf.if %cond3A_53 {
      "tpu.region"() ({
        %run_scoped3A = tpu.sem_alloc : memref<!tpu.dma_semaphore, #tpu.memory_space<semaphore_mem>>
        %dma_start3A_59 = arith.constant 0 : i32
        %dma_start3A_60 = tpu.memref_slice %arg6[%arg0, %multiple_of3A, %dma_start3A_59] : memref<2x10000x128xf32, #tpu.memory_space<hbm>> -> memref<1x624x128xf32, #tpu.memory_space<hbm>>
        %dma_start3A_61 = tpu.memref_squeeze %dma_start3A_60 : memref<1x624x128xf32, #tpu.memory_space<hbm>> -> memref<624x128xf32, #tpu.memory_space<hbm>>
        %dma_start3A_62 = arith.constant 0 : i32
        %dma_start3A_63 = tpu.memref_slice %arg13[%multiple_of3A, %dma_start3A_62] : memref<10128x128xf32, #tpu.memory_space<vmem_shared>> -> memref<624x128xf32, #tpu.memory_space<vmem_shared>>
        tpu.enqueue_dma source(%dma_start3A_63 : memref<624x128xf32, #tpu.memory_space<vmem_shared>>) target(%dma_start3A_61 : memref<624x128xf32, #tpu.memory_space<hbm>>) target_semaphore(%run_scoped3A : memref<!tpu.dma_semaphore, #tpu.memory_space<semaphore_mem>>)
        %dma_wait3A = arith.constant 0 : i32
        %dma_wait3A_64 = tpu.memref_slice %arg6[%arg0, %multiple_of3A, %dma_wait3A] : memref<2x10000x128xf32, #tpu.memory_space<hbm>> -> memref<1x624x128xf32, #tpu.memory_space<hbm>>
        %dma_wait3A_65 = tpu.memref_squeeze %dma_wait3A_64 : memref<1x624x128xf32, #tpu.memory_space<hbm>> -> memref<624x128xf32, #tpu.memory_space<hbm>>
        %dma_wait3A_66 = arith.constant 0 : i32
        %dma_wait3A_67 = tpu.memref_slice %arg13[%multiple_of3A, %dma_wait3A_66] : memref<10128x128xf32, #tpu.memory_space<vmem_shared>> -> memref<624x128xf32, #tpu.memory_space<vmem_shared>>
        tpu.wait_dma2 semaphore(%run_scoped3A : memref<!tpu.dma_semaphore, #tpu.memory_space<semaphore_mem>>) src(%dma_wait3A_67 : memref<624x128xf32, #tpu.memory_space<vmem_shared>>) dst(%dma_wait3A_65 : memref<624x128xf32, #tpu.memory_space<hbm>>)
        tpu.yield
      }) : () -> ()
    } else {
    }
    %eq3A_54 = arith.constant 15 : i32
    %eq3A_55 = arith.cmpi eq, %arg1, %eq3A_54 : i32
    %convert_element_type3A_56 = arith.extui %eq3A_55 : i1 to i32
    %cond3A_57 = arith.constant 0 : i32
    %cond3A_58 = arith.cmpi ne, %convert_element_type3A_56, %cond3A_57 : i32
    scf.if %cond3A_58 {
      "tpu.region"() ({
        %run_scoped3A = tpu.sem_alloc : memref<!tpu.dma_semaphore, #tpu.memory_space<semaphore_mem>>
        %dma_start3A_59 = arith.constant 9360 : i32
        %dma_start3A_60 = arith.constant 0 : i32
        %dma_start3A_61 = tpu.memref_slice %arg6[%arg0, %dma_start3A_59, %dma_start3A_60] : memref<2x10000x128xf32, #tpu.memory_space<hbm>> -> memref<1x640x128xf32, #tpu.memory_space<hbm>>
        %dma_start3A_62 = tpu.memref_squeeze %dma_start3A_61 : memref<1x640x128xf32, #tpu.memory_space<hbm>> -> memref<640x128xf32, #tpu.memory_space<hbm>>
        %dma_start3A_63 = arith.constant 9360 : i32
        %dma_start3A_64 = arith.constant 0 : i32
        %dma_start3A_65 = tpu.memref_slice %arg13[%dma_start3A_63, %dma_start3A_64] : memref<10128x128xf32, #tpu.memory_space<vmem_shared>> -> memref<640x128xf32, #tpu.memory_space<vmem_shared>>
        tpu.enqueue_dma source(%dma_start3A_65 : memref<640x128xf32, #tpu.memory_space<vmem_shared>>) target(%dma_start3A_62 : memref<640x128xf32, #tpu.memory_space<hbm>>) target_semaphore(%run_scoped3A : memref<!tpu.dma_semaphore, #tpu.memory_space<semaphore_mem>>)
        %dma_wait3A = arith.constant 9360 : i32
        %dma_wait3A_66 = arith.constant 0 : i32
        %dma_wait3A_67 = tpu.memref_slice %arg6[%arg0, %dma_wait3A, %dma_wait3A_66] : memref<2x10000x128xf32, #tpu.memory_space<hbm>> -> memref<1x640x128xf32, #tpu.memory_space<hbm>>
        %dma_wait3A_68 = tpu.memref_squeeze %dma_wait3A_67 : memref<1x640x128xf32, #tpu.memory_space<hbm>> -> memref<640x128xf32, #tpu.memory_space<hbm>>
        %dma_wait3A_69 = arith.constant 9360 : i32
        %dma_wait3A_70 = arith.constant 0 : i32
        %dma_wait3A_71 = tpu.memref_slice %arg13[%dma_wait3A_69, %dma_wait3A_70] : memref<10128x128xf32, #tpu.memory_space<vmem_shared>> -> memref<640x128xf32, #tpu.memory_space<vmem_shared>>
        tpu.wait_dma2 semaphore(%run_scoped3A : memref<!tpu.dma_semaphore, #tpu.memory_space<semaphore_mem>>) src(%dma_wait3A_71 : memref<640x128xf32, #tpu.memory_space<vmem_shared>>) dst(%dma_wait3A_68 : memref<640x128xf32, #tpu.memory_space<hbm>>)
        tpu.yield
      }) : () -> ()
    } else {
    }
    return
  }
}

#map = affine_map<(d0, d1) -> (0, 0)>
#map1 = affine_map<(d0, d1) -> (0)>
#map2 = affine_map<(d0, d1) -> (0, 0, 0)>
module attributes {stable_mosaic.version = 14 : i64} {
  func.func @_sc_gather_scatter(%arg0: i32, %arg1: i32, %arg2: memref<10000x128xf32, #tpu.memory_space<hbm>>, %arg3: memref<327680xi32, #tpu.memory_space<hbm>>, %arg4: memref<327680xi32, #tpu.memory_space<hbm>>, %arg5: memref<10000x128xf32, #tpu.memory_space<hbm>>, %arg6: memref<2x10000x128xf32, #tpu.memory_space<hbm>>, %arg7: memref<128xi32, #tpu.memory_space<vmem>>, %arg8: memref<128xi32, #tpu.memory_space<vmem>>, %arg9: memref<128xi32, #tpu.memory_space<vmem>>, %arg10: memref<128xi32, #tpu.memory_space<vmem>>, %arg11: memref<128x128xf32, #tpu.memory_space<vmem>>, %arg12: memref<128x128xf32, #tpu.memory_space<vmem>>, %arg13: memref<10128x128xf32, #tpu.memory_space<vmem_shared>>, %arg14: memref<!tpu.dma_semaphore, #tpu.memory_space<semaphore_mem>>, %arg15: memref<!tpu.dma_semaphore, #tpu.memory_space<semaphore_mem>>, %arg16: memref<!tpu.dma_semaphore, #tpu.memory_space<semaphore_mem>>, %arg17: memref<!tpu.dma_semaphore, #tpu.memory_space<semaphore_mem>>) attributes {dimension_semantics = [#tpu.dimension_semantics<core_parallel>, #tpu.dimension_semantics<subcore_parallel>], iteration_bounds = array<i64: 2, 16>, scalar_prefetch = 0 : i64, scratch_operands = 11 : i64, tpu.core_type = #tpu.core_type<sc_vector_subcore>, window_params = [{transform_indices = #map}, {transform_indices = #map1}, {transform_indices = #map1}, {transform_indices = #map}, {transform_indices = #map2}]} {
    %mul3A = arith.constant 16 : i32
    %mul3A_0 = arith.muli %arg0, %mul3A : i32
    %add3A = arith.addi %mul3A_0, %arg1 : i32
    %mul3A_1 = arith.constant 624 : i32
    %mul3A_2 = arith.muli %arg1, %mul3A_1 : i32
    %multiple_of3A = tpu.assume_multiple %mul3A_2, 8 : i32
    %lt3A = arith.constant 15 : i32
    %lt3A_3 = arith.cmpi slt, %arg1, %lt3A : i32
    %convert_element_type3A = arith.extui %lt3A_3 : i1 to i32
    %cond3A = arith.constant 0 : i32
    %cond3A_4 = arith.cmpi ne, %convert_element_type3A, %cond3A : i32
    scf.if %cond3A_4 {
      "tpu.region"() ({
        %run_scoped3A = tpu.sem_alloc : memref<!tpu.dma_semaphore, #tpu.memory_space<semaphore_mem>>
        %dma_start3A_59 = arith.constant 0 : i32
        %dma_start3A_60 = tpu.memref_slice %arg13[%multiple_of3A, %dma_start3A_59] : memref<10128x128xf32, #tpu.memory_space<vmem_shared>> -> memref<624x128xf32, #tpu.memory_space<vmem_shared>>
        %dma_start3A_61 = arith.constant 0 : i32
        %dma_start3A_62 = tpu.memref_slice %arg5[%multiple_of3A, %dma_start3A_61] : memref<10000x128xf32, #tpu.memory_space<hbm>> -> memref<624x128xf32, #tpu.memory_space<hbm>>
        tpu.enqueue_dma source(%dma_start3A_62 : memref<624x128xf32, #tpu.memory_space<hbm>>) target(%dma_start3A_60 : memref<624x128xf32, #tpu.memory_space<vmem_shared>>) target_semaphore(%run_scoped3A : memref<!tpu.dma_semaphore, #tpu.memory_space<semaphore_mem>>)
        %dma_wait3A = arith.constant 0 : i32
        %dma_wait3A_63 = tpu.memref_slice %arg13[%multiple_of3A, %dma_wait3A] : memref<10128x128xf32, #tpu.memory_space<vmem_shared>> -> memref<624x128xf32, #tpu.memory_space<vmem_shared>>
        %dma_wait3A_64 = arith.constant 0 : i32
        %dma_wait3A_65 = tpu.memref_slice %arg5[%multiple_of3A, %dma_wait3A_64] : memref<10000x128xf32, #tpu.memory_space<hbm>> -> memref<624x128xf32, #tpu.memory_space<hbm>>
        tpu.wait_dma2 semaphore(%run_scoped3A : memref<!tpu.dma_semaphore, #tpu.memory_space<semaphore_mem>>) src(%dma_wait3A_65 : memref<624x128xf32, #tpu.memory_space<hbm>>) dst(%dma_wait3A_63 : memref<624x128xf32, #tpu.memory_space<vmem_shared>>)
        tpu.yield
      }) : () -> ()
    } else {
    }
    %eq3A = arith.constant 15 : i32
    %eq3A_5 = arith.cmpi eq, %arg1, %eq3A : i32
    %convert_element_type3A_6 = arith.extui %eq3A_5 : i1 to i32
    %cond3A_7 = arith.constant 0 : i32
    %cond3A_8 = arith.cmpi ne, %convert_element_type3A_6, %cond3A_7 : i32
    scf.if %cond3A_8 {
      "tpu.region"() ({
        %run_scoped3A = tpu.sem_alloc : memref<!tpu.dma_semaphore, #tpu.memory_space<semaphore_mem>>
        %dma_start3A_59 = arith.constant 9360 : i32
        %dma_start3A_60 = arith.constant 0 : i32
        %dma_start3A_61 = tpu.memref_slice %arg13[%dma_start3A_59, %dma_start3A_60] : memref<10128x128xf32, #tpu.memory_space<vmem_shared>> -> memref<640x128xf32, #tpu.memory_space<vmem_shared>>
        %dma_start3A_62 = arith.constant 9360 : i32
        %dma_start3A_63 = arith.constant 0 : i32
        %dma_start3A_64 = tpu.memref_slice %arg5[%dma_start3A_62, %dma_start3A_63] : memref<10000x128xf32, #tpu.memory_space<hbm>> -> memref<640x128xf32, #tpu.memory_space<hbm>>
        tpu.enqueue_dma source(%dma_start3A_64 : memref<640x128xf32, #tpu.memory_space<hbm>>) target(%dma_start3A_61 : memref<640x128xf32, #tpu.memory_space<vmem_shared>>) target_semaphore(%run_scoped3A : memref<!tpu.dma_semaphore, #tpu.memory_space<semaphore_mem>>)
        %dma_wait3A = arith.constant 9360 : i32
        %dma_wait3A_65 = arith.constant 0 : i32
        %dma_wait3A_66 = tpu.memref_slice %arg13[%dma_wait3A, %dma_wait3A_65] : memref<10128x128xf32, #tpu.memory_space<vmem_shared>> -> memref<640x128xf32, #tpu.memory_space<vmem_shared>>
        %dma_wait3A_67 = arith.constant 9360 : i32
        %dma_wait3A_68 = arith.constant 0 : i32
        %dma_wait3A_69 = tpu.memref_slice %arg5[%dma_wait3A_67, %dma_wait3A_68] : memref<10000x128xf32, #tpu.memory_space<hbm>> -> memref<640x128xf32, #tpu.memory_space<hbm>>
        tpu.wait_dma2 semaphore(%run_scoped3A : memref<!tpu.dma_semaphore, #tpu.memory_space<semaphore_mem>>) src(%dma_wait3A_69 : memref<640x128xf32, #tpu.memory_space<hbm>>) dst(%dma_wait3A_66 : memref<640x128xf32, #tpu.memory_space<vmem_shared>>)
        tpu.yield
      }) : () -> ()
    } else {
    }
    %barrier3A = arith.constant 0 : index
    tpu.barrier barrier_id(%barrier3A)
    %mul3A_9 = arith.constant 16 : i32
    %mul3A_10 = arith.muli %arg0, %mul3A_9 : i32
    %add3A_11 = arith.addi %mul3A_10, %arg1 : i32
    %mul3A_12 = arith.constant 128 : i32
    %mul3A_13 = arith.muli %add3A_11, %mul3A_12 : i32
    "tpu.region"() ({
      %run_scoped3A = tpu.sem_alloc : memref<!tpu.dma_semaphore, #tpu.memory_space<semaphore_mem>>
      %dma_start3A_59 = tpu.memref_slice %arg3[%mul3A_13] : memref<327680xi32, #tpu.memory_space<hbm>> -> memref<128xi32, #tpu.memory_space<hbm>>
      %dma_start3A_60 = tpu.memref_slice %arg3[%mul3A_13] : memref<327680xi32, #tpu.memory_space<hbm>> -> memref<128xi32, #tpu.memory_space<hbm>>
      tpu.enqueue_dma source(%dma_start3A_60 : memref<128xi32, #tpu.memory_space<hbm>>) target(%arg7 : memref<128xi32, #tpu.memory_space<vmem>>) target_semaphore(%run_scoped3A : memref<!tpu.dma_semaphore, #tpu.memory_space<semaphore_mem>>)
      %dma_wait3A = tpu.memref_slice %arg3[%mul3A_13] : memref<327680xi32, #tpu.memory_space<hbm>> -> memref<128xi32, #tpu.memory_space<hbm>>
      %dma_wait3A_61 = tpu.memref_slice %arg3[%mul3A_13] : memref<327680xi32, #tpu.memory_space<hbm>> -> memref<128xi32, #tpu.memory_space<hbm>>
      tpu.wait_dma2 semaphore(%run_scoped3A : memref<!tpu.dma_semaphore, #tpu.memory_space<semaphore_mem>>) src(%dma_wait3A_61 : memref<128xi32, #tpu.memory_space<hbm>>) dst(%arg7 : memref<128xi32, #tpu.memory_space<vmem>>)
      tpu.yield
    }) : () -> ()
    %dma_start3A = arith.constant 0 : i32
    %dma_start3A_14 = arith.constant 0 : i32
    %dma_start3A_15 = tpu.memref_slice %arg2[%dma_start3A, %dma_start3A_14] : memref<10000x128xf32, #tpu.memory_space<hbm>> -> memref<10000x128xf32, #tpu.memory_space<hbm>>
    tpu.enqueue_indirect_dma source(%dma_start3A_15 : memref<10000x128xf32, #tpu.memory_space<hbm>>) target(%arg11 : memref<128x128xf32, #tpu.memory_space<vmem>>) offsets(%arg7 : memref<128xi32, #tpu.memory_space<vmem>>) semaphore(%arg14 : memref<!tpu.dma_semaphore, #tpu.memory_space<semaphore_mem>>)
    %mul3A_16 = arith.constant 128 : i32
    %mul3A_17 = arith.muli %add3A_11, %mul3A_16 : i32
    %dma_start3A_18 = tpu.memref_slice %arg4[%mul3A_17] : memref<327680xi32, #tpu.memory_space<hbm>> -> memref<128xi32, #tpu.memory_space<hbm>>
    %dma_start3A_19 = tpu.memref_slice %arg4[%mul3A_17] : memref<327680xi32, #tpu.memory_space<hbm>> -> memref<128xi32, #tpu.memory_space<hbm>>
    tpu.enqueue_dma source(%dma_start3A_19 : memref<128xi32, #tpu.memory_space<hbm>>) target(%arg9 : memref<128xi32, #tpu.memory_space<vmem>>) target_semaphore(%arg16 : memref<!tpu.dma_semaphore, #tpu.memory_space<semaphore_mem>>)
    %add3A_20 = arith.constant 32 : i32
    %add3A_21 = arith.addi %add3A_11, %add3A_20 : i32
    %mul3A_22 = arith.constant 128 : i32
    %mul3A_23 = arith.muli %add3A_21, %mul3A_22 : i32
    "tpu.region"() ({
      %run_scoped3A = tpu.sem_alloc : memref<!tpu.dma_semaphore, #tpu.memory_space<semaphore_mem>>
      %dma_start3A_59 = tpu.memref_slice %arg3[%mul3A_23] : memref<327680xi32, #tpu.memory_space<hbm>> -> memref<128xi32, #tpu.memory_space<hbm>>
      %dma_start3A_60 = tpu.memref_slice %arg3[%mul3A_23] : memref<327680xi32, #tpu.memory_space<hbm>> -> memref<128xi32, #tpu.memory_space<hbm>>
      tpu.enqueue_dma source(%dma_start3A_60 : memref<128xi32, #tpu.memory_space<hbm>>) target(%arg8 : memref<128xi32, #tpu.memory_space<vmem>>) target_semaphore(%run_scoped3A : memref<!tpu.dma_semaphore, #tpu.memory_space<semaphore_mem>>)
      %dma_wait3A = tpu.memref_slice %arg3[%mul3A_23] : memref<327680xi32, #tpu.memory_space<hbm>> -> memref<128xi32, #tpu.memory_space<hbm>>
      %dma_wait3A_61 = tpu.memref_slice %arg3[%mul3A_23] : memref<327680xi32, #tpu.memory_space<hbm>> -> memref<128xi32, #tpu.memory_space<hbm>>
      tpu.wait_dma2 semaphore(%run_scoped3A : memref<!tpu.dma_semaphore, #tpu.memory_space<semaphore_mem>>) src(%dma_wait3A_61 : memref<128xi32, #tpu.memory_space<hbm>>) dst(%arg8 : memref<128xi32, #tpu.memory_space<vmem>>)
      tpu.yield
    }) : () -> ()
    %dma_start3A_24 = arith.constant 0 : i32
    %dma_start3A_25 = arith.constant 0 : i32
    %dma_start3A_26 = tpu.memref_slice %arg2[%dma_start3A_24, %dma_start3A_25] : memref<10000x128xf32, #tpu.memory_space<hbm>> -> memref<10000x128xf32, #tpu.memory_space<hbm>>
    tpu.enqueue_indirect_dma source(%dma_start3A_26 : memref<10000x128xf32, #tpu.memory_space<hbm>>) target(%arg12 : memref<128x128xf32, #tpu.memory_space<vmem>>) offsets(%arg8 : memref<128xi32, #tpu.memory_space<vmem>>) semaphore(%arg15 : memref<!tpu.dma_semaphore, #tpu.memory_space<semaphore_mem>>)
    %add3A_27 = arith.constant 32 : i32
    %add3A_28 = arith.addi %add3A_11, %add3A_27 : i32
    %mul3A_29 = arith.constant 128 : i32
    %mul3A_30 = arith.muli %add3A_28, %mul3A_29 : i32
    %dma_start3A_31 = tpu.memref_slice %arg4[%mul3A_30] : memref<327680xi32, #tpu.memory_space<hbm>> -> memref<128xi32, #tpu.memory_space<hbm>>
    %dma_start3A_32 = tpu.memref_slice %arg4[%mul3A_30] : memref<327680xi32, #tpu.memory_space<hbm>> -> memref<128xi32, #tpu.memory_space<hbm>>
    tpu.enqueue_dma source(%dma_start3A_32 : memref<128xi32, #tpu.memory_space<hbm>>) target(%arg10 : memref<128xi32, #tpu.memory_space<vmem>>) target_semaphore(%arg17 : memref<!tpu.dma_semaphore, #tpu.memory_space<semaphore_mem>>)
    %sub3A = arith.constant 2500 : i32
    %sub3A_33 = arith.subi %sub3A, %add3A_11 : i32
    %sub3A_34 = arith.constant 64 : i32
    %sub3A_35 = arith.constant 1 : i32
    %sub3A_36 = arith.subi %sub3A_34, %sub3A_35 : i32
    %add3A_37 = arith.addi %sub3A_33, %sub3A_36 : i32
    %div3A = arith.constant 64 : i32
    %div3A_38 = arith.divsi %add3A_37, %div3A : i32
    %while3A = arith.constant 64 : i32
    %while3A_39 = arith.constant 0 : i32
    %while3A_40 = arith.subi %div3A_38, %while3A_39 : i32
    %while3A_41 = arith.addi %while3A_39, %while3A_40 : i32
    %while3A_42 = arith.constant 1 : i32
    %while3A_43 = arith.divsi %while3A_40, %while3A_42 : i32
    %while3A_44 = arith.muli %while3A_43, %while3A_42 : i32
    %while3A_45 = arith.addi %while3A_39, %while3A_44 : i32
    %while3A_46 = arith.constant 1 : i32
    scf.for %while3A_59 = %while3A_39 to %while3A_45 step %while3A_46  : i32 {
      %mul3A_60 = arith.muli %while3A_59, %while3A : i32
      %add3A_61 = arith.addi %add3A_11, %mul3A_60 : i32
      %mul3A_62 = arith.constant 128 : i32
      %mul3A_63 = arith.muli %add3A_61, %mul3A_62 : i32
      %dma_wait3A = tpu.memref_slice %arg4[%mul3A_63] : memref<327680xi32, #tpu.memory_space<hbm>> -> memref<128xi32, #tpu.memory_space<hbm>>
      %dma_wait3A_64 = tpu.memref_slice %arg4[%mul3A_63] : memref<327680xi32, #tpu.memory_space<hbm>> -> memref<128xi32, #tpu.memory_space<hbm>>
      tpu.wait_dma2 semaphore(%arg16 : memref<!tpu.dma_semaphore, #tpu.memory_space<semaphore_mem>>) src(%dma_wait3A_64 : memref<128xi32, #tpu.memory_space<hbm>>) dst(%arg9 : memref<128xi32, #tpu.memory_space<vmem>>)
      %dma_wait3A_65 = arith.constant 0 : i32
      %dma_wait3A_66 = arith.constant 0 : i32
      %dma_wait3A_67 = tpu.memref_slice %arg2[%dma_wait3A_65, %dma_wait3A_66] : memref<10000x128xf32, #tpu.memory_space<hbm>> -> memref<10000x128xf32, #tpu.memory_space<hbm>>
      tpu.wait_indirect_dma semaphore(%arg14 : memref<!tpu.dma_semaphore, #tpu.memory_space<semaphore_mem>>) src(%dma_wait3A_67 : memref<10000x128xf32, #tpu.memory_space<hbm>>) dst(%arg11 : memref<128x128xf32, #tpu.memory_space<vmem>>)
      "tpu.region"() ({
        %run_scoped3A = tpu.sem_alloc : memref<!tpu.dma_semaphore, #tpu.memory_space<semaphore_mem>>
        %dma_start3A_89 = arith.constant 0 : i32
        %dma_start3A_90 = arith.constant 0 : i32
        %dma_start3A_91 = tpu.memref_slice %arg13[%dma_start3A_89, %dma_start3A_90] : memref<10128x128xf32, #tpu.memory_space<vmem_shared>> -> memref<10128x128xf32, #tpu.memory_space<vmem_shared>>
        tpu.enqueue_indirect_dma source(%arg11 : memref<128x128xf32, #tpu.memory_space<vmem>>) target(%dma_start3A_91 : memref<10128x128xf32, #tpu.memory_space<vmem_shared>>) offsets(%arg9 : memref<128xi32, #tpu.memory_space<vmem>>) semaphore(%run_scoped3A : memref<!tpu.dma_semaphore, #tpu.memory_space<semaphore_mem>>) {add = true}
        %dma_wait3A_92 = arith.constant 0 : i32
        %dma_wait3A_93 = arith.constant 0 : i32
        %dma_wait3A_94 = tpu.memref_slice %arg13[%dma_wait3A_92, %dma_wait3A_93] : memref<10128x128xf32, #tpu.memory_space<vmem_shared>> -> memref<10128x128xf32, #tpu.memory_space<vmem_shared>>
        tpu.wait_indirect_dma semaphore(%run_scoped3A : memref<!tpu.dma_semaphore, #tpu.memory_space<semaphore_mem>>) src(%arg11 : memref<128x128xf32, #tpu.memory_space<vmem>>) dst(%dma_wait3A_94 : memref<10128x128xf32, #tpu.memory_space<vmem_shared>>)
        tpu.yield
      }) : () -> ()
      %add3A_68 = arith.constant 64 : i32
      %add3A_69 = arith.addi %add3A_61, %add3A_68 : i32
      %lt3A_70 = arith.constant 2500 : i32
      %lt3A_71 = arith.cmpi slt, %add3A_69, %lt3A_70 : i32
      %convert_element_type3A_72 = arith.extui %lt3A_71 : i1 to i32
      %cond3A_73 = arith.constant 0 : i32
      %cond3A_74 = arith.cmpi ne, %convert_element_type3A_72, %cond3A_73 : i32
      scf.if %cond3A_74 {
        %add3A_89 = arith.constant 64 : i32
        %add3A_90 = arith.addi %add3A_61, %add3A_89 : i32
        %mul3A_91 = arith.constant 128 : i32
        %mul3A_92 = arith.muli %add3A_90, %mul3A_91 : i32
        "tpu.region"() ({
          %run_scoped3A = tpu.sem_alloc : memref<!tpu.dma_semaphore, #tpu.memory_space<semaphore_mem>>
          %dma_start3A_102 = tpu.memref_slice %arg3[%mul3A_92] : memref<327680xi32, #tpu.memory_space<hbm>> -> memref<128xi32, #tpu.memory_space<hbm>>
          %dma_start3A_103 = tpu.memref_slice %arg3[%mul3A_92] : memref<327680xi32, #tpu.memory_space<hbm>> -> memref<128xi32, #tpu.memory_space<hbm>>
          tpu.enqueue_dma source(%dma_start3A_103 : memref<128xi32, #tpu.memory_space<hbm>>) target(%arg7 : memref<128xi32, #tpu.memory_space<vmem>>) target_semaphore(%run_scoped3A : memref<!tpu.dma_semaphore, #tpu.memory_space<semaphore_mem>>)
          %dma_wait3A_104 = tpu.memref_slice %arg3[%mul3A_92] : memref<327680xi32, #tpu.memory_space<hbm>> -> memref<128xi32, #tpu.memory_space<hbm>>
          %dma_wait3A_105 = tpu.memref_slice %arg3[%mul3A_92] : memref<327680xi32, #tpu.memory_space<hbm>> -> memref<128xi32, #tpu.memory_space<hbm>>
          tpu.wait_dma2 semaphore(%run_scoped3A : memref<!tpu.dma_semaphore, #tpu.memory_space<semaphore_mem>>) src(%dma_wait3A_105 : memref<128xi32, #tpu.memory_space<hbm>>) dst(%arg7 : memref<128xi32, #tpu.memory_space<vmem>>)
          tpu.yield
        }) : () -> ()
        %dma_start3A_93 = arith.constant 0 : i32
        %dma_start3A_94 = arith.constant 0 : i32
        %dma_start3A_95 = tpu.memref_slice %arg2[%dma_start3A_93, %dma_start3A_94] : memref<10000x128xf32, #tpu.memory_space<hbm>> -> memref<10000x128xf32, #tpu.memory_space<hbm>>
        tpu.enqueue_indirect_dma source(%dma_start3A_95 : memref<10000x128xf32, #tpu.memory_space<hbm>>) target(%arg11 : memref<128x128xf32, #tpu.memory_space<vmem>>) offsets(%arg7 : memref<128xi32, #tpu.memory_space<vmem>>) semaphore(%arg14 : memref<!tpu.dma_semaphore, #tpu.memory_space<semaphore_mem>>)
        %add3A_96 = arith.constant 64 : i32
        %add3A_97 = arith.addi %add3A_61, %add3A_96 : i32
        %mul3A_98 = arith.constant 128 : i32
        %mul3A_99 = arith.muli %add3A_97, %mul3A_98 : i32
        %dma_start3A_100 = tpu.memref_slice %arg4[%mul3A_99] : memref<327680xi32, #tpu.memory_space<hbm>> -> memref<128xi32, #tpu.memory_space<hbm>>
        %dma_start3A_101 = tpu.memref_slice %arg4[%mul3A_99] : memref<327680xi32, #tpu.memory_space<hbm>> -> memref<128xi32, #tpu.memory_space<hbm>>
        tpu.enqueue_dma source(%dma_start3A_101 : memref<128xi32, #tpu.memory_space<hbm>>) target(%arg9 : memref<128xi32, #tpu.memory_space<vmem>>) target_semaphore(%arg16 : memref<!tpu.dma_semaphore, #tpu.memory_space<semaphore_mem>>)
      } else {
      }
      %add3A_75 = arith.constant 32 : i32
      %add3A_76 = arith.addi %add3A_61, %add3A_75 : i32
      %lt3A_77 = arith.constant 2500 : i32
      %lt3A_78 = arith.cmpi slt, %add3A_76, %lt3A_77 : i32
      %convert_element_type3A_79 = arith.extui %lt3A_78 : i1 to i32
      %cond3A_80 = arith.constant 0 : i32
      %cond3A_81 = arith.cmpi ne, %convert_element_type3A_79, %cond3A_80 : i32
      scf.if %cond3A_81 {
        %add3A_89 = arith.constant 32 : i32
        %add3A_90 = arith.addi %add3A_61, %add3A_89 : i32
        %mul3A_91 = arith.constant 128 : i32
        %mul3A_92 = arith.muli %add3A_90, %mul3A_91 : i32
        %dma_wait3A_93 = tpu.memref_slice %arg4[%mul3A_92] : memref<327680xi32, #tpu.memory_space<hbm>> -> memref<128xi32, #tpu.memory_space<hbm>>
        %dma_wait3A_94 = tpu.memref_slice %arg4[%mul3A_92] : memref<327680xi32, #tpu.memory_space<hbm>> -> memref<128xi32, #tpu.memory_space<hbm>>
        tpu.wait_dma2 semaphore(%arg17 : memref<!tpu.dma_semaphore, #tpu.memory_space<semaphore_mem>>) src(%dma_wait3A_94 : memref<128xi32, #tpu.memory_space<hbm>>) dst(%arg10 : memref<128xi32, #tpu.memory_space<vmem>>)
        %dma_wait3A_95 = arith.constant 0 : i32
        %dma_wait3A_96 = arith.constant 0 : i32
        %dma_wait3A_97 = tpu.memref_slice %arg2[%dma_wait3A_95, %dma_wait3A_96] : memref<10000x128xf32, #tpu.memory_space<hbm>> -> memref<10000x128xf32, #tpu.memory_space<hbm>>
        tpu.wait_indirect_dma semaphore(%arg15 : memref<!tpu.dma_semaphore, #tpu.memory_space<semaphore_mem>>) src(%dma_wait3A_97 : memref<10000x128xf32, #tpu.memory_space<hbm>>) dst(%arg12 : memref<128x128xf32, #tpu.memory_space<vmem>>)
        "tpu.region"() ({
          %run_scoped3A = tpu.sem_alloc : memref<!tpu.dma_semaphore, #tpu.memory_space<semaphore_mem>>
          %dma_start3A_98 = arith.constant 0 : i32
          %dma_start3A_99 = arith.constant 0 : i32
          %dma_start3A_100 = tpu.memref_slice %arg13[%dma_start3A_98, %dma_start3A_99] : memref<10128x128xf32, #tpu.memory_space<vmem_shared>> -> memref<10128x128xf32, #tpu.memory_space<vmem_shared>>
          tpu.enqueue_indirect_dma source(%arg12 : memref<128x128xf32, #tpu.memory_space<vmem>>) target(%dma_start3A_100 : memref<10128x128xf32, #tpu.memory_space<vmem_shared>>) offsets(%arg10 : memref<128xi32, #tpu.memory_space<vmem>>) semaphore(%run_scoped3A : memref<!tpu.dma_semaphore, #tpu.memory_space<semaphore_mem>>) {add = true}
          %dma_wait3A_101 = arith.constant 0 : i32
          %dma_wait3A_102 = arith.constant 0 : i32
          %dma_wait3A_103 = tpu.memref_slice %arg13[%dma_wait3A_101, %dma_wait3A_102] : memref<10128x128xf32, #tpu.memory_space<vmem_shared>> -> memref<10128x128xf32, #tpu.memory_space<vmem_shared>>
          tpu.wait_indirect_dma semaphore(%run_scoped3A : memref<!tpu.dma_semaphore, #tpu.memory_space<semaphore_mem>>) src(%arg12 : memref<128x128xf32, #tpu.memory_space<vmem>>) dst(%dma_wait3A_103 : memref<10128x128xf32, #tpu.memory_space<vmem_shared>>)
          tpu.yield
        }) : () -> ()
      } else {
      }
      %add3A_82 = arith.constant 96 : i32
      %add3A_83 = arith.addi %add3A_61, %add3A_82 : i32
      %lt3A_84 = arith.constant 2500 : i32
      %lt3A_85 = arith.cmpi slt, %add3A_83, %lt3A_84 : i32
      %convert_element_type3A_86 = arith.extui %lt3A_85 : i1 to i32
      %cond3A_87 = arith.constant 0 : i32
      %cond3A_88 = arith.cmpi ne, %convert_element_type3A_86, %cond3A_87 : i32
      scf.if %cond3A_88 {
        %add3A_89 = arith.constant 96 : i32
        %add3A_90 = arith.addi %add3A_61, %add3A_89 : i32
        %mul3A_91 = arith.constant 128 : i32
        %mul3A_92 = arith.muli %add3A_90, %mul3A_91 : i32
        "tpu.region"() ({
          %run_scoped3A = tpu.sem_alloc : memref<!tpu.dma_semaphore, #tpu.memory_space<semaphore_mem>>
          %dma_start3A_102 = tpu.memref_slice %arg3[%mul3A_92] : memref<327680xi32, #tpu.memory_space<hbm>> -> memref<128xi32, #tpu.memory_space<hbm>>
          %dma_start3A_103 = tpu.memref_slice %arg3[%mul3A_92] : memref<327680xi32, #tpu.memory_space<hbm>> -> memref<128xi32, #tpu.memory_space<hbm>>
          tpu.enqueue_dma source(%dma_start3A_103 : memref<128xi32, #tpu.memory_space<hbm>>) target(%arg8 : memref<128xi32, #tpu.memory_space<vmem>>) target_semaphore(%run_scoped3A : memref<!tpu.dma_semaphore, #tpu.memory_space<semaphore_mem>>)
          %dma_wait3A_104 = tpu.memref_slice %arg3[%mul3A_92] : memref<327680xi32, #tpu.memory_space<hbm>> -> memref<128xi32, #tpu.memory_space<hbm>>
          %dma_wait3A_105 = tpu.memref_slice %arg3[%mul3A_92] : memref<327680xi32, #tpu.memory_space<hbm>> -> memref<128xi32, #tpu.memory_space<hbm>>
          tpu.wait_dma2 semaphore(%run_scoped3A : memref<!tpu.dma_semaphore, #tpu.memory_space<semaphore_mem>>) src(%dma_wait3A_105 : memref<128xi32, #tpu.memory_space<hbm>>) dst(%arg8 : memref<128xi32, #tpu.memory_space<vmem>>)
          tpu.yield
        }) : () -> ()
        %dma_start3A_93 = arith.constant 0 : i32
        %dma_start3A_94 = arith.constant 0 : i32
        %dma_start3A_95 = tpu.memref_slice %arg2[%dma_start3A_93, %dma_start3A_94] : memref<10000x128xf32, #tpu.memory_space<hbm>> -> memref<10000x128xf32, #tpu.memory_space<hbm>>
        tpu.enqueue_indirect_dma source(%dma_start3A_95 : memref<10000x128xf32, #tpu.memory_space<hbm>>) target(%arg12 : memref<128x128xf32, #tpu.memory_space<vmem>>) offsets(%arg8 : memref<128xi32, #tpu.memory_space<vmem>>) semaphore(%arg15 : memref<!tpu.dma_semaphore, #tpu.memory_space<semaphore_mem>>)
        %add3A_96 = arith.constant 96 : i32
        %add3A_97 = arith.addi %add3A_61, %add3A_96 : i32
        %mul3A_98 = arith.constant 128 : i32
        %mul3A_99 = arith.muli %add3A_97, %mul3A_98 : i32
        %dma_start3A_100 = tpu.memref_slice %arg4[%mul3A_99] : memref<327680xi32, #tpu.memory_space<hbm>> -> memref<128xi32, #tpu.memory_space<hbm>>
        %dma_start3A_101 = tpu.memref_slice %arg4[%mul3A_99] : memref<327680xi32, #tpu.memory_space<hbm>> -> memref<128xi32, #tpu.memory_space<hbm>>
        tpu.enqueue_dma source(%dma_start3A_101 : memref<128xi32, #tpu.memory_space<hbm>>) target(%arg10 : memref<128xi32, #tpu.memory_space<vmem>>) target_semaphore(%arg17 : memref<!tpu.dma_semaphore, #tpu.memory_space<semaphore_mem>>)
      } else {
      }
    }
    %while3A_47 = arith.constant 1 : i32
    scf.for %while3A_59 = %while3A_45 to %while3A_41 step %while3A_47  : i32 {
      %mul3A_60 = arith.muli %while3A_59, %while3A : i32
      %add3A_61 = arith.addi %add3A_11, %mul3A_60 : i32
      %mul3A_62 = arith.constant 128 : i32
      %mul3A_63 = arith.muli %add3A_61, %mul3A_62 : i32
      %dma_wait3A = tpu.memref_slice %arg4[%mul3A_63] : memref<327680xi32, #tpu.memory_space<hbm>> -> memref<128xi32, #tpu.memory_space<hbm>>
      %dma_wait3A_64 = tpu.memref_slice %arg4[%mul3A_63] : memref<327680xi32, #tpu.memory_space<hbm>> -> memref<128xi32, #tpu.memory_space<hbm>>
      tpu.wait_dma2 semaphore(%arg16 : memref<!tpu.dma_semaphore, #tpu.memory_space<semaphore_mem>>) src(%dma_wait3A_64 : memref<128xi32, #tpu.memory_space<hbm>>) dst(%arg9 : memref<128xi32, #tpu.memory_space<vmem>>)
      %dma_wait3A_65 = arith.constant 0 : i32
      %dma_wait3A_66 = arith.constant 0 : i32
      %dma_wait3A_67 = tpu.memref_slice %arg2[%dma_wait3A_65, %dma_wait3A_66] : memref<10000x128xf32, #tpu.memory_space<hbm>> -> memref<10000x128xf32, #tpu.memory_space<hbm>>
      tpu.wait_indirect_dma semaphore(%arg14 : memref<!tpu.dma_semaphore, #tpu.memory_space<semaphore_mem>>) src(%dma_wait3A_67 : memref<10000x128xf32, #tpu.memory_space<hbm>>) dst(%arg11 : memref<128x128xf32, #tpu.memory_space<vmem>>)
      "tpu.region"() ({
        %run_scoped3A = tpu.sem_alloc : memref<!tpu.dma_semaphore, #tpu.memory_space<semaphore_mem>>
        %dma_start3A_89 = arith.constant 0 : i32
        %dma_start3A_90 = arith.constant 0 : i32
        %dma_start3A_91 = tpu.memref_slice %arg13[%dma_start3A_89, %dma_start3A_90] : memref<10128x128xf32, #tpu.memory_space<vmem_shared>> -> memref<10128x128xf32, #tpu.memory_space<vmem_shared>>
        tpu.enqueue_indirect_dma source(%arg11 : memref<128x128xf32, #tpu.memory_space<vmem>>) target(%dma_start3A_91 : memref<10128x128xf32, #tpu.memory_space<vmem_shared>>) offsets(%arg9 : memref<128xi32, #tpu.memory_space<vmem>>) semaphore(%run_scoped3A : memref<!tpu.dma_semaphore, #tpu.memory_space<semaphore_mem>>) {add = true}
        %dma_wait3A_92 = arith.constant 0 : i32
        %dma_wait3A_93 = arith.constant 0 : i32
        %dma_wait3A_94 = tpu.memref_slice %arg13[%dma_wait3A_92, %dma_wait3A_93] : memref<10128x128xf32, #tpu.memory_space<vmem_shared>> -> memref<10128x128xf32, #tpu.memory_space<vmem_shared>>
        tpu.wait_indirect_dma semaphore(%run_scoped3A : memref<!tpu.dma_semaphore, #tpu.memory_space<semaphore_mem>>) src(%arg11 : memref<128x128xf32, #tpu.memory_space<vmem>>) dst(%dma_wait3A_94 : memref<10128x128xf32, #tpu.memory_space<vmem_shared>>)
        tpu.yield
      }) : () -> ()
      %add3A_68 = arith.constant 64 : i32
      %add3A_69 = arith.addi %add3A_61, %add3A_68 : i32
      %lt3A_70 = arith.constant 2500 : i32
      %lt3A_71 = arith.cmpi slt, %add3A_69, %lt3A_70 : i32
      %convert_element_type3A_72 = arith.extui %lt3A_71 : i1 to i32
      %cond3A_73 = arith.constant 0 : i32
      %cond3A_74 = arith.cmpi ne, %convert_element_type3A_72, %cond3A_73 : i32
      scf.if %cond3A_74 {
        %add3A_89 = arith.constant 64 : i32
        %add3A_90 = arith.addi %add3A_61, %add3A_89 : i32
        %mul3A_91 = arith.constant 128 : i32
        %mul3A_92 = arith.muli %add3A_90, %mul3A_91 : i32
        "tpu.region"() ({
          %run_scoped3A = tpu.sem_alloc : memref<!tpu.dma_semaphore, #tpu.memory_space<semaphore_mem>>
          %dma_start3A_102 = tpu.memref_slice %arg3[%mul3A_92] : memref<327680xi32, #tpu.memory_space<hbm>> -> memref<128xi32, #tpu.memory_space<hbm>>
          %dma_start3A_103 = tpu.memref_slice %arg3[%mul3A_92] : memref<327680xi32, #tpu.memory_space<hbm>> -> memref<128xi32, #tpu.memory_space<hbm>>
          tpu.enqueue_dma source(%dma_start3A_103 : memref<128xi32, #tpu.memory_space<hbm>>) target(%arg7 : memref<128xi32, #tpu.memory_space<vmem>>) target_semaphore(%run_scoped3A : memref<!tpu.dma_semaphore, #tpu.memory_space<semaphore_mem>>)
          %dma_wait3A_104 = tpu.memref_slice %arg3[%mul3A_92] : memref<327680xi32, #tpu.memory_space<hbm>> -> memref<128xi32, #tpu.memory_space<hbm>>
          %dma_wait3A_105 = tpu.memref_slice %arg3[%mul3A_92] : memref<327680xi32, #tpu.memory_space<hbm>> -> memref<128xi32, #tpu.memory_space<hbm>>
          tpu.wait_dma2 semaphore(%run_scoped3A : memref<!tpu.dma_semaphore, #tpu.memory_space<semaphore_mem>>) src(%dma_wait3A_105 : memref<128xi32, #tpu.memory_space<hbm>>) dst(%arg7 : memref<128xi32, #tpu.memory_space<vmem>>)
          tpu.yield
        }) : () -> ()
        %dma_start3A_93 = arith.constant 0 : i32
        %dma_start3A_94 = arith.constant 0 : i32
        %dma_start3A_95 = tpu.memref_slice %arg2[%dma_start3A_93, %dma_start3A_94] : memref<10000x128xf32, #tpu.memory_space<hbm>> -> memref<10000x128xf32, #tpu.memory_space<hbm>>
        tpu.enqueue_indirect_dma source(%dma_start3A_95 : memref<10000x128xf32, #tpu.memory_space<hbm>>) target(%arg11 : memref<128x128xf32, #tpu.memory_space<vmem>>) offsets(%arg7 : memref<128xi32, #tpu.memory_space<vmem>>) semaphore(%arg14 : memref<!tpu.dma_semaphore, #tpu.memory_space<semaphore_mem>>)
        %add3A_96 = arith.constant 64 : i32
        %add3A_97 = arith.addi %add3A_61, %add3A_96 : i32
        %mul3A_98 = arith.constant 128 : i32
        %mul3A_99 = arith.muli %add3A_97, %mul3A_98 : i32
        %dma_start3A_100 = tpu.memref_slice %arg4[%mul3A_99] : memref<327680xi32, #tpu.memory_space<hbm>> -> memref<128xi32, #tpu.memory_space<hbm>>
        %dma_start3A_101 = tpu.memref_slice %arg4[%mul3A_99] : memref<327680xi32, #tpu.memory_space<hbm>> -> memref<128xi32, #tpu.memory_space<hbm>>
        tpu.enqueue_dma source(%dma_start3A_101 : memref<128xi32, #tpu.memory_space<hbm>>) target(%arg9 : memref<128xi32, #tpu.memory_space<vmem>>) target_semaphore(%arg16 : memref<!tpu.dma_semaphore, #tpu.memory_space<semaphore_mem>>)
      } else {
      }
      %add3A_75 = arith.constant 32 : i32
      %add3A_76 = arith.addi %add3A_61, %add3A_75 : i32
      %lt3A_77 = arith.constant 2500 : i32
      %lt3A_78 = arith.cmpi slt, %add3A_76, %lt3A_77 : i32
      %convert_element_type3A_79 = arith.extui %lt3A_78 : i1 to i32
      %cond3A_80 = arith.constant 0 : i32
      %cond3A_81 = arith.cmpi ne, %convert_element_type3A_79, %cond3A_80 : i32
      scf.if %cond3A_81 {
        %add3A_89 = arith.constant 32 : i32
        %add3A_90 = arith.addi %add3A_61, %add3A_89 : i32
        %mul3A_91 = arith.constant 128 : i32
        %mul3A_92 = arith.muli %add3A_90, %mul3A_91 : i32
        %dma_wait3A_93 = tpu.memref_slice %arg4[%mul3A_92] : memref<327680xi32, #tpu.memory_space<hbm>> -> memref<128xi32, #tpu.memory_space<hbm>>
        %dma_wait3A_94 = tpu.memref_slice %arg4[%mul3A_92] : memref<327680xi32, #tpu.memory_space<hbm>> -> memref<128xi32, #tpu.memory_space<hbm>>
        tpu.wait_dma2 semaphore(%arg17 : memref<!tpu.dma_semaphore, #tpu.memory_space<semaphore_mem>>) src(%dma_wait3A_94 : memref<128xi32, #tpu.memory_space<hbm>>) dst(%arg10 : memref<128xi32, #tpu.memory_space<vmem>>)
        %dma_wait3A_95 = arith.constant 0 : i32
        %dma_wait3A_96 = arith.constant 0 : i32
        %dma_wait3A_97 = tpu.memref_slice %arg2[%dma_wait3A_95, %dma_wait3A_96] : memref<10000x128xf32, #tpu.memory_space<hbm>> -> memref<10000x128xf32, #tpu.memory_space<hbm>>
        tpu.wait_indirect_dma semaphore(%arg15 : memref<!tpu.dma_semaphore, #tpu.memory_space<semaphore_mem>>) src(%dma_wait3A_97 : memref<10000x128xf32, #tpu.memory_space<hbm>>) dst(%arg12 : memref<128x128xf32, #tpu.memory_space<vmem>>)
        "tpu.region"() ({
          %run_scoped3A = tpu.sem_alloc : memref<!tpu.dma_semaphore, #tpu.memory_space<semaphore_mem>>
          %dma_start3A_98 = arith.constant 0 : i32
          %dma_start3A_99 = arith.constant 0 : i32
          %dma_start3A_100 = tpu.memref_slice %arg13[%dma_start3A_98, %dma_start3A_99] : memref<10128x128xf32, #tpu.memory_space<vmem_shared>> -> memref<10128x128xf32, #tpu.memory_space<vmem_shared>>
          tpu.enqueue_indirect_dma source(%arg12 : memref<128x128xf32, #tpu.memory_space<vmem>>) target(%dma_start3A_100 : memref<10128x128xf32, #tpu.memory_space<vmem_shared>>) offsets(%arg10 : memref<128xi32, #tpu.memory_space<vmem>>) semaphore(%run_scoped3A : memref<!tpu.dma_semaphore, #tpu.memory_space<semaphore_mem>>) {add = true}
          %dma_wait3A_101 = arith.constant 0 : i32
          %dma_wait3A_102 = arith.constant 0 : i32
          %dma_wait3A_103 = tpu.memref_slice %arg13[%dma_wait3A_101, %dma_wait3A_102] : memref<10128x128xf32, #tpu.memory_space<vmem_shared>> -> memref<10128x128xf32, #tpu.memory_space<vmem_shared>>
          tpu.wait_indirect_dma semaphore(%run_scoped3A : memref<!tpu.dma_semaphore, #tpu.memory_space<semaphore_mem>>) src(%arg12 : memref<128x128xf32, #tpu.memory_space<vmem>>) dst(%dma_wait3A_103 : memref<10128x128xf32, #tpu.memory_space<vmem_shared>>)
          tpu.yield
        }) : () -> ()
      } else {
      }
      %add3A_82 = arith.constant 96 : i32
      %add3A_83 = arith.addi %add3A_61, %add3A_82 : i32
      %lt3A_84 = arith.constant 2500 : i32
      %lt3A_85 = arith.cmpi slt, %add3A_83, %lt3A_84 : i32
      %convert_element_type3A_86 = arith.extui %lt3A_85 : i1 to i32
      %cond3A_87 = arith.constant 0 : i32
      %cond3A_88 = arith.cmpi ne, %convert_element_type3A_86, %cond3A_87 : i32
      scf.if %cond3A_88 {
        %add3A_89 = arith.constant 96 : i32
        %add3A_90 = arith.addi %add3A_61, %add3A_89 : i32
        %mul3A_91 = arith.constant 128 : i32
        %mul3A_92 = arith.muli %add3A_90, %mul3A_91 : i32
        "tpu.region"() ({
          %run_scoped3A = tpu.sem_alloc : memref<!tpu.dma_semaphore, #tpu.memory_space<semaphore_mem>>
          %dma_start3A_102 = tpu.memref_slice %arg3[%mul3A_92] : memref<327680xi32, #tpu.memory_space<hbm>> -> memref<128xi32, #tpu.memory_space<hbm>>
          %dma_start3A_103 = tpu.memref_slice %arg3[%mul3A_92] : memref<327680xi32, #tpu.memory_space<hbm>> -> memref<128xi32, #tpu.memory_space<hbm>>
          tpu.enqueue_dma source(%dma_start3A_103 : memref<128xi32, #tpu.memory_space<hbm>>) target(%arg8 : memref<128xi32, #tpu.memory_space<vmem>>) target_semaphore(%run_scoped3A : memref<!tpu.dma_semaphore, #tpu.memory_space<semaphore_mem>>)
          %dma_wait3A_104 = tpu.memref_slice %arg3[%mul3A_92] : memref<327680xi32, #tpu.memory_space<hbm>> -> memref<128xi32, #tpu.memory_space<hbm>>
          %dma_wait3A_105 = tpu.memref_slice %arg3[%mul3A_92] : memref<327680xi32, #tpu.memory_space<hbm>> -> memref<128xi32, #tpu.memory_space<hbm>>
          tpu.wait_dma2 semaphore(%run_scoped3A : memref<!tpu.dma_semaphore, #tpu.memory_space<semaphore_mem>>) src(%dma_wait3A_105 : memref<128xi32, #tpu.memory_space<hbm>>) dst(%arg8 : memref<128xi32, #tpu.memory_space<vmem>>)
          tpu.yield
        }) : () -> ()
        %dma_start3A_93 = arith.constant 0 : i32
        %dma_start3A_94 = arith.constant 0 : i32
        %dma_start3A_95 = tpu.memref_slice %arg2[%dma_start3A_93, %dma_start3A_94] : memref<10000x128xf32, #tpu.memory_space<hbm>> -> memref<10000x128xf32, #tpu.memory_space<hbm>>
        tpu.enqueue_indirect_dma source(%dma_start3A_95 : memref<10000x128xf32, #tpu.memory_space<hbm>>) target(%arg12 : memref<128x128xf32, #tpu.memory_space<vmem>>) offsets(%arg8 : memref<128xi32, #tpu.memory_space<vmem>>) semaphore(%arg15 : memref<!tpu.dma_semaphore, #tpu.memory_space<semaphore_mem>>)
        %add3A_96 = arith.constant 96 : i32
        %add3A_97 = arith.addi %add3A_61, %add3A_96 : i32
        %mul3A_98 = arith.constant 128 : i32
        %mul3A_99 = arith.muli %add3A_97, %mul3A_98 : i32
        %dma_start3A_100 = tpu.memref_slice %arg4[%mul3A_99] : memref<327680xi32, #tpu.memory_space<hbm>> -> memref<128xi32, #tpu.memory_space<hbm>>
        %dma_start3A_101 = tpu.memref_slice %arg4[%mul3A_99] : memref<327680xi32, #tpu.memory_space<hbm>> -> memref<128xi32, #tpu.memory_space<hbm>>
        tpu.enqueue_dma source(%dma_start3A_101 : memref<128xi32, #tpu.memory_space<hbm>>) target(%arg10 : memref<128xi32, #tpu.memory_space<vmem>>) target_semaphore(%arg17 : memref<!tpu.dma_semaphore, #tpu.memory_space<semaphore_mem>>)
      } else {
      }
    }
    %barrier3A_48 = arith.constant 0 : index
    tpu.barrier barrier_id(%barrier3A_48)
    %lt3A_49 = arith.constant 15 : i32
    %lt3A_50 = arith.cmpi slt, %arg1, %lt3A_49 : i32
    %convert_element_type3A_51 = arith.extui %lt3A_50 : i1 to i32
    %cond3A_52 = arith.constant 0 : i32
    %cond3A_53 = arith.cmpi ne, %convert_element_type3A_51, %cond3A_52 : i32
    scf.if %cond3A_53 {
      "tpu.region"() ({
        %run_scoped3A = tpu.sem_alloc : memref<!tpu.dma_semaphore, #tpu.memory_space<semaphore_mem>>
        %dma_start3A_59 = arith.constant 0 : i32
        %dma_start3A_60 = tpu.memref_slice %arg6[%arg0, %multiple_of3A, %dma_start3A_59] : memref<2x10000x128xf32, #tpu.memory_space<hbm>> -> memref<1x624x128xf32, #tpu.memory_space<hbm>>
        %dma_start3A_61 = tpu.memref_squeeze %dma_start3A_60 : memref<1x624x128xf32, #tpu.memory_space<hbm>> -> memref<624x128xf32, #tpu.memory_space<hbm>>
        %dma_start3A_62 = arith.constant 0 : i32
        %dma_start3A_63 = tpu.memref_slice %arg13[%multiple_of3A, %dma_start3A_62] : memref<10128x128xf32, #tpu.memory_space<vmem_shared>> -> memref<624x128xf32, #tpu.memory_space<vmem_shared>>
        tpu.enqueue_dma source(%dma_start3A_63 : memref<624x128xf32, #tpu.memory_space<vmem_shared>>) target(%dma_start3A_61 : memref<624x128xf32, #tpu.memory_space<hbm>>) target_semaphore(%run_scoped3A : memref<!tpu.dma_semaphore, #tpu.memory_space<semaphore_mem>>)
        %dma_wait3A = arith.constant 0 : i32
        %dma_wait3A_64 = tpu.memref_slice %arg6[%arg0, %multiple_of3A, %dma_wait3A] : memref<2x10000x128xf32, #tpu.memory_space<hbm>> -> memref<1x624x128xf32, #tpu.memory_space<hbm>>
        %dma_wait3A_65 = tpu.memref_squeeze %dma_wait3A_64 : memref<1x624x128xf32, #tpu.memory_space<hbm>> -> memref<624x128xf32, #tpu.memory_space<hbm>>
        %dma_wait3A_66 = arith.constant 0 : i32
        %dma_wait3A_67 = tpu.memref_slice %arg13[%multiple_of3A, %dma_wait3A_66] : memref<10128x128xf32, #tpu.memory_space<vmem_shared>> -> memref<624x128xf32, #tpu.memory_space<vmem_shared>>
        tpu.wait_dma2 semaphore(%run_scoped3A : memref<!tpu.dma_semaphore, #tpu.memory_space<semaphore_mem>>) src(%dma_wait3A_67 : memref<624x128xf32, #tpu.memory_space<vmem_shared>>) dst(%dma_wait3A_65 : memref<624x128xf32, #tpu.memory_space<hbm>>)
        tpu.yield
      }) : () -> ()
    } else {
    }
    %eq3A_54 = arith.constant 15 : i32
    %eq3A_55 = arith.cmpi eq, %arg1, %eq3A_54 : i32
    %convert_element_type3A_56 = arith.extui %eq3A_55 : i1 to i32
    %cond3A_57 = arith.constant 0 : i32
    %cond3A_58 = arith.cmpi ne, %convert_element_type3A_56, %cond3A_57 : i32
    scf.if %cond3A_58 {
      "tpu.region"() ({
        %run_scoped3A = tpu.sem_alloc : memref<!tpu.dma_semaphore, #tpu.memory_space<semaphore_mem>>
        %dma_start3A_59 = arith.constant 9360 : i32
        %dma_start3A_60 = arith.constant 0 : i32
        %dma_start3A_61 = tpu.memref_slice %arg6[%arg0, %dma_start3A_59, %dma_start3A_60] : memref<2x10000x128xf32, #tpu.memory_space<hbm>> -> memref<1x640x128xf32, #tpu.memory_space<hbm>>
        %dma_start3A_62 = tpu.memref_squeeze %dma_start3A_61 : memref<1x640x128xf32, #tpu.memory_space<hbm>> -> memref<640x128xf32, #tpu.memory_space<hbm>>
        %dma_start3A_63 = arith.constant 9360 : i32
        %dma_start3A_64 = arith.constant 0 : i32
        %dma_start3A_65 = tpu.memref_slice %arg13[%dma_start3A_63, %dma_start3A_64] : memref<10128x128xf32, #tpu.memory_space<vmem_shared>> -> memref<640x128xf32, #tpu.memory_space<vmem_shared>>
        tpu.enqueue_dma source(%dma_start3A_65 : memref<640x128xf32, #tpu.memory_space<vmem_shared>>) target(%dma_start3A_62 : memref<640x128xf32, #tpu.memory_space<hbm>>) target_semaphore(%run_scoped3A : memref<!tpu.dma_semaphore, #tpu.memory_space<semaphore_mem>>)
        %dma_wait3A = arith.constant 9360 : i32
        %dma_wait3A_66 = arith.constant 0 : i32
        %dma_wait3A_67 = tpu.memref_slice %arg6[%arg0, %dma_wait3A, %dma_wait3A_66] : memref<2x10000x128xf32, #tpu.memory_space<hbm>> -> memref<1x640x128xf32, #tpu.memory_space<hbm>>
        %dma_wait3A_68 = tpu.memref_squeeze %dma_wait3A_67 : memref<1x640x128xf32, #tpu.memory_space<hbm>> -> memref<640x128xf32, #tpu.memory_space<hbm>>
        %dma_wait3A_69 = arith.constant 9360 : i32
        %dma_wait3A_70 = arith.constant 0 : i32
        %dma_wait3A_71 = tpu.memref_slice %arg13[%dma_wait3A_69, %dma_wait3A_70] : memref<10128x128xf32, #tpu.memory_space<vmem_shared>> -> memref<640x128xf32, #tpu.memory_space<vmem_shared>>
        tpu.wait_dma2 semaphore(%run_scoped3A : memref<!tpu.dma_semaphore, #tpu.memory_space<semaphore_mem>>) src(%dma_wait3A_71 : memref<640x128xf32, #tpu.memory_space<vmem_shared>>) dst(%dma_wait3A_68 : memref<640x128xf32, #tpu.memory_space<hbm>>)
        tpu.yield
      }) : () -> ()
    } else {
    }
    return
  }
}

#map = affine_map<(d0, d1) -> (0, 0)>
#map1 = affine_map<(d0, d1) -> (0)>
#map2 = affine_map<(d0, d1) -> (0, 0, 0)>
module attributes {stable_mosaic.version = 14 : i64} {
  func.func @_sc_gather_scatter(%arg0: i32, %arg1: i32, %arg2: memref<10000x128xf32, #tpu.memory_space<hbm>>, %arg3: memref<327680xi32, #tpu.memory_space<hbm>>, %arg4: memref<327680xi32, #tpu.memory_space<hbm>>, %arg5: memref<10000x128xf32, #tpu.memory_space<hbm>>, %arg6: memref<2x10000x128xf32, #tpu.memory_space<hbm>>, %arg7: memref<128xi32, #tpu.memory_space<vmem>>, %arg8: memref<128xi32, #tpu.memory_space<vmem>>, %arg9: memref<128xi32, #tpu.memory_space<vmem>>, %arg10: memref<128xi32, #tpu.memory_space<vmem>>, %arg11: memref<128x128xf32, #tpu.memory_space<vmem>>, %arg12: memref<128x128xf32, #tpu.memory_space<vmem>>, %arg13: memref<10128x128xf32, #tpu.memory_space<vmem_shared>>, %arg14: memref<!tpu.dma_semaphore, #tpu.memory_space<semaphore_mem>>, %arg15: memref<!tpu.dma_semaphore, #tpu.memory_space<semaphore_mem>>, %arg16: memref<!tpu.dma_semaphore, #tpu.memory_space<semaphore_mem>>, %arg17: memref<!tpu.dma_semaphore, #tpu.memory_space<semaphore_mem>>) attributes {dimension_semantics = [#tpu.dimension_semantics<core_parallel>, #tpu.dimension_semantics<subcore_parallel>], iteration_bounds = array<i64: 2, 16>, scalar_prefetch = 0 : i64, scratch_operands = 11 : i64, tpu.core_type = #tpu.core_type<sc_vector_subcore>, window_params = [{transform_indices = #map}, {transform_indices = #map1}, {transform_indices = #map1}, {transform_indices = #map}, {transform_indices = #map2}]} {
    %mul3A = arith.constant 16 : i32
    %mul3A_0 = arith.muli %arg0, %mul3A : i32
    %add3A = arith.addi %mul3A_0, %arg1 : i32
    %mul3A_1 = arith.constant 624 : i32
    %mul3A_2 = arith.muli %arg1, %mul3A_1 : i32
    %multiple_of3A = tpu.assume_multiple %mul3A_2, 8 : i32
    %lt3A = arith.constant 15 : i32
    %lt3A_3 = arith.cmpi slt, %arg1, %lt3A : i32
    %convert_element_type3A = arith.extui %lt3A_3 : i1 to i32
    %cond3A = arith.constant 0 : i32
    %cond3A_4 = arith.cmpi ne, %convert_element_type3A, %cond3A : i32
    scf.if %cond3A_4 {
      "tpu.region"() ({
        %run_scoped3A = tpu.sem_alloc : memref<!tpu.dma_semaphore, #tpu.memory_space<semaphore_mem>>
        %dma_start3A_59 = arith.constant 0 : i32
        %dma_start3A_60 = tpu.memref_slice %arg13[%multiple_of3A, %dma_start3A_59] : memref<10128x128xf32, #tpu.memory_space<vmem_shared>> -> memref<624x128xf32, #tpu.memory_space<vmem_shared>>
        %dma_start3A_61 = arith.constant 0 : i32
        %dma_start3A_62 = tpu.memref_slice %arg5[%multiple_of3A, %dma_start3A_61] : memref<10000x128xf32, #tpu.memory_space<hbm>> -> memref<624x128xf32, #tpu.memory_space<hbm>>
        tpu.enqueue_dma source(%dma_start3A_62 : memref<624x128xf32, #tpu.memory_space<hbm>>) target(%dma_start3A_60 : memref<624x128xf32, #tpu.memory_space<vmem_shared>>) target_semaphore(%run_scoped3A : memref<!tpu.dma_semaphore, #tpu.memory_space<semaphore_mem>>)
        %dma_wait3A = arith.constant 0 : i32
        %dma_wait3A_63 = tpu.memref_slice %arg13[%multiple_of3A, %dma_wait3A] : memref<10128x128xf32, #tpu.memory_space<vmem_shared>> -> memref<624x128xf32, #tpu.memory_space<vmem_shared>>
        %dma_wait3A_64 = arith.constant 0 : i32
        %dma_wait3A_65 = tpu.memref_slice %arg5[%multiple_of3A, %dma_wait3A_64] : memref<10000x128xf32, #tpu.memory_space<hbm>> -> memref<624x128xf32, #tpu.memory_space<hbm>>
        tpu.wait_dma2 semaphore(%run_scoped3A : memref<!tpu.dma_semaphore, #tpu.memory_space<semaphore_mem>>) src(%dma_wait3A_65 : memref<624x128xf32, #tpu.memory_space<hbm>>) dst(%dma_wait3A_63 : memref<624x128xf32, #tpu.memory_space<vmem_shared>>)
        tpu.yield
      }) : () -> ()
    } else {
    }
    %eq3A = arith.constant 15 : i32
    %eq3A_5 = arith.cmpi eq, %arg1, %eq3A : i32
    %convert_element_type3A_6 = arith.extui %eq3A_5 : i1 to i32
    %cond3A_7 = arith.constant 0 : i32
    %cond3A_8 = arith.cmpi ne, %convert_element_type3A_6, %cond3A_7 : i32
    scf.if %cond3A_8 {
      "tpu.region"() ({
        %run_scoped3A = tpu.sem_alloc : memref<!tpu.dma_semaphore, #tpu.memory_space<semaphore_mem>>
        %dma_start3A_59 = arith.constant 9360 : i32
        %dma_start3A_60 = arith.constant 0 : i32
        %dma_start3A_61 = tpu.memref_slice %arg13[%dma_start3A_59, %dma_start3A_60] : memref<10128x128xf32, #tpu.memory_space<vmem_shared>> -> memref<640x128xf32, #tpu.memory_space<vmem_shared>>
        %dma_start3A_62 = arith.constant 9360 : i32
        %dma_start3A_63 = arith.constant 0 : i32
        %dma_start3A_64 = tpu.memref_slice %arg5[%dma_start3A_62, %dma_start3A_63] : memref<10000x128xf32, #tpu.memory_space<hbm>> -> memref<640x128xf32, #tpu.memory_space<hbm>>
        tpu.enqueue_dma source(%dma_start3A_64 : memref<640x128xf32, #tpu.memory_space<hbm>>) target(%dma_start3A_61 : memref<640x128xf32, #tpu.memory_space<vmem_shared>>) target_semaphore(%run_scoped3A : memref<!tpu.dma_semaphore, #tpu.memory_space<semaphore_mem>>)
        %dma_wait3A = arith.constant 9360 : i32
        %dma_wait3A_65 = arith.constant 0 : i32
        %dma_wait3A_66 = tpu.memref_slice %arg13[%dma_wait3A, %dma_wait3A_65] : memref<10128x128xf32, #tpu.memory_space<vmem_shared>> -> memref<640x128xf32, #tpu.memory_space<vmem_shared>>
        %dma_wait3A_67 = arith.constant 9360 : i32
        %dma_wait3A_68 = arith.constant 0 : i32
        %dma_wait3A_69 = tpu.memref_slice %arg5[%dma_wait3A_67, %dma_wait3A_68] : memref<10000x128xf32, #tpu.memory_space<hbm>> -> memref<640x128xf32, #tpu.memory_space<hbm>>
        tpu.wait_dma2 semaphore(%run_scoped3A : memref<!tpu.dma_semaphore, #tpu.memory_space<semaphore_mem>>) src(%dma_wait3A_69 : memref<640x128xf32, #tpu.memory_space<hbm>>) dst(%dma_wait3A_66 : memref<640x128xf32, #tpu.memory_space<vmem_shared>>)
        tpu.yield
      }) : () -> ()
    } else {
    }
    %barrier3A = arith.constant 0 : index
    tpu.barrier barrier_id(%barrier3A)
    %mul3A_9 = arith.constant 16 : i32
    %mul3A_10 = arith.muli %arg0, %mul3A_9 : i32
    %add3A_11 = arith.addi %mul3A_10, %arg1 : i32
    %mul3A_12 = arith.constant 128 : i32
    %mul3A_13 = arith.muli %add3A_11, %mul3A_12 : i32
    "tpu.region"() ({
      %run_scoped3A = tpu.sem_alloc : memref<!tpu.dma_semaphore, #tpu.memory_space<semaphore_mem>>
      %dma_start3A_59 = tpu.memref_slice %arg3[%mul3A_13] : memref<327680xi32, #tpu.memory_space<hbm>> -> memref<128xi32, #tpu.memory_space<hbm>>
      %dma_start3A_60 = tpu.memref_slice %arg3[%mul3A_13] : memref<327680xi32, #tpu.memory_space<hbm>> -> memref<128xi32, #tpu.memory_space<hbm>>
      tpu.enqueue_dma source(%dma_start3A_60 : memref<128xi32, #tpu.memory_space<hbm>>) target(%arg7 : memref<128xi32, #tpu.memory_space<vmem>>) target_semaphore(%run_scoped3A : memref<!tpu.dma_semaphore, #tpu.memory_space<semaphore_mem>>)
      %dma_wait3A = tpu.memref_slice %arg3[%mul3A_13] : memref<327680xi32, #tpu.memory_space<hbm>> -> memref<128xi32, #tpu.memory_space<hbm>>
      %dma_wait3A_61 = tpu.memref_slice %arg3[%mul3A_13] : memref<327680xi32, #tpu.memory_space<hbm>> -> memref<128xi32, #tpu.memory_space<hbm>>
      tpu.wait_dma2 semaphore(%run_scoped3A : memref<!tpu.dma_semaphore, #tpu.memory_space<semaphore_mem>>) src(%dma_wait3A_61 : memref<128xi32, #tpu.memory_space<hbm>>) dst(%arg7 : memref<128xi32, #tpu.memory_space<vmem>>)
      tpu.yield
    }) : () -> ()
    %dma_start3A = arith.constant 0 : i32
    %dma_start3A_14 = arith.constant 0 : i32
    %dma_start3A_15 = tpu.memref_slice %arg2[%dma_start3A, %dma_start3A_14] : memref<10000x128xf32, #tpu.memory_space<hbm>> -> memref<10000x128xf32, #tpu.memory_space<hbm>>
    tpu.enqueue_indirect_dma source(%dma_start3A_15 : memref<10000x128xf32, #tpu.memory_space<hbm>>) target(%arg11 : memref<128x128xf32, #tpu.memory_space<vmem>>) offsets(%arg7 : memref<128xi32, #tpu.memory_space<vmem>>) semaphore(%arg14 : memref<!tpu.dma_semaphore, #tpu.memory_space<semaphore_mem>>)
    %mul3A_16 = arith.constant 128 : i32
    %mul3A_17 = arith.muli %add3A_11, %mul3A_16 : i32
    %dma_start3A_18 = tpu.memref_slice %arg4[%mul3A_17] : memref<327680xi32, #tpu.memory_space<hbm>> -> memref<128xi32, #tpu.memory_space<hbm>>
    %dma_start3A_19 = tpu.memref_slice %arg4[%mul3A_17] : memref<327680xi32, #tpu.memory_space<hbm>> -> memref<128xi32, #tpu.memory_space<hbm>>
    tpu.enqueue_dma source(%dma_start3A_19 : memref<128xi32, #tpu.memory_space<hbm>>) target(%arg9 : memref<128xi32, #tpu.memory_space<vmem>>) target_semaphore(%arg16 : memref<!tpu.dma_semaphore, #tpu.memory_space<semaphore_mem>>)
    %add3A_20 = arith.constant 32 : i32
    %add3A_21 = arith.addi %add3A_11, %add3A_20 : i32
    %mul3A_22 = arith.constant 128 : i32
    %mul3A_23 = arith.muli %add3A_21, %mul3A_22 : i32
    "tpu.region"() ({
      %run_scoped3A = tpu.sem_alloc : memref<!tpu.dma_semaphore, #tpu.memory_space<semaphore_mem>>
      %dma_start3A_59 = tpu.memref_slice %arg3[%mul3A_23] : memref<327680xi32, #tpu.memory_space<hbm>> -> memref<128xi32, #tpu.memory_space<hbm>>
      %dma_start3A_60 = tpu.memref_slice %arg3[%mul3A_23] : memref<327680xi32, #tpu.memory_space<hbm>> -> memref<128xi32, #tpu.memory_space<hbm>>
      tpu.enqueue_dma source(%dma_start3A_60 : memref<128xi32, #tpu.memory_space<hbm>>) target(%arg8 : memref<128xi32, #tpu.memory_space<vmem>>) target_semaphore(%run_scoped3A : memref<!tpu.dma_semaphore, #tpu.memory_space<semaphore_mem>>)
      %dma_wait3A = tpu.memref_slice %arg3[%mul3A_23] : memref<327680xi32, #tpu.memory_space<hbm>> -> memref<128xi32, #tpu.memory_space<hbm>>
      %dma_wait3A_61 = tpu.memref_slice %arg3[%mul3A_23] : memref<327680xi32, #tpu.memory_space<hbm>> -> memref<128xi32, #tpu.memory_space<hbm>>
      tpu.wait_dma2 semaphore(%run_scoped3A : memref<!tpu.dma_semaphore, #tpu.memory_space<semaphore_mem>>) src(%dma_wait3A_61 : memref<128xi32, #tpu.memory_space<hbm>>) dst(%arg8 : memref<128xi32, #tpu.memory_space<vmem>>)
      tpu.yield
    }) : () -> ()
    %dma_start3A_24 = arith.constant 0 : i32
    %dma_start3A_25 = arith.constant 0 : i32
    %dma_start3A_26 = tpu.memref_slice %arg2[%dma_start3A_24, %dma_start3A_25] : memref<10000x128xf32, #tpu.memory_space<hbm>> -> memref<10000x128xf32, #tpu.memory_space<hbm>>
    tpu.enqueue_indirect_dma source(%dma_start3A_26 : memref<10000x128xf32, #tpu.memory_space<hbm>>) target(%arg12 : memref<128x128xf32, #tpu.memory_space<vmem>>) offsets(%arg8 : memref<128xi32, #tpu.memory_space<vmem>>) semaphore(%arg15 : memref<!tpu.dma_semaphore, #tpu.memory_space<semaphore_mem>>)
    %add3A_27 = arith.constant 32 : i32
    %add3A_28 = arith.addi %add3A_11, %add3A_27 : i32
    %mul3A_29 = arith.constant 128 : i32
    %mul3A_30 = arith.muli %add3A_28, %mul3A_29 : i32
    %dma_start3A_31 = tpu.memref_slice %arg4[%mul3A_30] : memref<327680xi32, #tpu.memory_space<hbm>> -> memref<128xi32, #tpu.memory_space<hbm>>
    %dma_start3A_32 = tpu.memref_slice %arg4[%mul3A_30] : memref<327680xi32, #tpu.memory_space<hbm>> -> memref<128xi32, #tpu.memory_space<hbm>>
    tpu.enqueue_dma source(%dma_start3A_32 : memref<128xi32, #tpu.memory_space<hbm>>) target(%arg10 : memref<128xi32, #tpu.memory_space<vmem>>) target_semaphore(%arg17 : memref<!tpu.dma_semaphore, #tpu.memory_space<semaphore_mem>>)
    %sub3A = arith.constant 2500 : i32
    %sub3A_33 = arith.subi %sub3A, %add3A_11 : i32
    %sub3A_34 = arith.constant 64 : i32
    %sub3A_35 = arith.constant 1 : i32
    %sub3A_36 = arith.subi %sub3A_34, %sub3A_35 : i32
    %add3A_37 = arith.addi %sub3A_33, %sub3A_36 : i32
    %div3A = arith.constant 64 : i32
    %div3A_38 = arith.divsi %add3A_37, %div3A : i32
    %while3A = arith.constant 64 : i32
    %while3A_39 = arith.constant 0 : i32
    %while3A_40 = arith.subi %div3A_38, %while3A_39 : i32
    %while3A_41 = arith.addi %while3A_39, %while3A_40 : i32
    %while3A_42 = arith.constant 1 : i32
    %while3A_43 = arith.divsi %while3A_40, %while3A_42 : i32
    %while3A_44 = arith.muli %while3A_43, %while3A_42 : i32
    %while3A_45 = arith.addi %while3A_39, %while3A_44 : i32
    %while3A_46 = arith.constant 1 : i32
    scf.for %while3A_59 = %while3A_39 to %while3A_45 step %while3A_46  : i32 {
      %mul3A_60 = arith.muli %while3A_59, %while3A : i32
      %add3A_61 = arith.addi %add3A_11, %mul3A_60 : i32
      %mul3A_62 = arith.constant 128 : i32
      %mul3A_63 = arith.muli %add3A_61, %mul3A_62 : i32
      %dma_wait3A = tpu.memref_slice %arg4[%mul3A_63] : memref<327680xi32, #tpu.memory_space<hbm>> -> memref<128xi32, #tpu.memory_space<hbm>>
      %dma_wait3A_64 = tpu.memref_slice %arg4[%mul3A_63] : memref<327680xi32, #tpu.memory_space<hbm>> -> memref<128xi32, #tpu.memory_space<hbm>>
      tpu.wait_dma2 semaphore(%arg16 : memref<!tpu.dma_semaphore, #tpu.memory_space<semaphore_mem>>) src(%dma_wait3A_64 : memref<128xi32, #tpu.memory_space<hbm>>) dst(%arg9 : memref<128xi32, #tpu.memory_space<vmem>>)
      %dma_wait3A_65 = arith.constant 0 : i32
      %dma_wait3A_66 = arith.constant 0 : i32
      %dma_wait3A_67 = tpu.memref_slice %arg2[%dma_wait3A_65, %dma_wait3A_66] : memref<10000x128xf32, #tpu.memory_space<hbm>> -> memref<10000x128xf32, #tpu.memory_space<hbm>>
      tpu.wait_indirect_dma semaphore(%arg14 : memref<!tpu.dma_semaphore, #tpu.memory_space<semaphore_mem>>) src(%dma_wait3A_67 : memref<10000x128xf32, #tpu.memory_space<hbm>>) dst(%arg11 : memref<128x128xf32, #tpu.memory_space<vmem>>)
      "tpu.region"() ({
        %run_scoped3A = tpu.sem_alloc : memref<!tpu.dma_semaphore, #tpu.memory_space<semaphore_mem>>
        %dma_start3A_89 = arith.constant 0 : i32
        %dma_start3A_90 = arith.constant 0 : i32
        %dma_start3A_91 = tpu.memref_slice %arg13[%dma_start3A_89, %dma_start3A_90] : memref<10128x128xf32, #tpu.memory_space<vmem_shared>> -> memref<10128x128xf32, #tpu.memory_space<vmem_shared>>
        tpu.enqueue_indirect_dma source(%arg11 : memref<128x128xf32, #tpu.memory_space<vmem>>) target(%dma_start3A_91 : memref<10128x128xf32, #tpu.memory_space<vmem_shared>>) offsets(%arg9 : memref<128xi32, #tpu.memory_space<vmem>>) semaphore(%run_scoped3A : memref<!tpu.dma_semaphore, #tpu.memory_space<semaphore_mem>>) {add = true}
        %dma_wait3A_92 = arith.constant 0 : i32
        %dma_wait3A_93 = arith.constant 0 : i32
        %dma_wait3A_94 = tpu.memref_slice %arg13[%dma_wait3A_92, %dma_wait3A_93] : memref<10128x128xf32, #tpu.memory_space<vmem_shared>> -> memref<10128x128xf32, #tpu.memory_space<vmem_shared>>
        tpu.wait_indirect_dma semaphore(%run_scoped3A : memref<!tpu.dma_semaphore, #tpu.memory_space<semaphore_mem>>) src(%arg11 : memref<128x128xf32, #tpu.memory_space<vmem>>) dst(%dma_wait3A_94 : memref<10128x128xf32, #tpu.memory_space<vmem_shared>>)
        tpu.yield
      }) : () -> ()
      %add3A_68 = arith.constant 64 : i32
      %add3A_69 = arith.addi %add3A_61, %add3A_68 : i32
      %lt3A_70 = arith.constant 2500 : i32
      %lt3A_71 = arith.cmpi slt, %add3A_69, %lt3A_70 : i32
      %convert_element_type3A_72 = arith.extui %lt3A_71 : i1 to i32
      %cond3A_73 = arith.constant 0 : i32
      %cond3A_74 = arith.cmpi ne, %convert_element_type3A_72, %cond3A_73 : i32
      scf.if %cond3A_74 {
        %add3A_89 = arith.constant 64 : i32
        %add3A_90 = arith.addi %add3A_61, %add3A_89 : i32
        %mul3A_91 = arith.constant 128 : i32
        %mul3A_92 = arith.muli %add3A_90, %mul3A_91 : i32
        "tpu.region"() ({
          %run_scoped3A = tpu.sem_alloc : memref<!tpu.dma_semaphore, #tpu.memory_space<semaphore_mem>>
          %dma_start3A_102 = tpu.memref_slice %arg3[%mul3A_92] : memref<327680xi32, #tpu.memory_space<hbm>> -> memref<128xi32, #tpu.memory_space<hbm>>
          %dma_start3A_103 = tpu.memref_slice %arg3[%mul3A_92] : memref<327680xi32, #tpu.memory_space<hbm>> -> memref<128xi32, #tpu.memory_space<hbm>>
          tpu.enqueue_dma source(%dma_start3A_103 : memref<128xi32, #tpu.memory_space<hbm>>) target(%arg7 : memref<128xi32, #tpu.memory_space<vmem>>) target_semaphore(%run_scoped3A : memref<!tpu.dma_semaphore, #tpu.memory_space<semaphore_mem>>)
          %dma_wait3A_104 = tpu.memref_slice %arg3[%mul3A_92] : memref<327680xi32, #tpu.memory_space<hbm>> -> memref<128xi32, #tpu.memory_space<hbm>>
          %dma_wait3A_105 = tpu.memref_slice %arg3[%mul3A_92] : memref<327680xi32, #tpu.memory_space<hbm>> -> memref<128xi32, #tpu.memory_space<hbm>>
          tpu.wait_dma2 semaphore(%run_scoped3A : memref<!tpu.dma_semaphore, #tpu.memory_space<semaphore_mem>>) src(%dma_wait3A_105 : memref<128xi32, #tpu.memory_space<hbm>>) dst(%arg7 : memref<128xi32, #tpu.memory_space<vmem>>)
          tpu.yield
        }) : () -> ()
        %dma_start3A_93 = arith.constant 0 : i32
        %dma_start3A_94 = arith.constant 0 : i32
        %dma_start3A_95 = tpu.memref_slice %arg2[%dma_start3A_93, %dma_start3A_94] : memref<10000x128xf32, #tpu.memory_space<hbm>> -> memref<10000x128xf32, #tpu.memory_space<hbm>>
        tpu.enqueue_indirect_dma source(%dma_start3A_95 : memref<10000x128xf32, #tpu.memory_space<hbm>>) target(%arg11 : memref<128x128xf32, #tpu.memory_space<vmem>>) offsets(%arg7 : memref<128xi32, #tpu.memory_space<vmem>>) semaphore(%arg14 : memref<!tpu.dma_semaphore, #tpu.memory_space<semaphore_mem>>)
        %add3A_96 = arith.constant 64 : i32
        %add3A_97 = arith.addi %add3A_61, %add3A_96 : i32
        %mul3A_98 = arith.constant 128 : i32
        %mul3A_99 = arith.muli %add3A_97, %mul3A_98 : i32
        %dma_start3A_100 = tpu.memref_slice %arg4[%mul3A_99] : memref<327680xi32, #tpu.memory_space<hbm>> -> memref<128xi32, #tpu.memory_space<hbm>>
        %dma_start3A_101 = tpu.memref_slice %arg4[%mul3A_99] : memref<327680xi32, #tpu.memory_space<hbm>> -> memref<128xi32, #tpu.memory_space<hbm>>
        tpu.enqueue_dma source(%dma_start3A_101 : memref<128xi32, #tpu.memory_space<hbm>>) target(%arg9 : memref<128xi32, #tpu.memory_space<vmem>>) target_semaphore(%arg16 : memref<!tpu.dma_semaphore, #tpu.memory_space<semaphore_mem>>)
      } else {
      }
      %add3A_75 = arith.constant 32 : i32
      %add3A_76 = arith.addi %add3A_61, %add3A_75 : i32
      %lt3A_77 = arith.constant 2500 : i32
      %lt3A_78 = arith.cmpi slt, %add3A_76, %lt3A_77 : i32
      %convert_element_type3A_79 = arith.extui %lt3A_78 : i1 to i32
      %cond3A_80 = arith.constant 0 : i32
      %cond3A_81 = arith.cmpi ne, %convert_element_type3A_79, %cond3A_80 : i32
      scf.if %cond3A_81 {
        %add3A_89 = arith.constant 32 : i32
        %add3A_90 = arith.addi %add3A_61, %add3A_89 : i32
        %mul3A_91 = arith.constant 128 : i32
        %mul3A_92 = arith.muli %add3A_90, %mul3A_91 : i32
        %dma_wait3A_93 = tpu.memref_slice %arg4[%mul3A_92] : memref<327680xi32, #tpu.memory_space<hbm>> -> memref<128xi32, #tpu.memory_space<hbm>>
        %dma_wait3A_94 = tpu.memref_slice %arg4[%mul3A_92] : memref<327680xi32, #tpu.memory_space<hbm>> -> memref<128xi32, #tpu.memory_space<hbm>>
        tpu.wait_dma2 semaphore(%arg17 : memref<!tpu.dma_semaphore, #tpu.memory_space<semaphore_mem>>) src(%dma_wait3A_94 : memref<128xi32, #tpu.memory_space<hbm>>) dst(%arg10 : memref<128xi32, #tpu.memory_space<vmem>>)
        %dma_wait3A_95 = arith.constant 0 : i32
        %dma_wait3A_96 = arith.constant 0 : i32
        %dma_wait3A_97 = tpu.memref_slice %arg2[%dma_wait3A_95, %dma_wait3A_96] : memref<10000x128xf32, #tpu.memory_space<hbm>> -> memref<10000x128xf32, #tpu.memory_space<hbm>>
        tpu.wait_indirect_dma semaphore(%arg15 : memref<!tpu.dma_semaphore, #tpu.memory_space<semaphore_mem>>) src(%dma_wait3A_97 : memref<10000x128xf32, #tpu.memory_space<hbm>>) dst(%arg12 : memref<128x128xf32, #tpu.memory_space<vmem>>)
        "tpu.region"() ({
          %run_scoped3A = tpu.sem_alloc : memref<!tpu.dma_semaphore, #tpu.memory_space<semaphore_mem>>
          %dma_start3A_98 = arith.constant 0 : i32
          %dma_start3A_99 = arith.constant 0 : i32
          %dma_start3A_100 = tpu.memref_slice %arg13[%dma_start3A_98, %dma_start3A_99] : memref<10128x128xf32, #tpu.memory_space<vmem_shared>> -> memref<10128x128xf32, #tpu.memory_space<vmem_shared>>
          tpu.enqueue_indirect_dma source(%arg12 : memref<128x128xf32, #tpu.memory_space<vmem>>) target(%dma_start3A_100 : memref<10128x128xf32, #tpu.memory_space<vmem_shared>>) offsets(%arg10 : memref<128xi32, #tpu.memory_space<vmem>>) semaphore(%run_scoped3A : memref<!tpu.dma_semaphore, #tpu.memory_space<semaphore_mem>>) {add = true}
          %dma_wait3A_101 = arith.constant 0 : i32
          %dma_wait3A_102 = arith.constant 0 : i32
          %dma_wait3A_103 = tpu.memref_slice %arg13[%dma_wait3A_101, %dma_wait3A_102] : memref<10128x128xf32, #tpu.memory_space<vmem_shared>> -> memref<10128x128xf32, #tpu.memory_space<vmem_shared>>
          tpu.wait_indirect_dma semaphore(%run_scoped3A : memref<!tpu.dma_semaphore, #tpu.memory_space<semaphore_mem>>) src(%arg12 : memref<128x128xf32, #tpu.memory_space<vmem>>) dst(%dma_wait3A_103 : memref<10128x128xf32, #tpu.memory_space<vmem_shared>>)
          tpu.yield
        }) : () -> ()
      } else {
      }
      %add3A_82 = arith.constant 96 : i32
      %add3A_83 = arith.addi %add3A_61, %add3A_82 : i32
      %lt3A_84 = arith.constant 2500 : i32
      %lt3A_85 = arith.cmpi slt, %add3A_83, %lt3A_84 : i32
      %convert_element_type3A_86 = arith.extui %lt3A_85 : i1 to i32
      %cond3A_87 = arith.constant 0 : i32
      %cond3A_88 = arith.cmpi ne, %convert_element_type3A_86, %cond3A_87 : i32
      scf.if %cond3A_88 {
        %add3A_89 = arith.constant 96 : i32
        %add3A_90 = arith.addi %add3A_61, %add3A_89 : i32
        %mul3A_91 = arith.constant 128 : i32
        %mul3A_92 = arith.muli %add3A_90, %mul3A_91 : i32
        "tpu.region"() ({
          %run_scoped3A = tpu.sem_alloc : memref<!tpu.dma_semaphore, #tpu.memory_space<semaphore_mem>>
          %dma_start3A_102 = tpu.memref_slice %arg3[%mul3A_92] : memref<327680xi32, #tpu.memory_space<hbm>> -> memref<128xi32, #tpu.memory_space<hbm>>
          %dma_start3A_103 = tpu.memref_slice %arg3[%mul3A_92] : memref<327680xi32, #tpu.memory_space<hbm>> -> memref<128xi32, #tpu.memory_space<hbm>>
          tpu.enqueue_dma source(%dma_start3A_103 : memref<128xi32, #tpu.memory_space<hbm>>) target(%arg8 : memref<128xi32, #tpu.memory_space<vmem>>) target_semaphore(%run_scoped3A : memref<!tpu.dma_semaphore, #tpu.memory_space<semaphore_mem>>)
          %dma_wait3A_104 = tpu.memref_slice %arg3[%mul3A_92] : memref<327680xi32, #tpu.memory_space<hbm>> -> memref<128xi32, #tpu.memory_space<hbm>>
          %dma_wait3A_105 = tpu.memref_slice %arg3[%mul3A_92] : memref<327680xi32, #tpu.memory_space<hbm>> -> memref<128xi32, #tpu.memory_space<hbm>>
          tpu.wait_dma2 semaphore(%run_scoped3A : memref<!tpu.dma_semaphore, #tpu.memory_space<semaphore_mem>>) src(%dma_wait3A_105 : memref<128xi32, #tpu.memory_space<hbm>>) dst(%arg8 : memref<128xi32, #tpu.memory_space<vmem>>)
          tpu.yield
        }) : () -> ()
        %dma_start3A_93 = arith.constant 0 : i32
        %dma_start3A_94 = arith.constant 0 : i32
        %dma_start3A_95 = tpu.memref_slice %arg2[%dma_start3A_93, %dma_start3A_94] : memref<10000x128xf32, #tpu.memory_space<hbm>> -> memref<10000x128xf32, #tpu.memory_space<hbm>>
        tpu.enqueue_indirect_dma source(%dma_start3A_95 : memref<10000x128xf32, #tpu.memory_space<hbm>>) target(%arg12 : memref<128x128xf32, #tpu.memory_space<vmem>>) offsets(%arg8 : memref<128xi32, #tpu.memory_space<vmem>>) semaphore(%arg15 : memref<!tpu.dma_semaphore, #tpu.memory_space<semaphore_mem>>)
        %add3A_96 = arith.constant 96 : i32
        %add3A_97 = arith.addi %add3A_61, %add3A_96 : i32
        %mul3A_98 = arith.constant 128 : i32
        %mul3A_99 = arith.muli %add3A_97, %mul3A_98 : i32
        %dma_start3A_100 = tpu.memref_slice %arg4[%mul3A_99] : memref<327680xi32, #tpu.memory_space<hbm>> -> memref<128xi32, #tpu.memory_space<hbm>>
        %dma_start3A_101 = tpu.memref_slice %arg4[%mul3A_99] : memref<327680xi32, #tpu.memory_space<hbm>> -> memref<128xi32, #tpu.memory_space<hbm>>
        tpu.enqueue_dma source(%dma_start3A_101 : memref<128xi32, #tpu.memory_space<hbm>>) target(%arg10 : memref<128xi32, #tpu.memory_space<vmem>>) target_semaphore(%arg17 : memref<!tpu.dma_semaphore, #tpu.memory_space<semaphore_mem>>)
      } else {
      }
    }
    %while3A_47 = arith.constant 1 : i32
    scf.for %while3A_59 = %while3A_45 to %while3A_41 step %while3A_47  : i32 {
      %mul3A_60 = arith.muli %while3A_59, %while3A : i32
      %add3A_61 = arith.addi %add3A_11, %mul3A_60 : i32
      %mul3A_62 = arith.constant 128 : i32
      %mul3A_63 = arith.muli %add3A_61, %mul3A_62 : i32
      %dma_wait3A = tpu.memref_slice %arg4[%mul3A_63] : memref<327680xi32, #tpu.memory_space<hbm>> -> memref<128xi32, #tpu.memory_space<hbm>>
      %dma_wait3A_64 = tpu.memref_slice %arg4[%mul3A_63] : memref<327680xi32, #tpu.memory_space<hbm>> -> memref<128xi32, #tpu.memory_space<hbm>>
      tpu.wait_dma2 semaphore(%arg16 : memref<!tpu.dma_semaphore, #tpu.memory_space<semaphore_mem>>) src(%dma_wait3A_64 : memref<128xi32, #tpu.memory_space<hbm>>) dst(%arg9 : memref<128xi32, #tpu.memory_space<vmem>>)
      %dma_wait3A_65 = arith.constant 0 : i32
      %dma_wait3A_66 = arith.constant 0 : i32
      %dma_wait3A_67 = tpu.memref_slice %arg2[%dma_wait3A_65, %dma_wait3A_66] : memref<10000x128xf32, #tpu.memory_space<hbm>> -> memref<10000x128xf32, #tpu.memory_space<hbm>>
      tpu.wait_indirect_dma semaphore(%arg14 : memref<!tpu.dma_semaphore, #tpu.memory_space<semaphore_mem>>) src(%dma_wait3A_67 : memref<10000x128xf32, #tpu.memory_space<hbm>>) dst(%arg11 : memref<128x128xf32, #tpu.memory_space<vmem>>)
      "tpu.region"() ({
        %run_scoped3A = tpu.sem_alloc : memref<!tpu.dma_semaphore, #tpu.memory_space<semaphore_mem>>
        %dma_start3A_89 = arith.constant 0 : i32
        %dma_start3A_90 = arith.constant 0 : i32
        %dma_start3A_91 = tpu.memref_slice %arg13[%dma_start3A_89, %dma_start3A_90] : memref<10128x128xf32, #tpu.memory_space<vmem_shared>> -> memref<10128x128xf32, #tpu.memory_space<vmem_shared>>
        tpu.enqueue_indirect_dma source(%arg11 : memref<128x128xf32, #tpu.memory_space<vmem>>) target(%dma_start3A_91 : memref<10128x128xf32, #tpu.memory_space<vmem_shared>>) offsets(%arg9 : memref<128xi32, #tpu.memory_space<vmem>>) semaphore(%run_scoped3A : memref<!tpu.dma_semaphore, #tpu.memory_space<semaphore_mem>>) {add = true}
        %dma_wait3A_92 = arith.constant 0 : i32
        %dma_wait3A_93 = arith.constant 0 : i32
        %dma_wait3A_94 = tpu.memref_slice %arg13[%dma_wait3A_92, %dma_wait3A_93] : memref<10128x128xf32, #tpu.memory_space<vmem_shared>> -> memref<10128x128xf32, #tpu.memory_space<vmem_shared>>
        tpu.wait_indirect_dma semaphore(%run_scoped3A : memref<!tpu.dma_semaphore, #tpu.memory_space<semaphore_mem>>) src(%arg11 : memref<128x128xf32, #tpu.memory_space<vmem>>) dst(%dma_wait3A_94 : memref<10128x128xf32, #tpu.memory_space<vmem_shared>>)
        tpu.yield
      }) : () -> ()
      %add3A_68 = arith.constant 64 : i32
      %add3A_69 = arith.addi %add3A_61, %add3A_68 : i32
      %lt3A_70 = arith.constant 2500 : i32
      %lt3A_71 = arith.cmpi slt, %add3A_69, %lt3A_70 : i32
      %convert_element_type3A_72 = arith.extui %lt3A_71 : i1 to i32
      %cond3A_73 = arith.constant 0 : i32
      %cond3A_74 = arith.cmpi ne, %convert_element_type3A_72, %cond3A_73 : i32
      scf.if %cond3A_74 {
        %add3A_89 = arith.constant 64 : i32
        %add3A_90 = arith.addi %add3A_61, %add3A_89 : i32
        %mul3A_91 = arith.constant 128 : i32
        %mul3A_92 = arith.muli %add3A_90, %mul3A_91 : i32
        "tpu.region"() ({
          %run_scoped3A = tpu.sem_alloc : memref<!tpu.dma_semaphore, #tpu.memory_space<semaphore_mem>>
          %dma_start3A_102 = tpu.memref_slice %arg3[%mul3A_92] : memref<327680xi32, #tpu.memory_space<hbm>> -> memref<128xi32, #tpu.memory_space<hbm>>
          %dma_start3A_103 = tpu.memref_slice %arg3[%mul3A_92] : memref<327680xi32, #tpu.memory_space<hbm>> -> memref<128xi32, #tpu.memory_space<hbm>>
          tpu.enqueue_dma source(%dma_start3A_103 : memref<128xi32, #tpu.memory_space<hbm>>) target(%arg7 : memref<128xi32, #tpu.memory_space<vmem>>) target_semaphore(%run_scoped3A : memref<!tpu.dma_semaphore, #tpu.memory_space<semaphore_mem>>)
          %dma_wait3A_104 = tpu.memref_slice %arg3[%mul3A_92] : memref<327680xi32, #tpu.memory_space<hbm>> -> memref<128xi32, #tpu.memory_space<hbm>>
          %dma_wait3A_105 = tpu.memref_slice %arg3[%mul3A_92] : memref<327680xi32, #tpu.memory_space<hbm>> -> memref<128xi32, #tpu.memory_space<hbm>>
          tpu.wait_dma2 semaphore(%run_scoped3A : memref<!tpu.dma_semaphore, #tpu.memory_space<semaphore_mem>>) src(%dma_wait3A_105 : memref<128xi32, #tpu.memory_space<hbm>>) dst(%arg7 : memref<128xi32, #tpu.memory_space<vmem>>)
          tpu.yield
        }) : () -> ()
        %dma_start3A_93 = arith.constant 0 : i32
        %dma_start3A_94 = arith.constant 0 : i32
        %dma_start3A_95 = tpu.memref_slice %arg2[%dma_start3A_93, %dma_start3A_94] : memref<10000x128xf32, #tpu.memory_space<hbm>> -> memref<10000x128xf32, #tpu.memory_space<hbm>>
        tpu.enqueue_indirect_dma source(%dma_start3A_95 : memref<10000x128xf32, #tpu.memory_space<hbm>>) target(%arg11 : memref<128x128xf32, #tpu.memory_space<vmem>>) offsets(%arg7 : memref<128xi32, #tpu.memory_space<vmem>>) semaphore(%arg14 : memref<!tpu.dma_semaphore, #tpu.memory_space<semaphore_mem>>)
        %add3A_96 = arith.constant 64 : i32
        %add3A_97 = arith.addi %add3A_61, %add3A_96 : i32
        %mul3A_98 = arith.constant 128 : i32
        %mul3A_99 = arith.muli %add3A_97, %mul3A_98 : i32
        %dma_start3A_100 = tpu.memref_slice %arg4[%mul3A_99] : memref<327680xi32, #tpu.memory_space<hbm>> -> memref<128xi32, #tpu.memory_space<hbm>>
        %dma_start3A_101 = tpu.memref_slice %arg4[%mul3A_99] : memref<327680xi32, #tpu.memory_space<hbm>> -> memref<128xi32, #tpu.memory_space<hbm>>
        tpu.enqueue_dma source(%dma_start3A_101 : memref<128xi32, #tpu.memory_space<hbm>>) target(%arg9 : memref<128xi32, #tpu.memory_space<vmem>>) target_semaphore(%arg16 : memref<!tpu.dma_semaphore, #tpu.memory_space<semaphore_mem>>)
      } else {
      }
      %add3A_75 = arith.constant 32 : i32
      %add3A_76 = arith.addi %add3A_61, %add3A_75 : i32
      %lt3A_77 = arith.constant 2500 : i32
      %lt3A_78 = arith.cmpi slt, %add3A_76, %lt3A_77 : i32
      %convert_element_type3A_79 = arith.extui %lt3A_78 : i1 to i32
      %cond3A_80 = arith.constant 0 : i32
      %cond3A_81 = arith.cmpi ne, %convert_element_type3A_79, %cond3A_80 : i32
      scf.if %cond3A_81 {
        %add3A_89 = arith.constant 32 : i32
        %add3A_90 = arith.addi %add3A_61, %add3A_89 : i32
        %mul3A_91 = arith.constant 128 : i32
        %mul3A_92 = arith.muli %add3A_90, %mul3A_91 : i32
        %dma_wait3A_93 = tpu.memref_slice %arg4[%mul3A_92] : memref<327680xi32, #tpu.memory_space<hbm>> -> memref<128xi32, #tpu.memory_space<hbm>>
        %dma_wait3A_94 = tpu.memref_slice %arg4[%mul3A_92] : memref<327680xi32, #tpu.memory_space<hbm>> -> memref<128xi32, #tpu.memory_space<hbm>>
        tpu.wait_dma2 semaphore(%arg17 : memref<!tpu.dma_semaphore, #tpu.memory_space<semaphore_mem>>) src(%dma_wait3A_94 : memref<128xi32, #tpu.memory_space<hbm>>) dst(%arg10 : memref<128xi32, #tpu.memory_space<vmem>>)
        %dma_wait3A_95 = arith.constant 0 : i32
        %dma_wait3A_96 = arith.constant 0 : i32
        %dma_wait3A_97 = tpu.memref_slice %arg2[%dma_wait3A_95, %dma_wait3A_96] : memref<10000x128xf32, #tpu.memory_space<hbm>> -> memref<10000x128xf32, #tpu.memory_space<hbm>>
        tpu.wait_indirect_dma semaphore(%arg15 : memref<!tpu.dma_semaphore, #tpu.memory_space<semaphore_mem>>) src(%dma_wait3A_97 : memref<10000x128xf32, #tpu.memory_space<hbm>>) dst(%arg12 : memref<128x128xf32, #tpu.memory_space<vmem>>)
        "tpu.region"() ({
          %run_scoped3A = tpu.sem_alloc : memref<!tpu.dma_semaphore, #tpu.memory_space<semaphore_mem>>
          %dma_start3A_98 = arith.constant 0 : i32
          %dma_start3A_99 = arith.constant 0 : i32
          %dma_start3A_100 = tpu.memref_slice %arg13[%dma_start3A_98, %dma_start3A_99] : memref<10128x128xf32, #tpu.memory_space<vmem_shared>> -> memref<10128x128xf32, #tpu.memory_space<vmem_shared>>
          tpu.enqueue_indirect_dma source(%arg12 : memref<128x128xf32, #tpu.memory_space<vmem>>) target(%dma_start3A_100 : memref<10128x128xf32, #tpu.memory_space<vmem_shared>>) offsets(%arg10 : memref<128xi32, #tpu.memory_space<vmem>>) semaphore(%run_scoped3A : memref<!tpu.dma_semaphore, #tpu.memory_space<semaphore_mem>>) {add = true}
          %dma_wait3A_101 = arith.constant 0 : i32
          %dma_wait3A_102 = arith.constant 0 : i32
          %dma_wait3A_103 = tpu.memref_slice %arg13[%dma_wait3A_101, %dma_wait3A_102] : memref<10128x128xf32, #tpu.memory_space<vmem_shared>> -> memref<10128x128xf32, #tpu.memory_space<vmem_shared>>
          tpu.wait_indirect_dma semaphore(%run_scoped3A : memref<!tpu.dma_semaphore, #tpu.memory_space<semaphore_mem>>) src(%arg12 : memref<128x128xf32, #tpu.memory_space<vmem>>) dst(%dma_wait3A_103 : memref<10128x128xf32, #tpu.memory_space<vmem_shared>>)
          tpu.yield
        }) : () -> ()
      } else {
      }
      %add3A_82 = arith.constant 96 : i32
      %add3A_83 = arith.addi %add3A_61, %add3A_82 : i32
      %lt3A_84 = arith.constant 2500 : i32
      %lt3A_85 = arith.cmpi slt, %add3A_83, %lt3A_84 : i32
      %convert_element_type3A_86 = arith.extui %lt3A_85 : i1 to i32
      %cond3A_87 = arith.constant 0 : i32
      %cond3A_88 = arith.cmpi ne, %convert_element_type3A_86, %cond3A_87 : i32
      scf.if %cond3A_88 {
        %add3A_89 = arith.constant 96 : i32
        %add3A_90 = arith.addi %add3A_61, %add3A_89 : i32
        %mul3A_91 = arith.constant 128 : i32
        %mul3A_92 = arith.muli %add3A_90, %mul3A_91 : i32
        "tpu.region"() ({
          %run_scoped3A = tpu.sem_alloc : memref<!tpu.dma_semaphore, #tpu.memory_space<semaphore_mem>>
          %dma_start3A_102 = tpu.memref_slice %arg3[%mul3A_92] : memref<327680xi32, #tpu.memory_space<hbm>> -> memref<128xi32, #tpu.memory_space<hbm>>
          %dma_start3A_103 = tpu.memref_slice %arg3[%mul3A_92] : memref<327680xi32, #tpu.memory_space<hbm>> -> memref<128xi32, #tpu.memory_space<hbm>>
          tpu.enqueue_dma source(%dma_start3A_103 : memref<128xi32, #tpu.memory_space<hbm>>) target(%arg8 : memref<128xi32, #tpu.memory_space<vmem>>) target_semaphore(%run_scoped3A : memref<!tpu.dma_semaphore, #tpu.memory_space<semaphore_mem>>)
          %dma_wait3A_104 = tpu.memref_slice %arg3[%mul3A_92] : memref<327680xi32, #tpu.memory_space<hbm>> -> memref<128xi32, #tpu.memory_space<hbm>>
          %dma_wait3A_105 = tpu.memref_slice %arg3[%mul3A_92] : memref<327680xi32, #tpu.memory_space<hbm>> -> memref<128xi32, #tpu.memory_space<hbm>>
          tpu.wait_dma2 semaphore(%run_scoped3A : memref<!tpu.dma_semaphore, #tpu.memory_space<semaphore_mem>>) src(%dma_wait3A_105 : memref<128xi32, #tpu.memory_space<hbm>>) dst(%arg8 : memref<128xi32, #tpu.memory_space<vmem>>)
          tpu.yield
        }) : () -> ()
        %dma_start3A_93 = arith.constant 0 : i32
        %dma_start3A_94 = arith.constant 0 : i32
        %dma_start3A_95 = tpu.memref_slice %arg2[%dma_start3A_93, %dma_start3A_94] : memref<10000x128xf32, #tpu.memory_space<hbm>> -> memref<10000x128xf32, #tpu.memory_space<hbm>>
        tpu.enqueue_indirect_dma source(%dma_start3A_95 : memref<10000x128xf32, #tpu.memory_space<hbm>>) target(%arg12 : memref<128x128xf32, #tpu.memory_space<vmem>>) offsets(%arg8 : memref<128xi32, #tpu.memory_space<vmem>>) semaphore(%arg15 : memref<!tpu.dma_semaphore, #tpu.memory_space<semaphore_mem>>)
        %add3A_96 = arith.constant 96 : i32
        %add3A_97 = arith.addi %add3A_61, %add3A_96 : i32
        %mul3A_98 = arith.constant 128 : i32
        %mul3A_99 = arith.muli %add3A_97, %mul3A_98 : i32
        %dma_start3A_100 = tpu.memref_slice %arg4[%mul3A_99] : memref<327680xi32, #tpu.memory_space<hbm>> -> memref<128xi32, #tpu.memory_space<hbm>>
        %dma_start3A_101 = tpu.memref_slice %arg4[%mul3A_99] : memref<327680xi32, #tpu.memory_space<hbm>> -> memref<128xi32, #tpu.memory_space<hbm>>
        tpu.enqueue_dma source(%dma_start3A_101 : memref<128xi32, #tpu.memory_space<hbm>>) target(%arg10 : memref<128xi32, #tpu.memory_space<vmem>>) target_semaphore(%arg17 : memref<!tpu.dma_semaphore, #tpu.memory_space<semaphore_mem>>)
      } else {
      }
    }
    %barrier3A_48 = arith.constant 0 : index
    tpu.barrier barrier_id(%barrier3A_48)
    %lt3A_49 = arith.constant 15 : i32
    %lt3A_50 = arith.cmpi slt, %arg1, %lt3A_49 : i32
    %convert_element_type3A_51 = arith.extui %lt3A_50 : i1 to i32
    %cond3A_52 = arith.constant 0 : i32
    %cond3A_53 = arith.cmpi ne, %convert_element_type3A_51, %cond3A_52 : i32
    scf.if %cond3A_53 {
      "tpu.region"() ({
        %run_scoped3A = tpu.sem_alloc : memref<!tpu.dma_semaphore, #tpu.memory_space<semaphore_mem>>
        %dma_start3A_59 = arith.constant 0 : i32
        %dma_start3A_60 = tpu.memref_slice %arg6[%arg0, %multiple_of3A, %dma_start3A_59] : memref<2x10000x128xf32, #tpu.memory_space<hbm>> -> memref<1x624x128xf32, #tpu.memory_space<hbm>>
        %dma_start3A_61 = tpu.memref_squeeze %dma_start3A_60 : memref<1x624x128xf32, #tpu.memory_space<hbm>> -> memref<624x128xf32, #tpu.memory_space<hbm>>
        %dma_start3A_62 = arith.constant 0 : i32
        %dma_start3A_63 = tpu.memref_slice %arg13[%multiple_of3A, %dma_start3A_62] : memref<10128x128xf32, #tpu.memory_space<vmem_shared>> -> memref<624x128xf32, #tpu.memory_space<vmem_shared>>
        tpu.enqueue_dma source(%dma_start3A_63 : memref<624x128xf32, #tpu.memory_space<vmem_shared>>) target(%dma_start3A_61 : memref<624x128xf32, #tpu.memory_space<hbm>>) target_semaphore(%run_scoped3A : memref<!tpu.dma_semaphore, #tpu.memory_space<semaphore_mem>>)
        %dma_wait3A = arith.constant 0 : i32
        %dma_wait3A_64 = tpu.memref_slice %arg6[%arg0, %multiple_of3A, %dma_wait3A] : memref<2x10000x128xf32, #tpu.memory_space<hbm>> -> memref<1x624x128xf32, #tpu.memory_space<hbm>>
        %dma_wait3A_65 = tpu.memref_squeeze %dma_wait3A_64 : memref<1x624x128xf32, #tpu.memory_space<hbm>> -> memref<624x128xf32, #tpu.memory_space<hbm>>
        %dma_wait3A_66 = arith.constant 0 : i32
        %dma_wait3A_67 = tpu.memref_slice %arg13[%multiple_of3A, %dma_wait3A_66] : memref<10128x128xf32, #tpu.memory_space<vmem_shared>> -> memref<624x128xf32, #tpu.memory_space<vmem_shared>>
        tpu.wait_dma2 semaphore(%run_scoped3A : memref<!tpu.dma_semaphore, #tpu.memory_space<semaphore_mem>>) src(%dma_wait3A_67 : memref<624x128xf32, #tpu.memory_space<vmem_shared>>) dst(%dma_wait3A_65 : memref<624x128xf32, #tpu.memory_space<hbm>>)
        tpu.yield
      }) : () -> ()
    } else {
    }
    %eq3A_54 = arith.constant 15 : i32
    %eq3A_55 = arith.cmpi eq, %arg1, %eq3A_54 : i32
    %convert_element_type3A_56 = arith.extui %eq3A_55 : i1 to i32
    %cond3A_57 = arith.constant 0 : i32
    %cond3A_58 = arith.cmpi ne, %convert_element_type3A_56, %cond3A_57 : i32
    scf.if %cond3A_58 {
      "tpu.region"() ({
        %run_scoped3A = tpu.sem_alloc : memref<!tpu.dma_semaphore, #tpu.memory_space<semaphore_mem>>
        %dma_start3A_59 = arith.constant 9360 : i32
        %dma_start3A_60 = arith.constant 0 : i32
        %dma_start3A_61 = tpu.memref_slice %arg6[%arg0, %dma_start3A_59, %dma_start3A_60] : memref<2x10000x128xf32, #tpu.memory_space<hbm>> -> memref<1x640x128xf32, #tpu.memory_space<hbm>>
        %dma_start3A_62 = tpu.memref_squeeze %dma_start3A_61 : memref<1x640x128xf32, #tpu.memory_space<hbm>> -> memref<640x128xf32, #tpu.memory_space<hbm>>
        %dma_start3A_63 = arith.constant 9360 : i32
        %dma_start3A_64 = arith.constant 0 : i32
        %dma_start3A_65 = tpu.memref_slice %arg13[%dma_start3A_63, %dma_start3A_64] : memref<10128x128xf32, #tpu.memory_space<vmem_shared>> -> memref<640x128xf32, #tpu.memory_space<vmem_shared>>
        tpu.enqueue_dma source(%dma_start3A_65 : memref<640x128xf32, #tpu.memory_space<vmem_shared>>) target(%dma_start3A_62 : memref<640x128xf32, #tpu.memory_space<hbm>>) target_semaphore(%run_scoped3A : memref<!tpu.dma_semaphore, #tpu.memory_space<semaphore_mem>>)
        %dma_wait3A = arith.constant 9360 : i32
        %dma_wait3A_66 = arith.constant 0 : i32
        %dma_wait3A_67 = tpu.memref_slice %arg6[%arg0, %dma_wait3A, %dma_wait3A_66] : memref<2x10000x128xf32, #tpu.memory_space<hbm>> -> memref<1x640x128xf32, #tpu.memory_space<hbm>>
        %dma_wait3A_68 = tpu.memref_squeeze %dma_wait3A_67 : memref<1x640x128xf32, #tpu.memory_space<hbm>> -> memref<640x128xf32, #tpu.memory_space<hbm>>
        %dma_wait3A_69 = arith.constant 9360 : i32
        %dma_wait3A_70 = arith.constant 0 : i32
        %dma_wait3A_71 = tpu.memref_slice %arg13[%dma_wait3A_69, %dma_wait3A_70] : memref<10128x128xf32, #tpu.memory_space<vmem_shared>> -> memref<640x128xf32, #tpu.memory_space<vmem_shared>>
        tpu.wait_dma2 semaphore(%run_scoped3A : memref<!tpu.dma_semaphore, #tpu.memory_space<semaphore_mem>>) src(%dma_wait3A_71 : memref<640x128xf32, #tpu.memory_space<vmem_shared>>) dst(%dma_wait3A_68 : memref<640x128xf32, #tpu.memory_space<hbm>>)
        tpu.yield
      }) : () -> ()
    } else {
    }
    return
  }
}

#map = affine_map<(d0, d1) -> (0, 0)>
#map1 = affine_map<(d0, d1) -> (0)>
#map2 = affine_map<(d0, d1) -> (0, 0, 0)>
module attributes {stable_mosaic.version = 14 : i64} {
  func.func @_sc_gather_scatter(%arg0: i32, %arg1: i32, %arg2: memref<10000x128xf32, #tpu.memory_space<hbm>>, %arg3: memref<327680xi32, #tpu.memory_space<hbm>>, %arg4: memref<327680xi32, #tpu.memory_space<hbm>>, %arg5: memref<10000x128xf32, #tpu.memory_space<hbm>>, %arg6: memref<2x10000x128xf32, #tpu.memory_space<hbm>>, %arg7: memref<128xi32, #tpu.memory_space<vmem>>, %arg8: memref<128xi32, #tpu.memory_space<vmem>>, %arg9: memref<128xi32, #tpu.memory_space<vmem>>, %arg10: memref<128xi32, #tpu.memory_space<vmem>>, %arg11: memref<128x128xf32, #tpu.memory_space<vmem>>, %arg12: memref<128x128xf32, #tpu.memory_space<vmem>>, %arg13: memref<10128x128xf32, #tpu.memory_space<vmem_shared>>, %arg14: memref<!tpu.dma_semaphore, #tpu.memory_space<semaphore_mem>>, %arg15: memref<!tpu.dma_semaphore, #tpu.memory_space<semaphore_mem>>, %arg16: memref<!tpu.dma_semaphore, #tpu.memory_space<semaphore_mem>>, %arg17: memref<!tpu.dma_semaphore, #tpu.memory_space<semaphore_mem>>) attributes {dimension_semantics = [#tpu.dimension_semantics<core_parallel>, #tpu.dimension_semantics<subcore_parallel>], iteration_bounds = array<i64: 2, 16>, scalar_prefetch = 0 : i64, scratch_operands = 11 : i64, tpu.core_type = #tpu.core_type<sc_vector_subcore>, window_params = [{transform_indices = #map}, {transform_indices = #map1}, {transform_indices = #map1}, {transform_indices = #map}, {transform_indices = #map2}]} {
    %mul3A = arith.constant 16 : i32
    %mul3A_0 = arith.muli %arg0, %mul3A : i32
    %add3A = arith.addi %mul3A_0, %arg1 : i32
    %mul3A_1 = arith.constant 624 : i32
    %mul3A_2 = arith.muli %arg1, %mul3A_1 : i32
    %multiple_of3A = tpu.assume_multiple %mul3A_2, 8 : i32
    %lt3A = arith.constant 15 : i32
    %lt3A_3 = arith.cmpi slt, %arg1, %lt3A : i32
    %convert_element_type3A = arith.extui %lt3A_3 : i1 to i32
    %cond3A = arith.constant 0 : i32
    %cond3A_4 = arith.cmpi ne, %convert_element_type3A, %cond3A : i32
    scf.if %cond3A_4 {
      "tpu.region"() ({
        %run_scoped3A = tpu.sem_alloc : memref<!tpu.dma_semaphore, #tpu.memory_space<semaphore_mem>>
        %dma_start3A_59 = arith.constant 0 : i32
        %dma_start3A_60 = tpu.memref_slice %arg13[%multiple_of3A, %dma_start3A_59] : memref<10128x128xf32, #tpu.memory_space<vmem_shared>> -> memref<624x128xf32, #tpu.memory_space<vmem_shared>>
        %dma_start3A_61 = arith.constant 0 : i32
        %dma_start3A_62 = tpu.memref_slice %arg5[%multiple_of3A, %dma_start3A_61] : memref<10000x128xf32, #tpu.memory_space<hbm>> -> memref<624x128xf32, #tpu.memory_space<hbm>>
        tpu.enqueue_dma source(%dma_start3A_62 : memref<624x128xf32, #tpu.memory_space<hbm>>) target(%dma_start3A_60 : memref<624x128xf32, #tpu.memory_space<vmem_shared>>) target_semaphore(%run_scoped3A : memref<!tpu.dma_semaphore, #tpu.memory_space<semaphore_mem>>)
        %dma_wait3A = arith.constant 0 : i32
        %dma_wait3A_63 = tpu.memref_slice %arg13[%multiple_of3A, %dma_wait3A] : memref<10128x128xf32, #tpu.memory_space<vmem_shared>> -> memref<624x128xf32, #tpu.memory_space<vmem_shared>>
        %dma_wait3A_64 = arith.constant 0 : i32
        %dma_wait3A_65 = tpu.memref_slice %arg5[%multiple_of3A, %dma_wait3A_64] : memref<10000x128xf32, #tpu.memory_space<hbm>> -> memref<624x128xf32, #tpu.memory_space<hbm>>
        tpu.wait_dma2 semaphore(%run_scoped3A : memref<!tpu.dma_semaphore, #tpu.memory_space<semaphore_mem>>) src(%dma_wait3A_65 : memref<624x128xf32, #tpu.memory_space<hbm>>) dst(%dma_wait3A_63 : memref<624x128xf32, #tpu.memory_space<vmem_shared>>)
        tpu.yield
      }) : () -> ()
    } else {
    }
    %eq3A = arith.constant 15 : i32
    %eq3A_5 = arith.cmpi eq, %arg1, %eq3A : i32
    %convert_element_type3A_6 = arith.extui %eq3A_5 : i1 to i32
    %cond3A_7 = arith.constant 0 : i32
    %cond3A_8 = arith.cmpi ne, %convert_element_type3A_6, %cond3A_7 : i32
    scf.if %cond3A_8 {
      "tpu.region"() ({
        %run_scoped3A = tpu.sem_alloc : memref<!tpu.dma_semaphore, #tpu.memory_space<semaphore_mem>>
        %dma_start3A_59 = arith.constant 9360 : i32
        %dma_start3A_60 = arith.constant 0 : i32
        %dma_start3A_61 = tpu.memref_slice %arg13[%dma_start3A_59, %dma_start3A_60] : memref<10128x128xf32, #tpu.memory_space<vmem_shared>> -> memref<640x128xf32, #tpu.memory_space<vmem_shared>>
        %dma_start3A_62 = arith.constant 9360 : i32
        %dma_start3A_63 = arith.constant 0 : i32
        %dma_start3A_64 = tpu.memref_slice %arg5[%dma_start3A_62, %dma_start3A_63] : memref<10000x128xf32, #tpu.memory_space<hbm>> -> memref<640x128xf32, #tpu.memory_space<hbm>>
        tpu.enqueue_dma source(%dma_start3A_64 : memref<640x128xf32, #tpu.memory_space<hbm>>) target(%dma_start3A_61 : memref<640x128xf32, #tpu.memory_space<vmem_shared>>) target_semaphore(%run_scoped3A : memref<!tpu.dma_semaphore, #tpu.memory_space<semaphore_mem>>)
        %dma_wait3A = arith.constant 9360 : i32
        %dma_wait3A_65 = arith.constant 0 : i32
        %dma_wait3A_66 = tpu.memref_slice %arg13[%dma_wait3A, %dma_wait3A_65] : memref<10128x128xf32, #tpu.memory_space<vmem_shared>> -> memref<640x128xf32, #tpu.memory_space<vmem_shared>>
        %dma_wait3A_67 = arith.constant 9360 : i32
        %dma_wait3A_68 = arith.constant 0 : i32
        %dma_wait3A_69 = tpu.memref_slice %arg5[%dma_wait3A_67, %dma_wait3A_68] : memref<10000x128xf32, #tpu.memory_space<hbm>> -> memref<640x128xf32, #tpu.memory_space<hbm>>
        tpu.wait_dma2 semaphore(%run_scoped3A : memref<!tpu.dma_semaphore, #tpu.memory_space<semaphore_mem>>) src(%dma_wait3A_69 : memref<640x128xf32, #tpu.memory_space<hbm>>) dst(%dma_wait3A_66 : memref<640x128xf32, #tpu.memory_space<vmem_shared>>)
        tpu.yield
      }) : () -> ()
    } else {
    }
    %barrier3A = arith.constant 0 : index
    tpu.barrier barrier_id(%barrier3A)
    %mul3A_9 = arith.constant 16 : i32
    %mul3A_10 = arith.muli %arg0, %mul3A_9 : i32
    %add3A_11 = arith.addi %mul3A_10, %arg1 : i32
    %mul3A_12 = arith.constant 128 : i32
    %mul3A_13 = arith.muli %add3A_11, %mul3A_12 : i32
    "tpu.region"() ({
      %run_scoped3A = tpu.sem_alloc : memref<!tpu.dma_semaphore, #tpu.memory_space<semaphore_mem>>
      %dma_start3A_59 = tpu.memref_slice %arg3[%mul3A_13] : memref<327680xi32, #tpu.memory_space<hbm>> -> memref<128xi32, #tpu.memory_space<hbm>>
      %dma_start3A_60 = tpu.memref_slice %arg3[%mul3A_13] : memref<327680xi32, #tpu.memory_space<hbm>> -> memref<128xi32, #tpu.memory_space<hbm>>
      tpu.enqueue_dma source(%dma_start3A_60 : memref<128xi32, #tpu.memory_space<hbm>>) target(%arg7 : memref<128xi32, #tpu.memory_space<vmem>>) target_semaphore(%run_scoped3A : memref<!tpu.dma_semaphore, #tpu.memory_space<semaphore_mem>>)
      %dma_wait3A = tpu.memref_slice %arg3[%mul3A_13] : memref<327680xi32, #tpu.memory_space<hbm>> -> memref<128xi32, #tpu.memory_space<hbm>>
      %dma_wait3A_61 = tpu.memref_slice %arg3[%mul3A_13] : memref<327680xi32, #tpu.memory_space<hbm>> -> memref<128xi32, #tpu.memory_space<hbm>>
      tpu.wait_dma2 semaphore(%run_scoped3A : memref<!tpu.dma_semaphore, #tpu.memory_space<semaphore_mem>>) src(%dma_wait3A_61 : memref<128xi32, #tpu.memory_space<hbm>>) dst(%arg7 : memref<128xi32, #tpu.memory_space<vmem>>)
      tpu.yield
    }) : () -> ()
    %dma_start3A = arith.constant 0 : i32
    %dma_start3A_14 = arith.constant 0 : i32
    %dma_start3A_15 = tpu.memref_slice %arg2[%dma_start3A, %dma_start3A_14] : memref<10000x128xf32, #tpu.memory_space<hbm>> -> memref<10000x128xf32, #tpu.memory_space<hbm>>
    tpu.enqueue_indirect_dma source(%dma_start3A_15 : memref<10000x128xf32, #tpu.memory_space<hbm>>) target(%arg11 : memref<128x128xf32, #tpu.memory_space<vmem>>) offsets(%arg7 : memref<128xi32, #tpu.memory_space<vmem>>) semaphore(%arg14 : memref<!tpu.dma_semaphore, #tpu.memory_space<semaphore_mem>>)
    %mul3A_16 = arith.constant 128 : i32
    %mul3A_17 = arith.muli %add3A_11, %mul3A_16 : i32
    %dma_start3A_18 = tpu.memref_slice %arg4[%mul3A_17] : memref<327680xi32, #tpu.memory_space<hbm>> -> memref<128xi32, #tpu.memory_space<hbm>>
    %dma_start3A_19 = tpu.memref_slice %arg4[%mul3A_17] : memref<327680xi32, #tpu.memory_space<hbm>> -> memref<128xi32, #tpu.memory_space<hbm>>
    tpu.enqueue_dma source(%dma_start3A_19 : memref<128xi32, #tpu.memory_space<hbm>>) target(%arg9 : memref<128xi32, #tpu.memory_space<vmem>>) target_semaphore(%arg16 : memref<!tpu.dma_semaphore, #tpu.memory_space<semaphore_mem>>)
    %add3A_20 = arith.constant 32 : i32
    %add3A_21 = arith.addi %add3A_11, %add3A_20 : i32
    %mul3A_22 = arith.constant 128 : i32
    %mul3A_23 = arith.muli %add3A_21, %mul3A_22 : i32
    "tpu.region"() ({
      %run_scoped3A = tpu.sem_alloc : memref<!tpu.dma_semaphore, #tpu.memory_space<semaphore_mem>>
      %dma_start3A_59 = tpu.memref_slice %arg3[%mul3A_23] : memref<327680xi32, #tpu.memory_space<hbm>> -> memref<128xi32, #tpu.memory_space<hbm>>
      %dma_start3A_60 = tpu.memref_slice %arg3[%mul3A_23] : memref<327680xi32, #tpu.memory_space<hbm>> -> memref<128xi32, #tpu.memory_space<hbm>>
      tpu.enqueue_dma source(%dma_start3A_60 : memref<128xi32, #tpu.memory_space<hbm>>) target(%arg8 : memref<128xi32, #tpu.memory_space<vmem>>) target_semaphore(%run_scoped3A : memref<!tpu.dma_semaphore, #tpu.memory_space<semaphore_mem>>)
      %dma_wait3A = tpu.memref_slice %arg3[%mul3A_23] : memref<327680xi32, #tpu.memory_space<hbm>> -> memref<128xi32, #tpu.memory_space<hbm>>
      %dma_wait3A_61 = tpu.memref_slice %arg3[%mul3A_23] : memref<327680xi32, #tpu.memory_space<hbm>> -> memref<128xi32, #tpu.memory_space<hbm>>
      tpu.wait_dma2 semaphore(%run_scoped3A : memref<!tpu.dma_semaphore, #tpu.memory_space<semaphore_mem>>) src(%dma_wait3A_61 : memref<128xi32, #tpu.memory_space<hbm>>) dst(%arg8 : memref<128xi32, #tpu.memory_space<vmem>>)
      tpu.yield
    }) : () -> ()
    %dma_start3A_24 = arith.constant 0 : i32
    %dma_start3A_25 = arith.constant 0 : i32
    %dma_start3A_26 = tpu.memref_slice %arg2[%dma_start3A_24, %dma_start3A_25] : memref<10000x128xf32, #tpu.memory_space<hbm>> -> memref<10000x128xf32, #tpu.memory_space<hbm>>
    tpu.enqueue_indirect_dma source(%dma_start3A_26 : memref<10000x128xf32, #tpu.memory_space<hbm>>) target(%arg12 : memref<128x128xf32, #tpu.memory_space<vmem>>) offsets(%arg8 : memref<128xi32, #tpu.memory_space<vmem>>) semaphore(%arg15 : memref<!tpu.dma_semaphore, #tpu.memory_space<semaphore_mem>>)
    %add3A_27 = arith.constant 32 : i32
    %add3A_28 = arith.addi %add3A_11, %add3A_27 : i32
    %mul3A_29 = arith.constant 128 : i32
    %mul3A_30 = arith.muli %add3A_28, %mul3A_29 : i32
    %dma_start3A_31 = tpu.memref_slice %arg4[%mul3A_30] : memref<327680xi32, #tpu.memory_space<hbm>> -> memref<128xi32, #tpu.memory_space<hbm>>
    %dma_start3A_32 = tpu.memref_slice %arg4[%mul3A_30] : memref<327680xi32, #tpu.memory_space<hbm>> -> memref<128xi32, #tpu.memory_space<hbm>>
    tpu.enqueue_dma source(%dma_start3A_32 : memref<128xi32, #tpu.memory_space<hbm>>) target(%arg10 : memref<128xi32, #tpu.memory_space<vmem>>) target_semaphore(%arg17 : memref<!tpu.dma_semaphore, #tpu.memory_space<semaphore_mem>>)
    %sub3A = arith.constant 2500 : i32
    %sub3A_33 = arith.subi %sub3A, %add3A_11 : i32
    %sub3A_34 = arith.constant 64 : i32
    %sub3A_35 = arith.constant 1 : i32
    %sub3A_36 = arith.subi %sub3A_34, %sub3A_35 : i32
    %add3A_37 = arith.addi %sub3A_33, %sub3A_36 : i32
    %div3A = arith.constant 64 : i32
    %div3A_38 = arith.divsi %add3A_37, %div3A : i32
    %while3A = arith.constant 64 : i32
    %while3A_39 = arith.constant 0 : i32
    %while3A_40 = arith.subi %div3A_38, %while3A_39 : i32
    %while3A_41 = arith.addi %while3A_39, %while3A_40 : i32
    %while3A_42 = arith.constant 1 : i32
    %while3A_43 = arith.divsi %while3A_40, %while3A_42 : i32
    %while3A_44 = arith.muli %while3A_43, %while3A_42 : i32
    %while3A_45 = arith.addi %while3A_39, %while3A_44 : i32
    %while3A_46 = arith.constant 1 : i32
    scf.for %while3A_59 = %while3A_39 to %while3A_45 step %while3A_46  : i32 {
      %mul3A_60 = arith.muli %while3A_59, %while3A : i32
      %add3A_61 = arith.addi %add3A_11, %mul3A_60 : i32
      %mul3A_62 = arith.constant 128 : i32
      %mul3A_63 = arith.muli %add3A_61, %mul3A_62 : i32
      %dma_wait3A = tpu.memref_slice %arg4[%mul3A_63] : memref<327680xi32, #tpu.memory_space<hbm>> -> memref<128xi32, #tpu.memory_space<hbm>>
      %dma_wait3A_64 = tpu.memref_slice %arg4[%mul3A_63] : memref<327680xi32, #tpu.memory_space<hbm>> -> memref<128xi32, #tpu.memory_space<hbm>>
      tpu.wait_dma2 semaphore(%arg16 : memref<!tpu.dma_semaphore, #tpu.memory_space<semaphore_mem>>) src(%dma_wait3A_64 : memref<128xi32, #tpu.memory_space<hbm>>) dst(%arg9 : memref<128xi32, #tpu.memory_space<vmem>>)
      %dma_wait3A_65 = arith.constant 0 : i32
      %dma_wait3A_66 = arith.constant 0 : i32
      %dma_wait3A_67 = tpu.memref_slice %arg2[%dma_wait3A_65, %dma_wait3A_66] : memref<10000x128xf32, #tpu.memory_space<hbm>> -> memref<10000x128xf32, #tpu.memory_space<hbm>>
      tpu.wait_indirect_dma semaphore(%arg14 : memref<!tpu.dma_semaphore, #tpu.memory_space<semaphore_mem>>) src(%dma_wait3A_67 : memref<10000x128xf32, #tpu.memory_space<hbm>>) dst(%arg11 : memref<128x128xf32, #tpu.memory_space<vmem>>)
      "tpu.region"() ({
        %run_scoped3A = tpu.sem_alloc : memref<!tpu.dma_semaphore, #tpu.memory_space<semaphore_mem>>
        %dma_start3A_89 = arith.constant 0 : i32
        %dma_start3A_90 = arith.constant 0 : i32
        %dma_start3A_91 = tpu.memref_slice %arg13[%dma_start3A_89, %dma_start3A_90] : memref<10128x128xf32, #tpu.memory_space<vmem_shared>> -> memref<10128x128xf32, #tpu.memory_space<vmem_shared>>
        tpu.enqueue_indirect_dma source(%arg11 : memref<128x128xf32, #tpu.memory_space<vmem>>) target(%dma_start3A_91 : memref<10128x128xf32, #tpu.memory_space<vmem_shared>>) offsets(%arg9 : memref<128xi32, #tpu.memory_space<vmem>>) semaphore(%run_scoped3A : memref<!tpu.dma_semaphore, #tpu.memory_space<semaphore_mem>>) {add = true}
        %dma_wait3A_92 = arith.constant 0 : i32
        %dma_wait3A_93 = arith.constant 0 : i32
        %dma_wait3A_94 = tpu.memref_slice %arg13[%dma_wait3A_92, %dma_wait3A_93] : memref<10128x128xf32, #tpu.memory_space<vmem_shared>> -> memref<10128x128xf32, #tpu.memory_space<vmem_shared>>
        tpu.wait_indirect_dma semaphore(%run_scoped3A : memref<!tpu.dma_semaphore, #tpu.memory_space<semaphore_mem>>) src(%arg11 : memref<128x128xf32, #tpu.memory_space<vmem>>) dst(%dma_wait3A_94 : memref<10128x128xf32, #tpu.memory_space<vmem_shared>>)
        tpu.yield
      }) : () -> ()
      %add3A_68 = arith.constant 64 : i32
      %add3A_69 = arith.addi %add3A_61, %add3A_68 : i32
      %lt3A_70 = arith.constant 2500 : i32
      %lt3A_71 = arith.cmpi slt, %add3A_69, %lt3A_70 : i32
      %convert_element_type3A_72 = arith.extui %lt3A_71 : i1 to i32
      %cond3A_73 = arith.constant 0 : i32
      %cond3A_74 = arith.cmpi ne, %convert_element_type3A_72, %cond3A_73 : i32
      scf.if %cond3A_74 {
        %add3A_89 = arith.constant 64 : i32
        %add3A_90 = arith.addi %add3A_61, %add3A_89 : i32
        %mul3A_91 = arith.constant 128 : i32
        %mul3A_92 = arith.muli %add3A_90, %mul3A_91 : i32
        "tpu.region"() ({
          %run_scoped3A = tpu.sem_alloc : memref<!tpu.dma_semaphore, #tpu.memory_space<semaphore_mem>>
          %dma_start3A_102 = tpu.memref_slice %arg3[%mul3A_92] : memref<327680xi32, #tpu.memory_space<hbm>> -> memref<128xi32, #tpu.memory_space<hbm>>
          %dma_start3A_103 = tpu.memref_slice %arg3[%mul3A_92] : memref<327680xi32, #tpu.memory_space<hbm>> -> memref<128xi32, #tpu.memory_space<hbm>>
          tpu.enqueue_dma source(%dma_start3A_103 : memref<128xi32, #tpu.memory_space<hbm>>) target(%arg7 : memref<128xi32, #tpu.memory_space<vmem>>) target_semaphore(%run_scoped3A : memref<!tpu.dma_semaphore, #tpu.memory_space<semaphore_mem>>)
          %dma_wait3A_104 = tpu.memref_slice %arg3[%mul3A_92] : memref<327680xi32, #tpu.memory_space<hbm>> -> memref<128xi32, #tpu.memory_space<hbm>>
          %dma_wait3A_105 = tpu.memref_slice %arg3[%mul3A_92] : memref<327680xi32, #tpu.memory_space<hbm>> -> memref<128xi32, #tpu.memory_space<hbm>>
          tpu.wait_dma2 semaphore(%run_scoped3A : memref<!tpu.dma_semaphore, #tpu.memory_space<semaphore_mem>>) src(%dma_wait3A_105 : memref<128xi32, #tpu.memory_space<hbm>>) dst(%arg7 : memref<128xi32, #tpu.memory_space<vmem>>)
          tpu.yield
        }) : () -> ()
        %dma_start3A_93 = arith.constant 0 : i32
        %dma_start3A_94 = arith.constant 0 : i32
        %dma_start3A_95 = tpu.memref_slice %arg2[%dma_start3A_93, %dma_start3A_94] : memref<10000x128xf32, #tpu.memory_space<hbm>> -> memref<10000x128xf32, #tpu.memory_space<hbm>>
        tpu.enqueue_indirect_dma source(%dma_start3A_95 : memref<10000x128xf32, #tpu.memory_space<hbm>>) target(%arg11 : memref<128x128xf32, #tpu.memory_space<vmem>>) offsets(%arg7 : memref<128xi32, #tpu.memory_space<vmem>>) semaphore(%arg14 : memref<!tpu.dma_semaphore, #tpu.memory_space<semaphore_mem>>)
        %add3A_96 = arith.constant 64 : i32
        %add3A_97 = arith.addi %add3A_61, %add3A_96 : i32
        %mul3A_98 = arith.constant 128 : i32
        %mul3A_99 = arith.muli %add3A_97, %mul3A_98 : i32
        %dma_start3A_100 = tpu.memref_slice %arg4[%mul3A_99] : memref<327680xi32, #tpu.memory_space<hbm>> -> memref<128xi32, #tpu.memory_space<hbm>>
        %dma_start3A_101 = tpu.memref_slice %arg4[%mul3A_99] : memref<327680xi32, #tpu.memory_space<hbm>> -> memref<128xi32, #tpu.memory_space<hbm>>
        tpu.enqueue_dma source(%dma_start3A_101 : memref<128xi32, #tpu.memory_space<hbm>>) target(%arg9 : memref<128xi32, #tpu.memory_space<vmem>>) target_semaphore(%arg16 : memref<!tpu.dma_semaphore, #tpu.memory_space<semaphore_mem>>)
      } else {
      }
      %add3A_75 = arith.constant 32 : i32
      %add3A_76 = arith.addi %add3A_61, %add3A_75 : i32
      %lt3A_77 = arith.constant 2500 : i32
      %lt3A_78 = arith.cmpi slt, %add3A_76, %lt3A_77 : i32
      %convert_element_type3A_79 = arith.extui %lt3A_78 : i1 to i32
      %cond3A_80 = arith.constant 0 : i32
      %cond3A_81 = arith.cmpi ne, %convert_element_type3A_79, %cond3A_80 : i32
      scf.if %cond3A_81 {
        %add3A_89 = arith.constant 32 : i32
        %add3A_90 = arith.addi %add3A_61, %add3A_89 : i32
        %mul3A_91 = arith.constant 128 : i32
        %mul3A_92 = arith.muli %add3A_90, %mul3A_91 : i32
        %dma_wait3A_93 = tpu.memref_slice %arg4[%mul3A_92] : memref<327680xi32, #tpu.memory_space<hbm>> -> memref<128xi32, #tpu.memory_space<hbm>>
        %dma_wait3A_94 = tpu.memref_slice %arg4[%mul3A_92] : memref<327680xi32, #tpu.memory_space<hbm>> -> memref<128xi32, #tpu.memory_space<hbm>>
        tpu.wait_dma2 semaphore(%arg17 : memref<!tpu.dma_semaphore, #tpu.memory_space<semaphore_mem>>) src(%dma_wait3A_94 : memref<128xi32, #tpu.memory_space<hbm>>) dst(%arg10 : memref<128xi32, #tpu.memory_space<vmem>>)
        %dma_wait3A_95 = arith.constant 0 : i32
        %dma_wait3A_96 = arith.constant 0 : i32
        %dma_wait3A_97 = tpu.memref_slice %arg2[%dma_wait3A_95, %dma_wait3A_96] : memref<10000x128xf32, #tpu.memory_space<hbm>> -> memref<10000x128xf32, #tpu.memory_space<hbm>>
        tpu.wait_indirect_dma semaphore(%arg15 : memref<!tpu.dma_semaphore, #tpu.memory_space<semaphore_mem>>) src(%dma_wait3A_97 : memref<10000x128xf32, #tpu.memory_space<hbm>>) dst(%arg12 : memref<128x128xf32, #tpu.memory_space<vmem>>)
        "tpu.region"() ({
          %run_scoped3A = tpu.sem_alloc : memref<!tpu.dma_semaphore, #tpu.memory_space<semaphore_mem>>
          %dma_start3A_98 = arith.constant 0 : i32
          %dma_start3A_99 = arith.constant 0 : i32
          %dma_start3A_100 = tpu.memref_slice %arg13[%dma_start3A_98, %dma_start3A_99] : memref<10128x128xf32, #tpu.memory_space<vmem_shared>> -> memref<10128x128xf32, #tpu.memory_space<vmem_shared>>
          tpu.enqueue_indirect_dma source(%arg12 : memref<128x128xf32, #tpu.memory_space<vmem>>) target(%dma_start3A_100 : memref<10128x128xf32, #tpu.memory_space<vmem_shared>>) offsets(%arg10 : memref<128xi32, #tpu.memory_space<vmem>>) semaphore(%run_scoped3A : memref<!tpu.dma_semaphore, #tpu.memory_space<semaphore_mem>>) {add = true}
          %dma_wait3A_101 = arith.constant 0 : i32
          %dma_wait3A_102 = arith.constant 0 : i32
          %dma_wait3A_103 = tpu.memref_slice %arg13[%dma_wait3A_101, %dma_wait3A_102] : memref<10128x128xf32, #tpu.memory_space<vmem_shared>> -> memref<10128x128xf32, #tpu.memory_space<vmem_shared>>
          tpu.wait_indirect_dma semaphore(%run_scoped3A : memref<!tpu.dma_semaphore, #tpu.memory_space<semaphore_mem>>) src(%arg12 : memref<128x128xf32, #tpu.memory_space<vmem>>) dst(%dma_wait3A_103 : memref<10128x128xf32, #tpu.memory_space<vmem_shared>>)
          tpu.yield
        }) : () -> ()
      } else {
      }
      %add3A_82 = arith.constant 96 : i32
      %add3A_83 = arith.addi %add3A_61, %add3A_82 : i32
      %lt3A_84 = arith.constant 2500 : i32
      %lt3A_85 = arith.cmpi slt, %add3A_83, %lt3A_84 : i32
      %convert_element_type3A_86 = arith.extui %lt3A_85 : i1 to i32
      %cond3A_87 = arith.constant 0 : i32
      %cond3A_88 = arith.cmpi ne, %convert_element_type3A_86, %cond3A_87 : i32
      scf.if %cond3A_88 {
        %add3A_89 = arith.constant 96 : i32
        %add3A_90 = arith.addi %add3A_61, %add3A_89 : i32
        %mul3A_91 = arith.constant 128 : i32
        %mul3A_92 = arith.muli %add3A_90, %mul3A_91 : i32
        "tpu.region"() ({
          %run_scoped3A = tpu.sem_alloc : memref<!tpu.dma_semaphore, #tpu.memory_space<semaphore_mem>>
          %dma_start3A_102 = tpu.memref_slice %arg3[%mul3A_92] : memref<327680xi32, #tpu.memory_space<hbm>> -> memref<128xi32, #tpu.memory_space<hbm>>
          %dma_start3A_103 = tpu.memref_slice %arg3[%mul3A_92] : memref<327680xi32, #tpu.memory_space<hbm>> -> memref<128xi32, #tpu.memory_space<hbm>>
          tpu.enqueue_dma source(%dma_start3A_103 : memref<128xi32, #tpu.memory_space<hbm>>) target(%arg8 : memref<128xi32, #tpu.memory_space<vmem>>) target_semaphore(%run_scoped3A : memref<!tpu.dma_semaphore, #tpu.memory_space<semaphore_mem>>)
          %dma_wait3A_104 = tpu.memref_slice %arg3[%mul3A_92] : memref<327680xi32, #tpu.memory_space<hbm>> -> memref<128xi32, #tpu.memory_space<hbm>>
          %dma_wait3A_105 = tpu.memref_slice %arg3[%mul3A_92] : memref<327680xi32, #tpu.memory_space<hbm>> -> memref<128xi32, #tpu.memory_space<hbm>>
          tpu.wait_dma2 semaphore(%run_scoped3A : memref<!tpu.dma_semaphore, #tpu.memory_space<semaphore_mem>>) src(%dma_wait3A_105 : memref<128xi32, #tpu.memory_space<hbm>>) dst(%arg8 : memref<128xi32, #tpu.memory_space<vmem>>)
          tpu.yield
        }) : () -> ()
        %dma_start3A_93 = arith.constant 0 : i32
        %dma_start3A_94 = arith.constant 0 : i32
        %dma_start3A_95 = tpu.memref_slice %arg2[%dma_start3A_93, %dma_start3A_94] : memref<10000x128xf32, #tpu.memory_space<hbm>> -> memref<10000x128xf32, #tpu.memory_space<hbm>>
        tpu.enqueue_indirect_dma source(%dma_start3A_95 : memref<10000x128xf32, #tpu.memory_space<hbm>>) target(%arg12 : memref<128x128xf32, #tpu.memory_space<vmem>>) offsets(%arg8 : memref<128xi32, #tpu.memory_space<vmem>>) semaphore(%arg15 : memref<!tpu.dma_semaphore, #tpu.memory_space<semaphore_mem>>)
        %add3A_96 = arith.constant 96 : i32
        %add3A_97 = arith.addi %add3A_61, %add3A_96 : i32
        %mul3A_98 = arith.constant 128 : i32
        %mul3A_99 = arith.muli %add3A_97, %mul3A_98 : i32
        %dma_start3A_100 = tpu.memref_slice %arg4[%mul3A_99] : memref<327680xi32, #tpu.memory_space<hbm>> -> memref<128xi32, #tpu.memory_space<hbm>>
        %dma_start3A_101 = tpu.memref_slice %arg4[%mul3A_99] : memref<327680xi32, #tpu.memory_space<hbm>> -> memref<128xi32, #tpu.memory_space<hbm>>
        tpu.enqueue_dma source(%dma_start3A_101 : memref<128xi32, #tpu.memory_space<hbm>>) target(%arg10 : memref<128xi32, #tpu.memory_space<vmem>>) target_semaphore(%arg17 : memref<!tpu.dma_semaphore, #tpu.memory_space<semaphore_mem>>)
      } else {
      }
    }
    %while3A_47 = arith.constant 1 : i32
    scf.for %while3A_59 = %while3A_45 to %while3A_41 step %while3A_47  : i32 {
      %mul3A_60 = arith.muli %while3A_59, %while3A : i32
      %add3A_61 = arith.addi %add3A_11, %mul3A_60 : i32
      %mul3A_62 = arith.constant 128 : i32
      %mul3A_63 = arith.muli %add3A_61, %mul3A_62 : i32
      %dma_wait3A = tpu.memref_slice %arg4[%mul3A_63] : memref<327680xi32, #tpu.memory_space<hbm>> -> memref<128xi32, #tpu.memory_space<hbm>>
      %dma_wait3A_64 = tpu.memref_slice %arg4[%mul3A_63] : memref<327680xi32, #tpu.memory_space<hbm>> -> memref<128xi32, #tpu.memory_space<hbm>>
      tpu.wait_dma2 semaphore(%arg16 : memref<!tpu.dma_semaphore, #tpu.memory_space<semaphore_mem>>) src(%dma_wait3A_64 : memref<128xi32, #tpu.memory_space<hbm>>) dst(%arg9 : memref<128xi32, #tpu.memory_space<vmem>>)
      %dma_wait3A_65 = arith.constant 0 : i32
      %dma_wait3A_66 = arith.constant 0 : i32
      %dma_wait3A_67 = tpu.memref_slice %arg2[%dma_wait3A_65, %dma_wait3A_66] : memref<10000x128xf32, #tpu.memory_space<hbm>> -> memref<10000x128xf32, #tpu.memory_space<hbm>>
      tpu.wait_indirect_dma semaphore(%arg14 : memref<!tpu.dma_semaphore, #tpu.memory_space<semaphore_mem>>) src(%dma_wait3A_67 : memref<10000x128xf32, #tpu.memory_space<hbm>>) dst(%arg11 : memref<128x128xf32, #tpu.memory_space<vmem>>)
      "tpu.region"() ({
        %run_scoped3A = tpu.sem_alloc : memref<!tpu.dma_semaphore, #tpu.memory_space<semaphore_mem>>
        %dma_start3A_89 = arith.constant 0 : i32
        %dma_start3A_90 = arith.constant 0 : i32
        %dma_start3A_91 = tpu.memref_slice %arg13[%dma_start3A_89, %dma_start3A_90] : memref<10128x128xf32, #tpu.memory_space<vmem_shared>> -> memref<10128x128xf32, #tpu.memory_space<vmem_shared>>
        tpu.enqueue_indirect_dma source(%arg11 : memref<128x128xf32, #tpu.memory_space<vmem>>) target(%dma_start3A_91 : memref<10128x128xf32, #tpu.memory_space<vmem_shared>>) offsets(%arg9 : memref<128xi32, #tpu.memory_space<vmem>>) semaphore(%run_scoped3A : memref<!tpu.dma_semaphore, #tpu.memory_space<semaphore_mem>>) {add = true}
        %dma_wait3A_92 = arith.constant 0 : i32
        %dma_wait3A_93 = arith.constant 0 : i32
        %dma_wait3A_94 = tpu.memref_slice %arg13[%dma_wait3A_92, %dma_wait3A_93] : memref<10128x128xf32, #tpu.memory_space<vmem_shared>> -> memref<10128x128xf32, #tpu.memory_space<vmem_shared>>
        tpu.wait_indirect_dma semaphore(%run_scoped3A : memref<!tpu.dma_semaphore, #tpu.memory_space<semaphore_mem>>) src(%arg11 : memref<128x128xf32, #tpu.memory_space<vmem>>) dst(%dma_wait3A_94 : memref<10128x128xf32, #tpu.memory_space<vmem_shared>>)
        tpu.yield
      }) : () -> ()
      %add3A_68 = arith.constant 64 : i32
      %add3A_69 = arith.addi %add3A_61, %add3A_68 : i32
      %lt3A_70 = arith.constant 2500 : i32
      %lt3A_71 = arith.cmpi slt, %add3A_69, %lt3A_70 : i32
      %convert_element_type3A_72 = arith.extui %lt3A_71 : i1 to i32
      %cond3A_73 = arith.constant 0 : i32
      %cond3A_74 = arith.cmpi ne, %convert_element_type3A_72, %cond3A_73 : i32
      scf.if %cond3A_74 {
        %add3A_89 = arith.constant 64 : i32
        %add3A_90 = arith.addi %add3A_61, %add3A_89 : i32
        %mul3A_91 = arith.constant 128 : i32
        %mul3A_92 = arith.muli %add3A_90, %mul3A_91 : i32
        "tpu.region"() ({
          %run_scoped3A = tpu.sem_alloc : memref<!tpu.dma_semaphore, #tpu.memory_space<semaphore_mem>>
          %dma_start3A_102 = tpu.memref_slice %arg3[%mul3A_92] : memref<327680xi32, #tpu.memory_space<hbm>> -> memref<128xi32, #tpu.memory_space<hbm>>
          %dma_start3A_103 = tpu.memref_slice %arg3[%mul3A_92] : memref<327680xi32, #tpu.memory_space<hbm>> -> memref<128xi32, #tpu.memory_space<hbm>>
          tpu.enqueue_dma source(%dma_start3A_103 : memref<128xi32, #tpu.memory_space<hbm>>) target(%arg7 : memref<128xi32, #tpu.memory_space<vmem>>) target_semaphore(%run_scoped3A : memref<!tpu.dma_semaphore, #tpu.memory_space<semaphore_mem>>)
          %dma_wait3A_104 = tpu.memref_slice %arg3[%mul3A_92] : memref<327680xi32, #tpu.memory_space<hbm>> -> memref<128xi32, #tpu.memory_space<hbm>>
          %dma_wait3A_105 = tpu.memref_slice %arg3[%mul3A_92] : memref<327680xi32, #tpu.memory_space<hbm>> -> memref<128xi32, #tpu.memory_space<hbm>>
          tpu.wait_dma2 semaphore(%run_scoped3A : memref<!tpu.dma_semaphore, #tpu.memory_space<semaphore_mem>>) src(%dma_wait3A_105 : memref<128xi32, #tpu.memory_space<hbm>>) dst(%arg7 : memref<128xi32, #tpu.memory_space<vmem>>)
          tpu.yield
        }) : () -> ()
        %dma_start3A_93 = arith.constant 0 : i32
        %dma_start3A_94 = arith.constant 0 : i32
        %dma_start3A_95 = tpu.memref_slice %arg2[%dma_start3A_93, %dma_start3A_94] : memref<10000x128xf32, #tpu.memory_space<hbm>> -> memref<10000x128xf32, #tpu.memory_space<hbm>>
        tpu.enqueue_indirect_dma source(%dma_start3A_95 : memref<10000x128xf32, #tpu.memory_space<hbm>>) target(%arg11 : memref<128x128xf32, #tpu.memory_space<vmem>>) offsets(%arg7 : memref<128xi32, #tpu.memory_space<vmem>>) semaphore(%arg14 : memref<!tpu.dma_semaphore, #tpu.memory_space<semaphore_mem>>)
        %add3A_96 = arith.constant 64 : i32
        %add3A_97 = arith.addi %add3A_61, %add3A_96 : i32
        %mul3A_98 = arith.constant 128 : i32
        %mul3A_99 = arith.muli %add3A_97, %mul3A_98 : i32
        %dma_start3A_100 = tpu.memref_slice %arg4[%mul3A_99] : memref<327680xi32, #tpu.memory_space<hbm>> -> memref<128xi32, #tpu.memory_space<hbm>>
        %dma_start3A_101 = tpu.memref_slice %arg4[%mul3A_99] : memref<327680xi32, #tpu.memory_space<hbm>> -> memref<128xi32, #tpu.memory_space<hbm>>
        tpu.enqueue_dma source(%dma_start3A_101 : memref<128xi32, #tpu.memory_space<hbm>>) target(%arg9 : memref<128xi32, #tpu.memory_space<vmem>>) target_semaphore(%arg16 : memref<!tpu.dma_semaphore, #tpu.memory_space<semaphore_mem>>)
      } else {
      }
      %add3A_75 = arith.constant 32 : i32
      %add3A_76 = arith.addi %add3A_61, %add3A_75 : i32
      %lt3A_77 = arith.constant 2500 : i32
      %lt3A_78 = arith.cmpi slt, %add3A_76, %lt3A_77 : i32
      %convert_element_type3A_79 = arith.extui %lt3A_78 : i1 to i32
      %cond3A_80 = arith.constant 0 : i32
      %cond3A_81 = arith.cmpi ne, %convert_element_type3A_79, %cond3A_80 : i32
      scf.if %cond3A_81 {
        %add3A_89 = arith.constant 32 : i32
        %add3A_90 = arith.addi %add3A_61, %add3A_89 : i32
        %mul3A_91 = arith.constant 128 : i32
        %mul3A_92 = arith.muli %add3A_90, %mul3A_91 : i32
        %dma_wait3A_93 = tpu.memref_slice %arg4[%mul3A_92] : memref<327680xi32, #tpu.memory_space<hbm>> -> memref<128xi32, #tpu.memory_space<hbm>>
        %dma_wait3A_94 = tpu.memref_slice %arg4[%mul3A_92] : memref<327680xi32, #tpu.memory_space<hbm>> -> memref<128xi32, #tpu.memory_space<hbm>>
        tpu.wait_dma2 semaphore(%arg17 : memref<!tpu.dma_semaphore, #tpu.memory_space<semaphore_mem>>) src(%dma_wait3A_94 : memref<128xi32, #tpu.memory_space<hbm>>) dst(%arg10 : memref<128xi32, #tpu.memory_space<vmem>>)
        %dma_wait3A_95 = arith.constant 0 : i32
        %dma_wait3A_96 = arith.constant 0 : i32
        %dma_wait3A_97 = tpu.memref_slice %arg2[%dma_wait3A_95, %dma_wait3A_96] : memref<10000x128xf32, #tpu.memory_space<hbm>> -> memref<10000x128xf32, #tpu.memory_space<hbm>>
        tpu.wait_indirect_dma semaphore(%arg15 : memref<!tpu.dma_semaphore, #tpu.memory_space<semaphore_mem>>) src(%dma_wait3A_97 : memref<10000x128xf32, #tpu.memory_space<hbm>>) dst(%arg12 : memref<128x128xf32, #tpu.memory_space<vmem>>)
        "tpu.region"() ({
          %run_scoped3A = tpu.sem_alloc : memref<!tpu.dma_semaphore, #tpu.memory_space<semaphore_mem>>
          %dma_start3A_98 = arith.constant 0 : i32
          %dma_start3A_99 = arith.constant 0 : i32
          %dma_start3A_100 = tpu.memref_slice %arg13[%dma_start3A_98, %dma_start3A_99] : memref<10128x128xf32, #tpu.memory_space<vmem_shared>> -> memref<10128x128xf32, #tpu.memory_space<vmem_shared>>
          tpu.enqueue_indirect_dma source(%arg12 : memref<128x128xf32, #tpu.memory_space<vmem>>) target(%dma_start3A_100 : memref<10128x128xf32, #tpu.memory_space<vmem_shared>>) offsets(%arg10 : memref<128xi32, #tpu.memory_space<vmem>>) semaphore(%run_scoped3A : memref<!tpu.dma_semaphore, #tpu.memory_space<semaphore_mem>>) {add = true}
          %dma_wait3A_101 = arith.constant 0 : i32
          %dma_wait3A_102 = arith.constant 0 : i32
          %dma_wait3A_103 = tpu.memref_slice %arg13[%dma_wait3A_101, %dma_wait3A_102] : memref<10128x128xf32, #tpu.memory_space<vmem_shared>> -> memref<10128x128xf32, #tpu.memory_space<vmem_shared>>
          tpu.wait_indirect_dma semaphore(%run_scoped3A : memref<!tpu.dma_semaphore, #tpu.memory_space<semaphore_mem>>) src(%arg12 : memref<128x128xf32, #tpu.memory_space<vmem>>) dst(%dma_wait3A_103 : memref<10128x128xf32, #tpu.memory_space<vmem_shared>>)
          tpu.yield
        }) : () -> ()
      } else {
      }
      %add3A_82 = arith.constant 96 : i32
      %add3A_83 = arith.addi %add3A_61, %add3A_82 : i32
      %lt3A_84 = arith.constant 2500 : i32
      %lt3A_85 = arith.cmpi slt, %add3A_83, %lt3A_84 : i32
      %convert_element_type3A_86 = arith.extui %lt3A_85 : i1 to i32
      %cond3A_87 = arith.constant 0 : i32
      %cond3A_88 = arith.cmpi ne, %convert_element_type3A_86, %cond3A_87 : i32
      scf.if %cond3A_88 {
        %add3A_89 = arith.constant 96 : i32
        %add3A_90 = arith.addi %add3A_61, %add3A_89 : i32
        %mul3A_91 = arith.constant 128 : i32
        %mul3A_92 = arith.muli %add3A_90, %mul3A_91 : i32
        "tpu.region"() ({
          %run_scoped3A = tpu.sem_alloc : memref<!tpu.dma_semaphore, #tpu.memory_space<semaphore_mem>>
          %dma_start3A_102 = tpu.memref_slice %arg3[%mul3A_92] : memref<327680xi32, #tpu.memory_space<hbm>> -> memref<128xi32, #tpu.memory_space<hbm>>
          %dma_start3A_103 = tpu.memref_slice %arg3[%mul3A_92] : memref<327680xi32, #tpu.memory_space<hbm>> -> memref<128xi32, #tpu.memory_space<hbm>>
          tpu.enqueue_dma source(%dma_start3A_103 : memref<128xi32, #tpu.memory_space<hbm>>) target(%arg8 : memref<128xi32, #tpu.memory_space<vmem>>) target_semaphore(%run_scoped3A : memref<!tpu.dma_semaphore, #tpu.memory_space<semaphore_mem>>)
          %dma_wait3A_104 = tpu.memref_slice %arg3[%mul3A_92] : memref<327680xi32, #tpu.memory_space<hbm>> -> memref<128xi32, #tpu.memory_space<hbm>>
          %dma_wait3A_105 = tpu.memref_slice %arg3[%mul3A_92] : memref<327680xi32, #tpu.memory_space<hbm>> -> memref<128xi32, #tpu.memory_space<hbm>>
          tpu.wait_dma2 semaphore(%run_scoped3A : memref<!tpu.dma_semaphore, #tpu.memory_space<semaphore_mem>>) src(%dma_wait3A_105 : memref<128xi32, #tpu.memory_space<hbm>>) dst(%arg8 : memref<128xi32, #tpu.memory_space<vmem>>)
          tpu.yield
        }) : () -> ()
        %dma_start3A_93 = arith.constant 0 : i32
        %dma_start3A_94 = arith.constant 0 : i32
        %dma_start3A_95 = tpu.memref_slice %arg2[%dma_start3A_93, %dma_start3A_94] : memref<10000x128xf32, #tpu.memory_space<hbm>> -> memref<10000x128xf32, #tpu.memory_space<hbm>>
        tpu.enqueue_indirect_dma source(%dma_start3A_95 : memref<10000x128xf32, #tpu.memory_space<hbm>>) target(%arg12 : memref<128x128xf32, #tpu.memory_space<vmem>>) offsets(%arg8 : memref<128xi32, #tpu.memory_space<vmem>>) semaphore(%arg15 : memref<!tpu.dma_semaphore, #tpu.memory_space<semaphore_mem>>)
        %add3A_96 = arith.constant 96 : i32
        %add3A_97 = arith.addi %add3A_61, %add3A_96 : i32
        %mul3A_98 = arith.constant 128 : i32
        %mul3A_99 = arith.muli %add3A_97, %mul3A_98 : i32
        %dma_start3A_100 = tpu.memref_slice %arg4[%mul3A_99] : memref<327680xi32, #tpu.memory_space<hbm>> -> memref<128xi32, #tpu.memory_space<hbm>>
        %dma_start3A_101 = tpu.memref_slice %arg4[%mul3A_99] : memref<327680xi32, #tpu.memory_space<hbm>> -> memref<128xi32, #tpu.memory_space<hbm>>
        tpu.enqueue_dma source(%dma_start3A_101 : memref<128xi32, #tpu.memory_space<hbm>>) target(%arg10 : memref<128xi32, #tpu.memory_space<vmem>>) target_semaphore(%arg17 : memref<!tpu.dma_semaphore, #tpu.memory_space<semaphore_mem>>)
      } else {
      }
    }
    %barrier3A_48 = arith.constant 0 : index
    tpu.barrier barrier_id(%barrier3A_48)
    %lt3A_49 = arith.constant 15 : i32
    %lt3A_50 = arith.cmpi slt, %arg1, %lt3A_49 : i32
    %convert_element_type3A_51 = arith.extui %lt3A_50 : i1 to i32
    %cond3A_52 = arith.constant 0 : i32
    %cond3A_53 = arith.cmpi ne, %convert_element_type3A_51, %cond3A_52 : i32
    scf.if %cond3A_53 {
      "tpu.region"() ({
        %run_scoped3A = tpu.sem_alloc : memref<!tpu.dma_semaphore, #tpu.memory_space<semaphore_mem>>
        %dma_start3A_59 = arith.constant 0 : i32
        %dma_start3A_60 = tpu.memref_slice %arg6[%arg0, %multiple_of3A, %dma_start3A_59] : memref<2x10000x128xf32, #tpu.memory_space<hbm>> -> memref<1x624x128xf32, #tpu.memory_space<hbm>>
        %dma_start3A_61 = tpu.memref_squeeze %dma_start3A_60 : memref<1x624x128xf32, #tpu.memory_space<hbm>> -> memref<624x128xf32, #tpu.memory_space<hbm>>
        %dma_start3A_62 = arith.constant 0 : i32
        %dma_start3A_63 = tpu.memref_slice %arg13[%multiple_of3A, %dma_start3A_62] : memref<10128x128xf32, #tpu.memory_space<vmem_shared>> -> memref<624x128xf32, #tpu.memory_space<vmem_shared>>
        tpu.enqueue_dma source(%dma_start3A_63 : memref<624x128xf32, #tpu.memory_space<vmem_shared>>) target(%dma_start3A_61 : memref<624x128xf32, #tpu.memory_space<hbm>>) target_semaphore(%run_scoped3A : memref<!tpu.dma_semaphore, #tpu.memory_space<semaphore_mem>>)
        %dma_wait3A = arith.constant 0 : i32
        %dma_wait3A_64 = tpu.memref_slice %arg6[%arg0, %multiple_of3A, %dma_wait3A] : memref<2x10000x128xf32, #tpu.memory_space<hbm>> -> memref<1x624x128xf32, #tpu.memory_space<hbm>>
        %dma_wait3A_65 = tpu.memref_squeeze %dma_wait3A_64 : memref<1x624x128xf32, #tpu.memory_space<hbm>> -> memref<624x128xf32, #tpu.memory_space<hbm>>
        %dma_wait3A_66 = arith.constant 0 : i32
        %dma_wait3A_67 = tpu.memref_slice %arg13[%multiple_of3A, %dma_wait3A_66] : memref<10128x128xf32, #tpu.memory_space<vmem_shared>> -> memref<624x128xf32, #tpu.memory_space<vmem_shared>>
        tpu.wait_dma2 semaphore(%run_scoped3A : memref<!tpu.dma_semaphore, #tpu.memory_space<semaphore_mem>>) src(%dma_wait3A_67 : memref<624x128xf32, #tpu.memory_space<vmem_shared>>) dst(%dma_wait3A_65 : memref<624x128xf32, #tpu.memory_space<hbm>>)
        tpu.yield
      }) : () -> ()
    } else {
    }
    %eq3A_54 = arith.constant 15 : i32
    %eq3A_55 = arith.cmpi eq, %arg1, %eq3A_54 : i32
    %convert_element_type3A_56 = arith.extui %eq3A_55 : i1 to i32
    %cond3A_57 = arith.constant 0 : i32
    %cond3A_58 = arith.cmpi ne, %convert_element_type3A_56, %cond3A_57 : i32
    scf.if %cond3A_58 {
      "tpu.region"() ({
        %run_scoped3A = tpu.sem_alloc : memref<!tpu.dma_semaphore, #tpu.memory_space<semaphore_mem>>
        %dma_start3A_59 = arith.constant 9360 : i32
        %dma_start3A_60 = arith.constant 0 : i32
        %dma_start3A_61 = tpu.memref_slice %arg6[%arg0, %dma_start3A_59, %dma_start3A_60] : memref<2x10000x128xf32, #tpu.memory_space<hbm>> -> memref<1x640x128xf32, #tpu.memory_space<hbm>>
        %dma_start3A_62 = tpu.memref_squeeze %dma_start3A_61 : memref<1x640x128xf32, #tpu.memory_space<hbm>> -> memref<640x128xf32, #tpu.memory_space<hbm>>
        %dma_start3A_63 = arith.constant 9360 : i32
        %dma_start3A_64 = arith.constant 0 : i32
        %dma_start3A_65 = tpu.memref_slice %arg13[%dma_start3A_63, %dma_start3A_64] : memref<10128x128xf32, #tpu.memory_space<vmem_shared>> -> memref<640x128xf32, #tpu.memory_space<vmem_shared>>
        tpu.enqueue_dma source(%dma_start3A_65 : memref<640x128xf32, #tpu.memory_space<vmem_shared>>) target(%dma_start3A_62 : memref<640x128xf32, #tpu.memory_space<hbm>>) target_semaphore(%run_scoped3A : memref<!tpu.dma_semaphore, #tpu.memory_space<semaphore_mem>>)
        %dma_wait3A = arith.constant 9360 : i32
        %dma_wait3A_66 = arith.constant 0 : i32
        %dma_wait3A_67 = tpu.memref_slice %arg6[%arg0, %dma_wait3A, %dma_wait3A_66] : memref<2x10000x128xf32, #tpu.memory_space<hbm>> -> memref<1x640x128xf32, #tpu.memory_space<hbm>>
        %dma_wait3A_68 = tpu.memref_squeeze %dma_wait3A_67 : memref<1x640x128xf32, #tpu.memory_space<hbm>> -> memref<640x128xf32, #tpu.memory_space<hbm>>
        %dma_wait3A_69 = arith.constant 9360 : i32
        %dma_wait3A_70 = arith.constant 0 : i32
        %dma_wait3A_71 = tpu.memref_slice %arg13[%dma_wait3A_69, %dma_wait3A_70] : memref<10128x128xf32, #tpu.memory_space<vmem_shared>> -> memref<640x128xf32, #tpu.memory_space<vmem_shared>>
        tpu.wait_dma2 semaphore(%run_scoped3A : memref<!tpu.dma_semaphore, #tpu.memory_space<semaphore_mem>>) src(%dma_wait3A_71 : memref<640x128xf32, #tpu.memory_space<vmem_shared>>) dst(%dma_wait3A_68 : memref<640x128xf32, #tpu.memory_space<hbm>>)
        tpu.yield
      }) : () -> ()
    } else {
    }
    return
  }
}

module attributes {stable_mosaic.version = 14 : i64} {
  func.func @_tc_pre_body(%arg0: memref<10000x1xf32, #tpu.memory_space<vmem>>, %arg1: memref<10000x1xf32, #tpu.memory_space<vmem>>, %arg2: memref<10000x128xf32, #tpu.memory_space<vmem>>, %arg3: memref<10000x1xf32, #tpu.memory_space<vmem>>, %arg4: memref<10000x128xf32, #tpu.memory_space<vmem>>) attributes {dimension_semantics = [], scalar_prefetch = 0 : i64, scratch_operands = 0 : i64, tpu.core_type = #tpu.core_type<tc>} {
    %get3A = arith.constant 0 : index
    %get3A_0 = arith.constant 0 : index
    %get3A_1 = vector.load %arg0[%get3A, %get3A_0] : memref<10000x1xf32, #tpu.memory_space<vmem>>, vector<10000x1xf32>
    %get3A_2 = arith.constant 0 : index
    %get3A_3 = arith.constant 0 : index
    %get3A_4 = vector.load %arg1[%get3A_2, %get3A_3] : memref<10000x1xf32, #tpu.memory_space<vmem>>, vector<10000x1xf32>
    %add3A = arith.addf %get3A_1, %get3A_4 : vector<10000x1xf32>
    %max3A = arith.constant 1.000000e+00 : f32
    %max3A_5 = vector.broadcast %max3A : f32 to vector<10000x1xf32>
    %max3A_6 = arith.maximumf %add3A, %max3A_5 : vector<10000x1xf32>
    %rsqrt3A = math.rsqrt %max3A_6 : vector<10000x1xf32>
    %swap3A = arith.constant 0 : index
    %swap3A_7 = arith.constant 0 : index
    %swap3A_8 = vector.load %arg3[%swap3A, %swap3A_7] : memref<10000x1xf32, #tpu.memory_space<vmem>>, vector<10000x1xf32>
    tpu.vector_store %arg3[%swap3A, %swap3A_7], %rsqrt3A {strides = array<i32>} : memref<10000x1xf32, #tpu.memory_space<vmem>>, vector<10000x1xf32>,
    %get3A_9 = arith.constant 0 : index
    %get3A_10 = arith.constant 0 : index
    %get3A_11 = vector.load %arg2[%get3A_9, %get3A_10] : memref<10000x128xf32, #tpu.memory_space<vmem>>, vector<10000x128xf32>
    %mul3A = vector.broadcast %rsqrt3A : vector<10000x1xf32> to vector<10000x128xf32>
    %mul3A_12 = arith.mulf %get3A_11, %mul3A : vector<10000x128xf32>
    %swap3A_13 = arith.constant 0 : index
    %swap3A_14 = arith.constant 0 : index
    %swap3A_15 = vector.load %arg4[%swap3A_13, %swap3A_14] : memref<10000x128xf32, #tpu.memory_space<vmem>>, vector<10000x128xf32>
    tpu.vector_store %arg4[%swap3A_13, %swap3A_14], %mul3A_12 {strides = array<i32>} : memref<10000x128xf32, #tpu.memory_space<vmem>>, vector<10000x128xf32>,
    return
  }
}

module attributes {stable_mosaic.version = 14 : i64} {
  func.func @_tc_layer_body(%arg0: memref<10000x128xf32, #tpu.memory_space<vmem>>, %arg1: memref<10000x128xf32, #tpu.memory_space<vmem>>, %arg2: memref<10000x1xf32, #tpu.memory_space<vmem>>, %arg3: memref<1x128xf32, #tpu.memory_space<vmem>>, %arg4: memref<1x128xf32, #tpu.memory_space<vmem>>, %arg5: memref<10000x128xf32, #tpu.memory_space<vmem>>) attributes {dimension_semantics = [], scalar_prefetch = 0 : i64, scratch_operands = 0 : i64, tpu.core_type = #tpu.core_type<tc>} {
    %get3A = arith.constant 0 : index
    %get3A_0 = arith.constant 0 : index
    %get3A_1 = vector.load %arg0[%get3A, %get3A_0] : memref<10000x128xf32, #tpu.memory_space<vmem>>, vector<10000x128xf32>
    %get3A_2 = arith.constant 0 : index
    %get3A_3 = arith.constant 0 : index
    %get3A_4 = vector.load %arg1[%get3A_2, %get3A_3] : memref<10000x128xf32, #tpu.memory_space<vmem>>, vector<10000x128xf32>
    %add3A = arith.addf %get3A_1, %get3A_4 : vector<10000x128xf32>
    %get3A_5 = arith.constant 0 : index
    %get3A_6 = arith.constant 0 : index
    %get3A_7 = vector.load %arg2[%get3A_5, %get3A_6] : memref<10000x1xf32, #tpu.memory_space<vmem>>, vector<10000x1xf32>
    %mul3A = vector.broadcast %get3A_7 : vector<10000x1xf32> to vector<10000x128xf32>
    %mul3A_8 = arith.mulf %add3A, %mul3A : vector<10000x128xf32>
    %get3A_9 = arith.constant 0 : index
    %get3A_10 = arith.constant 0 : index
    %get3A_11 = vector.load %arg3[%get3A_9, %get3A_10] : memref<1x128xf32, #tpu.memory_space<vmem>>, vector<1x128xf32>
    %get3A_12 = arith.constant 0 : index
    %get3A_13 = arith.constant 0 : index
    %get3A_14 = vector.load %arg4[%get3A_12, %get3A_13] : memref<1x128xf32, #tpu.memory_space<vmem>>, vector<1x128xf32>
    %reduce_sum3A = arith.constant dense<0.000000e+00> : vector<128xf32>
    %reduce_sum3A_15 = vector.multi_reduction <add>, %mul3A_8, %reduce_sum3A [0] : vector<10000x128xf32> to vector<128xf32>
    %broadcast_in_dim3A = vector.shape_cast %reduce_sum3A_15 : vector<128xf32> to vector<1x128xf32>
    %div3A = arith.constant 1.000000e+04 : f32
    %div3A_16 = vector.broadcast %div3A : f32 to vector<1x128xf32>
    %div3A_17 = arith.divf %broadcast_in_dim3A, %div3A_16 : vector<1x128xf32>
    %sub3A = vector.broadcast %div3A_17 : vector<1x128xf32> to vector<10000x128xf32>
    %sub3A_18 = arith.subf %mul3A_8, %sub3A : vector<10000x128xf32>
    %mul3A_19 = arith.mulf %sub3A_18, %sub3A_18 : vector<10000x128xf32>
    %reduce_sum3A_20 = arith.constant dense<0.000000e+00> : vector<128xf32>
    %reduce_sum3A_21 = vector.multi_reduction <add>, %mul3A_19, %reduce_sum3A_20 [0] : vector<10000x128xf32> to vector<128xf32>
    %broadcast_in_dim3A_22 = vector.shape_cast %reduce_sum3A_21 : vector<128xf32> to vector<1x128xf32>
    %div3A_23 = arith.constant 1.000000e+04 : f32
    %div3A_24 = vector.broadcast %div3A_23 : f32 to vector<1x128xf32>
    %div3A_25 = arith.divf %broadcast_in_dim3A_22, %div3A_24 : vector<1x128xf32>
    %add3A_26 = arith.constant 9.99999974E-6 : f32
    %add3A_27 = vector.broadcast %add3A_26 : f32 to vector<1x128xf32>
    %add3A_28 = arith.addf %div3A_25, %add3A_27 : vector<1x128xf32>
    %rsqrt3A = math.rsqrt %add3A_28 : vector<1x128xf32>
    %mul3A_29 = vector.broadcast %rsqrt3A : vector<1x128xf32> to vector<10000x128xf32>
    %mul3A_30 = arith.mulf %sub3A_18, %mul3A_29 : vector<10000x128xf32>
    %mul3A_31 = vector.broadcast %get3A_11 : vector<1x128xf32> to vector<10000x128xf32>
    %mul3A_32 = arith.mulf %mul3A_30, %mul3A_31 : vector<10000x128xf32>
    %add3A_33 = vector.broadcast %get3A_14 : vector<1x128xf32> to vector<10000x128xf32>
    %add3A_34 = arith.addf %mul3A_32, %add3A_33 : vector<10000x128xf32>
    %max3A = arith.constant 0.000000e+00 : f32
    %max3A_35 = vector.broadcast %max3A : f32 to vector<10000x128xf32>
    %max3A_36 = arith.maximumf %add3A_34, %max3A_35 : vector<10000x128xf32>
    %get3A_37 = arith.constant 0 : index
    %get3A_38 = arith.constant 0 : index
    %get3A_39 = vector.load %arg2[%get3A_37, %get3A_38] : memref<10000x1xf32, #tpu.memory_space<vmem>>, vector<10000x1xf32>
    %mul3A_40 = vector.broadcast %get3A_39 : vector<10000x1xf32> to vector<10000x128xf32>
    %mul3A_41 = arith.mulf %max3A_36, %mul3A_40 : vector<10000x128xf32>
    %swap3A = arith.constant 0 : index
    %swap3A_42 = arith.constant 0 : index
    %swap3A_43 = vector.load %arg5[%swap3A, %swap3A_42] : memref<10000x128xf32, #tpu.memory_space<vmem>>, vector<10000x128xf32>
    tpu.vector_store %arg5[%swap3A, %swap3A_42], %mul3A_41 {strides = array<i32>} : memref<10000x128xf32, #tpu.memory_space<vmem>>, vector<10000x128xf32>,
    return
  }
}

module attributes {stable_mosaic.version = 14 : i64} {
  func.func @_tc_final_body(%arg0: memref<10000x128xf32, #tpu.memory_space<vmem>>, %arg1: memref<10000x128xf32, #tpu.memory_space<vmem>>, %arg2: memref<10000x1xf32, #tpu.memory_space<vmem>>, %arg3: memref<1x128xf32, #tpu.memory_space<vmem>>, %arg4: memref<1x128xf32, #tpu.memory_space<vmem>>, %arg5: memref<128x128xf32, #tpu.memory_space<vmem>>, %arg6: memref<1x128xf32, #tpu.memory_space<vmem>>, %arg7: memref<1x128xf32, #tpu.memory_space<vmem>>, %arg8: memref<1x128xf32, #tpu.memory_space<vmem>>, %arg9: memref<128x10xf32, #tpu.memory_space<vmem>>, %arg10: memref<1x10xf32, #tpu.memory_space<vmem>>, %arg11: memref<10000x10xf32, #tpu.memory_space<vmem>>) attributes {dimension_semantics = [], scalar_prefetch = 0 : i64, scratch_operands = 0 : i64, tpu.core_type = #tpu.core_type<tc>} {
    %get3A = arith.constant 0 : index
    %get3A_0 = arith.constant 0 : index
    %get3A_1 = vector.load %arg0[%get3A, %get3A_0] : memref<10000x128xf32, #tpu.memory_space<vmem>>, vector<10000x128xf32>
    %get3A_2 = arith.constant 0 : index
    %get3A_3 = arith.constant 0 : index
    %get3A_4 = vector.load %arg1[%get3A_2, %get3A_3] : memref<10000x128xf32, #tpu.memory_space<vmem>>, vector<10000x128xf32>
    %add3A = arith.addf %get3A_1, %get3A_4 : vector<10000x128xf32>
    %get3A_5 = arith.constant 0 : index
    %get3A_6 = arith.constant 0 : index
    %get3A_7 = vector.load %arg2[%get3A_5, %get3A_6] : memref<10000x1xf32, #tpu.memory_space<vmem>>, vector<10000x1xf32>
    %mul3A = vector.broadcast %get3A_7 : vector<10000x1xf32> to vector<10000x128xf32>
    %mul3A_8 = arith.mulf %add3A, %mul3A : vector<10000x128xf32>
    %get3A_9 = arith.constant 0 : index
    %get3A_10 = arith.constant 0 : index
    %get3A_11 = vector.load %arg3[%get3A_9, %get3A_10] : memref<1x128xf32, #tpu.memory_space<vmem>>, vector<1x128xf32>
    %get3A_12 = arith.constant 0 : index
    %get3A_13 = arith.constant 0 : index
    %get3A_14 = vector.load %arg4[%get3A_12, %get3A_13] : memref<1x128xf32, #tpu.memory_space<vmem>>, vector<1x128xf32>
    %reduce_sum3A = arith.constant dense<0.000000e+00> : vector<128xf32>
    %reduce_sum3A_15 = vector.multi_reduction <add>, %mul3A_8, %reduce_sum3A [0] : vector<10000x128xf32> to vector<128xf32>
    %broadcast_in_dim3A = vector.shape_cast %reduce_sum3A_15 : vector<128xf32> to vector<1x128xf32>
    %div3A = arith.constant 1.000000e+04 : f32
    %div3A_16 = vector.broadcast %div3A : f32 to vector<1x128xf32>
    %div3A_17 = arith.divf %broadcast_in_dim3A, %div3A_16 : vector<1x128xf32>
    %sub3A = vector.broadcast %div3A_17 : vector<1x128xf32> to vector<10000x128xf32>
    %sub3A_18 = arith.subf %mul3A_8, %sub3A : vector<10000x128xf32>
    %mul3A_19 = arith.mulf %sub3A_18, %sub3A_18 : vector<10000x128xf32>
    %reduce_sum3A_20 = arith.constant dense<0.000000e+00> : vector<128xf32>
    %reduce_sum3A_21 = vector.multi_reduction <add>, %mul3A_19, %reduce_sum3A_20 [0] : vector<10000x128xf32> to vector<128xf32>
    %broadcast_in_dim3A_22 = vector.shape_cast %reduce_sum3A_21 : vector<128xf32> to vector<1x128xf32>
    %div3A_23 = arith.constant 1.000000e+04 : f32
    %div3A_24 = vector.broadcast %div3A_23 : f32 to vector<1x128xf32>
    %div3A_25 = arith.divf %broadcast_in_dim3A_22, %div3A_24 : vector<1x128xf32>
    %add3A_26 = arith.constant 9.99999974E-6 : f32
    %add3A_27 = vector.broadcast %add3A_26 : f32 to vector<1x128xf32>
    %add3A_28 = arith.addf %div3A_25, %add3A_27 : vector<1x128xf32>
    %rsqrt3A = math.rsqrt %add3A_28 : vector<1x128xf32>
    %mul3A_29 = vector.broadcast %rsqrt3A : vector<1x128xf32> to vector<10000x128xf32>
    %mul3A_30 = arith.mulf %sub3A_18, %mul3A_29 : vector<10000x128xf32>
    %mul3A_31 = vector.broadcast %get3A_11 : vector<1x128xf32> to vector<10000x128xf32>
    %mul3A_32 = arith.mulf %mul3A_30, %mul3A_31 : vector<10000x128xf32>
    %add3A_33 = vector.broadcast %get3A_14 : vector<1x128xf32> to vector<10000x128xf32>
    %add3A_34 = arith.addf %mul3A_32, %add3A_33 : vector<10000x128xf32>
    %max3A = arith.constant 0.000000e+00 : f32
    %max3A_35 = vector.broadcast %max3A : f32 to vector<10000x128xf32>
    %max3A_36 = arith.maximumf %add3A_34, %max3A_35 : vector<10000x128xf32>
    %get3A_37 = arith.constant 0 : index
    %get3A_38 = arith.constant 0 : index
    %get3A_39 = vector.load %arg5[%get3A_37, %get3A_38] : memref<128x128xf32, #tpu.memory_space<vmem>>, vector<128x128xf32>
    %dot_general3A = arith.constant dense<0.000000e+00> : vector<10000x128xf32>
    %dot_general3A_40 = tpu.matmul %max3A_36, %get3A_39, %dot_general3A {dimension_numbers = #tpu.dot_dimension_numbers<[1], [0], [0], [1], [0, 0, 1, 1], [], []>, transpose_lhs_hint = false} : vector<10000x128xf32>, vector<128x128xf32>, vector<10000x128xf32> -> vector<10000x128xf32>
    %get3A_41 = arith.constant 0 : index
    %get3A_42 = arith.constant 0 : index
    %get3A_43 = vector.load %arg6[%get3A_41, %get3A_42] : memref<1x128xf32, #tpu.memory_space<vmem>>, vector<1x128xf32>
    %add3A_44 = vector.broadcast %get3A_43 : vector<1x128xf32> to vector<10000x128xf32>
    %add3A_45 = arith.addf %dot_general3A_40, %add3A_44 : vector<10000x128xf32>
    %reduce_sum3A_46 = arith.constant dense<0.000000e+00> : vector<128xf32>
    %reduce_sum3A_47 = vector.multi_reduction <add>, %add3A_45, %reduce_sum3A_46 [0] : vector<10000x128xf32> to vector<128xf32>
    %broadcast_in_dim3A_48 = vector.shape_cast %reduce_sum3A_47 : vector<128xf32> to vector<1x128xf32>
    %div3A_49 = arith.constant 1.000000e+04 : f32
    %div3A_50 = vector.broadcast %div3A_49 : f32 to vector<1x128xf32>
    %div3A_51 = arith.divf %broadcast_in_dim3A_48, %div3A_50 : vector<1x128xf32>
    %sub3A_52 = vector.broadcast %div3A_51 : vector<1x128xf32> to vector<10000x128xf32>
    %sub3A_53 = arith.subf %add3A_45, %sub3A_52 : vector<10000x128xf32>
    %mul3A_54 = arith.mulf %sub3A_53, %sub3A_53 : vector<10000x128xf32>
    %reduce_sum3A_55 = arith.constant dense<0.000000e+00> : vector<128xf32>
    %reduce_sum3A_56 = vector.multi_reduction <add>, %mul3A_54, %reduce_sum3A_55 [0] : vector<10000x128xf32> to vector<128xf32>
    %broadcast_in_dim3A_57 = vector.shape_cast %reduce_sum3A_56 : vector<128xf32> to vector<1x128xf32>
    %div3A_58 = arith.constant 1.000000e+04 : f32
    %div3A_59 = vector.broadcast %div3A_58 : f32 to vector<1x128xf32>
    %div3A_60 = arith.divf %broadcast_in_dim3A_57, %div3A_59 : vector<1x128xf32>
    %add3A_61 = arith.constant 9.99999974E-6 : f32
    %add3A_62 = vector.broadcast %add3A_61 : f32 to vector<1x128xf32>
    %add3A_63 = arith.addf %div3A_60, %add3A_62 : vector<1x128xf32>
    %rsqrt3A_64 = math.rsqrt %add3A_63 : vector<1x128xf32>
    %mul3A_65 = vector.broadcast %rsqrt3A_64 : vector<1x128xf32> to vector<10000x128xf32>
    %mul3A_66 = arith.mulf %sub3A_53, %mul3A_65 : vector<10000x128xf32>
    %get3A_67 = arith.constant 0 : index
    %get3A_68 = arith.constant 0 : index
    %get3A_69 = vector.load %arg7[%get3A_67, %get3A_68] : memref<1x128xf32, #tpu.memory_space<vmem>>, vector<1x128xf32>
    %mul3A_70 = vector.broadcast %get3A_69 : vector<1x128xf32> to vector<10000x128xf32>
    %mul3A_71 = arith.mulf %mul3A_66, %mul3A_70 : vector<10000x128xf32>
    %get3A_72 = arith.constant 0 : index
    %get3A_73 = arith.constant 0 : index
    %get3A_74 = vector.load %arg8[%get3A_72, %get3A_73] : memref<1x128xf32, #tpu.memory_space<vmem>>, vector<1x128xf32>
    %add3A_75 = vector.broadcast %get3A_74 : vector<1x128xf32> to vector<10000x128xf32>
    %add3A_76 = arith.addf %mul3A_71, %add3A_75 : vector<10000x128xf32>
    %get3A_77 = arith.constant 0 : index
    %get3A_78 = arith.constant 0 : index
    %get3A_79 = vector.load %arg9[%get3A_77, %get3A_78] : memref<128x10xf32, #tpu.memory_space<vmem>>, vector<128x10xf32>
    %dot_general3A_80 = arith.constant dense<0.000000e+00> : vector<10000x10xf32>
    %dot_general3A_81 = tpu.matmul %add3A_76, %get3A_79, %dot_general3A_80 {dimension_numbers = #tpu.dot_dimension_numbers<[1], [0], [0], [1], [0, 0, 1, 1], [], []>, transpose_lhs_hint = false} : vector<10000x128xf32>, vector<128x10xf32>, vector<10000x10xf32> -> vector<10000x10xf32>
    %get3A_82 = arith.constant 0 : index
    %get3A_83 = arith.constant 0 : index
    %get3A_84 = vector.load %arg10[%get3A_82, %get3A_83] : memref<1x10xf32, #tpu.memory_space<vmem>>, vector<1x10xf32>
    %add3A_85 = vector.broadcast %get3A_84 : vector<1x10xf32> to vector<10000x10xf32>
    %add3A_86 = arith.addf %dot_general3A_81, %add3A_85 : vector<10000x10xf32>
    %swap3A = arith.constant 0 : index
    %swap3A_87 = arith.constant 0 : index
    %swap3A_88 = vector.load %arg11[%swap3A, %swap3A_87] : memref<10000x10xf32, #tpu.memory_space<vmem>>, vector<10000x10xf32>
    tpu.vector_store %arg11[%swap3A, %swap3A_87], %add3A_86 {strides = array<i32>} : memref<10000x10xf32, #tpu.memory_space<vmem>>, vector<10000x10xf32>,
    return
  }
}

</mosaic_0001>

<sc_bundles>
// kernel: kernel.12.cloned.1.call-start
scs
__scs_entry_jumppad:
0x0: {  	(pc) =	sbr.rel $0x88, $3  }
0x1: {  	(tag) =	ssettag $0x0;
	lr =	simm.s32 $0x1  }
0x2: {  	[smem:$0x3F97] =	sst lr;
	_ =	strace $0xD0000000  }
0x3: {  	_ = 	snop  }
0x4: {  	_ = 	snop  }
0x5: {  	_ = 	snop  }
0x6: {  	_ = 	snop  }
0x7: {  	_ = 	snop  }
__scs_overlays_trampoline_lowered:
0x8: {  	[smem:$0x3FA6] =	sst s0  }
0x9: {  	[smem:$0x3FA7] =	sst s1  }
0xa: {  	[smem:$0x3FA8] =	sst s2  }
0xb: {  	[smem:$0x3FA9] =	sst s3  }
0xc: {  	[smem:$0x3FAA] =	sst s4  }
0xd: {  	[smem:$0x3FAB] =	sst s5  }
0xe: {  	[smem:$0x3FAC] =	sst s6  }
0xf: {  	[smem:$0x3FAD] =	sst s7  }
0x10: {  	[smem:$0x3FAE] =	sst s8  }
0x11: {  	[smem:$0x3FAF] =	sst s9;
	s0 =	simm.s32 @!p0 $0x0  }
0x12: {  	s1 =	sld [smem:$0x3F95];
	s0 =	simm.s32 @p0 $0x1  }
0x13: {  	[smem:$0x3FB0] =	sst s0;
	s0 =	simm.s32 @!p1 $0x0  }
0x14: {  	s2 =	sld [smem:$0x3F94];
	s0 =	simm.s32 @p1 $0x1  }
0x15: {  	[smem:$0x3FB1] =	sst s0;
	s0 =	simm.s32 @!p2 $0x0  }
0x16: {  	s3 =	sld [smem:$0x3FDB];
	s0 =	simm.s32 @p2 $0x1  }
0x17: {  	s4 =	simm.s32 $0x1BF5;
	[smem:$0x3FB3] =	sst s0  }
0x18: {  	s0 =	sld [smem:$0x3F96];
	_ =	swait.ge [sflag:s4], $0x0  }
0x19: {  	s7 =	sld [smem:$0x3F97]  }
0x1a: {  	s8 =	sadd.s32 $0xFFFFE003, lr  }
0x1b: {  	s9 =	sadd.s32 $0xFFFFFEF7, lr;
	s5 =	simm.s32 $0xFFFFFFFF;
	p2 =	slt.u32 s8, $0xFFFFF086  }
0x1c: {  	p1 =	slt.u32 s9, $0xF7A;
	s5 =	simm.s32 @!p2 $0x0  }
0x1d: {  	s5 =	simm.s32 @p1 $0x1;
	p0 =	seq.s32 s7, s2  }
0x1e: {  	s7 =	smul.u32 @!p0 $0xF7A, s2;
	p2 =	seq.s32 @!p0 s5, $0x0  }
0x1f: {  	s9 =	smul.u32 $0xF7A, s1;
	s8 =	simm.s32 @!p0 $0x1BF5;
	p2 =	por !p2, p0  }
0x20: {  	[sflag:s8] =	ssyncset.s32 @!p0 $0xFFFFF086;
	s6 =	sadd.s32 @!p0 s3, s7;
	s7 =	simm.s32 @!p0 $0x108  }
0x21: {  	s3 =	sadd.s32 s3, s9;
	s6 =	sadd.s32 @!p0 $0x88, s6;
	s7 =	simm.s32 @p2 $0x1082  }
0x22: {  	[simem:s7], [sflag:s8] =	dma.local @!p0 [hbm:s6], $0xF7A  }
0x23: {  	s9 =	sor.u32 $0xD0000000, s2;
	s6 =	simm.s32 $0x108;
	_ =	swait.ge @!p0 [sflag:s8], $0x0  }
0x24: {  	s3 =	sadd.s32 $0x88, s3;
	s6 =	simm.s32 @!p1 $0x1082;
	[sflag:s4] =	ssyncset.s32 $0xFFFFF086  }
0x25: {  	[simem:s6], [sflag:s4] =	dma.local [hbm:s3], $0xF7A  }
0x26: {  	[smem:$0x3F97] =	sst s1;
	(tag) =	ssettag s2;
	_ =	strace s9  }
0x27: {  	s1 =	sld [smem:$0x3FA7]  }
0x28: {  	s2 =	sld [smem:$0x3FA8]  }
0x29: {  	s4 =	sld [smem:$0x3FAA]  }
0x2a: {  	p0 =	seq.s32 s5, $0x0;
	s5 =	sld [smem:$0x3FAB]  }
0x2b: {  	s6 =	sld [smem:$0x3FAC]  }
0x2c: {  	s7 =	sld [smem:$0x3FAD]  }
0x2d: {  	s3 =	simm.s32 $0x108;
	s8 =	sld [smem:$0x3FAE]  }
0x2e: {  	s3 =	simm.s32 @!p0 $0x1082;
	s9 =	sld [smem:$0x3FAF]  }
0x2f: {  	lr =	sadd.s32 s0, s3;
	s0 =	sld [smem:$0x3FA6]  }
0x30: {  	s3 =	sld [smem:$0x3FA9]  }
0x31: {  	[smem:$0x3FB2] =	sst s10  }
0x32: {  	s10 =	sld [smem:$0x3FB0];
	_ =	sdelay $0x3  }
0x33: {  	p0 =	seq.s32 s10, $0x1;
	s10 =	sld [smem:$0x3FB2];
	_ =	sdelay $0x3  }
0x34: {  	[smem:$0x3FB2] =	sst s10  }
0x35: {  	s10 =	sld [smem:$0x3FB1];
	_ =	sdelay $0x3  }
0x36: {  	p1 =	seq.s32 s10, $0x1;
	s10 =	sld [smem:$0x3FB2];
	_ =	sdelay $0x3  }
0x37: {  	[smem:$0x3FB2] =	sst s10  }
0x38: {  	s10 =	sld [smem:$0x3FB3]  }
0x39: {  	_ = 	snop;
	(pc) =	sbr.ind lr, $3  }
0x3a: {  	_ = 	snop  }
0x3b: {  	_ = 	snop  }
0x3c: {  	p2 =	seq.s32 s10, $0x1;
	s10 =	sld [smem:$0x3FB2]  }
0x3d: {  	_ =	shalt  }
0x3e: {  	_ =	shalt  }
0x3f: {  	_ =	shalt  }
0x40: {  	_ =	shalt  }
0x41: {  	_ =	shalt  }
0x42: {  	_ =	shalt  }
0x43: {  	_ =	shalt  }
0x44: {  	_ =	shalt  }
0x45: {  	_ =	shalt  }
0x46: {  	_ =	shalt  }
0x47: {  	_ =	shalt  }
0x48: {  	_ =	shalt  }
0x49: {  	_ =	shalt  }
0x4a: {  	_ =	shalt  }
0x4b: {  	_ =	shalt  }
0x4c: {  	_ =	shalt  }
0x4d: {  	_ =	shalt  }
0x4e: {  	_ =	shalt  }
0x4f: {  	_ =	shalt  }
0x50: {  	_ =	shalt  }
0x51: {  	_ =	shalt  }
0x52: {  	_ =	shalt  }
0x53: {  	_ =	shalt  }
0x54: {  	_ =	shalt  }
0x55: {  	_ =	shalt  }
0x56: {  	_ =	shalt  }
0x57: {  	_ =	shalt  }
0x58: {  	_ =	shalt  }
0x59: {  	_ =	shalt  }
0x5a: {  	_ =	shalt  }
0x5b: {  	_ =	shalt  }
0x5c: {  	_ =	shalt  }
0x5d: {  	_ =	shalt  }
0x5e: {  	_ =	shalt  }
0x5f: {  	_ =	shalt  }
0x60: {  	_ =	shalt  }
0x61: {  	_ =	shalt  }
0x62: {  	_ =	shalt  }
0x63: {  	_ =	shalt  }
0x64: {  	_ =	shalt  }
0x65: {  	_ =	shalt  }
0x66: {  	_ =	shalt  }
0x67: {  	_ =	shalt  }
0x68: {  	_ =	shalt  }
0x69: {  	_ =	shalt  }
0x6a: {  	_ =	shalt  }
0x6b: {  	_ =	shalt  }
0x6c: {  	_ =	shalt  }
0x6d: {  	_ =	shalt  }
0x6e: {  	_ =	shalt  }
0x6f: {  	_ =	shalt  }
0x70: {  	_ =	shalt  }
0x71: {  	_ =	shalt  }
0x72: {  	_ =	shalt  }
0x73: {  	_ =	shalt  }
0x74: {  	_ =	shalt  }
0x75: {  	_ =	shalt  }
0x76: {  	_ =	shalt  }
0x77: {  	_ =	shalt  }
0x78: {  	_ =	shalt  }
0x79: {  	_ =	shalt  }
0x7a: {  	_ =	shalt  }
0x7b: {  	_ =	shalt  }
0x7c: {  	_ =	shalt  }
0x7d: {  	_ =	shalt  }
0x7e: {  	_ =	shalt  }
0x7f: {  	_ =	shalt  }
0x80: {  	_ =	shalt  }
0x81: {  	_ =	shalt  }
0x82: {  	_ =	shalt  }
0x83: {  	_ =	shalt  }
0x84: {  	_ =	shalt  }
0x85: {  	_ =	shalt  }
0x86: {  	_ =	shalt  }
0x87: {  	_ =	shalt  }
.Lfunc_end0:
.L_simem_size_0:
called_computation_lowered:
.L_overlay_start_0:
0x88: {  	s2 =	sld [smem:$0x3FD9]  }
0x89: {  	s3 =	sld [smem:$0x3FFE];
	_ =	sdelay $0x1  }
0x8a: {  	s1 =	srdreg.scid  }
0x8b: {  	s0 =	sand.u32 $0x1, s1  }
0x8c: {  	s17 =	sshll.u32 s0, $0xA;
	s2 =	sadd.s32 s3, s2  }
0x8d: {  	s2 =	sadd.s32 s2, s17  }
0x8e: {  	[smem:$0x3FBE] =	sst s2  }
0x8f: {  	_ = 	snop  }
0x90: {  	s2 =	sld [smem:$0x3FD0];
	(tm) =	ssettm $0x1  }
0x91: {  	s18 =	sld [smem:$0x3FFB];
	_ =	sdelay $0x3  }
0x92: {  	_ =	strace s18  }
0x93: {  	s3 =	sld [smem:$0x3FFC];
	_ =	sdelay $0x3  }
0x94: {  	_ =	strace s3  }
0x95: {  	s3 =	sld [smem:$0x3FFD];
	_ =	sdelay $0x3  }
0x96: {  	_ =	strace s3  }
0x97: {  	_ =	strace $0x8FFFFFFF  }
0x98: {  	s19 =	sld [smem:$0x3FDB];
	_ =	sdelay $0x1  }
0x99: {  	s4 =	simm.s32 $_scs_section_size  }
0x9a: {  	s5 =	simm.s32 $_size__tile_overlayer_lowered;
	s6 =	simm.s32 $_tile_overlayer_lowered  }
0x9b: {  	s22 =	simm.s32 $0x1BFF;
	s21 =	sshll.u32 s6, $0x1;
	s3 =	sadd.s32 s4, s19  }
0x9c: {  	s7 =	simm.s32 $0x0;
	s20 =	sshll.u32 s5, $0x1;
	s5 =	sadd.s32 s21, s3  }
0x9d: {  	[timem:s7], [sflag:s22] =	dma.local [hbm:s5], s20  }
0x9e: {  	_ =	swait.ge [sflag:s22], s20  }
0x9f: {  	s4 =	ssub.s32 $0x0, s20;
	[sflag:s22] =	ssyncset.done $0x0  }
0xa0: {  	[sflag:s22] =	ssyncadd.s32 s4;
	_ =	sdelay $0x1  }
0xa1: {  	s23 =	simm.s32 $0x1B8B  }
0xa2: {  	_ =	swait.ge [sflag:s23], $0x1  }
0xa3: {  	[sflag:s23] =	ssyncset.done $0x0  }
0xa4: {  	s25 =	simm.s32 $0x1B8E;
	s24 =	sld [smem:$0x3FFE];
	[sflag:s23] =	ssyncadd.s32 $0xFFFFFFFF  }
0xa5: {  	s26 =	simm.s32 $execute0_lowered;
	[smem:$0x3FD2] =	sst s25  }
0xa6: {  	s5 =	sshll.u32 s26, $0x1;
	_ =	strace $0x80000046;
	[dreg:$0x1] =	wrdreg $0xFFFFFFFF  }
0xa7: {  	s28 =	simm.s32 $_size_execute0_lowered;
	s3 =	sadd.s32 s3, s5;
	[dreg:$0x0] =	wrdreg $0x0  }
0xa8: {  	s5 =	sshll.u32 s28, $0x1;
	[dreg:$0x2] =	wrdreg s3  }
0xa9: {  	[dreg:$0x3] =	wrdreg s5  }
0xaa: {  	[dreg:$0x4] =	wrdreg $0xC0  }
0xab: {  	_ =	task [dreg:s7], $0x5FFFF  }
0xac: {  	[dreg:$0x1] =	wrdreg $0xFFFFFFFF  }
0xad: {  	[dreg:$0x0] =	wrdreg $0x60  }
0xae: {  	[dreg:$0x2] =	wrdreg s24  }
0xaf: {  	[dreg:$0x3] =	wrdreg s2  }
0xb0: {  	[dreg:$0x4] =	wrdreg $0x28800  }
0xb1: {  	[dreg:$0x5] =	wrdreg $0x9  }
0xb2: {  	_ =	task.clear_ibuf [dreg:s7], $0x6FFFF;
	_ =	strace $0x90000046  }
0xb3: {  	s29 =	simm.s32 $0x9;
	_ =	strace $0x80000048  }
0xb4: {  	_ =	swait.ge [sflag:s29], $0x1  }
0xb5: {  	[sflag:s29] =	ssyncadd.s32 $0xFFFFFFFF  }
0xb6: {  	_ =	strace $0x90000048  }
0xb7: {  	_ =	sfence  }
0xb8: {  	s30 =	sld [smem:$0x0];
	_ =	sdelay $0x2  }
0xb9: {  	s31 =	sshll.u32 s1, $0xD;
	s1 =	sshrl.u32 s1, $0x2  }
0xba: {  	s3 =	sand.u32 $0x4000, s31;
	s1 =	sadd.s32 s1, s30  }
0xbb: {  	s0 =	sor.u32 s3, s0;
	s1 =	sshll.u32 s1, $0x11  }
0xbc: {  	s0 =	sor.u32 s1, s0  }
0xbd: {  	s0 =	sadd.s32 $0x8F2B, s0  }
0xbe: {  	[sflag:s0] =	ssyncadd.remote.s32 $0x1  }
0xbf: {  	_ =	sfence.sel $0xFFFF  }
0xc0: {  	[dreg:$0x0] =	wrdreg $0xFFFFFFFF;
	(pc) =	sbr.abs _section_cstart, $3  }
0xc1: {  	[dreg:$0x1] =	wrdreg $0xFFFFFFFF  }
0xc2: {  	_ =	task.clear_ibuf [dreg:s7], $0x2FFFF;
	_ =	strace $0x9FFFFFFF  }
0xc3: {  	(tm) =	ssettm $0x7FFFFFFF  }
tec
execute0_lowered:
.L_overlay_start_1:
0x0: {  	(tag) =	ssettag $0x1  }
0x1: {  	s3 =	rddreg [dreg:$0x0]  }
0x2: {  	s5 =	rddreg [dreg:$0x1]  }
0x3: {  	s0 =	srdreg.scid;
	s1 =	rddreg [dreg:$0x2]  }
0x4: {  	s2 =	simm.s32 $0x0;
	s4 =	sand.u32 $0x1, s0;
	s0 =	rddreg [dreg:$0x3]  }
0x5: {  	s6 =	stileid.u32;
	s11 =	simm.s32 $0x0;
	[smem:$0x7FF] =	sst s2  }
0x6: {  	p0 =	sne.s32 s6, $0x0;
	s7 =	sshll.u32 s4, $0x4;
	s8 =	ssub.s32 $0x2, s4  }
0x7: {  	s10 =	smul.u32 $0x500, s4;
	s7 =	sor.u32 s6, s7;
	s9 =	sshrl.u32 s8, $0x1  }
0x8: {  	_ =	strace $0x80000047;
	s7 =	smul.u32 $0x500, s7;
	s31 =	ssub.s32 s8, s9  }
0x9: {  	s5 =	sadd.s32 s5, s10;
	s8 =	simm.s32 $0x1;
	s9 =	simm.s32 $0x80  }
0xa: {  	s10 =	simm.s32 $0x2800;
	s6 =	smax.u32 s31, $0x1;
	s30 =	sadd.s32 s7, s3  }
0xb: {  	v0 =	vimm.f32 $1.000000000e+00;
	s3 =	sadd.s32 $0xD000, s3;
	s7 =	sshrl.u32 @!p0 s1, $0x3;
	s4 =	sadd.s32 $0x3000, s30  }
.LBB2_1:
0xc: {  	s12 =	simm.s32 @!p0 $0x1C01  }
0xd: {  	[spmem:s7], [sflag:s12] =	dma.local @!p0 [hbm:s3], $0x500  }
0xe: {  	s12 =	simm.s32 @!p0 $0x1  }
0xf: {  	_ =	swait.ge @!p0 [sflag:s12], $0x500  }
0x10: {  	[sflag:s12] =	ssyncset.done @!p0 $0x0  }
0x11: {  	[sflag:s12] =	ssyncadd.s32 @!p0 $0xFFFFFB00  }
0x12: {  	[tilespmem:$0x2800] =	vst v0  }
0x13: {  	[tilespmem:$0x2810] =	vst v0  }
0x14: {  	[tilespmem:$0x2820] =	vst v0  }
0x15: {  	[tilespmem:$0x2830] =	vst v0  }
0x16: {  	[tilespmem:$0x2840] =	vst v0  }
0x17: {  	[tilespmem:$0x2850] =	vst v0  }
0x18: {  	[tilespmem:$0x2860] =	vst v0  }
0x19: {  	[tilespmem:$0x2870] =	vst v0  }
0x1a: {  	[tilespmem:s2], [sflag:$0x1] =	stream.linear.gather [hbm4b:s4+s2], $0x2800, $0x38;
	[tilespmem:$0x2B00] =	vst v63  }
0x1b: {  	_ =	swait.ge [sflag:s8], $0x2800  }
0x1c: {  	[sflag:s8] =	ssyncset.done $0x0  }
0x1d: {  	[sflag:s8] =	ssyncadd.s32 $0xFFFFD800  }
0x1e: {  	s31 =	simm.s32 $0x0;
	[bflag:$0x0] =	sbarrier.arrive $0xFFFF  }
0x1f: {  	[spmem:s1] =	stream.indirect.scatter.add.f32 [tilespmem:s10], [sflag:$0x1], $0x1, s31, s9, $0xb8;
	[tilespmem:$0x2B00] =	vst v63  }
0x20: {  	_ =	swait.ge [sflag:s8], $0x80  }
0x21: {  	s12 =	simm.s32 $0x200;
	[sflag:s8] =	ssyncset.done $0x0  }
.LBB2_2:
0x22: {  	s13 =	sshra.s32 s12, $0x2;
	[sflag:s8] =	ssyncadd.s32 $0xFFFFFF80;
	p1 =	sne.s32 s12, $0x9E00  }
0x23: {  	[spmem:s1] =	stream.indirect.scatter.add.f32 [tilespmem:s10], [sflag:$0x1], $0x1, s13, s9, $0xb8;
	[tilespmem:$0x2B00] =	vst v63  }
.Ltmp0:
0x24: {  	_ = 	snop;
	(pc) =	sbr.rel @p1 .LBB2_2-.Ltmp0, $4  }
0x25: {  	_ = 	snop  }
0x26: {  	s12 =	sadd.s32 $0x200, s12  }
0x27: {  	_ =	swait.ge [sflag:s8], $0x80  }
0x28: {  	[sflag:s8] =	ssyncset.done $0x0  }
0x29: {  	[sflag:s8] =	ssyncadd.s32 $0xFFFFFF80;
	s11 =	sadd.s32 $0x1, s11  }
0x2a: {  	s12 =	simm.s32 @!p0 $0x1C01;
	[bflag:$0x0] =	sbarrier.arrive $0xFFFF;
	p1 =	sne.s32 s11, s6  }
0x2b: {  	[hbm:s5], [sflag:s12] =	dma.local @!p0 [spmem:s7], $0x500  }
.Ltmp1:
0x2c: {  	_ = 	snop;
	(pc) =	sbr.rel @p1 .LBB2_1-.Ltmp1, $4  }
0x2d: {  	s12 =	simm.s32 @!p0 $0x1  }
0x2e: {  	_ =	swait.ge @!p0 [sflag:s12], $0x500  }
0x2f: {  	[sflag:s12] =	ssyncset.done @!p0 $0x0  }
0x30: {  	[sflag:s12] =	ssyncadd.s32 @!p0 $0xFFFFFB00  }
0x31: {  	_ =	sfence.sel $0x180000  }
0x32: {  	[bflag:$0x0] =	sbarrier.arrive $0xFFFF  }
0x33: {  	_ =	strace $0x90000047  }
0x34: {  	s0 =	sadd.s32 @!p0 $0x100000, s0;
	[bflag:$0x2] =	sbarrier.arrive $0xFFFF  }
0x35: {  	[sflag:s0] =	ssyncadd.tile.s32 @!p0 $0x1;
	_ =	shalt  }
.Lfunc_end2:
_tile_overlayer_lowered:
.L_overlay_start_2:
0x36: {  	(tag) =	ssettag $0x2  }
0x37: {  	s0 =	rddreg [dreg:$0x0];
	s2 =	stileid.u32  }
0x38: {  	s1 =	rddreg [dreg:$0x1];
	p0 =	sne.s32 s2, $0x0  }
0x39: {  	s3 =	rddreg [dreg:$0x2];
	[bflag:$0x3] =	sbarrier.arrive $0xFFFF;
	s2 =	simm.s32 @!p0 $0x1C01  }
0x3a: {  	[timem:s3], [sflag:s2] =	dma.local @!p0 [hbm:s0], s1  }
0x3b: {  	s0 =	simm.s32 @!p0 $0x1  }
0x3c: {  	_ =	swait.ge @!p0 [sflag:s0], s1  }
0x3d: {  	s1 =	ssub.s32 @!p0 $0x0, s1;
	[sflag:s0] =	ssyncset.done @!p0 $0x0  }
0x3e: {  	[sflag:s0] =	ssyncadd.s32 @!p0 s1  }
0x3f: {  	[bflag:$0x3] =	sbarrier.arrive $0xFFFF  }
0x40: {  	_ =	shalt  }

// kernel: kernel.15.cloned.1.call-start
scs
__scs_entry_jumppad:
0x0: {  	(pc) =	sbr.rel $0x88, $3  }
0x1: {  	(tag) =	ssettag $0x0;
	lr =	simm.s32 $0x1  }
0x2: {  	[smem:$0x3F97] =	sst lr;
	_ =	strace $0xD0000000  }
0x3: {  	_ = 	snop  }
0x4: {  	_ = 	snop  }
0x5: {  	_ = 	snop  }
0x6: {  	_ = 	snop  }
0x7: {  	_ = 	snop  }
__scs_overlays_trampoline_lowered:
0x8: {  	[smem:$0x3FA6] =	sst s0  }
0x9: {  	[smem:$0x3FA7] =	sst s1  }
0xa: {  	[smem:$0x3FA8] =	sst s2  }
0xb: {  	[smem:$0x3FA9] =	sst s3  }
0xc: {  	[smem:$0x3FAA] =	sst s4  }
0xd: {  	[smem:$0x3FAB] =	sst s5  }
0xe: {  	[smem:$0x3FAC] =	sst s6  }
0xf: {  	[smem:$0x3FAD] =	sst s7  }
0x10: {  	[smem:$0x3FAE] =	sst s8  }
0x11: {  	[smem:$0x3FAF] =	sst s9;
	s0 =	simm.s32 @!p0 $0x0  }
0x12: {  	s1 =	sld [smem:$0x3F95];
	s0 =	simm.s32 @p0 $0x1  }
0x13: {  	[smem:$0x3FB0] =	sst s0;
	s0 =	simm.s32 @!p1 $0x0  }
0x14: {  	s2 =	sld [smem:$0x3F94];
	s0 =	simm.s32 @p1 $0x1  }
0x15: {  	[smem:$0x3FB1] =	sst s0;
	s0 =	simm.s32 @!p2 $0x0  }
0x16: {  	s3 =	sld [smem:$0x3FDB];
	s0 =	simm.s32 @p2 $0x1  }
0x17: {  	s4 =	simm.s32 $0x1BF5;
	[smem:$0x3FB3] =	sst s0  }
0x18: {  	s0 =	sld [smem:$0x3F96];
	_ =	swait.ge [sflag:s4], $0x0  }
0x19: {  	s7 =	sld [smem:$0x3F97]  }
0x1a: {  	s8 =	sadd.s32 $0xFFFFE003, lr  }
0x1b: {  	s9 =	sadd.s32 $0xFFFFFEF7, lr;
	s5 =	simm.s32 $0xFFFFFFFF;
	p2 =	slt.u32 s8, $0xFFFFF086  }
0x1c: {  	p1 =	slt.u32 s9, $0xF7A;
	s5 =	simm.s32 @!p2 $0x0  }
0x1d: {  	s5 =	simm.s32 @p1 $0x1;
	p0 =	seq.s32 s7, s2  }
0x1e: {  	s7 =	smul.u32 @!p0 $0xF7A, s2;
	p2 =	seq.s32 @!p0 s5, $0x0  }
0x1f: {  	s9 =	smul.u32 $0xF7A, s1;
	s8 =	simm.s32 @!p0 $0x1BF5;
	p2 =	por !p2, p0  }
0x20: {  	[sflag:s8] =	ssyncset.s32 @!p0 $0xFFFFF086;
	s6 =	sadd.s32 @!p0 s3, s7;
	s7 =	simm.s32 @!p0 $0x108  }
0x21: {  	s3 =	sadd.s32 s3, s9;
	s6 =	sadd.s32 @!p0 $0x88, s6;
	s7 =	simm.s32 @p2 $0x1082  }
0x22: {  	[simem:s7], [sflag:s8] =	dma.local @!p0 [hbm:s6], $0xF7A  }
0x23: {  	s9 =	sor.u32 $0xD0000000, s2;
	s6 =	simm.s32 $0x108;
	_ =	swait.ge @!p0 [sflag:s8], $0x0  }
0x24: {  	s3 =	sadd.s32 $0x88, s3;
	s6 =	simm.s32 @!p1 $0x1082;
	[sflag:s4] =	ssyncset.s32 $0xFFFFF086  }
0x25: {  	[simem:s6], [sflag:s4] =	dma.local [hbm:s3], $0xF7A  }
0x26: {  	[smem:$0x3F97] =	sst s1;
	(tag) =	ssettag s2;
	_ =	strace s9  }
0x27: {  	s1 =	sld [smem:$0x3FA7]  }
0x28: {  	s2 =	sld [smem:$0x3FA8]  }
0x29: {  	s4 =	sld [smem:$0x3FAA]  }
0x2a: {  	p0 =	seq.s32 s5, $0x0;
	s5 =	sld [smem:$0x3FAB]  }
0x2b: {  	s6 =	sld [smem:$0x3FAC]  }
0x2c: {  	s7 =	sld [smem:$0x3FAD]  }
0x2d: {  	s3 =	simm.s32 $0x108;
	s8 =	sld [smem:$0x3FAE]  }
0x2e: {  	s3 =	simm.s32 @!p0 $0x1082;
	s9 =	sld [smem:$0x3FAF]  }
0x2f: {  	lr =	sadd.s32 s0, s3;
	s0 =	sld [smem:$0x3FA6]  }
0x30: {  	s3 =	sld [smem:$0x3FA9]  }
0x31: {  	[smem:$0x3FB2] =	sst s10  }
0x32: {  	s10 =	sld [smem:$0x3FB0];
	_ =	sdelay $0x3  }
0x33: {  	p0 =	seq.s32 s10, $0x1;
	s10 =	sld [smem:$0x3FB2];
	_ =	sdelay $0x3  }
0x34: {  	[smem:$0x3FB2] =	sst s10  }
0x35: {  	s10 =	sld [smem:$0x3FB1];
	_ =	sdelay $0x3  }
0x36: {  	p1 =	seq.s32 s10, $0x1;
	s10 =	sld [smem:$0x3FB2];
	_ =	sdelay $0x3  }
0x37: {  	[smem:$0x3FB2] =	sst s10  }
0x38: {  	s10 =	sld [smem:$0x3FB3]  }
0x39: {  	_ = 	snop;
	(pc) =	sbr.ind lr, $3  }
0x3a: {  	_ = 	snop  }
0x3b: {  	_ = 	snop  }
0x3c: {  	p2 =	seq.s32 s10, $0x1;
	s10 =	sld [smem:$0x3FB2]  }
0x3d: {  	_ =	shalt  }
0x3e: {  	_ =	shalt  }
0x3f: {  	_ =	shalt  }
0x40: {  	_ =	shalt  }
0x41: {  	_ =	shalt  }
0x42: {  	_ =	shalt  }
0x43: {  	_ =	shalt  }
0x44: {  	_ =	shalt  }
0x45: {  	_ =	shalt  }
0x46: {  	_ =	shalt  }
0x47: {  	_ =	shalt  }
0x48: {  	_ =	shalt  }
0x49: {  	_ =	shalt  }
0x4a: {  	_ =	shalt  }
0x4b: {  	_ =	shalt  }
0x4c: {  	_ =	shalt  }
0x4d: {  	_ =	shalt  }
0x4e: {  	_ =	shalt  }
0x4f: {  	_ =	shalt  }
0x50: {  	_ =	shalt  }
0x51: {  	_ =	shalt  }
0x52: {  	_ =	shalt  }
0x53: {  	_ =	shalt  }
0x54: {  	_ =	shalt  }
0x55: {  	_ =	shalt  }
0x56: {  	_ =	shalt  }
0x57: {  	_ =	shalt  }
0x58: {  	_ =	shalt  }
0x59: {  	_ =	shalt  }
0x5a: {  	_ =	shalt  }
0x5b: {  	_ =	shalt  }
0x5c: {  	_ =	shalt  }
0x5d: {  	_ =	shalt  }
0x5e: {  	_ =	shalt  }
0x5f: {  	_ =	shalt  }
0x60: {  	_ =	shalt  }
0x61: {  	_ =	shalt  }
0x62: {  	_ =	shalt  }
0x63: {  	_ =	shalt  }
0x64: {  	_ =	shalt  }
0x65: {  	_ =	shalt  }
0x66: {  	_ =	shalt  }
0x67: {  	_ =	shalt  }
0x68: {  	_ =	shalt  }
0x69: {  	_ =	shalt  }
0x6a: {  	_ =	shalt  }
0x6b: {  	_ =	shalt  }
0x6c: {  	_ =	shalt  }
0x6d: {  	_ =	shalt  }
0x6e: {  	_ =	shalt  }
0x6f: {  	_ =	shalt  }
0x70: {  	_ =	shalt  }
0x71: {  	_ =	shalt  }
0x72: {  	_ =	shalt  }
0x73: {  	_ =	shalt  }
0x74: {  	_ =	shalt  }
0x75: {  	_ =	shalt  }
0x76: {  	_ =	shalt  }
0x77: {  	_ =	shalt  }
0x78: {  	_ =	shalt  }
0x79: {  	_ =	shalt  }
0x7a: {  	_ =	shalt  }
0x7b: {  	_ =	shalt  }
0x7c: {  	_ =	shalt  }
0x7d: {  	_ =	shalt  }
0x7e: {  	_ =	shalt  }
0x7f: {  	_ =	shalt  }
0x80: {  	_ =	shalt  }
0x81: {  	_ =	shalt  }
0x82: {  	_ =	shalt  }
0x83: {  	_ =	shalt  }
0x84: {  	_ =	shalt  }
0x85: {  	_ =	shalt  }
0x86: {  	_ =	shalt  }
0x87: {  	_ =	shalt  }
.Lfunc_end0:
.L_simem_size_0:
called_computation.1_lowered:
.L_overlay_start_0:
0x88: {  	s2 =	sld [smem:$0x3FD9]  }
0x89: {  	s3 =	sld [smem:$0x3FFE];
	_ =	sdelay $0x1  }
0x8a: {  	s1 =	srdreg.scid  }
0x8b: {  	s0 =	sand.u32 $0x1, s1  }
0x8c: {  	s16 =	sshll.u32 s0, $0xA;
	s2 =	sadd.s32 s3, s2  }
0x8d: {  	s2 =	sadd.s32 s2, s16  }
0x8e: {  	[smem:$0x3FBE] =	sst s2  }
0x8f: {  	_ = 	snop  }
0x90: {  	(tm) =	ssettm $0x1  }
0x91: {  	s17 =	sld [smem:$0x3FFB];
	_ =	sdelay $0x3  }
0x92: {  	_ =	strace s17  }
0x93: {  	s2 =	sld [smem:$0x3FFC];
	_ =	sdelay $0x3  }
0x94: {  	_ =	strace s2  }
0x95: {  	s2 =	sld [smem:$0x3FFD];
	_ =	sdelay $0x3  }
0x96: {  	_ =	strace s2  }
0x97: {  	_ =	strace $0x8FFFFFFF  }
0x98: {  	s18 =	sld [smem:$0x3FDB];
	_ =	sdelay $0x1  }
0x99: {  	s19 =	simm.s32 $_scs_section_size  }
0x9a: {  	s4 =	simm.s32 $_size__tile_overlayer_lowered;
	s5 =	simm.s32 $_tile_overlayer_lowered  }
0x9b: {  	s22 =	simm.s32 $0x1BFF;
	s21 =	sshll.u32 s5, $0x1;
	s2 =	sadd.s32 s19, s18  }
0x9c: {  	s6 =	simm.s32 $0x0;
	s20 =	sshll.u32 s4, $0x1;
	s4 =	sadd.s32 s21, s2  }
0x9d: {  	[timem:s6], [sflag:s22] =	dma.local [hbm:s4], s20  }
0x9e: {  	_ =	swait.ge [sflag:s22], s20  }
0x9f: {  	s3 =	ssub.s32 $0x0, s20;
	[sflag:s22] =	ssyncset.done $0x0  }
0xa0: {  	[sflag:s22] =	ssyncadd.s32 s3;
	_ =	sdelay $0x1  }
0xa1: {  	s23 =	simm.s32 $0x1B8B  }
0xa2: {  	_ =	swait.ge [sflag:s23], $0x1  }
0xa3: {  	[sflag:s23] =	ssyncset.done $0x0  }
0xa4: {  	s25 =	simm.s32 $0x1B8E;
	s24 =	sld [smem:$0x3FFE];
	[sflag:s23] =	ssyncadd.s32 $0xFFFFFFFF  }
0xa5: {  	s26 =	simm.s32 $execute0_lowered;
	[smem:$0x3FD2] =	sst s25  }
0xa6: {  	s4 =	sshll.u32 s26, $0x1;
	_ =	strace $0x80000049;
	[dreg:$0x1] =	wrdreg $0xFFFFFFFF  }
0xa7: {  	s28 =	simm.s32 $_size_execute0_lowered;
	s2 =	sadd.s32 s2, s4;
	[dreg:$0x0] =	wrdreg $0x0  }
0xa8: {  	s4 =	sshll.u32 s28, $0x1;
	[dreg:$0x2] =	wrdreg s2  }
0xa9: {  	[dreg:$0x3] =	wrdreg s4  }
0xaa: {  	[dreg:$0x4] =	wrdreg $0xC0  }
0xab: {  	_ =	task [dreg:s6], $0x5FFFF  }
0xac: {  	[dreg:$0x1] =	wrdreg $0xFFFFFFFF  }
0xad: {  	[dreg:$0x0] =	wrdreg $0x60  }
0xae: {  	[dreg:$0x2] =	wrdreg s24  }
0xaf: {  	[dreg:$0x3] =	wrdreg $0x82000  }
0xb0: {  	[dreg:$0x4] =	wrdreg $0x9  }
0xb1: {  	_ =	task.clear_ibuf [dreg:s6], $0x5FFFF;
	_ =	strace $0x90000049  }
0xb2: {  	s29 =	simm.s32 $0x9;
	_ =	strace $0x8000004B  }
0xb3: {  	_ =	swait.ge [sflag:s29], $0x1  }
0xb4: {  	[sflag:s29] =	ssyncadd.s32 $0xFFFFFFFF  }
0xb5: {  	_ =	strace $0x9000004B  }
0xb6: {  	_ =	sfence  }
0xb7: {  	s30 =	sld [smem:$0x0];
	_ =	sdelay $0x2  }
0xb8: {  	s31 =	sshll.u32 s1, $0xD;
	s1 =	sshrl.u32 s1, $0x2  }
0xb9: {  	s3 =	sand.u32 $0x4000, s31;
	s1 =	sadd.s32 s1, s30  }
0xba: {  	s0 =	sor.u32 s3, s0;
	s1 =	sshll.u32 s1, $0x11  }
0xbb: {  	s0 =	sor.u32 s1, s0  }
0xbc: {  	s0 =	sadd.s32 $0x8F2B, s0  }
0xbd: {  	[sflag:s0] =	ssyncadd.remote.s32 $0x1  }
0xbe: {  	_ =	sfence.sel $0xFFFF  }
0xbf: {  	[dreg:$0x0] =	wrdreg $0xFFFFFFFF;
	(pc) =	sbr.abs _section_cstart, $3  }
0xc0: {  	[dreg:$0x1] =	wrdreg $0xFFFFFFFF  }
0xc1: {  	_ =	task.clear_ibuf [dreg:s6], $0x2FFFF;
	_ =	strace $0x9FFFFFFF  }
0xc2: {  	(tm) =	ssettm $0x7FFFFFFF  }
0xc3: {  	_ =	shalt  }
tec
execute0_lowered:
.L_overlay_start_1:
0x0: {  	(tag) =	ssettag $0x1  }
0x1: {  	s0 =	rddreg [dreg:$0x0]  }
0x2: {  	s1 =	rddreg [dreg:$0x1];
	s3 =	simm.s32 $0x0  }
0x3: {  	s13 =	stileid.u32;
	s2 =	srdreg.scid;
	s29 =	simm.s32 $0x3  }
0x4: {  	s30 =	simm.s32 $0x1;
	s31 =	simm.s32 $0x0;
	[smem:$0x7FF] =	sst s3  }
0x5: {  	s4 =	sadd.s32 $0x21600, s0;
	s5 =	sadd.s32 $0xD600, s0;
	s7 =	smul.u32 $0x2700, s13  }
0x6: {  	s2 =	sand.u32 $0x1, s2;
	s6 =	sadd.s32 $0x17600, s0;
	s9 =	smul.u32 $0x4E000, s13  }
0x7: {  	s10 =	sadd.s32 $0x6FA00, s0;
	s12 =	smul.u32 $0x13800, s13;
	s18 =	sadd.s32 $0x124800, s1  }
0x8: {  	s28 =	sshll.u32 s13, $0x4;
	p0 =	seq.s32 s13, $0xF;
	_ =	strace $0x8000004A  }
0x9: {  	s8 =	ssub.s32 $0x2, s2;
	s14 =	sshll.u32 s2, $0x4;
	s16 =	smul.u32 $0x138800, s2  }
0xa: {  	s2 =	sshll.u32 s2, $0x8;
	s7 =	sadd.s32 s7, s0;
	s11 =	sshrl.u32 s8, $0x1  }
0xb: {  	s9 =	sshrl.u32 s9, $0x2;
	s15 =	sor.u32 s13, s14;
	s0 =	sadd.s32 $0x6D100, s0  }
0xc: {  	s8 =	ssub.s32 s8, s11;
	s9 =	sadd.s32 s9, s1;
	s7 =	sadd.s32 $0x48800, s7  }
0xd: {  	s17 =	sshll.u32 s15, $0x4;
	[dreg:$0x5] =	wrdreg s0;
	s22 =	sadd.s32 s12, s16  }
0xe: {  	s11 =	sshrl.u32 s16, $0x3;
	s26 =	ssub.s32 $0xA03, s15;
	[dreg:$0x3] =	wrdreg s9  }
0xf: {  	[dreg:$0x4] =	wrdreg s7;
	s19 =	sadd.s32 s5, s17;
	s20 =	sadd.s32 s6, s17  }
0x10: {  	s21 =	sor.u32 $0x200, s17;
	s7 =	sshrl.u32 s22, $0x3;
	s25 =	sadd.s32 s10, s11  }
0x11: {  	s16 =	smax.u32 s8, $0x1;
	s17 =	sshrl.u32 s26, $0x6;
	[dreg:$0x6] =	wrdreg s19  }
0x12: {  	s8 =	sor.u32 s28, s2;
	[dreg:$0x7] =	wrdreg s20;
	s23 =	sadd.s32 s5, s21  }
0x13: {  	s9 =	sor.u32 $0x40, s15;
	s0 =	sadd.s32 s6, s21;
	[dreg:$0x8] =	wrdreg s23  }
0x14: {  	s22 =	simm.s32 $0x5;
	s24 =	sadd.s32 s10, s7;
	[dreg:$0x9] =	wrdreg s0  }
0x15: {  	s20 =	sshrl.u32 @p0 s18, $0x3;
	[dreg:$0xa] =	wrdreg s24;
	s0 =	sadd.s32 $0x24900, s25  }
0x16: {  	s23 =	simm.s32 $0x80;
	[dreg:$0xb] =	wrdreg s0;
	s0 =	sshll.u32 @!p0 s13, $0x6  }
0x17: {  	s24 =	simm.s32 $0x200;
	s25 =	simm.s32 $0x100;
	s21 =	sor.u32 @!p0 $0x1C05, s0  }
.LBB2_1:
0x18: {  	s26 =	simm.s32 @p0 $0x1FC5;
	s0 =	rddreg [dreg:$0x5];
	s2 =	simm.s32 @p0 $0x5  }
0x19: {  	[spmem:s20], [sflag:s26] =	dma.local @p0 [hbm:s0], $0x2800  }
0x1a: {  	_ =	swait.ge @p0 [sflag:s2], $0x2800  }
0x1b: {  	[sflag:s2] =	ssyncset.done @p0 $0x0;
	s0 =	rddreg [dreg:$0x3]  }
0x1c: {  	[sflag:s2] =	ssyncadd.s32 @p0 $0xFFFFD800;
	s28 =	sshrl.u32 @!p0 s0, $0x3;
	s0 =	rddreg [dreg:$0x4]  }
0x1d: {  	[spmem:s28], [sflag:s21] =	dma.local @!p0 [hbm:s0], $0x2700  }
0x1e: {  	s0 =	simm.s32 @!p0 $0x5  }
0x1f: {  	_ =	swait.ge @!p0 [sflag:s0], $0x2700  }
0x20: {  	[sflag:s0] =	ssyncset.done @!p0 $0x0  }
0x21: {  	[sflag:s0] =	ssyncadd.s32 @!p0 $0xFFFFD900  }
0x22: {  	[bflag:$0x0] =	sbarrier.arrive $0xFFFF  }
0x23: {  	s7 =	rddreg [dreg:$0x6]  }
0x24: {  	[tilespmem:s3], [sflag:$0x5] =	stream.linear.gather [hbm4b:s7+s3], $0x80, $0x38;
	[tilespmem:$0x1BE80] =	vst v63  }
0x25: {  	_ =	swait.ge [sflag:s22], $0x80  }
0x26: {  	[sflag:s22] =	ssyncset.done $0x0  }
0x27: {  	[sflag:s22] =	ssyncadd.s32 $0xFFFFFF80  }
0x28: {  	[tilespmem:s24], [sflag:$0x1] =	stream.indirect.gather [hbm4b:s4+s23], $0x80, s3, s23, $0xb8;
	[tilespmem:$0x1BE80] =	vst v63  }
0x29: {  	s10 =	rddreg [dreg:$0x7]  }
0x2a: {  	[tilespmem:s25], [sflag:$0x3] =	stream.linear.gather [hbm4b:s10+s3], $0x80, $0x38;
	[tilespmem:$0x1BE80] =	vst v63  }
0x2b: {  	s11 =	rddreg [dreg:$0x8]  }
0x2c: {  	[tilespmem:s23], [sflag:$0x5] =	stream.linear.gather [hbm4b:s11+s3], $0x80, $0x38;
	[tilespmem:$0x1BE80] =	vst v63  }
0x2d: {  	_ =	swait.ge [sflag:s22], $0x80  }
0x2e: {  	[sflag:s22] =	ssyncset.done $0x0  }
0x2f: {  	s12 =	simm.s32 $0x4200;
	[sflag:s22] =	ssyncadd.s32 $0xFFFFFF80  }
0x30: {  	[tilespmem:s12], [sflag:$0x2] =	stream.indirect.gather [hbm4b:s4+s23], $0x80, s23, s23, $0xb8;
	[tilespmem:$0x1BE80] =	vst v63  }
0x31: {  	s10 =	simm.s32 $0x180;
	s13 =	rddreg [dreg:$0x9]  }
0x32: {  	[tilespmem:s10], [sflag:$0x4] =	stream.linear.gather [hbm4b:s13+s3], $0x80, $0x38;
	[tilespmem:$0x1BE80] =	vst v63  }
0x33: {  	_ =	swait.ge [sflag:s29], $0x80  }
0x34: {  	[sflag:s29] =	ssyncset.done $0x0  }
0x35: {  	[sflag:s29] =	ssyncadd.s32 $0xFFFFFF80  }
0x36: {  	_ =	swait.ge [sflag:s30], $0x4000  }
0x37: {  	p2 =	sgt.s32 s9, $0x9C3;
	[sflag:s30] =	ssyncset.done $0x0  }
0x38: {  	s7 =	sadd.s32 @!p2 $0x400, s8;
	[sflag:s30] =	ssyncadd.s32 $0xFFFFC000  }
0x39: {  	[spmem:s1] =	stream.indirect.scatter.add.f32 [tilespmem:s24], [sflag:$0x5], $0x80, s25, s23, $0xb8;
	[tilespmem:$0x1BE80] =	vst v63  }
0x3a: {  	s7 =	sand.u32 @!p2 $0x1FFFFFF0, s7;
	_ =	swait.ge [sflag:s22], $0x4000  }
0x3b: {  	s11 =	sadd.s32 @!p2 s5, s7;
	[sflag:s22] =	ssyncset.done $0x0  }
0x3c: {  	s12 =	simm.s32 @!p2 $0x0;
	s10 =	simm.s32 @!p2 $0x5;
	[sflag:s22] =	ssyncadd.s32 $0xFFFFC000  }
0x3d: {  	[tilespmem:s12], [sflag:$0x5] =	stream.linear.gather @!p2 [hbm4b:s11+s12], $0x80, $0x38;
	[tilespmem:$0x1BE80] =	vst v63  }
0x3e: {  	_ =	swait.ge @!p2 [sflag:s10], $0x80  }
0x3f: {  	s14 =	sadd.s32 $0xFFFFFFC0, s9;
	[sflag:s10] =	ssyncset.done @!p2 $0x0  }
0x40: {  	s18 =	simm.s32 @!p2 $0x200;
	[sflag:s10] =	ssyncadd.s32 @!p2 $0xFFFFFF80;
	s10 =	simm.s32 @!p2 $0x80  }
0x41: {  	[tilespmem:s18], [sflag:$0x1] =	stream.indirect.gather @!p2 [hbm4b:s4+s10], $0x80, s12, s10, $0xb8;
	[tilespmem:$0x1BE80] =	vst v63  }
0x42: {  	p1 =	sgt.s32 s14, $0x9A3;
	s7 =	sadd.s32 @!p2 s6, s7;
	s10 =	simm.s32 @!p2 $0x100  }
0x43: {  	[tilespmem:s10], [sflag:$0x3] =	stream.linear.gather @!p2 [hbm4b:s7+s12], $0x80, $0x38;
	[tilespmem:$0x1BE80] =	vst v63  }
0x44: {  	s7 =	simm.s32 @!p1 $0x4  }
0x45: {  	_ =	swait.ge @!p1 [sflag:s7], $0x80  }
0x46: {  	[sflag:s7] =	ssyncset.done @!p1 $0x0  }
0x47: {  	s10 =	simm.s32 @!p1 $0x2;
	[sflag:s7] =	ssyncadd.s32 @!p1 $0xFFFFFF80  }
0x48: {  	s15 =	sadd.s32 $0x20, s9;
	s19 =	simm.s32 @!p1 $0x5;
	_ =	swait.ge @!p1 [sflag:s10], $0x4000  }
0x49: {  	s18 =	simm.s32 @!p1 $0x180;
	s12 =	simm.s32 @!p1 $0x80;
	[sflag:s10] =	ssyncset.done @!p1 $0x0  }
0x4a: {  	p2 =	sgt.s32 s15, $0x9C3;
	s7 =	simm.s32 @!p1 $0x4200;
	[sflag:s10] =	ssyncadd.s32 @!p1 $0xFFFFC000  }
0x4b: {  	[spmem:s1] =	stream.indirect.scatter.add.f32 @!p1 [tilespmem:s7], [sflag:$0x5], $0x80, s18, s12, $0xb8;
	[tilespmem:$0x1BE80] =	vst v63  }
0x4c: {  	s7 =	sadd.s32 @!p2 $0x600, s8;
	_ =	swait.ge @!p1 [sflag:s19], $0x4000  }
0x4d: {  	s11 =	simm.s32 @!p2 $0x80;
	s12 =	sand.u32 @!p2 $0x1FFFFFF0, s7;
	[sflag:s19] =	ssyncset.done @!p1 $0x0  }
0x4e: {  	s10 =	simm.s32 @!p2 $0x0;
	s7 =	sadd.s32 @!p2 s5, s12;
	[sflag:s19] =	ssyncadd.s32 @!p1 $0xFFFFC000  }
0x4f: {  	[tilespmem:s11], [sflag:$0x5] =	stream.linear.gather @!p2 [hbm4b:s7+s10], $0x80, $0x38;
	[tilespmem:$0x1BE80] =	vst v63  }
0x50: {  	s7 =	sadd.s32 $0xFFFFFFFF, s17  }
0x51: {  	s18 =	simm.s32 @!p2 $0x5;
	p1 =	sne.s32 s7, $0x0  }
.Ltmp0:
0x52: {  	_ =	swait.ge @!p2 [sflag:s18], $0x80;
	(pc) =	sbr.rel @!p1 .LBB2_3-.Ltmp0, $4  }
0x53: {  	[sflag:s18] =	ssyncset.done @!p2 $0x0  }
0x54: {  	s19 =	simm.s32 @!p2 $0x4200;
	[sflag:s18] =	ssyncadd.s32 @!p2 $0xFFFFFF80;
	s18 =	smov.u32 s8  }
0x55: {  	[tilespmem:s19], [sflag:$0x2] =	stream.indirect.gather @!p2 [hbm4b:s4+s11], $0x80, s11, s11, $0xb8;
	[tilespmem:$0x1BE80] =	vst v63  }
0x56: {  	s11 =	sadd.s32 @!p2 s6, s12;
	s12 =	simm.s32 @!p2 $0x180;
	s19 =	smov.u32 s9  }
.LBB2_2:
0x57: {  	s7 =	sadd.s32 $0xFFFFFFFF, s7;
	s18 =	sadd.s32 $0x400, s18;
	s19 =	sadd.s32 $0x40, s19  }
0x58: {  	[tilespmem:s12], [sflag:$0x4] =	stream.linear.gather @!p2 [hbm4b:s11+s10], $0x80, $0x38;
	[tilespmem:$0x1BE80] =	vst v63  }
0x59: {  	p1 =	sne.s32 s7, $0x0;
	_ =	swait.ge [sflag:s29], $0x80  }
0x5a: {  	[sflag:s29] =	ssyncset.done $0x0  }
0x5b: {  	[sflag:s29] =	ssyncadd.s32 $0xFFFFFF80  }
0x5c: {  	_ =	swait.ge [sflag:s30], $0x4000  }
0x5d: {  	[sflag:s30] =	ssyncset.done $0x0  }
0x5e: {  	p2 =	sgt.s32 s19, $0x9C3;
	[sflag:s30] =	ssyncadd.s32 $0xFFFFC000  }
0x5f: {  	[spmem:s1] =	stream.indirect.scatter.add.f32 [tilespmem:s24], [sflag:$0x5], $0x80, s25, s23, $0xb8;
	[tilespmem:$0x1BE80] =	vst v63  }
0x60: {  	s10 =	sadd.s32 @!p2 $0x400, s18;
	_ =	swait.ge [sflag:s22], $0x4000  }
0x61: {  	s11 =	simm.s32 @!p2 $0x5;
	s10 =	sand.u32 @!p2 $0x1FFFFFF0, s10;
	[sflag:s22] =	ssyncset.done $0x0  }
0x62: {  	s13 =	simm.s32 @!p2 $0x0;
	s12 =	sadd.s32 @!p2 s5, s10;
	[sflag:s22] =	ssyncadd.s32 $0xFFFFC000  }
0x63: {  	[tilespmem:s13], [sflag:$0x5] =	stream.linear.gather @!p2 [hbm4b:s12+s13], $0x80, $0x38;
	[tilespmem:$0x1BE80] =	vst v63  }
0x64: {  	s10 =	sadd.s32 @!p2 s6, s10;
	_ =	swait.ge @!p2 [sflag:s11], $0x80  }
0x65: {  	s12 =	sadd.s32 $0xFFFFFFC0, s19;
	[sflag:s11] =	ssyncset.done @!p2 $0x0  }
0x66: {  	s14 =	simm.s32 @!p2 $0x200;
	[sflag:s11] =	ssyncadd.s32 @!p2 $0xFFFFFF80;
	s11 =	simm.s32 @!p2 $0x80  }
0x67: {  	[tilespmem:s14], [sflag:$0x1] =	stream.indirect.gather @!p2 [hbm4b:s4+s11], $0x80, s13, s11, $0xb8;
	[tilespmem:$0x1BE80] =	vst v63  }
0x68: {  	p3 =	sgt.s32 s12, $0x9A3;
	s11 =	simm.s32 @!p2 $0x100  }
0x69: {  	[tilespmem:s11], [sflag:$0x3] =	stream.linear.gather @!p2 [hbm4b:s10+s13], $0x80, $0x38;
	[tilespmem:$0x1BE80] =	vst v63  }
0x6a: {  	s10 =	simm.s32 @!p3 $0x4  }
0x6b: {  	_ =	swait.ge @!p3 [sflag:s10], $0x80  }
0x6c: {  	s11 =	simm.s32 @!p3 $0x2;
	[sflag:s10] =	ssyncset.done @!p3 $0x0  }
0x6d: {  	[sflag:s10] =	ssyncadd.s32 @!p3 $0xFFFFFF80  }
0x6e: {  	s12 =	sadd.s32 $0x20, s19;
	s10 =	simm.s32 @!p3 $0x4200;
	_ =	swait.ge @!p3 [sflag:s11], $0x4000  }
0x6f: {  	s14 =	simm.s32 @!p3 $0x180;
	s13 =	simm.s32 @!p3 $0x80;
	[sflag:s11] =	ssyncset.done @!p3 $0x0  }
0x70: {  	p2 =	sgt.s32 s12, $0x9C3;
	[sflag:s11] =	ssyncadd.s32 @!p3 $0xFFFFC000;
	s11 =	simm.s32 @!p3 $0x5  }
0x71: {  	[spmem:s1] =	stream.indirect.scatter.add.f32 @!p3 [tilespmem:s10], [sflag:$0x5], $0x80, s14, s13, $0xb8;
	[tilespmem:$0x1BE80] =	vst v63  }
0x72: {  	s10 =	sadd.s32 @!p2 $0x600, s18;
	s13 =	simm.s32 @!p2 $0x80;
	_ =	swait.ge @!p3 [sflag:s11], $0x4000  }
0x73: {  	s12 =	sand.u32 @!p2 $0x1FFFFFF0, s10;
	s10 =	simm.s32 @!p2 $0x0;
	[sflag:s11] =	ssyncset.done @!p3 $0x0  }
0x74: {  	s14 =	simm.s32 @!p2 $0x5;
	[sflag:s11] =	ssyncadd.s32 @!p3 $0xFFFFC000;
	s11 =	sadd.s32 @!p2 s5, s12  }
0x75: {  	[tilespmem:s13], [sflag:$0x5] =	stream.linear.gather @!p2 [hbm4b:s11+s10], $0x80, $0x38;
	[tilespmem:$0x1BE80] =	vst v63  }
.Ltmp1:
0x76: {  	_ = 	snop;
	(pc) =	sbr.rel @p1 .LBB2_2-.Ltmp1, $4  }
0x77: {  	s11 =	sadd.s32 @!p2 s6, s12;
	_ =	swait.ge @!p2 [sflag:s14], $0x80  }
0x78: {  	s15 =	simm.s32 @!p2 $0x4200;
	[sflag:s14] =	ssyncset.done @!p2 $0x0  }
0x79: {  	s12 =	simm.s32 @!p2 $0x180;
	[sflag:s14] =	ssyncadd.s32 @!p2 $0xFFFFFF80  }
0x7a: {  	[tilespmem:s15], [sflag:$0x2] =	stream.indirect.gather @!p2 [hbm4b:s4+s13], $0x80, s13, s13, $0xb8;
	[tilespmem:$0x1BE80] =	vst v63  }
.LBB2_3:
0x7b: {  	[tilespmem:s12], [sflag:$0x4] =	stream.linear.gather @!p2 [hbm4b:s11+s10], $0x80, $0x38;
	[tilespmem:$0x1BE80] =	vst v63  }
0x7c: {  	[bflag:$0x0] =	sbarrier.arrive $0xFFFF  }
0x7d: {  	s7 =	rddreg [dreg:$0xb]  }
0x7e: {  	[hbm:s7], [sflag:s26] =	dma.local @p0 [spmem:s20], $0x2800  }
0x7f: {  	s31 =	sadd.s32 $0x1, s31;
	_ =	swait.ge @p0 [sflag:s2], $0x2800  }
0x80: {  	p1 =	sne.s32 s31, s16;
	[sflag:s2] =	ssyncset.done @p0 $0x0  }
.Ltmp2:
0x81: {  	[sflag:s2] =	ssyncadd.s32 @p0 $0xFFFFD800;
	s2 =	rddreg [dreg:$0xa];
	(pc) =	sbr.rel @p1 .LBB2_1-.Ltmp2, $4  }
0x82: {  	[hbm:s2], [sflag:s21] =	dma.local @!p0 [spmem:s28], $0x2700  }
0x83: {  	_ =	swait.ge @!p0 [sflag:s0], $0x2700  }
0x84: {  	[sflag:s0] =	ssyncset.done @!p0 $0x0  }
0x85: {  	[sflag:s0] =	ssyncadd.s32 @!p0 $0xFFFFD900  }
0x86: {  	_ =	sfence.sel $0x180000  }
0x87: {  	[bflag:$0x0] =	sbarrier.arrive $0xFFFF  }
0x88: {  	_ =	strace $0x9000004A  }
0x89: {  	s0 =	stileid.u32;
	[bflag:$0x2] =	sbarrier.arrive $0xFFFF  }
0x8a: {  	p0 =	sne.s32 s0, $0x0;
	s0 =	rddreg [dreg:$0x2]  }
0x8b: {  	s0 =	sadd.s32 @!p0 $0x100000, s0  }
0x8c: {  	[sflag:s0] =	ssyncadd.tile.s32 @!p0 $0x1;
	_ =	shalt  }
.Lfunc_end2:
_tile_overlayer_lowered:
.L_overlay_start_2:
0x8d: {  	(tag) =	ssettag $0x2  }
0x8e: {  	s0 =	rddreg [dreg:$0x0];
	s2 =	stileid.u32  }
0x8f: {  	s1 =	rddreg [dreg:$0x1];
	p0 =	sne.s32 s2, $0x0  }
0x90: {  	s3 =	rddreg [dreg:$0x2];
	[bflag:$0x3] =	sbarrier.arrive $0xFFFF;
	s2 =	simm.s32 @!p0 $0x1C05  }
0x91: {  	[timem:s3], [sflag:s2] =	dma.local @!p0 [hbm:s0], s1  }
0x92: {  	s0 =	simm.s32 @!p0 $0x5  }
0x93: {  	_ =	swait.ge @!p0 [sflag:s0], s1  }
0x94: {  	s1 =	ssub.s32 @!p0 $0x0, s1;
	[sflag:s0] =	ssyncset.done @!p0 $0x0  }
0x95: {  	[sflag:s0] =	ssyncadd.s32 @!p0 s1  }
0x96: {  	[bflag:$0x3] =	sbarrier.arrive $0xFFFF  }
0x97: {  	_ =	shalt  }

// kernel: kernel.18.cloned.1.call-start
scs
__scs_entry_jumppad:
0x0: {  	(pc) =	sbr.rel $0x88, $3  }
0x1: {  	(tag) =	ssettag $0x0;
	lr =	simm.s32 $0x1  }
0x2: {  	[smem:$0x3F97] =	sst lr;
	_ =	strace $0xD0000000  }
0x3: {  	_ = 	snop  }
0x4: {  	_ = 	snop  }
0x5: {  	_ = 	snop  }
0x6: {  	_ = 	snop  }
0x7: {  	_ = 	snop  }
__scs_overlays_trampoline_lowered:
0x8: {  	[smem:$0x3FA6] =	sst s0  }
0x9: {  	[smem:$0x3FA7] =	sst s1  }
0xa: {  	[smem:$0x3FA8] =	sst s2  }
0xb: {  	[smem:$0x3FA9] =	sst s3  }
0xc: {  	[smem:$0x3FAA] =	sst s4  }
0xd: {  	[smem:$0x3FAB] =	sst s5  }
0xe: {  	[smem:$0x3FAC] =	sst s6  }
0xf: {  	[smem:$0x3FAD] =	sst s7  }
0x10: {  	[smem:$0x3FAE] =	sst s8  }
0x11: {  	[smem:$0x3FAF] =	sst s9;
	s0 =	simm.s32 @!p0 $0x0  }
0x12: {  	s1 =	sld [smem:$0x3F95];
	s0 =	simm.s32 @p0 $0x1  }
0x13: {  	[smem:$0x3FB0] =	sst s0;
	s0 =	simm.s32 @!p1 $0x0  }
0x14: {  	s2 =	sld [smem:$0x3F94];
	s0 =	simm.s32 @p1 $0x1  }
0x15: {  	[smem:$0x3FB1] =	sst s0;
	s0 =	simm.s32 @!p2 $0x0  }
0x16: {  	s3 =	sld [smem:$0x3FDB];
	s0 =	simm.s32 @p2 $0x1  }
0x17: {  	s4 =	simm.s32 $0x1BF5;
	[smem:$0x3FB3] =	sst s0  }
0x18: {  	s0 =	sld [smem:$0x3F96];
	_ =	swait.ge [sflag:s4], $0x0  }
0x19: {  	s7 =	sld [smem:$0x3F97]  }
0x1a: {  	s8 =	sadd.s32 $0xFFFFE003, lr  }
0x1b: {  	s9 =	sadd.s32 $0xFFFFFEF7, lr;
	s5 =	simm.s32 $0xFFFFFFFF;
	p2 =	slt.u32 s8, $0xFFFFF086  }
0x1c: {  	p1 =	slt.u32 s9, $0xF7A;
	s5 =	simm.s32 @!p2 $0x0  }
0x1d: {  	s5 =	simm.s32 @p1 $0x1;
	p0 =	seq.s32 s7, s2  }
0x1e: {  	s7 =	smul.u32 @!p0 $0xF7A, s2;
	p2 =	seq.s32 @!p0 s5, $0x0  }
0x1f: {  	s9 =	smul.u32 $0xF7A, s1;
	s8 =	simm.s32 @!p0 $0x1BF5;
	p2 =	por !p2, p0  }
0x20: {  	[sflag:s8] =	ssyncset.s32 @!p0 $0xFFFFF086;
	s6 =	sadd.s32 @!p0 s3, s7;
	s7 =	simm.s32 @!p0 $0x108  }
0x21: {  	s3 =	sadd.s32 s3, s9;
	s6 =	sadd.s32 @!p0 $0x88, s6;
	s7 =	simm.s32 @p2 $0x1082  }
0x22: {  	[simem:s7], [sflag:s8] =	dma.local @!p0 [hbm:s6], $0xF7A  }
0x23: {  	s9 =	sor.u32 $0xD0000000, s2;
	s6 =	simm.s32 $0x108;
	_ =	swait.ge @!p0 [sflag:s8], $0x0  }
0x24: {  	s3 =	sadd.s32 $0x88, s3;
	s6 =	simm.s32 @!p1 $0x1082;
	[sflag:s4] =	ssyncset.s32 $0xFFFFF086  }
0x25: {  	[simem:s6], [sflag:s4] =	dma.local [hbm:s3], $0xF7A  }
0x26: {  	[smem:$0x3F97] =	sst s1;
	(tag) =	ssettag s2;
	_ =	strace s9  }
0x27: {  	s1 =	sld [smem:$0x3FA7]  }
0x28: {  	s2 =	sld [smem:$0x3FA8]  }
0x29: {  	s4 =	sld [smem:$0x3FAA]  }
0x2a: {  	p0 =	seq.s32 s5, $0x0;
	s5 =	sld [smem:$0x3FAB]  }
0x2b: {  	s6 =	sld [smem:$0x3FAC]  }
0x2c: {  	s7 =	sld [smem:$0x3FAD]  }
0x2d: {  	s3 =	simm.s32 $0x108;
	s8 =	sld [smem:$0x3FAE]  }
0x2e: {  	s3 =	simm.s32 @!p0 $0x1082;
	s9 =	sld [smem:$0x3FAF]  }
0x2f: {  	lr =	sadd.s32 s0, s3;
	s0 =	sld [smem:$0x3FA6]  }
0x30: {  	s3 =	sld [smem:$0x3FA9]  }
0x31: {  	[smem:$0x3FB2] =	sst s10  }
0x32: {  	s10 =	sld [smem:$0x3FB0];
	_ =	sdelay $0x3  }
0x33: {  	p0 =	seq.s32 s10, $0x1;
	s10 =	sld [smem:$0x3FB2];
	_ =	sdelay $0x3  }
0x34: {  	[smem:$0x3FB2] =	sst s10  }
0x35: {  	s10 =	sld [smem:$0x3FB1];
	_ =	sdelay $0x3  }
0x36: {  	p1 =	seq.s32 s10, $0x1;
	s10 =	sld [smem:$0x3FB2];
	_ =	sdelay $0x3  }
0x37: {  	[smem:$0x3FB2] =	sst s10  }
0x38: {  	s10 =	sld [smem:$0x3FB3]  }
0x39: {  	_ = 	snop;
	(pc) =	sbr.ind lr, $3  }
0x3a: {  	_ = 	snop  }
0x3b: {  	_ = 	snop  }
0x3c: {  	p2 =	seq.s32 s10, $0x1;
	s10 =	sld [smem:$0x3FB2]  }
0x3d: {  	_ =	shalt  }
0x3e: {  	_ =	shalt  }
0x3f: {  	_ =	shalt  }
0x40: {  	_ =	shalt  }
0x41: {  	_ =	shalt  }
0x42: {  	_ =	shalt  }
0x43: {  	_ =	shalt  }
0x44: {  	_ =	shalt  }
0x45: {  	_ =	shalt  }
0x46: {  	_ =	shalt  }
0x47: {  	_ =	shalt  }
0x48: {  	_ =	shalt  }
0x49: {  	_ =	shalt  }
0x4a: {  	_ =	shalt  }
0x4b: {  	_ =	shalt  }
0x4c: {  	_ =	shalt  }
0x4d: {  	_ =	shalt  }
0x4e: {  	_ =	shalt  }
0x4f: {  	_ =	shalt  }
0x50: {  	_ =	shalt  }
0x51: {  	_ =	shalt  }
0x52: {  	_ =	shalt  }
0x53: {  	_ =	shalt  }
0x54: {  	_ =	shalt  }
0x55: {  	_ =	shalt  }
0x56: {  	_ =	shalt  }
0x57: {  	_ =	shalt  }
0x58: {  	_ =	shalt  }
0x59: {  	_ =	shalt  }
0x5a: {  	_ =	shalt  }
0x5b: {  	_ =	shalt  }
0x5c: {  	_ =	shalt  }
0x5d: {  	_ =	shalt  }
0x5e: {  	_ =	shalt  }
0x5f: {  	_ =	shalt  }
0x60: {  	_ =	shalt  }
0x61: {  	_ =	shalt  }
0x62: {  	_ =	shalt  }
0x63: {  	_ =	shalt  }
0x64: {  	_ =	shalt  }
0x65: {  	_ =	shalt  }
0x66: {  	_ =	shalt  }
0x67: {  	_ =	shalt  }
0x68: {  	_ =	shalt  }
0x69: {  	_ =	shalt  }
0x6a: {  	_ =	shalt  }
0x6b: {  	_ =	shalt  }
0x6c: {  	_ =	shalt  }
0x6d: {  	_ =	shalt  }
0x6e: {  	_ =	shalt  }
0x6f: {  	_ =	shalt  }
0x70: {  	_ =	shalt  }
0x71: {  	_ =	shalt  }
0x72: {  	_ =	shalt  }
0x73: {  	_ =	shalt  }
0x74: {  	_ =	shalt  }
0x75: {  	_ =	shalt  }
0x76: {  	_ =	shalt  }
0x77: {  	_ =	shalt  }
0x78: {  	_ =	shalt  }
0x79: {  	_ =	shalt  }
0x7a: {  	_ =	shalt  }
0x7b: {  	_ =	shalt  }
0x7c: {  	_ =	shalt  }
0x7d: {  	_ =	shalt  }
0x7e: {  	_ =	shalt  }
0x7f: {  	_ =	shalt  }
0x80: {  	_ =	shalt  }
0x81: {  	_ =	shalt  }
0x82: {  	_ =	shalt  }
0x83: {  	_ =	shalt  }
0x84: {  	_ =	shalt  }
0x85: {  	_ =	shalt  }
0x86: {  	_ =	shalt  }
0x87: {  	_ =	shalt  }
.Lfunc_end0:
.L_simem_size_0:
called_computation.2_lowered:
.L_overlay_start_0:
0x88: {  	s2 =	sld [smem:$0x3FD9]  }
0x89: {  	s3 =	sld [smem:$0x3FFE];
	_ =	sdelay $0x1  }
0x8a: {  	s1 =	srdreg.scid  }
0x8b: {  	s0 =	sand.u32 $0x1, s1  }
0x8c: {  	s16 =	sshll.u32 s0, $0xA;
	s2 =	sadd.s32 s3, s2  }
0x8d: {  	s2 =	sadd.s32 s2, s16  }
0x8e: {  	[smem:$0x3FBE] =	sst s2  }
0x8f: {  	_ = 	snop  }
0x90: {  	(tm) =	ssettm $0x1  }
0x91: {  	s17 =	sld [smem:$0x3FFB];
	_ =	sdelay $0x3  }
0x92: {  	_ =	strace s17  }
0x93: {  	s2 =	sld [smem:$0x3FFC];
	_ =	sdelay $0x3  }
0x94: {  	_ =	strace s2  }
0x95: {  	s2 =	sld [smem:$0x3FFD];
	_ =	sdelay $0x3  }
0x96: {  	_ =	strace s2  }
0x97: {  	_ =	strace $0x8FFFFFFF  }
0x98: {  	s18 =	sld [smem:$0x3FDB];
	_ =	sdelay $0x1  }
0x99: {  	s19 =	simm.s32 $_scs_section_size  }
0x9a: {  	s4 =	simm.s32 $_size__tile_overlayer_lowered;
	s5 =	simm.s32 $_tile_overlayer_lowered  }
0x9b: {  	s22 =	simm.s32 $0x1BFF;
	s21 =	sshll.u32 s5, $0x1;
	s2 =	sadd.s32 s19, s18  }
0x9c: {  	s6 =	simm.s32 $0x0;
	s20 =	sshll.u32 s4, $0x1;
	s4 =	sadd.s32 s21, s2  }
0x9d: {  	[timem:s6], [sflag:s22] =	dma.local [hbm:s4], s20  }
0x9e: {  	_ =	swait.ge [sflag:s22], s20  }
0x9f: {  	s3 =	ssub.s32 $0x0, s20;
	[sflag:s22] =	ssyncset.done $0x0  }
0xa0: {  	[sflag:s22] =	ssyncadd.s32 s3;
	_ =	sdelay $0x1  }
0xa1: {  	s23 =	simm.s32 $0x1B8B  }
0xa2: {  	_ =	swait.ge [sflag:s23], $0x1  }
0xa3: {  	[sflag:s23] =	ssyncset.done $0x0  }
0xa4: {  	s25 =	simm.s32 $0x1B8E;
	s24 =	sld [smem:$0x3FFE];
	[sflag:s23] =	ssyncadd.s32 $0xFFFFFFFF  }
0xa5: {  	s26 =	simm.s32 $execute0_lowered;
	[smem:$0x3FD2] =	sst s25  }
0xa6: {  	s4 =	sshll.u32 s26, $0x1;
	_ =	strace $0x8000004C;
	[dreg:$0x1] =	wrdreg $0xFFFFFFFF  }
0xa7: {  	s28 =	simm.s32 $_size_execute0_lowered;
	s2 =	sadd.s32 s2, s4;
	[dreg:$0x0] =	wrdreg $0x0  }
0xa8: {  	s4 =	sshll.u32 s28, $0x1;
	[dreg:$0x2] =	wrdreg s2  }
0xa9: {  	[dreg:$0x3] =	wrdreg s4  }
0xaa: {  	[dreg:$0x4] =	wrdreg $0xC0  }
0xab: {  	_ =	task [dreg:s6], $0x5FFFF  }
0xac: {  	[dreg:$0x1] =	wrdreg $0xFFFFFFFF  }
0xad: {  	[dreg:$0x0] =	wrdreg $0x60  }
0xae: {  	[dreg:$0x2] =	wrdreg s24  }
0xaf: {  	[dreg:$0x3] =	wrdreg $0x82000  }
0xb0: {  	[dreg:$0x4] =	wrdreg $0x9  }
0xb1: {  	_ =	task.clear_ibuf [dreg:s6], $0x5FFFF;
	_ =	strace $0x9000004C  }
0xb2: {  	s29 =	simm.s32 $0x9;
	_ =	strace $0x8000004E  }
0xb3: {  	_ =	swait.ge [sflag:s29], $0x1  }
0xb4: {  	[sflag:s29] =	ssyncadd.s32 $0xFFFFFFFF  }
0xb5: {  	_ =	strace $0x9000004E  }
0xb6: {  	_ =	sfence  }
0xb7: {  	s30 =	sld [smem:$0x0];
	_ =	sdelay $0x2  }
0xb8: {  	s31 =	sshll.u32 s1, $0xD;
	s1 =	sshrl.u32 s1, $0x2  }
0xb9: {  	s3 =	sand.u32 $0x4000, s31;
	s1 =	sadd.s32 s1, s30  }
0xba: {  	s0 =	sor.u32 s3, s0;
	s1 =	sshll.u32 s1, $0x11  }
0xbb: {  	s0 =	sor.u32 s1, s0  }
0xbc: {  	s0 =	sadd.s32 $0x8F2B, s0  }
0xbd: {  	[sflag:s0] =	ssyncadd.remote.s32 $0x1  }
0xbe: {  	_ =	sfence.sel $0xFFFF  }
0xbf: {  	[dreg:$0x0] =	wrdreg $0xFFFFFFFF;
	(pc) =	sbr.abs _section_cstart, $3  }
0xc0: {  	[dreg:$0x1] =	wrdreg $0xFFFFFFFF  }
0xc1: {  	_ =	task.clear_ibuf [dreg:s6], $0x2FFFF;
	_ =	strace $0x9FFFFFFF  }
0xc2: {  	(tm) =	ssettm $0x7FFFFFFF  }
0xc3: {  	_ =	shalt  }
tec
execute0_lowered:
.L_overlay_start_1:
0x0: {  	(tag) =	ssettag $0x1  }
0x1: {  	s0 =	rddreg [dreg:$0x0]  }
0x2: {  	s1 =	rddreg [dreg:$0x1];
	s3 =	simm.s32 $0x0  }
0x3: {  	s13 =	stileid.u32;
	s2 =	srdreg.scid;
	s29 =	simm.s32 $0x3  }
0x4: {  	s30 =	simm.s32 $0x1;
	s31 =	simm.s32 $0x0;
	[smem:$0x7FF] =	sst s3  }
0x5: {  	s4 =	sadd.s32 $0x21600, s0;
	s5 =	sadd.s32 $0xD600, s0;
	s7 =	smul.u32 $0x2700, s13  }
0x6: {  	s2 =	sand.u32 $0x1, s2;
	s6 =	sadd.s32 $0x17600, s0;
	s9 =	smul.u32 $0x4E000, s13  }
0x7: {  	s10 =	sadd.s32 $0x6FA00, s0;
	s12 =	smul.u32 $0x13800, s13;
	s18 =	sadd.s32 $0x124800, s1  }
0x8: {  	s28 =	sshll.u32 s13, $0x4;
	p0 =	seq.s32 s13, $0xF;
	_ =	strace $0x8000004D  }
0x9: {  	s8 =	ssub.s32 $0x2, s2;
	s14 =	sshll.u32 s2, $0x4;
	s16 =	smul.u32 $0x138800, s2  }
0xa: {  	s2 =	sshll.u32 s2, $0x8;
	s7 =	sadd.s32 s7, s0;
	s11 =	sshrl.u32 s8, $0x1  }
0xb: {  	s9 =	sshrl.u32 s9, $0x2;
	s15 =	sor.u32 s13, s14;
	s0 =	sadd.s32 $0x6D100, s0  }
0xc: {  	s8 =	ssub.s32 s8, s11;
	s9 =	sadd.s32 s9, s1;
	s7 =	sadd.s32 $0x48800, s7  }
0xd: {  	s17 =	sshll.u32 s15, $0x4;
	[dreg:$0x5] =	wrdreg s0;
	s22 =	sadd.s32 s12, s16  }
0xe: {  	s11 =	sshrl.u32 s16, $0x3;
	s26 =	ssub.s32 $0xA03, s15;
	[dreg:$0x3] =	wrdreg s9  }
0xf: {  	[dreg:$0x4] =	wrdreg s7;
	s19 =	sadd.s32 s5, s17;
	s20 =	sadd.s32 s6, s17  }
0x10: {  	s21 =	sor.u32 $0x200, s17;
	s7 =	sshrl.u32 s22, $0x3;
	s25 =	sadd.s32 s10, s11  }
0x11: {  	s16 =	smax.u32 s8, $0x1;
	s17 =	sshrl.u32 s26, $0x6;
	[dreg:$0x6] =	wrdreg s19  }
0x12: {  	s8 =	sor.u32 s28, s2;
	[dreg:$0x7] =	wrdreg s20;
	s23 =	sadd.s32 s5, s21  }
0x13: {  	s9 =	sor.u32 $0x40, s15;
	s0 =	sadd.s32 s6, s21;
	[dreg:$0x8] =	wrdreg s23  }
0x14: {  	s22 =	simm.s32 $0x5;
	s24 =	sadd.s32 s10, s7;
	[dreg:$0x9] =	wrdreg s0  }
0x15: {  	s20 =	sshrl.u32 @p0 s18, $0x3;
	[dreg:$0xa] =	wrdreg s24;
	s0 =	sadd.s32 $0x24900, s25  }
0x16: {  	s23 =	simm.s32 $0x80;
	[dreg:$0xb] =	wrdreg s0;
	s0 =	sshll.u32 @!p0 s13, $0x6  }
0x17: {  	s24 =	simm.s32 $0x200;
	s25 =	simm.s32 $0x100;
	s21 =	sor.u32 @!p0 $0x1C05, s0  }
.LBB2_1:
0x18: {  	s26 =	simm.s32 @p0 $0x1FC5;
	s0 =	rddreg [dreg:$0x5];
	s2 =	simm.s32 @p0 $0x5  }
0x19: {  	[spmem:s20], [sflag:s26] =	dma.local @p0 [hbm:s0], $0x2800  }
0x1a: {  	_ =	swait.ge @p0 [sflag:s2], $0x2800  }
0x1b: {  	[sflag:s2] =	ssyncset.done @p0 $0x0;
	s0 =	rddreg [dreg:$0x3]  }
0x1c: {  	[sflag:s2] =	ssyncadd.s32 @p0 $0xFFFFD800;
	s28 =	sshrl.u32 @!p0 s0, $0x3;
	s0 =	rddreg [dreg:$0x4]  }
0x1d: {  	[spmem:s28], [sflag:s21] =	dma.local @!p0 [hbm:s0], $0x2700  }
0x1e: {  	s0 =	simm.s32 @!p0 $0x5  }
0x1f: {  	_ =	swait.ge @!p0 [sflag:s0], $0x2700  }
0x20: {  	[sflag:s0] =	ssyncset.done @!p0 $0x0  }
0x21: {  	[sflag:s0] =	ssyncadd.s32 @!p0 $0xFFFFD900  }
0x22: {  	[bflag:$0x0] =	sbarrier.arrive $0xFFFF  }
0x23: {  	s7 =	rddreg [dreg:$0x6]  }
0x24: {  	[tilespmem:s3], [sflag:$0x5] =	stream.linear.gather [hbm4b:s7+s3], $0x80, $0x38;
	[tilespmem:$0x1BE80] =	vst v63  }
0x25: {  	_ =	swait.ge [sflag:s22], $0x80  }
0x26: {  	[sflag:s22] =	ssyncset.done $0x0  }
0x27: {  	[sflag:s22] =	ssyncadd.s32 $0xFFFFFF80  }
0x28: {  	[tilespmem:s24], [sflag:$0x1] =	stream.indirect.gather [hbm4b:s4+s23], $0x80, s3, s23, $0xb8;
	[tilespmem:$0x1BE80] =	vst v63  }
0x29: {  	s10 =	rddreg [dreg:$0x7]  }
0x2a: {  	[tilespmem:s25], [sflag:$0x3] =	stream.linear.gather [hbm4b:s10+s3], $0x80, $0x38;
	[tilespmem:$0x1BE80] =	vst v63  }
0x2b: {  	s11 =	rddreg [dreg:$0x8]  }
0x2c: {  	[tilespmem:s23], [sflag:$0x5] =	stream.linear.gather [hbm4b:s11+s3], $0x80, $0x38;
	[tilespmem:$0x1BE80] =	vst v63  }
0x2d: {  	_ =	swait.ge [sflag:s22], $0x80  }
0x2e: {  	[sflag:s22] =	ssyncset.done $0x0  }
0x2f: {  	s12 =	simm.s32 $0x4200;
	[sflag:s22] =	ssyncadd.s32 $0xFFFFFF80  }
0x30: {  	[tilespmem:s12], [sflag:$0x2] =	stream.indirect.gather [hbm4b:s4+s23], $0x80, s23, s23, $0xb8;
	[tilespmem:$0x1BE80] =	vst v63  }
0x31: {  	s10 =	simm.s32 $0x180;
	s13 =	rddreg [dreg:$0x9]  }
0x32: {  	[tilespmem:s10], [sflag:$0x4] =	stream.linear.gather [hbm4b:s13+s3], $0x80, $0x38;
	[tilespmem:$0x1BE80] =	vst v63  }
0x33: {  	_ =	swait.ge [sflag:s29], $0x80  }
0x34: {  	[sflag:s29] =	ssyncset.done $0x0  }
0x35: {  	[sflag:s29] =	ssyncadd.s32 $0xFFFFFF80  }
0x36: {  	_ =	swait.ge [sflag:s30], $0x4000  }
0x37: {  	p2 =	sgt.s32 s9, $0x9C3;
	[sflag:s30] =	ssyncset.done $0x0  }
0x38: {  	s7 =	sadd.s32 @!p2 $0x400, s8;
	[sflag:s30] =	ssyncadd.s32 $0xFFFFC000  }
0x39: {  	[spmem:s1] =	stream.indirect.scatter.add.f32 [tilespmem:s24], [sflag:$0x5], $0x80, s25, s23, $0xb8;
	[tilespmem:$0x1BE80] =	vst v63  }
0x3a: {  	s7 =	sand.u32 @!p2 $0x1FFFFFF0, s7;
	_ =	swait.ge [sflag:s22], $0x4000  }
0x3b: {  	s11 =	sadd.s32 @!p2 s5, s7;
	[sflag:s22] =	ssyncset.done $0x0  }
0x3c: {  	s12 =	simm.s32 @!p2 $0x0;
	s10 =	simm.s32 @!p2 $0x5;
	[sflag:s22] =	ssyncadd.s32 $0xFFFFC000  }
0x3d: {  	[tilespmem:s12], [sflag:$0x5] =	stream.linear.gather @!p2 [hbm4b:s11+s12], $0x80, $0x38;
	[tilespmem:$0x1BE80] =	vst v63  }
0x3e: {  	_ =	swait.ge @!p2 [sflag:s10], $0x80  }
0x3f: {  	s14 =	sadd.s32 $0xFFFFFFC0, s9;
	[sflag:s10] =	ssyncset.done @!p2 $0x0  }
0x40: {  	s18 =	simm.s32 @!p2 $0x200;
	[sflag:s10] =	ssyncadd.s32 @!p2 $0xFFFFFF80;
	s10 =	simm.s32 @!p2 $0x80  }
0x41: {  	[tilespmem:s18], [sflag:$0x1] =	stream.indirect.gather @!p2 [hbm4b:s4+s10], $0x80, s12, s10, $0xb8;
	[tilespmem:$0x1BE80] =	vst v63  }
0x42: {  	p1 =	sgt.s32 s14, $0x9A3;
	s7 =	sadd.s32 @!p2 s6, s7;
	s10 =	simm.s32 @!p2 $0x100  }
0x43: {  	[tilespmem:s10], [sflag:$0x3] =	stream.linear.gather @!p2 [hbm4b:s7+s12], $0x80, $0x38;
	[tilespmem:$0x1BE80] =	vst v63  }
0x44: {  	s7 =	simm.s32 @!p1 $0x4  }
0x45: {  	_ =	swait.ge @!p1 [sflag:s7], $0x80  }
0x46: {  	[sflag:s7] =	ssyncset.done @!p1 $0x0  }
0x47: {  	s10 =	simm.s32 @!p1 $0x2;
	[sflag:s7] =	ssyncadd.s32 @!p1 $0xFFFFFF80  }
0x48: {  	s15 =	sadd.s32 $0x20, s9;
	s19 =	simm.s32 @!p1 $0x5;
	_ =	swait.ge @!p1 [sflag:s10], $0x4000  }
0x49: {  	s18 =	simm.s32 @!p1 $0x180;
	s12 =	simm.s32 @!p1 $0x80;
	[sflag:s10] =	ssyncset.done @!p1 $0x0  }
0x4a: {  	p2 =	sgt.s32 s15, $0x9C3;
	s7 =	simm.s32 @!p1 $0x4200;
	[sflag:s10] =	ssyncadd.s32 @!p1 $0xFFFFC000  }
0x4b: {  	[spmem:s1] =	stream.indirect.scatter.add.f32 @!p1 [tilespmem:s7], [sflag:$0x5], $0x80, s18, s12, $0xb8;
	[tilespmem:$0x1BE80] =	vst v63  }
0x4c: {  	s7 =	sadd.s32 @!p2 $0x600, s8;
	_ =	swait.ge @!p1 [sflag:s19], $0x4000  }
0x4d: {  	s11 =	simm.s32 @!p2 $0x80;
	s12 =	sand.u32 @!p2 $0x1FFFFFF0, s7;
	[sflag:s19] =	ssyncset.done @!p1 $0x0  }
0x4e: {  	s10 =	simm.s32 @!p2 $0x0;
	s7 =	sadd.s32 @!p2 s5, s12;
	[sflag:s19] =	ssyncadd.s32 @!p1 $0xFFFFC000  }
0x4f: {  	[tilespmem:s11], [sflag:$0x5] =	stream.linear.gather @!p2 [hbm4b:s7+s10], $0x80, $0x38;
	[tilespmem:$0x1BE80] =	vst v63  }
0x50: {  	s7 =	sadd.s32 $0xFFFFFFFF, s17  }
0x51: {  	s18 =	simm.s32 @!p2 $0x5;
	p1 =	sne.s32 s7, $0x0  }
.Ltmp0:
0x52: {  	_ =	swait.ge @!p2 [sflag:s18], $0x80;
	(pc) =	sbr.rel @!p1 .LBB2_3-.Ltmp0, $4  }
0x53: {  	[sflag:s18] =	ssyncset.done @!p2 $0x0  }
0x54: {  	s19 =	simm.s32 @!p2 $0x4200;
	[sflag:s18] =	ssyncadd.s32 @!p2 $0xFFFFFF80;
	s18 =	smov.u32 s8  }
0x55: {  	[tilespmem:s19], [sflag:$0x2] =	stream.indirect.gather @!p2 [hbm4b:s4+s11], $0x80, s11, s11, $0xb8;
	[tilespmem:$0x1BE80] =	vst v63  }
0x56: {  	s11 =	sadd.s32 @!p2 s6, s12;
	s12 =	simm.s32 @!p2 $0x180;
	s19 =	smov.u32 s9  }
.LBB2_2:
0x57: {  	s7 =	sadd.s32 $0xFFFFFFFF, s7;
	s18 =	sadd.s32 $0x400, s18;
	s19 =	sadd.s32 $0x40, s19  }
0x58: {  	[tilespmem:s12], [sflag:$0x4] =	stream.linear.gather @!p2 [hbm4b:s11+s10], $0x80, $0x38;
	[tilespmem:$0x1BE80] =	vst v63  }
0x59: {  	p1 =	sne.s32 s7, $0x0;
	_ =	swait.ge [sflag:s29], $0x80  }
0x5a: {  	[sflag:s29] =	ssyncset.done $0x0  }
0x5b: {  	[sflag:s29] =	ssyncadd.s32 $0xFFFFFF80  }
0x5c: {  	_ =	swait.ge [sflag:s30], $0x4000  }
0x5d: {  	[sflag:s30] =	ssyncset.done $0x0  }
0x5e: {  	p2 =	sgt.s32 s19, $0x9C3;
	[sflag:s30] =	ssyncadd.s32 $0xFFFFC000  }
0x5f: {  	[spmem:s1] =	stream.indirect.scatter.add.f32 [tilespmem:s24], [sflag:$0x5], $0x80, s25, s23, $0xb8;
	[tilespmem:$0x1BE80] =	vst v63  }
0x60: {  	s10 =	sadd.s32 @!p2 $0x400, s18;
	_ =	swait.ge [sflag:s22], $0x4000  }
0x61: {  	s11 =	simm.s32 @!p2 $0x5;
	s10 =	sand.u32 @!p2 $0x1FFFFFF0, s10;
	[sflag:s22] =	ssyncset.done $0x0  }
0x62: {  	s13 =	simm.s32 @!p2 $0x0;
	s12 =	sadd.s32 @!p2 s5, s10;
	[sflag:s22] =	ssyncadd.s32 $0xFFFFC000  }
0x63: {  	[tilespmem:s13], [sflag:$0x5] =	stream.linear.gather @!p2 [hbm4b:s12+s13], $0x80, $0x38;
	[tilespmem:$0x1BE80] =	vst v63  }
0x64: {  	s10 =	sadd.s32 @!p2 s6, s10;
	_ =	swait.ge @!p2 [sflag:s11], $0x80  }
0x65: {  	s12 =	sadd.s32 $0xFFFFFFC0, s19;
	[sflag:s11] =	ssyncset.done @!p2 $0x0  }
0x66: {  	s14 =	simm.s32 @!p2 $0x200;
	[sflag:s11] =	ssyncadd.s32 @!p2 $0xFFFFFF80;
	s11 =	simm.s32 @!p2 $0x80  }
0x67: {  	[tilespmem:s14], [sflag:$0x1] =	stream.indirect.gather @!p2 [hbm4b:s4+s11], $0x80, s13, s11, $0xb8;
	[tilespmem:$0x1BE80] =	vst v63  }
0x68: {  	p3 =	sgt.s32 s12, $0x9A3;
	s11 =	simm.s32 @!p2 $0x100  }
0x69: {  	[tilespmem:s11], [sflag:$0x3] =	stream.linear.gather @!p2 [hbm4b:s10+s13], $0x80, $0x38;
	[tilespmem:$0x1BE80] =	vst v63  }
0x6a: {  	s10 =	simm.s32 @!p3 $0x4  }
0x6b: {  	_ =	swait.ge @!p3 [sflag:s10], $0x80  }
0x6c: {  	s11 =	simm.s32 @!p3 $0x2;
	[sflag:s10] =	ssyncset.done @!p3 $0x0  }
0x6d: {  	[sflag:s10] =	ssyncadd.s32 @!p3 $0xFFFFFF80  }
0x6e: {  	s12 =	sadd.s32 $0x20, s19;
	s10 =	simm.s32 @!p3 $0x4200;
	_ =	swait.ge @!p3 [sflag:s11], $0x4000  }
0x6f: {  	s14 =	simm.s32 @!p3 $0x180;
	s13 =	simm.s32 @!p3 $0x80;
	[sflag:s11] =	ssyncset.done @!p3 $0x0  }
0x70: {  	p2 =	sgt.s32 s12, $0x9C3;
	[sflag:s11] =	ssyncadd.s32 @!p3 $0xFFFFC000;
	s11 =	simm.s32 @!p3 $0x5  }
0x71: {  	[spmem:s1] =	stream.indirect.scatter.add.f32 @!p3 [tilespmem:s10], [sflag:$0x5], $0x80, s14, s13, $0xb8;
	[tilespmem:$0x1BE80] =	vst v63  }
0x72: {  	s10 =	sadd.s32 @!p2 $0x600, s18;
	s13 =	simm.s32 @!p2 $0x80;
	_ =	swait.ge @!p3 [sflag:s11], $0x4000  }
0x73: {  	s12 =	sand.u32 @!p2 $0x1FFFFFF0, s10;
	s10 =	simm.s32 @!p2 $0x0;
	[sflag:s11] =	ssyncset.done @!p3 $0x0  }
0x74: {  	s14 =	simm.s32 @!p2 $0x5;
	[sflag:s11] =	ssyncadd.s32 @!p3 $0xFFFFC000;
	s11 =	sadd.s32 @!p2 s5, s12  }
0x75: {  	[tilespmem:s13], [sflag:$0x5] =	stream.linear.gather @!p2 [hbm4b:s11+s10], $0x80, $0x38;
	[tilespmem:$0x1BE80] =	vst v63  }
.Ltmp1:
0x76: {  	_ = 	snop;
	(pc) =	sbr.rel @p1 .LBB2_2-.Ltmp1, $4  }
0x77: {  	s11 =	sadd.s32 @!p2 s6, s12;
	_ =	swait.ge @!p2 [sflag:s14], $0x80  }
0x78: {  	s15 =	simm.s32 @!p2 $0x4200;
	[sflag:s14] =	ssyncset.done @!p2 $0x0  }
0x79: {  	s12 =	simm.s32 @!p2 $0x180;
	[sflag:s14] =	ssyncadd.s32 @!p2 $0xFFFFFF80  }
0x7a: {  	[tilespmem:s15], [sflag:$0x2] =	stream.indirect.gather @!p2 [hbm4b:s4+s13], $0x80, s13, s13, $0xb8;
	[tilespmem:$0x1BE80] =	vst v63  }
.LBB2_3:
0x7b: {  	[tilespmem:s12], [sflag:$0x4] =	stream.linear.gather @!p2 [hbm4b:s11+s10], $0x80, $0x38;
	[tilespmem:$0x1BE80] =	vst v63  }
0x7c: {  	[bflag:$0x0] =	sbarrier.arrive $0xFFFF  }
0x7d: {  	s7 =	rddreg [dreg:$0xb]  }
0x7e: {  	[hbm:s7], [sflag:s26] =	dma.local @p0 [spmem:s20], $0x2800  }
0x7f: {  	s31 =	sadd.s32 $0x1, s31;
	_ =	swait.ge @p0 [sflag:s2], $0x2800  }
0x80: {  	p1 =	sne.s32 s31, s16;
	[sflag:s2] =	ssyncset.done @p0 $0x0  }
.Ltmp2:
0x81: {  	[sflag:s2] =	ssyncadd.s32 @p0 $0xFFFFD800;
	s2 =	rddreg [dreg:$0xa];
	(pc) =	sbr.rel @p1 .LBB2_1-.Ltmp2, $4  }
0x82: {  	[hbm:s2], [sflag:s21] =	dma.local @!p0 [spmem:s28], $0x2700  }
0x83: {  	_ =	swait.ge @!p0 [sflag:s0], $0x2700  }
0x84: {  	[sflag:s0] =	ssyncset.done @!p0 $0x0  }
0x85: {  	[sflag:s0] =	ssyncadd.s32 @!p0 $0xFFFFD900  }
0x86: {  	_ =	sfence.sel $0x180000  }
0x87: {  	[bflag:$0x0] =	sbarrier.arrive $0xFFFF  }
0x88: {  	_ =	strace $0x9000004D  }
0x89: {  	s0 =	stileid.u32;
	[bflag:$0x2] =	sbarrier.arrive $0xFFFF  }
0x8a: {  	p0 =	sne.s32 s0, $0x0;
	s0 =	rddreg [dreg:$0x2]  }
0x8b: {  	s0 =	sadd.s32 @!p0 $0x100000, s0  }
0x8c: {  	[sflag:s0] =	ssyncadd.tile.s32 @!p0 $0x1;
	_ =	shalt  }
.Lfunc_end2:
_tile_overlayer_lowered:
.L_overlay_start_2:
0x8d: {  	(tag) =	ssettag $0x2  }
0x8e: {  	s0 =	rddreg [dreg:$0x0];
	s2 =	stileid.u32  }
0x8f: {  	s1 =	rddreg [dreg:$0x1];
	p0 =	sne.s32 s2, $0x0  }
0x90: {  	s3 =	rddreg [dreg:$0x2];
	[bflag:$0x3] =	sbarrier.arrive $0xFFFF;
	s2 =	simm.s32 @!p0 $0x1C05  }
0x91: {  	[timem:s3], [sflag:s2] =	dma.local @!p0 [hbm:s0], s1  }
0x92: {  	s0 =	simm.s32 @!p0 $0x5  }
0x93: {  	_ =	swait.ge @!p0 [sflag:s0], s1  }
0x94: {  	s1 =	ssub.s32 @!p0 $0x0, s1;
	[sflag:s0] =	ssyncset.done @!p0 $0x0  }
0x95: {  	[sflag:s0] =	ssyncadd.s32 @!p0 s1  }
0x96: {  	[bflag:$0x3] =	sbarrier.arrive $0xFFFF  }
0x97: {  	_ =	shalt  }

// kernel: kernel.21.cloned.1.call-start
scs
__scs_entry_jumppad:
0x0: {  	(pc) =	sbr.rel $0x88, $3  }
0x1: {  	(tag) =	ssettag $0x0;
	lr =	simm.s32 $0x1  }
0x2: {  	[smem:$0x3F97] =	sst lr;
	_ =	strace $0xD0000000  }
0x3: {  	_ = 	snop  }
0x4: {  	_ = 	snop  }
0x5: {  	_ = 	snop  }
0x6: {  	_ = 	snop  }
0x7: {  	_ = 	snop  }
__scs_overlays_trampoline_lowered:
0x8: {  	[smem:$0x3FA6] =	sst s0  }
0x9: {  	[smem:$0x3FA7] =	sst s1  }
0xa: {  	[smem:$0x3FA8] =	sst s2  }
0xb: {  	[smem:$0x3FA9] =	sst s3  }
0xc: {  	[smem:$0x3FAA] =	sst s4  }
0xd: {  	[smem:$0x3FAB] =	sst s5  }
0xe: {  	[smem:$0x3FAC] =	sst s6  }
0xf: {  	[smem:$0x3FAD] =	sst s7  }
0x10: {  	[smem:$0x3FAE] =	sst s8  }
0x11: {  	[smem:$0x3FAF] =	sst s9;
	s0 =	simm.s32 @!p0 $0x0  }
0x12: {  	s1 =	sld [smem:$0x3F95];
	s0 =	simm.s32 @p0 $0x1  }
0x13: {  	[smem:$0x3FB0] =	sst s0;
	s0 =	simm.s32 @!p1 $0x0  }
0x14: {  	s2 =	sld [smem:$0x3F94];
	s0 =	simm.s32 @p1 $0x1  }
0x15: {  	[smem:$0x3FB1] =	sst s0;
	s0 =	simm.s32 @!p2 $0x0  }
0x16: {  	s3 =	sld [smem:$0x3FDB];
	s0 =	simm.s32 @p2 $0x1  }
0x17: {  	s4 =	simm.s32 $0x1BF5;
	[smem:$0x3FB3] =	sst s0  }
0x18: {  	s0 =	sld [smem:$0x3F96];
	_ =	swait.ge [sflag:s4], $0x0  }
0x19: {  	s7 =	sld [smem:$0x3F97]  }
0x1a: {  	s8 =	sadd.s32 $0xFFFFE003, lr  }
0x1b: {  	s9 =	sadd.s32 $0xFFFFFEF7, lr;
	s5 =	simm.s32 $0xFFFFFFFF;
	p2 =	slt.u32 s8, $0xFFFFF086  }
0x1c: {  	p1 =	slt.u32 s9, $0xF7A;
	s5 =	simm.s32 @!p2 $0x0  }
0x1d: {  	s5 =	simm.s32 @p1 $0x1;
	p0 =	seq.s32 s7, s2  }
0x1e: {  	s7 =	smul.u32 @!p0 $0xF7A, s2;
	p2 =	seq.s32 @!p0 s5, $0x0  }
0x1f: {  	s9 =	smul.u32 $0xF7A, s1;
	s8 =	simm.s32 @!p0 $0x1BF5;
	p2 =	por !p2, p0  }
0x20: {  	[sflag:s8] =	ssyncset.s32 @!p0 $0xFFFFF086;
	s6 =	sadd.s32 @!p0 s3, s7;
	s7 =	simm.s32 @!p0 $0x108  }
0x21: {  	s3 =	sadd.s32 s3, s9;
	s6 =	sadd.s32 @!p0 $0x88, s6;
	s7 =	simm.s32 @p2 $0x1082  }
0x22: {  	[simem:s7], [sflag:s8] =	dma.local @!p0 [hbm:s6], $0xF7A  }
0x23: {  	s9 =	sor.u32 $0xD0000000, s2;
	s6 =	simm.s32 $0x108;
	_ =	swait.ge @!p0 [sflag:s8], $0x0  }
0x24: {  	s3 =	sadd.s32 $0x88, s3;
	s6 =	simm.s32 @!p1 $0x1082;
	[sflag:s4] =	ssyncset.s32 $0xFFFFF086  }
0x25: {  	[simem:s6], [sflag:s4] =	dma.local [hbm:s3], $0xF7A  }
0x26: {  	[smem:$0x3F97] =	sst s1;
	(tag) =	ssettag s2;
	_ =	strace s9  }
0x27: {  	s1 =	sld [smem:$0x3FA7]  }
0x28: {  	s2 =	sld [smem:$0x3FA8]  }
0x29: {  	s4 =	sld [smem:$0x3FAA]  }
0x2a: {  	p0 =	seq.s32 s5, $0x0;
	s5 =	sld [smem:$0x3FAB]  }
0x2b: {  	s6 =	sld [smem:$0x3FAC]  }
0x2c: {  	s7 =	sld [smem:$0x3FAD]  }
0x2d: {  	s3 =	simm.s32 $0x108;
	s8 =	sld [smem:$0x3FAE]  }
0x2e: {  	s3 =	simm.s32 @!p0 $0x1082;
	s9 =	sld [smem:$0x3FAF]  }
0x2f: {  	lr =	sadd.s32 s0, s3;
	s0 =	sld [smem:$0x3FA6]  }
0x30: {  	s3 =	sld [smem:$0x3FA9]  }
0x31: {  	[smem:$0x3FB2] =	sst s10  }
0x32: {  	s10 =	sld [smem:$0x3FB0];
	_ =	sdelay $0x3  }
0x33: {  	p0 =	seq.s32 s10, $0x1;
	s10 =	sld [smem:$0x3FB2];
	_ =	sdelay $0x3  }
0x34: {  	[smem:$0x3FB2] =	sst s10  }
0x35: {  	s10 =	sld [smem:$0x3FB1];
	_ =	sdelay $0x3  }
0x36: {  	p1 =	seq.s32 s10, $0x1;
	s10 =	sld [smem:$0x3FB2];
	_ =	sdelay $0x3  }
0x37: {  	[smem:$0x3FB2] =	sst s10  }
0x38: {  	s10 =	sld [smem:$0x3FB3]  }
0x39: {  	_ = 	snop;
	(pc) =	sbr.ind lr, $3  }
0x3a: {  	_ = 	snop  }
0x3b: {  	_ = 	snop  }
0x3c: {  	p2 =	seq.s32 s10, $0x1;
	s10 =	sld [smem:$0x3FB2]  }
0x3d: {  	_ =	shalt  }
0x3e: {  	_ =	shalt  }
0x3f: {  	_ =	shalt  }
0x40: {  	_ =	shalt  }
0x41: {  	_ =	shalt  }
0x42: {  	_ =	shalt  }
0x43: {  	_ =	shalt  }
0x44: {  	_ =	shalt  }
0x45: {  	_ =	shalt  }
0x46: {  	_ =	shalt  }
0x47: {  	_ =	shalt  }
0x48: {  	_ =	shalt  }
0x49: {  	_ =	shalt  }
0x4a: {  	_ =	shalt  }
0x4b: {  	_ =	shalt  }
0x4c: {  	_ =	shalt  }
0x4d: {  	_ =	shalt  }
0x4e: {  	_ =	shalt  }
0x4f: {  	_ =	shalt  }
0x50: {  	_ =	shalt  }
0x51: {  	_ =	shalt  }
0x52: {  	_ =	shalt  }
0x53: {  	_ =	shalt  }
0x54: {  	_ =	shalt  }
0x55: {  	_ =	shalt  }
0x56: {  	_ =	shalt  }
0x57: {  	_ =	shalt  }
0x58: {  	_ =	shalt  }
0x59: {  	_ =	shalt  }
0x5a: {  	_ =	shalt  }
0x5b: {  	_ =	shalt  }
0x5c: {  	_ =	shalt  }
0x5d: {  	_ =	shalt  }
0x5e: {  	_ =	shalt  }
0x5f: {  	_ =	shalt  }
0x60: {  	_ =	shalt  }
0x61: {  	_ =	shalt  }
0x62: {  	_ =	shalt  }
0x63: {  	_ =	shalt  }
0x64: {  	_ =	shalt  }
0x65: {  	_ =	shalt  }
0x66: {  	_ =	shalt  }
0x67: {  	_ =	shalt  }
0x68: {  	_ =	shalt  }
0x69: {  	_ =	shalt  }
0x6a: {  	_ =	shalt  }
0x6b: {  	_ =	shalt  }
0x6c: {  	_ =	shalt  }
0x6d: {  	_ =	shalt  }
0x6e: {  	_ =	shalt  }
0x6f: {  	_ =	shalt  }
0x70: {  	_ =	shalt  }
0x71: {  	_ =	shalt  }
0x72: {  	_ =	shalt  }
0x73: {  	_ =	shalt  }
0x74: {  	_ =	shalt  }
0x75: {  	_ =	shalt  }
0x76: {  	_ =	shalt  }
0x77: {  	_ =	shalt  }
0x78: {  	_ =	shalt  }
0x79: {  	_ =	shalt  }
0x7a: {  	_ =	shalt  }
0x7b: {  	_ =	shalt  }
0x7c: {  	_ =	shalt  }
0x7d: {  	_ =	shalt  }
0x7e: {  	_ =	shalt  }
0x7f: {  	_ =	shalt  }
0x80: {  	_ =	shalt  }
0x81: {  	_ =	shalt  }
0x82: {  	_ =	shalt  }
0x83: {  	_ =	shalt  }
0x84: {  	_ =	shalt  }
0x85: {  	_ =	shalt  }
0x86: {  	_ =	shalt  }
0x87: {  	_ =	shalt  }
.Lfunc_end0:
.L_simem_size_0:
called_computation.3_lowered:
.L_overlay_start_0:
0x88: {  	s2 =	sld [smem:$0x3FD9]  }
0x89: {  	s3 =	sld [smem:$0x3FFE];
	_ =	sdelay $0x1  }
0x8a: {  	s1 =	srdreg.scid  }
0x8b: {  	s0 =	sand.u32 $0x1, s1  }
0x8c: {  	s16 =	sshll.u32 s0, $0xA;
	s2 =	sadd.s32 s3, s2  }
0x8d: {  	s2 =	sadd.s32 s2, s16  }
0x8e: {  	[smem:$0x3FBE] =	sst s2  }
0x8f: {  	_ = 	snop  }
0x90: {  	(tm) =	ssettm $0x1  }
0x91: {  	s17 =	sld [smem:$0x3FFB];
	_ =	sdelay $0x3  }
0x92: {  	_ =	strace s17  }
0x93: {  	s2 =	sld [smem:$0x3FFC];
	_ =	sdelay $0x3  }
0x94: {  	_ =	strace s2  }
0x95: {  	s2 =	sld [smem:$0x3FFD];
	_ =	sdelay $0x3  }
0x96: {  	_ =	strace s2  }
0x97: {  	_ =	strace $0x8FFFFFFF  }
0x98: {  	s18 =	sld [smem:$0x3FDB];
	_ =	sdelay $0x1  }
0x99: {  	s19 =	simm.s32 $_scs_section_size  }
0x9a: {  	s4 =	simm.s32 $_size__tile_overlayer_lowered;
	s5 =	simm.s32 $_tile_overlayer_lowered  }
0x9b: {  	s22 =	simm.s32 $0x1BFF;
	s21 =	sshll.u32 s5, $0x1;
	s2 =	sadd.s32 s19, s18  }
0x9c: {  	s6 =	simm.s32 $0x0;
	s20 =	sshll.u32 s4, $0x1;
	s4 =	sadd.s32 s21, s2  }
0x9d: {  	[timem:s6], [sflag:s22] =	dma.local [hbm:s4], s20  }
0x9e: {  	_ =	swait.ge [sflag:s22], s20  }
0x9f: {  	s3 =	ssub.s32 $0x0, s20;
	[sflag:s22] =	ssyncset.done $0x0  }
0xa0: {  	[sflag:s22] =	ssyncadd.s32 s3;
	_ =	sdelay $0x1  }
0xa1: {  	s23 =	simm.s32 $0x1B8B  }
0xa2: {  	_ =	swait.ge [sflag:s23], $0x1  }
0xa3: {  	[sflag:s23] =	ssyncset.done $0x0  }
0xa4: {  	s25 =	simm.s32 $0x1B8E;
	s24 =	sld [smem:$0x3FFE];
	[sflag:s23] =	ssyncadd.s32 $0xFFFFFFFF  }
0xa5: {  	s26 =	simm.s32 $execute0_lowered;
	[smem:$0x3FD2] =	sst s25  }
0xa6: {  	s4 =	sshll.u32 s26, $0x1;
	_ =	strace $0x8000004F;
	[dreg:$0x1] =	wrdreg $0xFFFFFFFF  }
0xa7: {  	s28 =	simm.s32 $_size_execute0_lowered;
	s2 =	sadd.s32 s2, s4;
	[dreg:$0x0] =	wrdreg $0x0  }
0xa8: {  	s4 =	sshll.u32 s28, $0x1;
	[dreg:$0x2] =	wrdreg s2  }
0xa9: {  	[dreg:$0x3] =	wrdreg s4  }
0xaa: {  	[dreg:$0x4] =	wrdreg $0xC0  }
0xab: {  	_ =	task [dreg:s6], $0x5FFFF  }
0xac: {  	[dreg:$0x1] =	wrdreg $0xFFFFFFFF  }
0xad: {  	[dreg:$0x0] =	wrdreg $0x60  }
0xae: {  	[dreg:$0x2] =	wrdreg s24  }
0xaf: {  	[dreg:$0x3] =	wrdreg $0x82000  }
0xb0: {  	[dreg:$0x4] =	wrdreg $0x9  }
0xb1: {  	_ =	task.clear_ibuf [dreg:s6], $0x5FFFF;
	_ =	strace $0x9000004F  }
0xb2: {  	s29 =	simm.s32 $0x9;
	_ =	strace $0x80000051  }
0xb3: {  	_ =	swait.ge [sflag:s29], $0x1  }
0xb4: {  	[sflag:s29] =	ssyncadd.s32 $0xFFFFFFFF  }
0xb5: {  	_ =	strace $0x90000051  }
0xb6: {  	_ =	sfence  }
0xb7: {  	s30 =	sld [smem:$0x0];
	_ =	sdelay $0x2  }
0xb8: {  	s31 =	sshll.u32 s1, $0xD;
	s1 =	sshrl.u32 s1, $0x2  }
0xb9: {  	s3 =	sand.u32 $0x4000, s31;
	s1 =	sadd.s32 s1, s30  }
0xba: {  	s0 =	sor.u32 s3, s0;
	s1 =	sshll.u32 s1, $0x11  }
0xbb: {  	s0 =	sor.u32 s1, s0  }
0xbc: {  	s0 =	sadd.s32 $0x8F2B, s0  }
0xbd: {  	[sflag:s0] =	ssyncadd.remote.s32 $0x1  }
0xbe: {  	_ =	sfence.sel $0xFFFF  }
0xbf: {  	[dreg:$0x0] =	wrdreg $0xFFFFFFFF;
	(pc) =	sbr.abs _section_cstart, $3  }
0xc0: {  	[dreg:$0x1] =	wrdreg $0xFFFFFFFF  }
0xc1: {  	_ =	task.clear_ibuf [dreg:s6], $0x2FFFF;
	_ =	strace $0x9FFFFFFF  }
0xc2: {  	(tm) =	ssettm $0x7FFFFFFF  }
0xc3: {  	_ =	shalt  }
tec
execute0_lowered:
.L_overlay_start_1:
0x0: {  	(tag) =	ssettag $0x1  }
0x1: {  	s0 =	rddreg [dreg:$0x0]  }
0x2: {  	s1 =	rddreg [dreg:$0x1];
	s3 =	simm.s32 $0x0  }
0x3: {  	s13 =	stileid.u32;
	s2 =	srdreg.scid;
	s29 =	simm.s32 $0x3  }
0x4: {  	s30 =	simm.s32 $0x1;
	s31 =	simm.s32 $0x0;
	[smem:$0x7FF] =	sst s3  }
0x5: {  	s4 =	sadd.s32 $0x21600, s0;
	s5 =	sadd.s32 $0xD600, s0;
	s7 =	smul.u32 $0x2700, s13  }
0x6: {  	s2 =	sand.u32 $0x1, s2;
	s6 =	sadd.s32 $0x17600, s0;
	s9 =	smul.u32 $0x4E000, s13  }
0x7: {  	s10 =	sadd.s32 $0x6FA00, s0;
	s12 =	smul.u32 $0x13800, s13;
	s18 =	sadd.s32 $0x124800, s1  }
0x8: {  	s28 =	sshll.u32 s13, $0x4;
	p0 =	seq.s32 s13, $0xF;
	_ =	strace $0x80000050  }
0x9: {  	s8 =	ssub.s32 $0x2, s2;
	s14 =	sshll.u32 s2, $0x4;
	s16 =	smul.u32 $0x138800, s2  }
0xa: {  	s2 =	sshll.u32 s2, $0x8;
	s7 =	sadd.s32 s7, s0;
	s11 =	sshrl.u32 s8, $0x1  }
0xb: {  	s9 =	sshrl.u32 s9, $0x2;
	s15 =	sor.u32 s13, s14;
	s0 =	sadd.s32 $0x6D100, s0  }
0xc: {  	s8 =	ssub.s32 s8, s11;
	s9 =	sadd.s32 s9, s1;
	s7 =	sadd.s32 $0x48800, s7  }
0xd: {  	s17 =	sshll.u32 s15, $0x4;
	[dreg:$0x5] =	wrdreg s0;
	s22 =	sadd.s32 s12, s16  }
0xe: {  	s11 =	sshrl.u32 s16, $0x3;
	s26 =	ssub.s32 $0xA03, s15;
	[dreg:$0x3] =	wrdreg s9  }
0xf: {  	[dreg:$0x4] =	wrdreg s7;
	s19 =	sadd.s32 s5, s17;
	s20 =	sadd.s32 s6, s17  }
0x10: {  	s21 =	sor.u32 $0x200, s17;
	s7 =	sshrl.u32 s22, $0x3;
	s25 =	sadd.s32 s10, s11  }
0x11: {  	s16 =	smax.u32 s8, $0x1;
	s17 =	sshrl.u32 s26, $0x6;
	[dreg:$0x6] =	wrdreg s19  }
0x12: {  	s8 =	sor.u32 s28, s2;
	[dreg:$0x7] =	wrdreg s20;
	s23 =	sadd.s32 s5, s21  }
0x13: {  	s9 =	sor.u32 $0x40, s15;
	s0 =	sadd.s32 s6, s21;
	[dreg:$0x8] =	wrdreg s23  }
0x14: {  	s22 =	simm.s32 $0x5;
	s24 =	sadd.s32 s10, s7;
	[dreg:$0x9] =	wrdreg s0  }
0x15: {  	s20 =	sshrl.u32 @p0 s18, $0x3;
	[dreg:$0xa] =	wrdreg s24;
	s0 =	sadd.s32 $0x24900, s25  }
0x16: {  	s23 =	simm.s32 $0x80;
	[dreg:$0xb] =	wrdreg s0;
	s0 =	sshll.u32 @!p0 s13, $0x6  }
0x17: {  	s24 =	simm.s32 $0x200;
	s25 =	simm.s32 $0x100;
	s21 =	sor.u32 @!p0 $0x1C05, s0  }
.LBB2_1:
0x18: {  	s26 =	simm.s32 @p0 $0x1FC5;
	s0 =	rddreg [dreg:$0x5];
	s2 =	simm.s32 @p0 $0x5  }
0x19: {  	[spmem:s20], [sflag:s26] =	dma.local @p0 [hbm:s0], $0x2800  }
0x1a: {  	_ =	swait.ge @p0 [sflag:s2], $0x2800  }
0x1b: {  	[sflag:s2] =	ssyncset.done @p0 $0x0;
	s0 =	rddreg [dreg:$0x3]  }
0x1c: {  	[sflag:s2] =	ssyncadd.s32 @p0 $0xFFFFD800;
	s28 =	sshrl.u32 @!p0 s0, $0x3;
	s0 =	rddreg [dreg:$0x4]  }
0x1d: {  	[spmem:s28], [sflag:s21] =	dma.local @!p0 [hbm:s0], $0x2700  }
0x1e: {  	s0 =	simm.s32 @!p0 $0x5  }
0x1f: {  	_ =	swait.ge @!p0 [sflag:s0], $0x2700  }
0x20: {  	[sflag:s0] =	ssyncset.done @!p0 $0x0  }
0x21: {  	[sflag:s0] =	ssyncadd.s32 @!p0 $0xFFFFD900  }
0x22: {  	[bflag:$0x0] =	sbarrier.arrive $0xFFFF  }
0x23: {  	s7 =	rddreg [dreg:$0x6]  }
0x24: {  	[tilespmem:s3], [sflag:$0x5] =	stream.linear.gather [hbm4b:s7+s3], $0x80, $0x38;
	[tilespmem:$0x1BE80] =	vst v63  }
0x25: {  	_ =	swait.ge [sflag:s22], $0x80  }
0x26: {  	[sflag:s22] =	ssyncset.done $0x0  }
0x27: {  	[sflag:s22] =	ssyncadd.s32 $0xFFFFFF80  }
0x28: {  	[tilespmem:s24], [sflag:$0x1] =	stream.indirect.gather [hbm4b:s4+s23], $0x80, s3, s23, $0xb8;
	[tilespmem:$0x1BE80] =	vst v63  }
0x29: {  	s10 =	rddreg [dreg:$0x7]  }
0x2a: {  	[tilespmem:s25], [sflag:$0x3] =	stream.linear.gather [hbm4b:s10+s3], $0x80, $0x38;
	[tilespmem:$0x1BE80] =	vst v63  }
0x2b: {  	s11 =	rddreg [dreg:$0x8]  }
0x2c: {  	[tilespmem:s23], [sflag:$0x5] =	stream.linear.gather [hbm4b:s11+s3], $0x80, $0x38;
	[tilespmem:$0x1BE80] =	vst v63  }
0x2d: {  	_ =	swait.ge [sflag:s22], $0x80  }
0x2e: {  	[sflag:s22] =	ssyncset.done $0x0  }
0x2f: {  	s12 =	simm.s32 $0x4200;
	[sflag:s22] =	ssyncadd.s32 $0xFFFFFF80  }
0x30: {  	[tilespmem:s12], [sflag:$0x2] =	stream.indirect.gather [hbm4b:s4+s23], $0x80, s23, s23, $0xb8;
	[tilespmem:$0x1BE80] =	vst v63  }
0x31: {  	s10 =	simm.s32 $0x180;
	s13 =	rddreg [dreg:$0x9]  }
0x32: {  	[tilespmem:s10], [sflag:$0x4] =	stream.linear.gather [hbm4b:s13+s3], $0x80, $0x38;
	[tilespmem:$0x1BE80] =	vst v63  }
0x33: {  	_ =	swait.ge [sflag:s29], $0x80  }
0x34: {  	[sflag:s29] =	ssyncset.done $0x0  }
0x35: {  	[sflag:s29] =	ssyncadd.s32 $0xFFFFFF80  }
0x36: {  	_ =	swait.ge [sflag:s30], $0x4000  }
0x37: {  	p2 =	sgt.s32 s9, $0x9C3;
	[sflag:s30] =	ssyncset.done $0x0  }
0x38: {  	s7 =	sadd.s32 @!p2 $0x400, s8;
	[sflag:s30] =	ssyncadd.s32 $0xFFFFC000  }
0x39: {  	[spmem:s1] =	stream.indirect.scatter.add.f32 [tilespmem:s24], [sflag:$0x5], $0x80, s25, s23, $0xb8;
	[tilespmem:$0x1BE80] =	vst v63  }
0x3a: {  	s7 =	sand.u32 @!p2 $0x1FFFFFF0, s7;
	_ =	swait.ge [sflag:s22], $0x4000  }
0x3b: {  	s11 =	sadd.s32 @!p2 s5, s7;
	[sflag:s22] =	ssyncset.done $0x0  }
0x3c: {  	s12 =	simm.s32 @!p2 $0x0;
	s10 =	simm.s32 @!p2 $0x5;
	[sflag:s22] =	ssyncadd.s32 $0xFFFFC000  }
0x3d: {  	[tilespmem:s12], [sflag:$0x5] =	stream.linear.gather @!p2 [hbm4b:s11+s12], $0x80, $0x38;
	[tilespmem:$0x1BE80] =	vst v63  }
0x3e: {  	_ =	swait.ge @!p2 [sflag:s10], $0x80  }
0x3f: {  	s14 =	sadd.s32 $0xFFFFFFC0, s9;
	[sflag:s10] =	ssyncset.done @!p2 $0x0  }
0x40: {  	s18 =	simm.s32 @!p2 $0x200;
	[sflag:s10] =	ssyncadd.s32 @!p2 $0xFFFFFF80;
	s10 =	simm.s32 @!p2 $0x80  }
0x41: {  	[tilespmem:s18], [sflag:$0x1] =	stream.indirect.gather @!p2 [hbm4b:s4+s10], $0x80, s12, s10, $0xb8;
	[tilespmem:$0x1BE80] =	vst v63  }
0x42: {  	p1 =	sgt.s32 s14, $0x9A3;
	s7 =	sadd.s32 @!p2 s6, s7;
	s10 =	simm.s32 @!p2 $0x100  }
0x43: {  	[tilespmem:s10], [sflag:$0x3] =	stream.linear.gather @!p2 [hbm4b:s7+s12], $0x80, $0x38;
	[tilespmem:$0x1BE80] =	vst v63  }
0x44: {  	s7 =	simm.s32 @!p1 $0x4  }
0x45: {  	_ =	swait.ge @!p1 [sflag:s7], $0x80  }
0x46: {  	[sflag:s7] =	ssyncset.done @!p1 $0x0  }
0x47: {  	s10 =	simm.s32 @!p1 $0x2;
	[sflag:s7] =	ssyncadd.s32 @!p1 $0xFFFFFF80  }
0x48: {  	s15 =	sadd.s32 $0x20, s9;
	s19 =	simm.s32 @!p1 $0x5;
	_ =	swait.ge @!p1 [sflag:s10], $0x4000  }
0x49: {  	s18 =	simm.s32 @!p1 $0x180;
	s12 =	simm.s32 @!p1 $0x80;
	[sflag:s10] =	ssyncset.done @!p1 $0x0  }
0x4a: {  	p2 =	sgt.s32 s15, $0x9C3;
	s7 =	simm.s32 @!p1 $0x4200;
	[sflag:s10] =	ssyncadd.s32 @!p1 $0xFFFFC000  }
0x4b: {  	[spmem:s1] =	stream.indirect.scatter.add.f32 @!p1 [tilespmem:s7], [sflag:$0x5], $0x80, s18, s12, $0xb8;
	[tilespmem:$0x1BE80] =	vst v63  }
0x4c: {  	s7 =	sadd.s32 @!p2 $0x600, s8;
	_ =	swait.ge @!p1 [sflag:s19], $0x4000  }
0x4d: {  	s11 =	simm.s32 @!p2 $0x80;
	s12 =	sand.u32 @!p2 $0x1FFFFFF0, s7;
	[sflag:s19] =	ssyncset.done @!p1 $0x0  }
0x4e: {  	s10 =	simm.s32 @!p2 $0x0;
	s7 =	sadd.s32 @!p2 s5, s12;
	[sflag:s19] =	ssyncadd.s32 @!p1 $0xFFFFC000  }
0x4f: {  	[tilespmem:s11], [sflag:$0x5] =	stream.linear.gather @!p2 [hbm4b:s7+s10], $0x80, $0x38;
	[tilespmem:$0x1BE80] =	vst v63  }
0x50: {  	s7 =	sadd.s32 $0xFFFFFFFF, s17  }
0x51: {  	s18 =	simm.s32 @!p2 $0x5;
	p1 =	sne.s32 s7, $0x0  }
.Ltmp0:
0x52: {  	_ =	swait.ge @!p2 [sflag:s18], $0x80;
	(pc) =	sbr.rel @!p1 .LBB2_3-.Ltmp0, $4  }
0x53: {  	[sflag:s18] =	ssyncset.done @!p2 $0x0  }
0x54: {  	s19 =	simm.s32 @!p2 $0x4200;
	[sflag:s18] =	ssyncadd.s32 @!p2 $0xFFFFFF80;
	s18 =	smov.u32 s8  }
0x55: {  	[tilespmem:s19], [sflag:$0x2] =	stream.indirect.gather @!p2 [hbm4b:s4+s11], $0x80, s11, s11, $0xb8;
	[tilespmem:$0x1BE80] =	vst v63  }
0x56: {  	s11 =	sadd.s32 @!p2 s6, s12;
	s12 =	simm.s32 @!p2 $0x180;
	s19 =	smov.u32 s9  }
.LBB2_2:
0x57: {  	s7 =	sadd.s32 $0xFFFFFFFF, s7;
	s18 =	sadd.s32 $0x400, s18;
	s19 =	sadd.s32 $0x40, s19  }
0x58: {  	[tilespmem:s12], [sflag:$0x4] =	stream.linear.gather @!p2 [hbm4b:s11+s10], $0x80, $0x38;
	[tilespmem:$0x1BE80] =	vst v63  }
0x59: {  	p1 =	sne.s32 s7, $0x0;
	_ =	swait.ge [sflag:s29], $0x80  }
0x5a: {  	[sflag:s29] =	ssyncset.done $0x0  }
0x5b: {  	[sflag:s29] =	ssyncadd.s32 $0xFFFFFF80  }
0x5c: {  	_ =	swait.ge [sflag:s30], $0x4000  }
0x5d: {  	[sflag:s30] =	ssyncset.done $0x0  }
0x5e: {  	p2 =	sgt.s32 s19, $0x9C3;
	[sflag:s30] =	ssyncadd.s32 $0xFFFFC000  }
0x5f: {  	[spmem:s1] =	stream.indirect.scatter.add.f32 [tilespmem:s24], [sflag:$0x5], $0x80, s25, s23, $0xb8;
	[tilespmem:$0x1BE80] =	vst v63  }
0x60: {  	s10 =	sadd.s32 @!p2 $0x400, s18;
	_ =	swait.ge [sflag:s22], $0x4000  }
0x61: {  	s11 =	simm.s32 @!p2 $0x5;
	s10 =	sand.u32 @!p2 $0x1FFFFFF0, s10;
	[sflag:s22] =	ssyncset.done $0x0  }
0x62: {  	s13 =	simm.s32 @!p2 $0x0;
	s12 =	sadd.s32 @!p2 s5, s10;
	[sflag:s22] =	ssyncadd.s32 $0xFFFFC000  }
0x63: {  	[tilespmem:s13], [sflag:$0x5] =	stream.linear.gather @!p2 [hbm4b:s12+s13], $0x80, $0x38;
	[tilespmem:$0x1BE80] =	vst v63  }
0x64: {  	s10 =	sadd.s32 @!p2 s6, s10;
	_ =	swait.ge @!p2 [sflag:s11], $0x80  }
0x65: {  	s12 =	sadd.s32 $0xFFFFFFC0, s19;
	[sflag:s11] =	ssyncset.done @!p2 $0x0  }
0x66: {  	s14 =	simm.s32 @!p2 $0x200;
	[sflag:s11] =	ssyncadd.s32 @!p2 $0xFFFFFF80;
	s11 =	simm.s32 @!p2 $0x80  }
0x67: {  	[tilespmem:s14], [sflag:$0x1] =	stream.indirect.gather @!p2 [hbm4b:s4+s11], $0x80, s13, s11, $0xb8;
	[tilespmem:$0x1BE80] =	vst v63  }
0x68: {  	p3 =	sgt.s32 s12, $0x9A3;
	s11 =	simm.s32 @!p2 $0x100  }
0x69: {  	[tilespmem:s11], [sflag:$0x3] =	stream.linear.gather @!p2 [hbm4b:s10+s13], $0x80, $0x38;
	[tilespmem:$0x1BE80] =	vst v63  }
0x6a: {  	s10 =	simm.s32 @!p3 $0x4  }
0x6b: {  	_ =	swait.ge @!p3 [sflag:s10], $0x80  }
0x6c: {  	s11 =	simm.s32 @!p3 $0x2;
	[sflag:s10] =	ssyncset.done @!p3 $0x0  }
0x6d: {  	[sflag:s10] =	ssyncadd.s32 @!p3 $0xFFFFFF80  }
0x6e: {  	s12 =	sadd.s32 $0x20, s19;
	s10 =	simm.s32 @!p3 $0x4200;
	_ =	swait.ge @!p3 [sflag:s11], $0x4000  }
0x6f: {  	s14 =	simm.s32 @!p3 $0x180;
	s13 =	simm.s32 @!p3 $0x80;
	[sflag:s11] =	ssyncset.done @!p3 $0x0  }
0x70: {  	p2 =	sgt.s32 s12, $0x9C3;
	[sflag:s11] =	ssyncadd.s32 @!p3 $0xFFFFC000;
	s11 =	simm.s32 @!p3 $0x5  }
0x71: {  	[spmem:s1] =	stream.indirect.scatter.add.f32 @!p3 [tilespmem:s10], [sflag:$0x5], $0x80, s14, s13, $0xb8;
	[tilespmem:$0x1BE80] =	vst v63  }
0x72: {  	s10 =	sadd.s32 @!p2 $0x600, s18;
	s13 =	simm.s32 @!p2 $0x80;
	_ =	swait.ge @!p3 [sflag:s11], $0x4000  }
0x73: {  	s12 =	sand.u32 @!p2 $0x1FFFFFF0, s10;
	s10 =	simm.s32 @!p2 $0x0;
	[sflag:s11] =	ssyncset.done @!p3 $0x0  }
0x74: {  	s14 =	simm.s32 @!p2 $0x5;
	[sflag:s11] =	ssyncadd.s32 @!p3 $0xFFFFC000;
	s11 =	sadd.s32 @!p2 s5, s12  }
0x75: {  	[tilespmem:s13], [sflag:$0x5] =	stream.linear.gather @!p2 [hbm4b:s11+s10], $0x80, $0x38;
	[tilespmem:$0x1BE80] =	vst v63  }
.Ltmp1:
0x76: {  	_ = 	snop;
	(pc) =	sbr.rel @p1 .LBB2_2-.Ltmp1, $4  }
0x77: {  	s11 =	sadd.s32 @!p2 s6, s12;
	_ =	swait.ge @!p2 [sflag:s14], $0x80  }
0x78: {  	s15 =	simm.s32 @!p2 $0x4200;
	[sflag:s14] =	ssyncset.done @!p2 $0x0  }
0x79: {  	s12 =	simm.s32 @!p2 $0x180;
	[sflag:s14] =	ssyncadd.s32 @!p2 $0xFFFFFF80  }
0x7a: {  	[tilespmem:s15], [sflag:$0x2] =	stream.indirect.gather @!p2 [hbm4b:s4+s13], $0x80, s13, s13, $0xb8;
	[tilespmem:$0x1BE80] =	vst v63  }
.LBB2_3:
0x7b: {  	[tilespmem:s12], [sflag:$0x4] =	stream.linear.gather @!p2 [hbm4b:s11+s10], $0x80, $0x38;
	[tilespmem:$0x1BE80] =	vst v63  }
0x7c: {  	[bflag:$0x0] =	sbarrier.arrive $0xFFFF  }
0x7d: {  	s7 =	rddreg [dreg:$0xb]  }
0x7e: {  	[hbm:s7], [sflag:s26] =	dma.local @p0 [spmem:s20], $0x2800  }
0x7f: {  	s31 =	sadd.s32 $0x1, s31;
	_ =	swait.ge @p0 [sflag:s2], $0x2800  }
0x80: {  	p1 =	sne.s32 s31, s16;
	[sflag:s2] =	ssyncset.done @p0 $0x0  }
.Ltmp2:
0x81: {  	[sflag:s2] =	ssyncadd.s32 @p0 $0xFFFFD800;
	s2 =	rddreg [dreg:$0xa];
	(pc) =	sbr.rel @p1 .LBB2_1-.Ltmp2, $4  }
0x82: {  	[hbm:s2], [sflag:s21] =	dma.local @!p0 [spmem:s28], $0x2700  }
0x83: {  	_ =	swait.ge @!p0 [sflag:s0], $0x2700  }
0x84: {  	[sflag:s0] =	ssyncset.done @!p0 $0x0  }
0x85: {  	[sflag:s0] =	ssyncadd.s32 @!p0 $0xFFFFD900  }
0x86: {  	_ =	sfence.sel $0x180000  }
0x87: {  	[bflag:$0x0] =	sbarrier.arrive $0xFFFF  }
0x88: {  	_ =	strace $0x90000050  }
0x89: {  	s0 =	stileid.u32;
	[bflag:$0x2] =	sbarrier.arrive $0xFFFF  }
0x8a: {  	p0 =	sne.s32 s0, $0x0;
	s0 =	rddreg [dreg:$0x2]  }
0x8b: {  	s0 =	sadd.s32 @!p0 $0x100000, s0  }
0x8c: {  	[sflag:s0] =	ssyncadd.tile.s32 @!p0 $0x1;
	_ =	shalt  }
.Lfunc_end2:
_tile_overlayer_lowered:
.L_overlay_start_2:
0x8d: {  	(tag) =	ssettag $0x2  }
0x8e: {  	s0 =	rddreg [dreg:$0x0];
	s2 =	stileid.u32  }
0x8f: {  	s1 =	rddreg [dreg:$0x1];
	p0 =	sne.s32 s2, $0x0  }
0x90: {  	s3 =	rddreg [dreg:$0x2];
	[bflag:$0x3] =	sbarrier.arrive $0xFFFF;
	s2 =	simm.s32 @!p0 $0x1C05  }
0x91: {  	[timem:s3], [sflag:s2] =	dma.local @!p0 [hbm:s0], s1  }
0x92: {  	s0 =	simm.s32 @!p0 $0x5  }
0x93: {  	_ =	swait.ge @!p0 [sflag:s0], s1  }
0x94: {  	s1 =	ssub.s32 @!p0 $0x0, s1;
	[sflag:s0] =	ssyncset.done @!p0 $0x0  }
0x95: {  	[sflag:s0] =	ssyncadd.s32 @!p0 s1  }
0x96: {  	[bflag:$0x3] =	sbarrier.arrive $0xFFFF  }
0x97: {  	_ =	shalt  }

// kernel: kernel.24.cloned.1.call-start
scs
__scs_entry_jumppad:
0x0: {  	(pc) =	sbr.rel $0x88, $3  }
0x1: {  	(tag) =	ssettag $0x0;
	lr =	simm.s32 $0x1  }
0x2: {  	[smem:$0x3F97] =	sst lr;
	_ =	strace $0xD0000000  }
0x3: {  	_ = 	snop  }
0x4: {  	_ = 	snop  }
0x5: {  	_ = 	snop  }
0x6: {  	_ = 	snop  }
0x7: {  	_ = 	snop  }
__scs_overlays_trampoline_lowered:
0x8: {  	[smem:$0x3FA6] =	sst s0  }
0x9: {  	[smem:$0x3FA7] =	sst s1  }
0xa: {  	[smem:$0x3FA8] =	sst s2  }
0xb: {  	[smem:$0x3FA9] =	sst s3  }
0xc: {  	[smem:$0x3FAA] =	sst s4  }
0xd: {  	[smem:$0x3FAB] =	sst s5  }
0xe: {  	[smem:$0x3FAC] =	sst s6  }
0xf: {  	[smem:$0x3FAD] =	sst s7  }
0x10: {  	[smem:$0x3FAE] =	sst s8  }
0x11: {  	[smem:$0x3FAF] =	sst s9;
	s0 =	simm.s32 @!p0 $0x0  }
0x12: {  	s1 =	sld [smem:$0x3F95];
	s0 =	simm.s32 @p0 $0x1  }
0x13: {  	[smem:$0x3FB0] =	sst s0;
	s0 =	simm.s32 @!p1 $0x0  }
0x14: {  	s2 =	sld [smem:$0x3F94];
	s0 =	simm.s32 @p1 $0x1  }
0x15: {  	[smem:$0x3FB1] =	sst s0;
	s0 =	simm.s32 @!p2 $0x0  }
0x16: {  	s3 =	sld [smem:$0x3FDB];
	s0 =	simm.s32 @p2 $0x1  }
0x17: {  	s4 =	simm.s32 $0x1BF5;
	[smem:$0x3FB3] =	sst s0  }
0x18: {  	s0 =	sld [smem:$0x3F96];
	_ =	swait.ge [sflag:s4], $0x0  }
0x19: {  	s7 =	sld [smem:$0x3F97]  }
0x1a: {  	s8 =	sadd.s32 $0xFFFFE003, lr  }
0x1b: {  	s9 =	sadd.s32 $0xFFFFFEF7, lr;
	s5 =	simm.s32 $0xFFFFFFFF;
	p2 =	slt.u32 s8, $0xFFFFF086  }
0x1c: {  	p1 =	slt.u32 s9, $0xF7A;
	s5 =	simm.s32 @!p2 $0x0  }
0x1d: {  	s5 =	simm.s32 @p1 $0x1;
	p0 =	seq.s32 s7, s2  }
0x1e: {  	s7 =	smul.u32 @!p0 $0xF7A, s2;
	p2 =	seq.s32 @!p0 s5, $0x0  }
0x1f: {  	s9 =	smul.u32 $0xF7A, s1;
	s8 =	simm.s32 @!p0 $0x1BF5;
	p2 =	por !p2, p0  }
0x20: {  	[sflag:s8] =	ssyncset.s32 @!p0 $0xFFFFF086;
	s6 =	sadd.s32 @!p0 s3, s7;
	s7 =	simm.s32 @!p0 $0x108  }
0x21: {  	s3 =	sadd.s32 s3, s9;
	s6 =	sadd.s32 @!p0 $0x88, s6;
	s7 =	simm.s32 @p2 $0x1082  }
0x22: {  	[simem:s7], [sflag:s8] =	dma.local @!p0 [hbm:s6], $0xF7A  }
0x23: {  	s9 =	sor.u32 $0xD0000000, s2;
	s6 =	simm.s32 $0x108;
	_ =	swait.ge @!p0 [sflag:s8], $0x0  }
0x24: {  	s3 =	sadd.s32 $0x88, s3;
	s6 =	simm.s32 @!p1 $0x1082;
	[sflag:s4] =	ssyncset.s32 $0xFFFFF086  }
0x25: {  	[simem:s6], [sflag:s4] =	dma.local [hbm:s3], $0xF7A  }
0x26: {  	[smem:$0x3F97] =	sst s1;
	(tag) =	ssettag s2;
	_ =	strace s9  }
0x27: {  	s1 =	sld [smem:$0x3FA7]  }
0x28: {  	s2 =	sld [smem:$0x3FA8]  }
0x29: {  	s4 =	sld [smem:$0x3FAA]  }
0x2a: {  	p0 =	seq.s32 s5, $0x0;
	s5 =	sld [smem:$0x3FAB]  }
0x2b: {  	s6 =	sld [smem:$0x3FAC]  }
0x2c: {  	s7 =	sld [smem:$0x3FAD]  }
0x2d: {  	s3 =	simm.s32 $0x108;
	s8 =	sld [smem:$0x3FAE]  }
0x2e: {  	s3 =	simm.s32 @!p0 $0x1082;
	s9 =	sld [smem:$0x3FAF]  }
0x2f: {  	lr =	sadd.s32 s0, s3;
	s0 =	sld [smem:$0x3FA6]  }
0x30: {  	s3 =	sld [smem:$0x3FA9]  }
0x31: {  	[smem:$0x3FB2] =	sst s10  }
0x32: {  	s10 =	sld [smem:$0x3FB0];
	_ =	sdelay $0x3  }
0x33: {  	p0 =	seq.s32 s10, $0x1;
	s10 =	sld [smem:$0x3FB2];
	_ =	sdelay $0x3  }
0x34: {  	[smem:$0x3FB2] =	sst s10  }
0x35: {  	s10 =	sld [smem:$0x3FB1];
	_ =	sdelay $0x3  }
0x36: {  	p1 =	seq.s32 s10, $0x1;
	s10 =	sld [smem:$0x3FB2];
	_ =	sdelay $0x3  }
0x37: {  	[smem:$0x3FB2] =	sst s10  }
0x38: {  	s10 =	sld [smem:$0x3FB3]  }
0x39: {  	_ = 	snop;
	(pc) =	sbr.ind lr, $3  }
0x3a: {  	_ = 	snop  }
0x3b: {  	_ = 	snop  }
0x3c: {  	p2 =	seq.s32 s10, $0x1;
	s10 =	sld [smem:$0x3FB2]  }
0x3d: {  	_ =	shalt  }
0x3e: {  	_ =	shalt  }
0x3f: {  	_ =	shalt  }
0x40: {  	_ =	shalt  }
0x41: {  	_ =	shalt  }
0x42: {  	_ =	shalt  }
0x43: {  	_ =	shalt  }
0x44: {  	_ =	shalt  }
0x45: {  	_ =	shalt  }
0x46: {  	_ =	shalt  }
0x47: {  	_ =	shalt  }
0x48: {  	_ =	shalt  }
0x49: {  	_ =	shalt  }
0x4a: {  	_ =	shalt  }
0x4b: {  	_ =	shalt  }
0x4c: {  	_ =	shalt  }
0x4d: {  	_ =	shalt  }
0x4e: {  	_ =	shalt  }
0x4f: {  	_ =	shalt  }
0x50: {  	_ =	shalt  }
0x51: {  	_ =	shalt  }
0x52: {  	_ =	shalt  }
0x53: {  	_ =	shalt  }
0x54: {  	_ =	shalt  }
0x55: {  	_ =	shalt  }
0x56: {  	_ =	shalt  }
0x57: {  	_ =	shalt  }
0x58: {  	_ =	shalt  }
0x59: {  	_ =	shalt  }
0x5a: {  	_ =	shalt  }
0x5b: {  	_ =	shalt  }
0x5c: {  	_ =	shalt  }
0x5d: {  	_ =	shalt  }
0x5e: {  	_ =	shalt  }
0x5f: {  	_ =	shalt  }
0x60: {  	_ =	shalt  }
0x61: {  	_ =	shalt  }
0x62: {  	_ =	shalt  }
0x63: {  	_ =	shalt  }
0x64: {  	_ =	shalt  }
0x65: {  	_ =	shalt  }
0x66: {  	_ =	shalt  }
0x67: {  	_ =	shalt  }
0x68: {  	_ =	shalt  }
0x69: {  	_ =	shalt  }
0x6a: {  	_ =	shalt  }
0x6b: {  	_ =	shalt  }
0x6c: {  	_ =	shalt  }
0x6d: {  	_ =	shalt  }
0x6e: {  	_ =	shalt  }
0x6f: {  	_ =	shalt  }
0x70: {  	_ =	shalt  }
0x71: {  	_ =	shalt  }
0x72: {  	_ =	shalt  }
0x73: {  	_ =	shalt  }
0x74: {  	_ =	shalt  }
0x75: {  	_ =	shalt  }
0x76: {  	_ =	shalt  }
0x77: {  	_ =	shalt  }
0x78: {  	_ =	shalt  }
0x79: {  	_ =	shalt  }
0x7a: {  	_ =	shalt  }
0x7b: {  	_ =	shalt  }
0x7c: {  	_ =	shalt  }
0x7d: {  	_ =	shalt  }
0x7e: {  	_ =	shalt  }
0x7f: {  	_ =	shalt  }
0x80: {  	_ =	shalt  }
0x81: {  	_ =	shalt  }
0x82: {  	_ =	shalt  }
0x83: {  	_ =	shalt  }
0x84: {  	_ =	shalt  }
0x85: {  	_ =	shalt  }
0x86: {  	_ =	shalt  }
0x87: {  	_ =	shalt  }
.Lfunc_end0:
.L_simem_size_0:
called_computation.4_lowered:
.L_overlay_start_0:
0x88: {  	s2 =	sld [smem:$0x3FD9]  }
0x89: {  	s3 =	sld [smem:$0x3FFE];
	_ =	sdelay $0x1  }
0x8a: {  	s1 =	srdreg.scid  }
0x8b: {  	s0 =	sand.u32 $0x1, s1  }
0x8c: {  	s16 =	sshll.u32 s0, $0xA;
	s2 =	sadd.s32 s3, s2  }
0x8d: {  	s2 =	sadd.s32 s2, s16  }
0x8e: {  	[smem:$0x3FBE] =	sst s2  }
0x8f: {  	_ = 	snop  }
0x90: {  	(tm) =	ssettm $0x1  }
0x91: {  	s17 =	sld [smem:$0x3FFB];
	_ =	sdelay $0x3  }
0x92: {  	_ =	strace s17  }
0x93: {  	s2 =	sld [smem:$0x3FFC];
	_ =	sdelay $0x3  }
0x94: {  	_ =	strace s2  }
0x95: {  	s2 =	sld [smem:$0x3FFD];
	_ =	sdelay $0x3  }
0x96: {  	_ =	strace s2  }
0x97: {  	_ =	strace $0x8FFFFFFF  }
0x98: {  	s18 =	sld [smem:$0x3FDB];
	_ =	sdelay $0x1  }
0x99: {  	s19 =	simm.s32 $_scs_section_size  }
0x9a: {  	s4 =	simm.s32 $_size__tile_overlayer_lowered;
	s5 =	simm.s32 $_tile_overlayer_lowered  }
0x9b: {  	s22 =	simm.s32 $0x1BFF;
	s21 =	sshll.u32 s5, $0x1;
	s2 =	sadd.s32 s19, s18  }
0x9c: {  	s6 =	simm.s32 $0x0;
	s20 =	sshll.u32 s4, $0x1;
	s4 =	sadd.s32 s21, s2  }
0x9d: {  	[timem:s6], [sflag:s22] =	dma.local [hbm:s4], s20  }
0x9e: {  	_ =	swait.ge [sflag:s22], s20  }
0x9f: {  	s3 =	ssub.s32 $0x0, s20;
	[sflag:s22] =	ssyncset.done $0x0  }
0xa0: {  	[sflag:s22] =	ssyncadd.s32 s3;
	_ =	sdelay $0x1  }
0xa1: {  	s23 =	simm.s32 $0x1B8B  }
0xa2: {  	_ =	swait.ge [sflag:s23], $0x1  }
0xa3: {  	[sflag:s23] =	ssyncset.done $0x0  }
0xa4: {  	s25 =	simm.s32 $0x1B8E;
	s24 =	sld [smem:$0x3FFE];
	[sflag:s23] =	ssyncadd.s32 $0xFFFFFFFF  }
0xa5: {  	s26 =	simm.s32 $execute0_lowered;
	[smem:$0x3FD2] =	sst s25  }
0xa6: {  	s4 =	sshll.u32 s26, $0x1;
	_ =	strace $0x80000052;
	[dreg:$0x1] =	wrdreg $0xFFFFFFFF  }
0xa7: {  	s28 =	simm.s32 $_size_execute0_lowered;
	s2 =	sadd.s32 s2, s4;
	[dreg:$0x0] =	wrdreg $0x0  }
0xa8: {  	s4 =	sshll.u32 s28, $0x1;
	[dreg:$0x2] =	wrdreg s2  }
0xa9: {  	[dreg:$0x3] =	wrdreg s4  }
0xaa: {  	[dreg:$0x4] =	wrdreg $0xC0  }
0xab: {  	_ =	task [dreg:s6], $0x5FFFF  }
0xac: {  	[dreg:$0x1] =	wrdreg $0xFFFFFFFF  }
0xad: {  	[dreg:$0x0] =	wrdreg $0x60  }
0xae: {  	[dreg:$0x2] =	wrdreg s24  }
0xaf: {  	[dreg:$0x3] =	wrdreg $0x82000  }
0xb0: {  	[dreg:$0x4] =	wrdreg $0x9  }
0xb1: {  	_ =	task.clear_ibuf [dreg:s6], $0x5FFFF;
	_ =	strace $0x90000052  }
0xb2: {  	s29 =	simm.s32 $0x9;
	_ =	strace $0x80000054  }
0xb3: {  	_ =	swait.ge [sflag:s29], $0x1  }
0xb4: {  	[sflag:s29] =	ssyncadd.s32 $0xFFFFFFFF  }
0xb5: {  	_ =	strace $0x90000054  }
0xb6: {  	_ =	sfence  }
0xb7: {  	s30 =	sld [smem:$0x0];
	_ =	sdelay $0x2  }
0xb8: {  	s31 =	sshll.u32 s1, $0xD;
	s1 =	sshrl.u32 s1, $0x2  }
0xb9: {  	s3 =	sand.u32 $0x4000, s31;
	s1 =	sadd.s32 s1, s30  }
0xba: {  	s0 =	sor.u32 s3, s0;
	s1 =	sshll.u32 s1, $0x11  }
0xbb: {  	s0 =	sor.u32 s1, s0  }
0xbc: {  	s0 =	sadd.s32 $0x8F2B, s0  }
0xbd: {  	[sflag:s0] =	ssyncadd.remote.s32 $0x1  }
0xbe: {  	_ =	sfence.sel $0xFFFF  }
0xbf: {  	[dreg:$0x0] =	wrdreg $0xFFFFFFFF;
	(pc) =	sbr.abs _section_cstart, $3  }
0xc0: {  	[dreg:$0x1] =	wrdreg $0xFFFFFFFF  }
0xc1: {  	_ =	task.clear_ibuf [dreg:s6], $0x2FFFF;
	_ =	strace $0x9FFFFFFF  }
0xc2: {  	(tm) =	ssettm $0x7FFFFFFF  }
0xc3: {  	_ =	shalt  }
tec
execute0_lowered:
.L_overlay_start_1:
0x0: {  	(tag) =	ssettag $0x1  }
0x1: {  	s0 =	rddreg [dreg:$0x0]  }
0x2: {  	s1 =	rddreg [dreg:$0x1];
	s3 =	simm.s32 $0x0  }
0x3: {  	s13 =	stileid.u32;
	s2 =	srdreg.scid;
	s29 =	simm.s32 $0x3  }
0x4: {  	s30 =	simm.s32 $0x1;
	s31 =	simm.s32 $0x0;
	[smem:$0x7FF] =	sst s3  }
0x5: {  	s4 =	sadd.s32 $0x21600, s0;
	s5 =	sadd.s32 $0xD600, s0;
	s7 =	smul.u32 $0x2700, s13  }
0x6: {  	s2 =	sand.u32 $0x1, s2;
	s6 =	sadd.s32 $0x17600, s0;
	s9 =	smul.u32 $0x4E000, s13  }
0x7: {  	s10 =	sadd.s32 $0x6FA00, s0;
	s12 =	smul.u32 $0x13800, s13;
	s18 =	sadd.s32 $0x124800, s1  }
0x8: {  	s28 =	sshll.u32 s13, $0x4;
	p0 =	seq.s32 s13, $0xF;
	_ =	strace $0x80000053  }
0x9: {  	s8 =	ssub.s32 $0x2, s2;
	s14 =	sshll.u32 s2, $0x4;
	s16 =	smul.u32 $0x138800, s2  }
0xa: {  	s2 =	sshll.u32 s2, $0x8;
	s7 =	sadd.s32 s7, s0;
	s11 =	sshrl.u32 s8, $0x1  }
0xb: {  	s9 =	sshrl.u32 s9, $0x2;
	s15 =	sor.u32 s13, s14;
	s0 =	sadd.s32 $0x6D100, s0  }
0xc: {  	s8 =	ssub.s32 s8, s11;
	s9 =	sadd.s32 s9, s1;
	s7 =	sadd.s32 $0x48800, s7  }
0xd: {  	s17 =	sshll.u32 s15, $0x4;
	[dreg:$0x5] =	wrdreg s0;
	s22 =	sadd.s32 s12, s16  }
0xe: {  	s11 =	sshrl.u32 s16, $0x3;
	s26 =	ssub.s32 $0xA03, s15;
	[dreg:$0x3] =	wrdreg s9  }
0xf: {  	[dreg:$0x4] =	wrdreg s7;
	s19 =	sadd.s32 s5, s17;
	s20 =	sadd.s32 s6, s17  }
0x10: {  	s21 =	sor.u32 $0x200, s17;
	s7 =	sshrl.u32 s22, $0x3;
	s25 =	sadd.s32 s10, s11  }
0x11: {  	s16 =	smax.u32 s8, $0x1;
	s17 =	sshrl.u32 s26, $0x6;
	[dreg:$0x6] =	wrdreg s19  }
0x12: {  	s8 =	sor.u32 s28, s2;
	[dreg:$0x7] =	wrdreg s20;
	s23 =	sadd.s32 s5, s21  }
0x13: {  	s9 =	sor.u32 $0x40, s15;
	s0 =	sadd.s32 s6, s21;
	[dreg:$0x8] =	wrdreg s23  }
0x14: {  	s22 =	simm.s32 $0x5;
	s24 =	sadd.s32 s10, s7;
	[dreg:$0x9] =	wrdreg s0  }
0x15: {  	s20 =	sshrl.u32 @p0 s18, $0x3;
	[dreg:$0xa] =	wrdreg s24;
	s0 =	sadd.s32 $0x24900, s25  }
0x16: {  	s23 =	simm.s32 $0x80;
	[dreg:$0xb] =	wrdreg s0;
	s0 =	sshll.u32 @!p0 s13, $0x6  }
0x17: {  	s24 =	simm.s32 $0x200;
	s25 =	simm.s32 $0x100;
	s21 =	sor.u32 @!p0 $0x1C05, s0  }
.LBB2_1:
0x18: {  	s26 =	simm.s32 @p0 $0x1FC5;
	s0 =	rddreg [dreg:$0x5];
	s2 =	simm.s32 @p0 $0x5  }
0x19: {  	[spmem:s20], [sflag:s26] =	dma.local @p0 [hbm:s0], $0x2800  }
0x1a: {  	_ =	swait.ge @p0 [sflag:s2], $0x2800  }
0x1b: {  	[sflag:s2] =	ssyncset.done @p0 $0x0;
	s0 =	rddreg [dreg:$0x3]  }
0x1c: {  	[sflag:s2] =	ssyncadd.s32 @p0 $0xFFFFD800;
	s28 =	sshrl.u32 @!p0 s0, $0x3;
	s0 =	rddreg [dreg:$0x4]  }
0x1d: {  	[spmem:s28], [sflag:s21] =	dma.local @!p0 [hbm:s0], $0x2700  }
0x1e: {  	s0 =	simm.s32 @!p0 $0x5  }
0x1f: {  	_ =	swait.ge @!p0 [sflag:s0], $0x2700  }
0x20: {  	[sflag:s0] =	ssyncset.done @!p0 $0x0  }
0x21: {  	[sflag:s0] =	ssyncadd.s32 @!p0 $0xFFFFD900  }
0x22: {  	[bflag:$0x0] =	sbarrier.arrive $0xFFFF  }
0x23: {  	s7 =	rddreg [dreg:$0x6]  }
0x24: {  	[tilespmem:s3], [sflag:$0x5] =	stream.linear.gather [hbm4b:s7+s3], $0x80, $0x38;
	[tilespmem:$0x1BE80] =	vst v63  }
0x25: {  	_ =	swait.ge [sflag:s22], $0x80  }
0x26: {  	[sflag:s22] =	ssyncset.done $0x0  }
0x27: {  	[sflag:s22] =	ssyncadd.s32 $0xFFFFFF80  }
0x28: {  	[tilespmem:s24], [sflag:$0x1] =	stream.indirect.gather [hbm4b:s4+s23], $0x80, s3, s23, $0xb8;
	[tilespmem:$0x1BE80] =	vst v63  }
0x29: {  	s10 =	rddreg [dreg:$0x7]  }
0x2a: {  	[tilespmem:s25], [sflag:$0x3] =	stream.linear.gather [hbm4b:s10+s3], $0x80, $0x38;
	[tilespmem:$0x1BE80] =	vst v63  }
0x2b: {  	s11 =	rddreg [dreg:$0x8]  }
0x2c: {  	[tilespmem:s23], [sflag:$0x5] =	stream.linear.gather [hbm4b:s11+s3], $0x80, $0x38;
	[tilespmem:$0x1BE80] =	vst v63  }
0x2d: {  	_ =	swait.ge [sflag:s22], $0x80  }
0x2e: {  	[sflag:s22] =	ssyncset.done $0x0  }
0x2f: {  	s12 =	simm.s32 $0x4200;
	[sflag:s22] =	ssyncadd.s32 $0xFFFFFF80  }
0x30: {  	[tilespmem:s12], [sflag:$0x2] =	stream.indirect.gather [hbm4b:s4+s23], $0x80, s23, s23, $0xb8;
	[tilespmem:$0x1BE80] =	vst v63  }
0x31: {  	s10 =	simm.s32 $0x180;
	s13 =	rddreg [dreg:$0x9]  }
0x32: {  	[tilespmem:s10], [sflag:$0x4] =	stream.linear.gather [hbm4b:s13+s3], $0x80, $0x38;
	[tilespmem:$0x1BE80] =	vst v63  }
0x33: {  	_ =	swait.ge [sflag:s29], $0x80  }
0x34: {  	[sflag:s29] =	ssyncset.done $0x0  }
0x35: {  	[sflag:s29] =	ssyncadd.s32 $0xFFFFFF80  }
0x36: {  	_ =	swait.ge [sflag:s30], $0x4000  }
0x37: {  	p2 =	sgt.s32 s9, $0x9C3;
	[sflag:s30] =	ssyncset.done $0x0  }
0x38: {  	s7 =	sadd.s32 @!p2 $0x400, s8;
	[sflag:s30] =	ssyncadd.s32 $0xFFFFC000  }
0x39: {  	[spmem:s1] =	stream.indirect.scatter.add.f32 [tilespmem:s24], [sflag:$0x5], $0x80, s25, s23, $0xb8;
	[tilespmem:$0x1BE80] =	vst v63  }
0x3a: {  	s7 =	sand.u32 @!p2 $0x1FFFFFF0, s7;
	_ =	swait.ge [sflag:s22], $0x4000  }
0x3b: {  	s11 =	sadd.s32 @!p2 s5, s7;
	[sflag:s22] =	ssyncset.done $0x0  }
0x3c: {  	s12 =	simm.s32 @!p2 $0x0;
	s10 =	simm.s32 @!p2 $0x5;
	[sflag:s22] =	ssyncadd.s32 $0xFFFFC000  }
0x3d: {  	[tilespmem:s12], [sflag:$0x5] =	stream.linear.gather @!p2 [hbm4b:s11+s12], $0x80, $0x38;
	[tilespmem:$0x1BE80] =	vst v63  }
0x3e: {  	_ =	swait.ge @!p2 [sflag:s10], $0x80  }
0x3f: {  	s14 =	sadd.s32 $0xFFFFFFC0, s9;
	[sflag:s10] =	ssyncset.done @!p2 $0x0  }
0x40: {  	s18 =	simm.s32 @!p2 $0x200;
	[sflag:s10] =	ssyncadd.s32 @!p2 $0xFFFFFF80;
	s10 =	simm.s32 @!p2 $0x80  }
0x41: {  	[tilespmem:s18], [sflag:$0x1] =	stream.indirect.gather @!p2 [hbm4b:s4+s10], $0x80, s12, s10, $0xb8;
	[tilespmem:$0x1BE80] =	vst v63  }
0x42: {  	p1 =	sgt.s32 s14, $0x9A3;
	s7 =	sadd.s32 @!p2 s6, s7;
	s10 =	simm.s32 @!p2 $0x100  }
0x43: {  	[tilespmem:s10], [sflag:$0x3] =	stream.linear.gather @!p2 [hbm4b:s7+s12], $0x80, $0x38;
	[tilespmem:$0x1BE80] =	vst v63  }
0x44: {  	s7 =	simm.s32 @!p1 $0x4  }
0x45: {  	_ =	swait.ge @!p1 [sflag:s7], $0x80  }
0x46: {  	[sflag:s7] =	ssyncset.done @!p1 $0x0  }
0x47: {  	s10 =	simm.s32 @!p1 $0x2;
	[sflag:s7] =	ssyncadd.s32 @!p1 $0xFFFFFF80  }
0x48: {  	s15 =	sadd.s32 $0x20, s9;
	s19 =	simm.s32 @!p1 $0x5;
	_ =	swait.ge @!p1 [sflag:s10], $0x4000  }
0x49: {  	s18 =	simm.s32 @!p1 $0x180;
	s12 =	simm.s32 @!p1 $0x80;
	[sflag:s10] =	ssyncset.done @!p1 $0x0  }
0x4a: {  	p2 =	sgt.s32 s15, $0x9C3;
	s7 =	simm.s32 @!p1 $0x4200;
	[sflag:s10] =	ssyncadd.s32 @!p1 $0xFFFFC000  }
0x4b: {  	[spmem:s1] =	stream.indirect.scatter.add.f32 @!p1 [tilespmem:s7], [sflag:$0x5], $0x80, s18, s12, $0xb8;
	[tilespmem:$0x1BE80] =	vst v63  }
0x4c: {  	s7 =	sadd.s32 @!p2 $0x600, s8;
	_ =	swait.ge @!p1 [sflag:s19], $0x4000  }
0x4d: {  	s11 =	simm.s32 @!p2 $0x80;
	s12 =	sand.u32 @!p2 $0x1FFFFFF0, s7;
	[sflag:s19] =	ssyncset.done @!p1 $0x0  }
0x4e: {  	s10 =	simm.s32 @!p2 $0x0;
	s7 =	sadd.s32 @!p2 s5, s12;
	[sflag:s19] =	ssyncadd.s32 @!p1 $0xFFFFC000  }
0x4f: {  	[tilespmem:s11], [sflag:$0x5] =	stream.linear.gather @!p2 [hbm4b:s7+s10], $0x80, $0x38;
	[tilespmem:$0x1BE80] =	vst v63  }
0x50: {  	s7 =	sadd.s32 $0xFFFFFFFF, s17  }
0x51: {  	s18 =	simm.s32 @!p2 $0x5;
	p1 =	sne.s32 s7, $0x0  }
.Ltmp0:
0x52: {  	_ =	swait.ge @!p2 [sflag:s18], $0x80;
	(pc) =	sbr.rel @!p1 .LBB2_3-.Ltmp0, $4  }
0x53: {  	[sflag:s18] =	ssyncset.done @!p2 $0x0  }
0x54: {  	s19 =	simm.s32 @!p2 $0x4200;
	[sflag:s18] =	ssyncadd.s32 @!p2 $0xFFFFFF80;
	s18 =	smov.u32 s8  }
0x55: {  	[tilespmem:s19], [sflag:$0x2] =	stream.indirect.gather @!p2 [hbm4b:s4+s11], $0x80, s11, s11, $0xb8;
	[tilespmem:$0x1BE80] =	vst v63  }
0x56: {  	s11 =	sadd.s32 @!p2 s6, s12;
	s12 =	simm.s32 @!p2 $0x180;
	s19 =	smov.u32 s9  }
.LBB2_2:
0x57: {  	s7 =	sadd.s32 $0xFFFFFFFF, s7;
	s18 =	sadd.s32 $0x400, s18;
	s19 =	sadd.s32 $0x40, s19  }
0x58: {  	[tilespmem:s12], [sflag:$0x4] =	stream.linear.gather @!p2 [hbm4b:s11+s10], $0x80, $0x38;
	[tilespmem:$0x1BE80] =	vst v63  }
0x59: {  	p1 =	sne.s32 s7, $0x0;
	_ =	swait.ge [sflag:s29], $0x80  }
0x5a: {  	[sflag:s29] =	ssyncset.done $0x0  }
0x5b: {  	[sflag:s29] =	ssyncadd.s32 $0xFFFFFF80  }
0x5c: {  	_ =	swait.ge [sflag:s30], $0x4000  }
0x5d: {  	[sflag:s30] =	ssyncset.done $0x0  }
0x5e: {  	p2 =	sgt.s32 s19, $0x9C3;
	[sflag:s30] =	ssyncadd.s32 $0xFFFFC000  }
0x5f: {  	[spmem:s1] =	stream.indirect.scatter.add.f32 [tilespmem:s24], [sflag:$0x5], $0x80, s25, s23, $0xb8;
	[tilespmem:$0x1BE80] =	vst v63  }
0x60: {  	s10 =	sadd.s32 @!p2 $0x400, s18;
	_ =	swait.ge [sflag:s22], $0x4000  }
0x61: {  	s11 =	simm.s32 @!p2 $0x5;
	s10 =	sand.u32 @!p2 $0x1FFFFFF0, s10;
	[sflag:s22] =	ssyncset.done $0x0  }
0x62: {  	s13 =	simm.s32 @!p2 $0x0;
	s12 =	sadd.s32 @!p2 s5, s10;
	[sflag:s22] =	ssyncadd.s32 $0xFFFFC000  }
0x63: {  	[tilespmem:s13], [sflag:$0x5] =	stream.linear.gather @!p2 [hbm4b:s12+s13], $0x80, $0x38;
	[tilespmem:$0x1BE80] =	vst v63  }
0x64: {  	s10 =	sadd.s32 @!p2 s6, s10;
	_ =	swait.ge @!p2 [sflag:s11], $0x80  }
0x65: {  	s12 =	sadd.s32 $0xFFFFFFC0, s19;
	[sflag:s11] =	ssyncset.done @!p2 $0x0  }
0x66: {  	s14 =	simm.s32 @!p2 $0x200;
	[sflag:s11] =	ssyncadd.s32 @!p2 $0xFFFFFF80;
	s11 =	simm.s32 @!p2 $0x80  }
0x67: {  	[tilespmem:s14], [sflag:$0x1] =	stream.indirect.gather @!p2 [hbm4b:s4+s11], $0x80, s13, s11, $0xb8;
	[tilespmem:$0x1BE80] =	vst v63  }
0x68: {  	p3 =	sgt.s32 s12, $0x9A3;
	s11 =	simm.s32 @!p2 $0x100  }
0x69: {  	[tilespmem:s11], [sflag:$0x3] =	stream.linear.gather @!p2 [hbm4b:s10+s13], $0x80, $0x38;
	[tilespmem:$0x1BE80] =	vst v63  }
0x6a: {  	s10 =	simm.s32 @!p3 $0x4  }
0x6b: {  	_ =	swait.ge @!p3 [sflag:s10], $0x80  }
0x6c: {  	s11 =	simm.s32 @!p3 $0x2;
	[sflag:s10] =	ssyncset.done @!p3 $0x0  }
0x6d: {  	[sflag:s10] =	ssyncadd.s32 @!p3 $0xFFFFFF80  }
0x6e: {  	s12 =	sadd.s32 $0x20, s19;
	s10 =	simm.s32 @!p3 $0x4200;
	_ =	swait.ge @!p3 [sflag:s11], $0x4000  }
0x6f: {  	s14 =	simm.s32 @!p3 $0x180;
	s13 =	simm.s32 @!p3 $0x80;
	[sflag:s11] =	ssyncset.done @!p3 $0x0  }
0x70: {  	p2 =	sgt.s32 s12, $0x9C3;
	[sflag:s11] =	ssyncadd.s32 @!p3 $0xFFFFC000;
	s11 =	simm.s32 @!p3 $0x5  }
0x71: {  	[spmem:s1] =	stream.indirect.scatter.add.f32 @!p3 [tilespmem:s10], [sflag:$0x5], $0x80, s14, s13, $0xb8;
	[tilespmem:$0x1BE80] =	vst v63  }
0x72: {  	s10 =	sadd.s32 @!p2 $0x600, s18;
	s13 =	simm.s32 @!p2 $0x80;
	_ =	swait.ge @!p3 [sflag:s11], $0x4000  }
0x73: {  	s12 =	sand.u32 @!p2 $0x1FFFFFF0, s10;
	s10 =	simm.s32 @!p2 $0x0;
	[sflag:s11] =	ssyncset.done @!p3 $0x0  }
0x74: {  	s14 =	simm.s32 @!p2 $0x5;
	[sflag:s11] =	ssyncadd.s32 @!p3 $0xFFFFC000;
	s11 =	sadd.s32 @!p2 s5, s12  }
0x75: {  	[tilespmem:s13], [sflag:$0x5] =	stream.linear.gather @!p2 [hbm4b:s11+s10], $0x80, $0x38;
	[tilespmem:$0x1BE80] =	vst v63  }
.Ltmp1:
0x76: {  	_ = 	snop;
	(pc) =	sbr.rel @p1 .LBB2_2-.Ltmp1, $4  }
0x77: {  	s11 =	sadd.s32 @!p2 s6, s12;
	_ =	swait.ge @!p2 [sflag:s14], $0x80  }
0x78: {  	s15 =	simm.s32 @!p2 $0x4200;
	[sflag:s14] =	ssyncset.done @!p2 $0x0  }
0x79: {  	s12 =	simm.s32 @!p2 $0x180;
	[sflag:s14] =	ssyncadd.s32 @!p2 $0xFFFFFF80  }
0x7a: {  	[tilespmem:s15], [sflag:$0x2] =	stream.indirect.gather @!p2 [hbm4b:s4+s13], $0x80, s13, s13, $0xb8;
	[tilespmem:$0x1BE80] =	vst v63  }
.LBB2_3:
0x7b: {  	[tilespmem:s12], [sflag:$0x4] =	stream.linear.gather @!p2 [hbm4b:s11+s10], $0x80, $0x38;
	[tilespmem:$0x1BE80] =	vst v63  }
0x7c: {  	[bflag:$0x0] =	sbarrier.arrive $0xFFFF  }
0x7d: {  	s7 =	rddreg [dreg:$0xb]  }
0x7e: {  	[hbm:s7], [sflag:s26] =	dma.local @p0 [spmem:s20], $0x2800  }
0x7f: {  	s31 =	sadd.s32 $0x1, s31;
	_ =	swait.ge @p0 [sflag:s2], $0x2800  }
0x80: {  	p1 =	sne.s32 s31, s16;
	[sflag:s2] =	ssyncset.done @p0 $0x0  }
.Ltmp2:
0x81: {  	[sflag:s2] =	ssyncadd.s32 @p0 $0xFFFFD800;
	s2 =	rddreg [dreg:$0xa];
	(pc) =	sbr.rel @p1 .LBB2_1-.Ltmp2, $4  }
0x82: {  	[hbm:s2], [sflag:s21] =	dma.local @!p0 [spmem:s28], $0x2700  }
0x83: {  	_ =	swait.ge @!p0 [sflag:s0], $0x2700  }
0x84: {  	[sflag:s0] =	ssyncset.done @!p0 $0x0  }
0x85: {  	[sflag:s0] =	ssyncadd.s32 @!p0 $0xFFFFD900  }
0x86: {  	_ =	sfence.sel $0x180000  }
0x87: {  	[bflag:$0x0] =	sbarrier.arrive $0xFFFF  }
0x88: {  	_ =	strace $0x90000053  }
0x89: {  	s0 =	stileid.u32;
	[bflag:$0x2] =	sbarrier.arrive $0xFFFF  }
0x8a: {  	p0 =	sne.s32 s0, $0x0;
	s0 =	rddreg [dreg:$0x2]  }
0x8b: {  	s0 =	sadd.s32 @!p0 $0x100000, s0  }
0x8c: {  	[sflag:s0] =	ssyncadd.tile.s32 @!p0 $0x1;
	_ =	shalt  }
.Lfunc_end2:
_tile_overlayer_lowered:
.L_overlay_start_2:
0x8d: {  	(tag) =	ssettag $0x2  }
0x8e: {  	s0 =	rddreg [dreg:$0x0];
	s2 =	stileid.u32  }
0x8f: {  	s1 =	rddreg [dreg:$0x1];
	p0 =	sne.s32 s2, $0x0  }
0x90: {  	s3 =	rddreg [dreg:$0x2];
	[bflag:$0x3] =	sbarrier.arrive $0xFFFF;
	s2 =	simm.s32 @!p0 $0x1C05  }
0x91: {  	[timem:s3], [sflag:s2] =	dma.local @!p0 [hbm:s0], s1  }
0x92: {  	s0 =	simm.s32 @!p0 $0x5  }
0x93: {  	_ =	swait.ge @!p0 [sflag:s0], s1  }
0x94: {  	s1 =	ssub.s32 @!p0 $0x0, s1;
	[sflag:s0] =	ssyncset.done @!p0 $0x0  }
0x95: {  	[sflag:s0] =	ssyncadd.s32 @!p0 s1  }
0x96: {  	[bflag:$0x3] =	sbarrier.arrive $0xFFFF  }
0x97: {  	_ =	shalt  }

</sc_bundles>
